<compile_context>
chip_gen: v7x
topology: tpu7x:2x2x1
jax: 0.10.2.dev20260603
libtpu: 0.0.44.dev20260713+nightly
codegen_flags: <defaults>
</compile_context>

<pallas_src>
import functools

import jax
import jax.numpy as jnp
from jax import lax
from jax.experimental import pallas as pl
from jax.experimental.pallas import tpu as pltpu
from jax.experimental.pallas import tpu_sc as plsc

N_NODES = 10000
N_EDGES = 320000
D_FEAT = 128
D_PK = D_FEAT // 2

NC = 2
NS = 16
NW = NC * NS
E_PER_W = N_EDGES // NW
CHUNK = 128
N_CHUNKS = E_PER_W // CHUNK
GROUPS = CHUNK // 16
UNROLL = 8
LAST_OFF = E_PER_W - CHUNK

_mesh = plsc.VectorSubcoreMesh(core_axis_name="c", subcore_axis_name="s")


@functools.partial(
    pl.kernel,
    out_type=jax.ShapeDtypeStruct((N_EDGES,), jnp.float32),
    mesh=_mesh,
    scratch_types=[
        pltpu.VMEM((E_PER_W,), jnp.int32),
        pltpu.VMEM((E_PER_W,), jnp.int32),
        pltpu.VMEM((E_PER_W,), jnp.float32),
        pltpu.VMEM((CHUNK, D_PK), jnp.int32),
        pltpu.VMEM((CHUNK, D_PK), jnp.int32),
        pltpu.VMEM((CHUNK, D_PK), jnp.int32),
        pltpu.VMEM((CHUNK, D_PK), jnp.int32),
        pltpu.SemaphoreType.DMA,
        pltpu.SemaphoreType.DMA,
    ],
    compiler_params=pltpu.CompilerParams(needs_layout_passes=False,
                                         use_tc_tiling_on_sc=False),
)
def _sc_decode(zp_hbm, i_hbm, j_hbm, out_hbm,
               ii_v, jj_v, out_v, ri_a, rj_a, ri_b, rj_b, sem_a, sem_b):
    wid = lax.axis_index("s") * NC + lax.axis_index("c")
    base = wid * E_PER_W
    pltpu.sync_copy(i_hbm.at[pl.ds(base, E_PER_W)], ii_v)
    pltpu.sync_copy(j_hbm.at[pl.ds(base, E_PER_W)], jj_v)

    lanes = lax.iota(jnp.int32, 16)

    def issue(ck, ri, rj, sem):
        off = jnp.minimum(ck * CHUNK, LAST_OFF)
        pltpu.async_copy(zp_hbm.at[ii_v.at[pl.ds(off, CHUNK)]], ri, sem)
        pltpu.async_copy(zp_hbm.at[jj_v.at[pl.ds(off, CHUNK)]], rj, sem)

    def wait(ri, rj, sem):
        pltpu.make_async_copy(zp_hbm.at[pl.ds(0, CHUNK)], ri, sem).wait()
        pltpu.make_async_copy(zp_hbm.at[pl.ds(0, CHUNK)], rj, sem).wait()

    def group_dot(ri, rj, g):
        e_idx = lanes + (g * 16)

        def f_body(fb, carry):
            acc0, acc1, fvec = carry
            for _u in range(UNROLL):
                pa = plsc.load_gather(ri, [e_idx, fvec])
                pb = plsc.load_gather(rj, [e_idx, fvec])
                prod = (plsc.bitcast(pa, jnp.bfloat16)
                        * plsc.bitcast(pb, jnp.bfloat16))
                p0, p1 = plsc.unpack(prod,
                                     format=plsc.PackFormat.INTERLEAVED,
                                     preferred_element_type=jnp.float32)
                acc0 = acc0 + p0
                acc1 = acc1 + p1
                fvec = (fvec + 1) & (D_PK - 1)
            return acc0, acc1, fvec

        zero = jnp.zeros((16,), jnp.float32)
        acc0, acc1, _fv = lax.fori_loop(0, D_PK // UNROLL, f_body,
                                        (zero, zero, lanes))
        return acc0 + acc1

    def compute(ck, ri, rj):
        off = ck * CHUNK
        for g in range(GROUPS):
            out_v[pl.ds(off + g * 16, 16)] = group_dot(ri, rj, g)

    issue(0, ri_a, rj_a, sem_a)

    def pair_body(k, carry):
        ck = 2 * k
        issue(ck + 1, ri_b, rj_b, sem_b)
        wait(ri_a, rj_a, sem_a)
        compute(ck, ri_a, rj_a)
        issue(ck + 2, ri_a, rj_a, sem_a)
        wait(ri_b, rj_b, sem_b)
        compute(ck + 1, ri_b, rj_b)
        return carry

    lax.fori_loop(0, N_CHUNKS // 2, pair_body, 0)
    wait(ri_a, rj_a, sem_a)
    out_v[pl.ds(E_PER_W - 16, 16)] = group_dot(ri_a, rj_a, GROUPS - 1)

    pltpu.sync_copy(out_v, out_hbm.at[pl.ds(base, E_PER_W)])


def kernel(z, i_list, j_list):
    z_pk = lax.bitcast_convert_type(
        z.astype(jnp.bfloat16).reshape(N_NODES, D_PK, 2), jnp.int32)
    return _sc_decode(z_pk, i_list.astype(jnp.int32), j_list.astype(jnp.int32))

# --- scband reference (transcript-rebuilt; emitter-appended) ---
"""Pipeline reference for scband-inner-product-decoder-35914516529302 (READ-ONLY COPY).

The authoritative reference and input builder live on the scoring server;
editing this copy changes nothing except your own understanding.
"""

import jax, jax.numpy as jnp
import numpy as np

N_NODES = 10000
N_EDGES = 320000
D_FEAT = 128

def setup_inputs(seed: int = 0) -> dict:
    key = jax.random.key(seed)
    kz, ki, kj = jax.random.split(key, 3)
    z = jax.random.normal(kz, (N_NODES, D_FEAT), dtype=jnp.float32)
    i_list = jax.random.randint(ki, (N_EDGES,), 0, N_NODES, dtype=jnp.int64 if jax.config.jax_enable_x64 else jnp.int32)
    j_list = jax.random.randint(kj, (N_EDGES,), 0, N_NODES, dtype=jnp.int64 if jax.config.jax_enable_x64 else jnp.int32)
    return {"z": z, "i_list": i_list, "j_list": j_list}

def reference(z, i_list, j_list):
    # InnerProductDecoder.forward: gather endpoint embeddings, elementwise
    # multiply, reduce over feature dim -> per-edge inner product score.
    z_i = jnp.take(z, i_list, axis=0)
    z_j = jnp.take(z, j_list, axis=0)
    adj = (z_i * z_j).sum(-1)
    return adj

if __name__ == "__main__":
    import jax
    _d = setup_inputs()
    print(jax.jit(kernel)(*tuple(_d.values())))

</pallas_src>

<mosaic_0001>
#map = affine_map<(d0, d1) -> (0, 0)>
#map1 = affine_map<(d0, d1) -> (0)>
module attributes {stable_mosaic.version = 14 : i64} {
  func.func @_sc_decode(%arg0: i32, %arg1: i32, %arg2: memref<10000x64xi32, #tpu.memory_space<hbm>>, %arg3: memref<320000xi32, #tpu.memory_space<hbm>>, %arg4: memref<320000xi32, #tpu.memory_space<hbm>>, %arg5: memref<320000xf32, #tpu.memory_space<hbm>>, %arg6: memref<10000xi32, #tpu.memory_space<vmem>>, %arg7: memref<10000xi32, #tpu.memory_space<vmem>>, %arg8: memref<10000xf32, #tpu.memory_space<vmem>>, %arg9: memref<128x64xi32, #tpu.memory_space<vmem>>, %arg10: memref<128x64xi32, #tpu.memory_space<vmem>>, %arg11: memref<128x64xi32, #tpu.memory_space<vmem>>, %arg12: memref<128x64xi32, #tpu.memory_space<vmem>>, %arg13: memref<!tpu.dma_semaphore, #tpu.memory_space<semaphore_mem>>, %arg14: memref<!tpu.dma_semaphore, #tpu.memory_space<semaphore_mem>>) attributes {dimension_semantics = [#tpu.dimension_semantics<core_parallel>, #tpu.dimension_semantics<subcore_parallel>], iteration_bounds = array<i64: 2, 16>, scalar_prefetch = 0 : i64, scratch_operands = 9 : i64, tpu.core_type = #tpu.core_type<sc_vector_subcore>, window_params = [{transform_indices = #map}, {transform_indices = #map1}, {transform_indices = #map1}, {transform_indices = #map1}]} {
    %mul3A = arith.constant 2 : i32
    %mul3A_0 = arith.muli %arg1, %mul3A : i32
    %add3A = arith.addi %mul3A_0, %arg0 : i32
    %mul3A_1 = arith.constant 10000 : i32
    %mul3A_2 = arith.muli %add3A, %mul3A_1 : i32
    "tpu.region"() ({
      %run_scoped3A = tpu.sem_alloc : memref<!tpu.dma_semaphore, #tpu.memory_space<semaphore_mem>>
      %dma_start3A_40 = tpu.memref_slice %arg3[%mul3A_2] : memref<320000xi32, #tpu.memory_space<hbm>> -> memref<10000xi32, #tpu.memory_space<hbm>>
      %dma_start3A_41 = tpu.memref_slice %arg3[%mul3A_2] : memref<320000xi32, #tpu.memory_space<hbm>> -> memref<10000xi32, #tpu.memory_space<hbm>>
      tpu.enqueue_dma source(%dma_start3A_41 : memref<10000xi32, #tpu.memory_space<hbm>>) target(%arg6 : memref<10000xi32, #tpu.memory_space<vmem>>) target_semaphore(%run_scoped3A : memref<!tpu.dma_semaphore, #tpu.memory_space<semaphore_mem>>)
      %dma_wait3A_42 = tpu.memref_slice %arg3[%mul3A_2] : memref<320000xi32, #tpu.memory_space<hbm>> -> memref<10000xi32, #tpu.memory_space<hbm>>
      %dma_wait3A_43 = tpu.memref_slice %arg3[%mul3A_2] : memref<320000xi32, #tpu.memory_space<hbm>> -> memref<10000xi32, #tpu.memory_space<hbm>>
      tpu.wait_dma2 semaphore(%run_scoped3A : memref<!tpu.dma_semaphore, #tpu.memory_space<semaphore_mem>>) src(%dma_wait3A_43 : memref<10000xi32, #tpu.memory_space<hbm>>) dst(%arg6 : memref<10000xi32, #tpu.memory_space<vmem>>)
      tpu.yield
    }) : () -> ()
    "tpu.region"() ({
      %run_scoped3A = tpu.sem_alloc : memref<!tpu.dma_semaphore, #tpu.memory_space<semaphore_mem>>
      %dma_start3A_40 = tpu.memref_slice %arg4[%mul3A_2] : memref<320000xi32, #tpu.memory_space<hbm>> -> memref<10000xi32, #tpu.memory_space<hbm>>
      %dma_start3A_41 = tpu.memref_slice %arg4[%mul3A_2] : memref<320000xi32, #tpu.memory_space<hbm>> -> memref<10000xi32, #tpu.memory_space<hbm>>
      tpu.enqueue_dma source(%dma_start3A_41 : memref<10000xi32, #tpu.memory_space<hbm>>) target(%arg7 : memref<10000xi32, #tpu.memory_space<vmem>>) target_semaphore(%run_scoped3A : memref<!tpu.dma_semaphore, #tpu.memory_space<semaphore_mem>>)
      %dma_wait3A_42 = tpu.memref_slice %arg4[%mul3A_2] : memref<320000xi32, #tpu.memory_space<hbm>> -> memref<10000xi32, #tpu.memory_space<hbm>>
      %dma_wait3A_43 = tpu.memref_slice %arg4[%mul3A_2] : memref<320000xi32, #tpu.memory_space<hbm>> -> memref<10000xi32, #tpu.memory_space<hbm>>
      tpu.wait_dma2 semaphore(%run_scoped3A : memref<!tpu.dma_semaphore, #tpu.memory_space<semaphore_mem>>) src(%dma_wait3A_43 : memref<10000xi32, #tpu.memory_space<hbm>>) dst(%arg7 : memref<10000xi32, #tpu.memory_space<vmem>>)
      tpu.yield
    }) : () -> ()
    %iota3A = tpu.iota {dimensions = array<i32: 0>} : vector<16xi32>
    %min3A = arith.constant 0 : i32
    %min3A_3 = arith.constant 9872 : i32
    %min3A_4 = arith.minsi %min3A, %min3A_3 : i32
    %dma_start3A = tpu.memref_slice %arg6[%min3A_4] : memref<10000xi32, #tpu.memory_space<vmem>> -> memref<128xi32, #tpu.memory_space<vmem>>
    %dma_start3A_5 = arith.constant 0 : i32
    %dma_start3A_6 = arith.constant 0 : i32
    %dma_start3A_7 = tpu.memref_slice %arg2[%dma_start3A_5, %dma_start3A_6] : memref<10000x64xi32, #tpu.memory_space<hbm>> -> memref<10000x64xi32, #tpu.memory_space<hbm>>
    tpu.enqueue_indirect_dma source(%dma_start3A_7 : memref<10000x64xi32, #tpu.memory_space<hbm>>) target(%arg9 : memref<128x64xi32, #tpu.memory_space<vmem>>) offsets(%dma_start3A : memref<128xi32, #tpu.memory_space<vmem>>) semaphore(%arg13 : memref<!tpu.dma_semaphore, #tpu.memory_space<semaphore_mem>>)
    %dma_start3A_8 = tpu.memref_slice %arg7[%min3A_4] : memref<10000xi32, #tpu.memory_space<vmem>> -> memref<128xi32, #tpu.memory_space<vmem>>
    %dma_start3A_9 = arith.constant 0 : i32
    %dma_start3A_10 = arith.constant 0 : i32
    %dma_start3A_11 = tpu.memref_slice %arg2[%dma_start3A_9, %dma_start3A_10] : memref<10000x64xi32, #tpu.memory_space<hbm>> -> memref<10000x64xi32, #tpu.memory_space<hbm>>
    tpu.enqueue_indirect_dma source(%dma_start3A_11 : memref<10000x64xi32, #tpu.memory_space<hbm>>) target(%arg10 : memref<128x64xi32, #tpu.memory_space<vmem>>) offsets(%dma_start3A_8 : memref<128xi32, #tpu.memory_space<vmem>>) semaphore(%arg13 : memref<!tpu.dma_semaphore, #tpu.memory_space<semaphore_mem>>)
    %scan3A = arith.constant 0 : i32
    %scan3A_12 = arith.constant 0 : i32
    %scan3A_13 = arith.constant 39 : i32
    %scan3A_14 = arith.addi %scan3A_12, %scan3A_13 : i32
    %scan3A_15 = arith.constant 1 : i32
    scf.for %scan3A_40 = %scan3A_12 to %scan3A_14 step %scan3A_15  : i32 {
      %mul3A_41 = arith.constant 2 : i32
      %mul3A_42 = arith.muli %mul3A_41, %scan3A_40 : i32
      %add3A_43 = arith.constant 1 : i32
      %add3A_44 = arith.addi %mul3A_42, %add3A_43 : i32
      %mul3A_45 = arith.constant 128 : i32
      %mul3A_46 = arith.muli %add3A_44, %mul3A_45 : i32
      %min3A_47 = arith.constant 9872 : i32
      %min3A_48 = arith.minsi %mul3A_46, %min3A_47 : i32
      %dma_start3A_49 = tpu.memref_slice %arg6[%min3A_48] : memref<10000xi32, #tpu.memory_space<vmem>> -> memref<128xi32, #tpu.memory_space<vmem>>
      %dma_start3A_50 = arith.constant 0 : i32
      %dma_start3A_51 = arith.constant 0 : i32
      %dma_start3A_52 = tpu.memref_slice %arg2[%dma_start3A_50, %dma_start3A_51] : memref<10000x64xi32, #tpu.memory_space<hbm>> -> memref<10000x64xi32, #tpu.memory_space<hbm>>
      tpu.enqueue_indirect_dma source(%dma_start3A_52 : memref<10000x64xi32, #tpu.memory_space<hbm>>) target(%arg11 : memref<128x64xi32, #tpu.memory_space<vmem>>) offsets(%dma_start3A_49 : memref<128xi32, #tpu.memory_space<vmem>>) semaphore(%arg14 : memref<!tpu.dma_semaphore, #tpu.memory_space<semaphore_mem>>)
      %dma_start3A_53 = tpu.memref_slice %arg7[%min3A_48] : memref<10000xi32, #tpu.memory_space<vmem>> -> memref<128xi32, #tpu.memory_space<vmem>>
      %dma_start3A_54 = arith.constant 0 : i32
      %dma_start3A_55 = arith.constant 0 : i32
      %dma_start3A_56 = tpu.memref_slice %arg2[%dma_start3A_54, %dma_start3A_55] : memref<10000x64xi32, #tpu.memory_space<hbm>> -> memref<10000x64xi32, #tpu.memory_space<hbm>>
      tpu.enqueue_indirect_dma source(%dma_start3A_56 : memref<10000x64xi32, #tpu.memory_space<hbm>>) target(%arg12 : memref<128x64xi32, #tpu.memory_space<vmem>>) offsets(%dma_start3A_53 : memref<128xi32, #tpu.memory_space<vmem>>) semaphore(%arg14 : memref<!tpu.dma_semaphore, #tpu.memory_space<semaphore_mem>>)
      %dma_wait3A_57 = arith.constant 0 : i32
      %dma_wait3A_58 = arith.constant 0 : i32
      %dma_wait3A_59 = tpu.memref_slice %arg2[%dma_wait3A_57, %dma_wait3A_58] : memref<10000x64xi32, #tpu.memory_space<hbm>> -> memref<128x64xi32, #tpu.memory_space<hbm>>
      %dma_wait3A_60 = arith.constant 0 : i32
      %dma_wait3A_61 = arith.constant 0 : i32
      %dma_wait3A_62 = tpu.memref_slice %arg2[%dma_wait3A_60, %dma_wait3A_61] : memref<10000x64xi32, #tpu.memory_space<hbm>> -> memref<128x64xi32, #tpu.memory_space<hbm>>
      tpu.wait_dma2 semaphore(%arg13 : memref<!tpu.dma_semaphore, #tpu.memory_space<semaphore_mem>>) src(%dma_wait3A_62 : memref<128x64xi32, #tpu.memory_space<hbm>>) dst(%arg9 : memref<128x64xi32, #tpu.memory_space<vmem>>)
      %dma_wait3A_63 = arith.constant 0 : i32
      %dma_wait3A_64 = arith.constant 0 : i32
      %dma_wait3A_65 = tpu.memref_slice %arg2[%dma_wait3A_63, %dma_wait3A_64] : memref<10000x64xi32, #tpu.memory_space<hbm>> -> memref<128x64xi32, #tpu.memory_space<hbm>>
      %dma_wait3A_66 = arith.constant 0 : i32
      %dma_wait3A_67 = arith.constant 0 : i32
      %dma_wait3A_68 = tpu.memref_slice %arg2[%dma_wait3A_66, %dma_wait3A_67] : memref<10000x64xi32, #tpu.memory_space<hbm>> -> memref<128x64xi32, #tpu.memory_space<hbm>>
      tpu.wait_dma2 semaphore(%arg13 : memref<!tpu.dma_semaphore, #tpu.memory_space<semaphore_mem>>) src(%dma_wait3A_68 : memref<128x64xi32, #tpu.memory_space<hbm>>) dst(%arg10 : memref<128x64xi32, #tpu.memory_space<vmem>>)
      %mul3A_69 = arith.constant 128 : i32
      %mul3A_70 = arith.muli %mul3A_42, %mul3A_69 : i32
      %add3A_71 = arith.constant 0 : i32
      %add3A_72 = vector.broadcast %add3A_71 : i32 to vector<16xi32>
      %add3A_73 = arith.addi %iota3A, %add3A_72 : vector<16xi32>
      %broadcast_in_dim3A_74 = arith.constant 0.000000e+00 : f32
      %broadcast_in_dim3A_75 = vector.broadcast %broadcast_in_dim3A_74 : f32 to vector<16xf32>
      %scan3A_76 = arith.constant 0 : i32
      %scan3A_77 = arith.constant 8 : i32
      %scan3A_78 = arith.addi %scan3A_76, %scan3A_77 : i32
      %scan3A_79 = arith.constant 1 : i32
      %scan3A_80:3 = scf.for %scan3A_357 = %scan3A_76 to %scan3A_78 step %scan3A_79 iter_args(%scan3A_358 = %broadcast_in_dim3A_75, %scan3A_359 = %broadcast_in_dim3A_75, %scan3A_360 = %iota3A) -> (vector<16xf32>, vector<16xf32>, vector<16xi32>)  : i32 {
        %gather3A = tpu.vector_load_idx %arg9[%add3A_73, %scan3A_360] : memref<128x64xi32, #tpu.memory_space<vmem>>[vector<16xi32>, vector<16xi32>], vector<16xi32>,
        %gather3A_361 = tpu.vector_load_idx %arg10[%add3A_73, %scan3A_360] : memref<128x64xi32, #tpu.memory_space<vmem>>[vector<16xi32>, vector<16xi32>], vector<16xi32>,
        %bitcast3A = vector.bitcast %gather3A : vector<16xi32> to vector<32xbf16>
        %bitcast3A_362 = vector.bitcast %gather3A_361 : vector<16xi32> to vector<32xbf16>
        %mul3A_363 = arith.mulf %bitcast3A, %bitcast3A_362 : vector<32xbf16>
        %unpack3A = tpu.unpack_subelements %mul3A_363, 0 {pack_format = #tpu.pack_format<interleaved>} : vector<32xbf16> -> vector<16xf32>
        %unpack3A_364 = tpu.unpack_subelements %mul3A_363, 1 {pack_format = #tpu.pack_format<interleaved>} : vector<32xbf16> -> vector<16xf32>
        %add3A_365 = arith.addf %scan3A_358, %unpack3A : vector<16xf32>
        %add3A_366 = arith.addf %scan3A_359, %unpack3A_364 : vector<16xf32>
        %add3A_367 = arith.constant 1 : i32
        %add3A_368 = vector.broadcast %add3A_367 : i32 to vector<16xi32>
        %add3A_369 = arith.addi %scan3A_360, %add3A_368 : vector<16xi32>
        %and3A = arith.constant 63 : i32
        %and3A_370 = vector.broadcast %and3A : i32 to vector<16xi32>
        %and3A_371 = arith.andi %add3A_369, %and3A_370 : vector<16xi32>
        %gather3A_372 = tpu.vector_load_idx %arg9[%add3A_73, %and3A_371] : memref<128x64xi32, #tpu.memory_space<vmem>>[vector<16xi32>, vector<16xi32>], vector<16xi32>,
        %gather3A_373 = tpu.vector_load_idx %arg10[%add3A_73, %and3A_371] : memref<128x64xi32, #tpu.memory_space<vmem>>[vector<16xi32>, vector<16xi32>], vector<16xi32>,
        %bitcast3A_374 = vector.bitcast %gather3A_372 : vector<16xi32> to vector<32xbf16>
        %bitcast3A_375 = vector.bitcast %gather3A_373 : vector<16xi32> to vector<32xbf16>
        %mul3A_376 = arith.mulf %bitcast3A_374, %bitcast3A_375 : vector<32xbf16>
        %unpack3A_377 = tpu.unpack_subelements %mul3A_376, 0 {pack_format = #tpu.pack_format<interleaved>} : vector<32xbf16> -> vector<16xf32>
        %unpack3A_378 = tpu.unpack_subelements %mul3A_376, 1 {pack_format = #tpu.pack_format<interleaved>} : vector<32xbf16> -> vector<16xf32>
        %add3A_379 = arith.addf %add3A_365, %unpack3A_377 : vector<16xf32>
        %add3A_380 = arith.addf %add3A_366, %unpack3A_378 : vector<16xf32>
        %add3A_381 = arith.constant 1 : i32
        %add3A_382 = vector.broadcast %add3A_381 : i32 to vector<16xi32>
        %add3A_383 = arith.addi %and3A_371, %add3A_382 : vector<16xi32>
        %and3A_384 = arith.constant 63 : i32
        %and3A_385 = vector.broadcast %and3A_384 : i32 to vector<16xi32>
        %and3A_386 = arith.andi %add3A_383, %and3A_385 : vector<16xi32>
        %gather3A_387 = tpu.vector_load_idx %arg9[%add3A_73, %and3A_386] : memref<128x64xi32, #tpu.memory_space<vmem>>[vector<16xi32>, vector<16xi32>], vector<16xi32>,
        %gather3A_388 = tpu.vector_load_idx %arg10[%add3A_73, %and3A_386] : memref<128x64xi32, #tpu.memory_space<vmem>>[vector<16xi32>, vector<16xi32>], vector<16xi32>,
        %bitcast3A_389 = vector.bitcast %gather3A_387 : vector<16xi32> to vector<32xbf16>
        %bitcast3A_390 = vector.bitcast %gather3A_388 : vector<16xi32> to vector<32xbf16>
        %mul3A_391 = arith.mulf %bitcast3A_389, %bitcast3A_390 : vector<32xbf16>
        %unpack3A_392 = tpu.unpack_subelements %mul3A_391, 0 {pack_format = #tpu.pack_format<interleaved>} : vector<32xbf16> -> vector<16xf32>
        %unpack3A_393 = tpu.unpack_subelements %mul3A_391, 1 {pack_format = #tpu.pack_format<interleaved>} : vector<32xbf16> -> vector<16xf32>
        %add3A_394 = arith.addf %add3A_379, %unpack3A_392 : vector<16xf32>
        %add3A_395 = arith.addf %add3A_380, %unpack3A_393 : vector<16xf32>
        %add3A_396 = arith.constant 1 : i32
        %add3A_397 = vector.broadcast %add3A_396 : i32 to vector<16xi32>
        %add3A_398 = arith.addi %and3A_386, %add3A_397 : vector<16xi32>
        %and3A_399 = arith.constant 63 : i32
        %and3A_400 = vector.broadcast %and3A_399 : i32 to vector<16xi32>
        %and3A_401 = arith.andi %add3A_398, %and3A_400 : vector<16xi32>
        %gather3A_402 = tpu.vector_load_idx %arg9[%add3A_73, %and3A_401] : memref<128x64xi32, #tpu.memory_space<vmem>>[vector<16xi32>, vector<16xi32>], vector<16xi32>,
        %gather3A_403 = tpu.vector_load_idx %arg10[%add3A_73, %and3A_401] : memref<128x64xi32, #tpu.memory_space<vmem>>[vector<16xi32>, vector<16xi32>], vector<16xi32>,
        %bitcast3A_404 = vector.bitcast %gather3A_402 : vector<16xi32> to vector<32xbf16>
        %bitcast3A_405 = vector.bitcast %gather3A_403 : vector<16xi32> to vector<32xbf16>
        %mul3A_406 = arith.mulf %bitcast3A_404, %bitcast3A_405 : vector<32xbf16>
        %unpack3A_407 = tpu.unpack_subelements %mul3A_406, 0 {pack_format = #tpu.pack_format<interleaved>} : vector<32xbf16> -> vector<16xf32>
        %unpack3A_408 = tpu.unpack_subelements %mul3A_406, 1 {pack_format = #tpu.pack_format<interleaved>} : vector<32xbf16> -> vector<16xf32>
        %add3A_409 = arith.addf %add3A_394, %unpack3A_407 : vector<16xf32>
        %add3A_410 = arith.addf %add3A_395, %unpack3A_408 : vector<16xf32>
        %add3A_411 = arith.constant 1 : i32
        %add3A_412 = vector.broadcast %add3A_411 : i32 to vector<16xi32>
        %add3A_413 = arith.addi %and3A_401, %add3A_412 : vector<16xi32>
        %and3A_414 = arith.constant 63 : i32
        %and3A_415 = vector.broadcast %and3A_414 : i32 to vector<16xi32>
        %and3A_416 = arith.andi %add3A_413, %and3A_415 : vector<16xi32>
        %gather3A_417 = tpu.vector_load_idx %arg9[%add3A_73, %and3A_416] : memref<128x64xi32, #tpu.memory_space<vmem>>[vector<16xi32>, vector<16xi32>], vector<16xi32>,
        %gather3A_418 = tpu.vector_load_idx %arg10[%add3A_73, %and3A_416] : memref<128x64xi32, #tpu.memory_space<vmem>>[vector<16xi32>, vector<16xi32>], vector<16xi32>,
        %bitcast3A_419 = vector.bitcast %gather3A_417 : vector<16xi32> to vector<32xbf16>
        %bitcast3A_420 = vector.bitcast %gather3A_418 : vector<16xi32> to vector<32xbf16>
        %mul3A_421 = arith.mulf %bitcast3A_419, %bitcast3A_420 : vector<32xbf16>
        %unpack3A_422 = tpu.unpack_subelements %mul3A_421, 0 {pack_format = #tpu.pack_format<interleaved>} : vector<32xbf16> -> vector<16xf32>
        %unpack3A_423 = tpu.unpack_subelements %mul3A_421, 1 {pack_format = #tpu.pack_format<interleaved>} : vector<32xbf16> -> vector<16xf32>
        %add3A_424 = arith.addf %add3A_409, %unpack3A_422 : vector<16xf32>
        %add3A_425 = arith.addf %add3A_410, %unpack3A_423 : vector<16xf32>
        %add3A_426 = arith.constant 1 : i32
        %add3A_427 = vector.broadcast %add3A_426 : i32 to vector<16xi32>
        %add3A_428 = arith.addi %and3A_416, %add3A_427 : vector<16xi32>
        %and3A_429 = arith.constant 63 : i32
        %and3A_430 = vector.broadcast %and3A_429 : i32 to vector<16xi32>
        %and3A_431 = arith.andi %add3A_428, %and3A_430 : vector<16xi32>
        %gather3A_432 = tpu.vector_load_idx %arg9[%add3A_73, %and3A_431] : memref<128x64xi32, #tpu.memory_space<vmem>>[vector<16xi32>, vector<16xi32>], vector<16xi32>,
        %gather3A_433 = tpu.vector_load_idx %arg10[%add3A_73, %and3A_431] : memref<128x64xi32, #tpu.memory_space<vmem>>[vector<16xi32>, vector<16xi32>], vector<16xi32>,
        %bitcast3A_434 = vector.bitcast %gather3A_432 : vector<16xi32> to vector<32xbf16>
        %bitcast3A_435 = vector.bitcast %gather3A_433 : vector<16xi32> to vector<32xbf16>
        %mul3A_436 = arith.mulf %bitcast3A_434, %bitcast3A_435 : vector<32xbf16>
        %unpack3A_437 = tpu.unpack_subelements %mul3A_436, 0 {pack_format = #tpu.pack_format<interleaved>} : vector<32xbf16> -> vector<16xf32>
        %unpack3A_438 = tpu.unpack_subelements %mul3A_436, 1 {pack_format = #tpu.pack_format<interleaved>} : vector<32xbf16> -> vector<16xf32>
        %add3A_439 = arith.addf %add3A_424, %unpack3A_437 : vector<16xf32>
        %add3A_440 = arith.addf %add3A_425, %unpack3A_438 : vector<16xf32>
        %add3A_441 = arith.constant 1 : i32
        %add3A_442 = vector.broadcast %add3A_441 : i32 to vector<16xi32>
        %add3A_443 = arith.addi %and3A_431, %add3A_442 : vector<16xi32>
        %and3A_444 = arith.constant 63 : i32
        %and3A_445 = vector.broadcast %and3A_444 : i32 to vector<16xi32>
        %and3A_446 = arith.andi %add3A_443, %and3A_445 : vector<16xi32>
        %gather3A_447 = tpu.vector_load_idx %arg9[%add3A_73, %and3A_446] : memref<128x64xi32, #tpu.memory_space<vmem>>[vector<16xi32>, vector<16xi32>], vector<16xi32>,
        %gather3A_448 = tpu.vector_load_idx %arg10[%add3A_73, %and3A_446] : memref<128x64xi32, #tpu.memory_space<vmem>>[vector<16xi32>, vector<16xi32>], vector<16xi32>,
        %bitcast3A_449 = vector.bitcast %gather3A_447 : vector<16xi32> to vector<32xbf16>
        %bitcast3A_450 = vector.bitcast %gather3A_448 : vector<16xi32> to vector<32xbf16>
        %mul3A_451 = arith.mulf %bitcast3A_449, %bitcast3A_450 : vector<32xbf16>
        %unpack3A_452 = tpu.unpack_subelements %mul3A_451, 0 {pack_format = #tpu.pack_format<interleaved>} : vector<32xbf16> -> vector<16xf32>
        %unpack3A_453 = tpu.unpack_subelements %mul3A_451, 1 {pack_format = #tpu.pack_format<interleaved>} : vector<32xbf16> -> vector<16xf32>
        %add3A_454 = arith.addf %add3A_439, %unpack3A_452 : vector<16xf32>
        %add3A_455 = arith.addf %add3A_440, %unpack3A_453 : vector<16xf32>
        %add3A_456 = arith.constant 1 : i32
        %add3A_457 = vector.broadcast %add3A_456 : i32 to vector<16xi32>
        %add3A_458 = arith.addi %and3A_446, %add3A_457 : vector<16xi32>
        %and3A_459 = arith.constant 63 : i32
        %and3A_460 = vector.broadcast %and3A_459 : i32 to vector<16xi32>
        %and3A_461 = arith.andi %add3A_458, %and3A_460 : vector<16xi32>
        %gather3A_462 = tpu.vector_load_idx %arg9[%add3A_73, %and3A_461] : memref<128x64xi32, #tpu.memory_space<vmem>>[vector<16xi32>, vector<16xi32>], vector<16xi32>,
        %gather3A_463 = tpu.vector_load_idx %arg10[%add3A_73, %and3A_461] : memref<128x64xi32, #tpu.memory_space<vmem>>[vector<16xi32>, vector<16xi32>], vector<16xi32>,
        %bitcast3A_464 = vector.bitcast %gather3A_462 : vector<16xi32> to vector<32xbf16>
        %bitcast3A_465 = vector.bitcast %gather3A_463 : vector<16xi32> to vector<32xbf16>
        %mul3A_466 = arith.mulf %bitcast3A_464, %bitcast3A_465 : vector<32xbf16>
        %unpack3A_467 = tpu.unpack_subelements %mul3A_466, 0 {pack_format = #tpu.pack_format<interleaved>} : vector<32xbf16> -> vector<16xf32>
        %unpack3A_468 = tpu.unpack_subelements %mul3A_466, 1 {pack_format = #tpu.pack_format<interleaved>} : vector<32xbf16> -> vector<16xf32>
        %add3A_469 = arith.addf %add3A_454, %unpack3A_467 : vector<16xf32>
        %add3A_470 = arith.addf %add3A_455, %unpack3A_468 : vector<16xf32>
        %add3A_471 = arith.constant 1 : i32
        %add3A_472 = vector.broadcast %add3A_471 : i32 to vector<16xi32>
        %add3A_473 = arith.addi %and3A_461, %add3A_472 : vector<16xi32>
        %and3A_474 = arith.constant 63 : i32
        %and3A_475 = vector.broadcast %and3A_474 : i32 to vector<16xi32>
        %and3A_476 = arith.andi %add3A_473, %and3A_475 : vector<16xi32>
        scf.yield %add3A_469, %add3A_470, %and3A_476 : vector<16xf32>, vector<16xf32>, vector<16xi32>
      }
      %scan3A_81 = arith.constant 8 : i32
      %add3A_82 = arith.addf %scan3A_80#0, %scan3A_80#1 : vector<16xf32>
      %add3A_83 = arith.constant 0 : i32
      %add3A_84 = arith.addi %mul3A_70, %add3A_83 : i32
      %swap3A_85 = arith.index_cast %add3A_84 : i32 to index
      %swap3A_86 = tpu.vector_load %arg8[%swap3A_85] {strides = array<i32>} : memref<10000xf32, #tpu.memory_space<vmem>>, vector<16xf32>,
      tpu.vector_store %arg8[%swap3A_85], %add3A_82 {strides = array<i32>} : memref<10000xf32, #tpu.memory_space<vmem>>, vector<16xf32>,
      %add3A_87 = arith.constant 16 : i32
      %add3A_88 = vector.broadcast %add3A_87 : i32 to vector<16xi32>
      %add3A_89 = arith.addi %iota3A, %add3A_88 : vector<16xi32>
      %broadcast_in_dim3A_90 = arith.constant 0.000000e+00 : f32
      %broadcast_in_dim3A_91 = vector.broadcast %broadcast_in_dim3A_90 : f32 to vector<16xf32>
      %scan3A_92 = arith.constant 0 : i32
      %scan3A_93 = arith.constant 8 : i32
      %scan3A_94 = arith.addi %scan3A_92, %scan3A_93 : i32
      %scan3A_95 = arith.constant 1 : i32
      %scan3A_96:3 = scf.for %scan3A_357 = %scan3A_92 to %scan3A_94 step %scan3A_95 iter_args(%scan3A_358 = %broadcast_in_dim3A_91, %scan3A_359 = %broadcast_in_dim3A_91, %scan3A_360 = %iota3A) -> (vector<16xf32>, vector<16xf32>, vector<16xi32>)  : i32 {
        %gather3A = tpu.vector_load_idx %arg9[%add3A_89, %scan3A_360] : memref<128x64xi32, #tpu.memory_space<vmem>>[vector<16xi32>, vector<16xi32>], vector<16xi32>,
        %gather3A_361 = tpu.vector_load_idx %arg10[%add3A_89, %scan3A_360] : memref<128x64xi32, #tpu.memory_space<vmem>>[vector<16xi32>, vector<16xi32>], vector<16xi32>,
        %bitcast3A = vector.bitcast %gather3A : vector<16xi32> to vector<32xbf16>
        %bitcast3A_362 = vector.bitcast %gather3A_361 : vector<16xi32> to vector<32xbf16>
        %mul3A_363 = arith.mulf %bitcast3A, %bitcast3A_362 : vector<32xbf16>
        %unpack3A = tpu.unpack_subelements %mul3A_363, 0 {pack_format = #tpu.pack_format<interleaved>} : vector<32xbf16> -> vector<16xf32>
        %unpack3A_364 = tpu.unpack_subelements %mul3A_363, 1 {pack_format = #tpu.pack_format<interleaved>} : vector<32xbf16> -> vector<16xf32>
        %add3A_365 = arith.addf %scan3A_358, %unpack3A : vector<16xf32>
        %add3A_366 = arith.addf %scan3A_359, %unpack3A_364 : vector<16xf32>
        %add3A_367 = arith.constant 1 : i32
        %add3A_368 = vector.broadcast %add3A_367 : i32 to vector<16xi32>
        %add3A_369 = arith.addi %scan3A_360, %add3A_368 : vector<16xi32>
        %and3A = arith.constant 63 : i32
        %and3A_370 = vector.broadcast %and3A : i32 to vector<16xi32>
        %and3A_371 = arith.andi %add3A_369, %and3A_370 : vector<16xi32>
        %gather3A_372 = tpu.vector_load_idx %arg9[%add3A_89, %and3A_371] : memref<128x64xi32, #tpu.memory_space<vmem>>[vector<16xi32>, vector<16xi32>], vector<16xi32>,
        %gather3A_373 = tpu.vector_load_idx %arg10[%add3A_89, %and3A_371] : memref<128x64xi32, #tpu.memory_space<vmem>>[vector<16xi32>, vector<16xi32>], vector<16xi32>,
        %bitcast3A_374 = vector.bitcast %gather3A_372 : vector<16xi32> to vector<32xbf16>
        %bitcast3A_375 = vector.bitcast %gather3A_373 : vector<16xi32> to vector<32xbf16>
        %mul3A_376 = arith.mulf %bitcast3A_374, %bitcast3A_375 : vector<32xbf16>
        %unpack3A_377 = tpu.unpack_subelements %mul3A_376, 0 {pack_format = #tpu.pack_format<interleaved>} : vector<32xbf16> -> vector<16xf32>
        %unpack3A_378 = tpu.unpack_subelements %mul3A_376, 1 {pack_format = #tpu.pack_format<interleaved>} : vector<32xbf16> -> vector<16xf32>
        %add3A_379 = arith.addf %add3A_365, %unpack3A_377 : vector<16xf32>
        %add3A_380 = arith.addf %add3A_366, %unpack3A_378 : vector<16xf32>
        %add3A_381 = arith.constant 1 : i32
        %add3A_382 = vector.broadcast %add3A_381 : i32 to vector<16xi32>
        %add3A_383 = arith.addi %and3A_371, %add3A_382 : vector<16xi32>
        %and3A_384 = arith.constant 63 : i32
        %and3A_385 = vector.broadcast %and3A_384 : i32 to vector<16xi32>
        %and3A_386 = arith.andi %add3A_383, %and3A_385 : vector<16xi32>
        %gather3A_387 = tpu.vector_load_idx %arg9[%add3A_89, %and3A_386] : memref<128x64xi32, #tpu.memory_space<vmem>>[vector<16xi32>, vector<16xi32>], vector<16xi32>,
        %gather3A_388 = tpu.vector_load_idx %arg10[%add3A_89, %and3A_386] : memref<128x64xi32, #tpu.memory_space<vmem>>[vector<16xi32>, vector<16xi32>], vector<16xi32>,
        %bitcast3A_389 = vector.bitcast %gather3A_387 : vector<16xi32> to vector<32xbf16>
        %bitcast3A_390 = vector.bitcast %gather3A_388 : vector<16xi32> to vector<32xbf16>
        %mul3A_391 = arith.mulf %bitcast3A_389, %bitcast3A_390 : vector<32xbf16>
        %unpack3A_392 = tpu.unpack_subelements %mul3A_391, 0 {pack_format = #tpu.pack_format<interleaved>} : vector<32xbf16> -> vector<16xf32>
        %unpack3A_393 = tpu.unpack_subelements %mul3A_391, 1 {pack_format = #tpu.pack_format<interleaved>} : vector<32xbf16> -> vector<16xf32>
        %add3A_394 = arith.addf %add3A_379, %unpack3A_392 : vector<16xf32>
        %add3A_395 = arith.addf %add3A_380, %unpack3A_393 : vector<16xf32>
        %add3A_396 = arith.constant 1 : i32
        %add3A_397 = vector.broadcast %add3A_396 : i32 to vector<16xi32>
        %add3A_398 = arith.addi %and3A_386, %add3A_397 : vector<16xi32>
        %and3A_399 = arith.constant 63 : i32
        %and3A_400 = vector.broadcast %and3A_399 : i32 to vector<16xi32>
        %and3A_401 = arith.andi %add3A_398, %and3A_400 : vector<16xi32>
        %gather3A_402 = tpu.vector_load_idx %arg9[%add3A_89, %and3A_401] : memref<128x64xi32, #tpu.memory_space<vmem>>[vector<16xi32>, vector<16xi32>], vector<16xi32>,
        %gather3A_403 = tpu.vector_load_idx %arg10[%add3A_89, %and3A_401] : memref<128x64xi32, #tpu.memory_space<vmem>>[vector<16xi32>, vector<16xi32>], vector<16xi32>,
        %bitcast3A_404 = vector.bitcast %gather3A_402 : vector<16xi32> to vector<32xbf16>
        %bitcast3A_405 = vector.bitcast %gather3A_403 : vector<16xi32> to vector<32xbf16>
        %mul3A_406 = arith.mulf %bitcast3A_404, %bitcast3A_405 : vector<32xbf16>
        %unpack3A_407 = tpu.unpack_subelements %mul3A_406, 0 {pack_format = #tpu.pack_format<interleaved>} : vector<32xbf16> -> vector<16xf32>
        %unpack3A_408 = tpu.unpack_subelements %mul3A_406, 1 {pack_format = #tpu.pack_format<interleaved>} : vector<32xbf16> -> vector<16xf32>
        %add3A_409 = arith.addf %add3A_394, %unpack3A_407 : vector<16xf32>
        %add3A_410 = arith.addf %add3A_395, %unpack3A_408 : vector<16xf32>
        %add3A_411 = arith.constant 1 : i32
        %add3A_412 = vector.broadcast %add3A_411 : i32 to vector<16xi32>
        %add3A_413 = arith.addi %and3A_401, %add3A_412 : vector<16xi32>
        %and3A_414 = arith.constant 63 : i32
        %and3A_415 = vector.broadcast %and3A_414 : i32 to vector<16xi32>
        %and3A_416 = arith.andi %add3A_413, %and3A_415 : vector<16xi32>
        %gather3A_417 = tpu.vector_load_idx %arg9[%add3A_89, %and3A_416] : memref<128x64xi32, #tpu.memory_space<vmem>>[vector<16xi32>, vector<16xi32>], vector<16xi32>,
        %gather3A_418 = tpu.vector_load_idx %arg10[%add3A_89, %and3A_416] : memref<128x64xi32, #tpu.memory_space<vmem>>[vector<16xi32>, vector<16xi32>], vector<16xi32>,
        %bitcast3A_419 = vector.bitcast %gather3A_417 : vector<16xi32> to vector<32xbf16>
        %bitcast3A_420 = vector.bitcast %gather3A_418 : vector<16xi32> to vector<32xbf16>
        %mul3A_421 = arith.mulf %bitcast3A_419, %bitcast3A_420 : vector<32xbf16>
        %unpack3A_422 = tpu.unpack_subelements %mul3A_421, 0 {pack_format = #tpu.pack_format<interleaved>} : vector<32xbf16> -> vector<16xf32>
        %unpack3A_423 = tpu.unpack_subelements %mul3A_421, 1 {pack_format = #tpu.pack_format<interleaved>} : vector<32xbf16> -> vector<16xf32>
        %add3A_424 = arith.addf %add3A_409, %unpack3A_422 : vector<16xf32>
        %add3A_425 = arith.addf %add3A_410, %unpack3A_423 : vector<16xf32>
        %add3A_426 = arith.constant 1 : i32
        %add3A_427 = vector.broadcast %add3A_426 : i32 to vector<16xi32>
        %add3A_428 = arith.addi %and3A_416, %add3A_427 : vector<16xi32>
        %and3A_429 = arith.constant 63 : i32
        %and3A_430 = vector.broadcast %and3A_429 : i32 to vector<16xi32>
        %and3A_431 = arith.andi %add3A_428, %and3A_430 : vector<16xi32>
        %gather3A_432 = tpu.vector_load_idx %arg9[%add3A_89, %and3A_431] : memref<128x64xi32, #tpu.memory_space<vmem>>[vector<16xi32>, vector<16xi32>], vector<16xi32>,
        %gather3A_433 = tpu.vector_load_idx %arg10[%add3A_89, %and3A_431] : memref<128x64xi32, #tpu.memory_space<vmem>>[vector<16xi32>, vector<16xi32>], vector<16xi32>,
        %bitcast3A_434 = vector.bitcast %gather3A_432 : vector<16xi32> to vector<32xbf16>
        %bitcast3A_435 = vector.bitcast %gather3A_433 : vector<16xi32> to vector<32xbf16>
        %mul3A_436 = arith.mulf %bitcast3A_434, %bitcast3A_435 : vector<32xbf16>
        %unpack3A_437 = tpu.unpack_subelements %mul3A_436, 0 {pack_format = #tpu.pack_format<interleaved>} : vector<32xbf16> -> vector<16xf32>
        %unpack3A_438 = tpu.unpack_subelements %mul3A_436, 1 {pack_format = #tpu.pack_format<interleaved>} : vector<32xbf16> -> vector<16xf32>
        %add3A_439 = arith.addf %add3A_424, %unpack3A_437 : vector<16xf32>
        %add3A_440 = arith.addf %add3A_425, %unpack3A_438 : vector<16xf32>
        %add3A_441 = arith.constant 1 : i32
        %add3A_442 = vector.broadcast %add3A_441 : i32 to vector<16xi32>
        %add3A_443 = arith.addi %and3A_431, %add3A_442 : vector<16xi32>
        %and3A_444 = arith.constant 63 : i32
        %and3A_445 = vector.broadcast %and3A_444 : i32 to vector<16xi32>
        %and3A_446 = arith.andi %add3A_443, %and3A_445 : vector<16xi32>
        %gather3A_447 = tpu.vector_load_idx %arg9[%add3A_89, %and3A_446] : memref<128x64xi32, #tpu.memory_space<vmem>>[vector<16xi32>, vector<16xi32>], vector<16xi32>,
        %gather3A_448 = tpu.vector_load_idx %arg10[%add3A_89, %and3A_446] : memref<128x64xi32, #tpu.memory_space<vmem>>[vector<16xi32>, vector<16xi32>], vector<16xi32>,
        %bitcast3A_449 = vector.bitcast %gather3A_447 : vector<16xi32> to vector<32xbf16>
        %bitcast3A_450 = vector.bitcast %gather3A_448 : vector<16xi32> to vector<32xbf16>
        %mul3A_451 = arith.mulf %bitcast3A_449, %bitcast3A_450 : vector<32xbf16>
        %unpack3A_452 = tpu.unpack_subelements %mul3A_451, 0 {pack_format = #tpu.pack_format<interleaved>} : vector<32xbf16> -> vector<16xf32>
        %unpack3A_453 = tpu.unpack_subelements %mul3A_451, 1 {pack_format = #tpu.pack_format<interleaved>} : vector<32xbf16> -> vector<16xf32>
        %add3A_454 = arith.addf %add3A_439, %unpack3A_452 : vector<16xf32>
        %add3A_455 = arith.addf %add3A_440, %unpack3A_453 : vector<16xf32>
        %add3A_456 = arith.constant 1 : i32
        %add3A_457 = vector.broadcast %add3A_456 : i32 to vector<16xi32>
        %add3A_458 = arith.addi %and3A_446, %add3A_457 : vector<16xi32>
        %and3A_459 = arith.constant 63 : i32
        %and3A_460 = vector.broadcast %and3A_459 : i32 to vector<16xi32>
        %and3A_461 = arith.andi %add3A_458, %and3A_460 : vector<16xi32>
        %gather3A_462 = tpu.vector_load_idx %arg9[%add3A_89, %and3A_461] : memref<128x64xi32, #tpu.memory_space<vmem>>[vector<16xi32>, vector<16xi32>], vector<16xi32>,
        %gather3A_463 = tpu.vector_load_idx %arg10[%add3A_89, %and3A_461] : memref<128x64xi32, #tpu.memory_space<vmem>>[vector<16xi32>, vector<16xi32>], vector<16xi32>,
        %bitcast3A_464 = vector.bitcast %gather3A_462 : vector<16xi32> to vector<32xbf16>
        %bitcast3A_465 = vector.bitcast %gather3A_463 : vector<16xi32> to vector<32xbf16>
        %mul3A_466 = arith.mulf %bitcast3A_464, %bitcast3A_465 : vector<32xbf16>
        %unpack3A_467 = tpu.unpack_subelements %mul3A_466, 0 {pack_format = #tpu.pack_format<interleaved>} : vector<32xbf16> -> vector<16xf32>
        %unpack3A_468 = tpu.unpack_subelements %mul3A_466, 1 {pack_format = #tpu.pack_format<interleaved>} : vector<32xbf16> -> vector<16xf32>
        %add3A_469 = arith.addf %add3A_454, %unpack3A_467 : vector<16xf32>
        %add3A_470 = arith.addf %add3A_455, %unpack3A_468 : vector<16xf32>
        %add3A_471 = arith.constant 1 : i32
        %add3A_472 = vector.broadcast %add3A_471 : i32 to vector<16xi32>
        %add3A_473 = arith.addi %and3A_461, %add3A_472 : vector<16xi32>
        %and3A_474 = arith.constant 63 : i32
        %and3A_475 = vector.broadcast %and3A_474 : i32 to vector<16xi32>
        %and3A_476 = arith.andi %add3A_473, %and3A_475 : vector<16xi32>
        scf.yield %add3A_469, %add3A_470, %and3A_476 : vector<16xf32>, vector<16xf32>, vector<16xi32>
      }
      %scan3A_97 = arith.constant 8 : i32
      %add3A_98 = arith.addf %scan3A_96#0, %scan3A_96#1 : vector<16xf32>
      %add3A_99 = arith.constant 16 : i32
      %add3A_100 = arith.addi %mul3A_70, %add3A_99 : i32
      %swap3A_101 = arith.index_cast %add3A_100 : i32 to index
      %swap3A_102 = tpu.vector_load %arg8[%swap3A_101] {strides = array<i32>} : memref<10000xf32, #tpu.memory_space<vmem>>, vector<16xf32>,
      tpu.vector_store %arg8[%swap3A_101], %add3A_98 {strides = array<i32>} : memref<10000xf32, #tpu.memory_space<vmem>>, vector<16xf32>,
      %add3A_103 = arith.constant 32 : i32
      %add3A_104 = vector.broadcast %add3A_103 : i32 to vector<16xi32>
      %add3A_105 = arith.addi %iota3A, %add3A_104 : vector<16xi32>
      %broadcast_in_dim3A_106 = arith.constant 0.000000e+00 : f32
      %broadcast_in_dim3A_107 = vector.broadcast %broadcast_in_dim3A_106 : f32 to vector<16xf32>
      %scan3A_108 = arith.constant 0 : i32
      %scan3A_109 = arith.constant 8 : i32
      %scan3A_110 = arith.addi %scan3A_108, %scan3A_109 : i32
      %scan3A_111 = arith.constant 1 : i32
      %scan3A_112:3 = scf.for %scan3A_357 = %scan3A_108 to %scan3A_110 step %scan3A_111 iter_args(%scan3A_358 = %broadcast_in_dim3A_107, %scan3A_359 = %broadcast_in_dim3A_107, %scan3A_360 = %iota3A) -> (vector<16xf32>, vector<16xf32>, vector<16xi32>)  : i32 {
        %gather3A = tpu.vector_load_idx %arg9[%add3A_105, %scan3A_360] : memref<128x64xi32, #tpu.memory_space<vmem>>[vector<16xi32>, vector<16xi32>], vector<16xi32>,
        %gather3A_361 = tpu.vector_load_idx %arg10[%add3A_105, %scan3A_360] : memref<128x64xi32, #tpu.memory_space<vmem>>[vector<16xi32>, vector<16xi32>], vector<16xi32>,
        %bitcast3A = vector.bitcast %gather3A : vector<16xi32> to vector<32xbf16>
        %bitcast3A_362 = vector.bitcast %gather3A_361 : vector<16xi32> to vector<32xbf16>
        %mul3A_363 = arith.mulf %bitcast3A, %bitcast3A_362 : vector<32xbf16>
        %unpack3A = tpu.unpack_subelements %mul3A_363, 0 {pack_format = #tpu.pack_format<interleaved>} : vector<32xbf16> -> vector<16xf32>
        %unpack3A_364 = tpu.unpack_subelements %mul3A_363, 1 {pack_format = #tpu.pack_format<interleaved>} : vector<32xbf16> -> vector<16xf32>
        %add3A_365 = arith.addf %scan3A_358, %unpack3A : vector<16xf32>
        %add3A_366 = arith.addf %scan3A_359, %unpack3A_364 : vector<16xf32>
        %add3A_367 = arith.constant 1 : i32
        %add3A_368 = vector.broadcast %add3A_367 : i32 to vector<16xi32>
        %add3A_369 = arith.addi %scan3A_360, %add3A_368 : vector<16xi32>
        %and3A = arith.constant 63 : i32
        %and3A_370 = vector.broadcast %and3A : i32 to vector<16xi32>
        %and3A_371 = arith.andi %add3A_369, %and3A_370 : vector<16xi32>
        %gather3A_372 = tpu.vector_load_idx %arg9[%add3A_105, %and3A_371] : memref<128x64xi32, #tpu.memory_space<vmem>>[vector<16xi32>, vector<16xi32>], vector<16xi32>,
        %gather3A_373 = tpu.vector_load_idx %arg10[%add3A_105, %and3A_371] : memref<128x64xi32, #tpu.memory_space<vmem>>[vector<16xi32>, vector<16xi32>], vector<16xi32>,
        %bitcast3A_374 = vector.bitcast %gather3A_372 : vector<16xi32> to vector<32xbf16>
        %bitcast3A_375 = vector.bitcast %gather3A_373 : vector<16xi32> to vector<32xbf16>
        %mul3A_376 = arith.mulf %bitcast3A_374, %bitcast3A_375 : vector<32xbf16>
        %unpack3A_377 = tpu.unpack_subelements %mul3A_376, 0 {pack_format = #tpu.pack_format<interleaved>} : vector<32xbf16> -> vector<16xf32>
        %unpack3A_378 = tpu.unpack_subelements %mul3A_376, 1 {pack_format = #tpu.pack_format<interleaved>} : vector<32xbf16> -> vector<16xf32>
        %add3A_379 = arith.addf %add3A_365, %unpack3A_377 : vector<16xf32>
        %add3A_380 = arith.addf %add3A_366, %unpack3A_378 : vector<16xf32>
        %add3A_381 = arith.constant 1 : i32
        %add3A_382 = vector.broadcast %add3A_381 : i32 to vector<16xi32>
        %add3A_383 = arith.addi %and3A_371, %add3A_382 : vector<16xi32>
        %and3A_384 = arith.constant 63 : i32
        %and3A_385 = vector.broadcast %and3A_384 : i32 to vector<16xi32>
        %and3A_386 = arith.andi %add3A_383, %and3A_385 : vector<16xi32>
        %gather3A_387 = tpu.vector_load_idx %arg9[%add3A_105, %and3A_386] : memref<128x64xi32, #tpu.memory_space<vmem>>[vector<16xi32>, vector<16xi32>], vector<16xi32>,
        %gather3A_388 = tpu.vector_load_idx %arg10[%add3A_105, %and3A_386] : memref<128x64xi32, #tpu.memory_space<vmem>>[vector<16xi32>, vector<16xi32>], vector<16xi32>,
        %bitcast3A_389 = vector.bitcast %gather3A_387 : vector<16xi32> to vector<32xbf16>
        %bitcast3A_390 = vector.bitcast %gather3A_388 : vector<16xi32> to vector<32xbf16>
        %mul3A_391 = arith.mulf %bitcast3A_389, %bitcast3A_390 : vector<32xbf16>
        %unpack3A_392 = tpu.unpack_subelements %mul3A_391, 0 {pack_format = #tpu.pack_format<interleaved>} : vector<32xbf16> -> vector<16xf32>
        %unpack3A_393 = tpu.unpack_subelements %mul3A_391, 1 {pack_format = #tpu.pack_format<interleaved>} : vector<32xbf16> -> vector<16xf32>
        %add3A_394 = arith.addf %add3A_379, %unpack3A_392 : vector<16xf32>
        %add3A_395 = arith.addf %add3A_380, %unpack3A_393 : vector<16xf32>
        %add3A_396 = arith.constant 1 : i32
        %add3A_397 = vector.broadcast %add3A_396 : i32 to vector<16xi32>
        %add3A_398 = arith.addi %and3A_386, %add3A_397 : vector<16xi32>
        %and3A_399 = arith.constant 63 : i32
        %and3A_400 = vector.broadcast %and3A_399 : i32 to vector<16xi32>
        %and3A_401 = arith.andi %add3A_398, %and3A_400 : vector<16xi32>
        %gather3A_402 = tpu.vector_load_idx %arg9[%add3A_105, %and3A_401] : memref<128x64xi32, #tpu.memory_space<vmem>>[vector<16xi32>, vector<16xi32>], vector<16xi32>,
        %gather3A_403 = tpu.vector_load_idx %arg10[%add3A_105, %and3A_401] : memref<128x64xi32, #tpu.memory_space<vmem>>[vector<16xi32>, vector<16xi32>], vector<16xi32>,
        %bitcast3A_404 = vector.bitcast %gather3A_402 : vector<16xi32> to vector<32xbf16>
        %bitcast3A_405 = vector.bitcast %gather3A_403 : vector<16xi32> to vector<32xbf16>
        %mul3A_406 = arith.mulf %bitcast3A_404, %bitcast3A_405 : vector<32xbf16>
        %unpack3A_407 = tpu.unpack_subelements %mul3A_406, 0 {pack_format = #tpu.pack_format<interleaved>} : vector<32xbf16> -> vector<16xf32>
        %unpack3A_408 = tpu.unpack_subelements %mul3A_406, 1 {pack_format = #tpu.pack_format<interleaved>} : vector<32xbf16> -> vector<16xf32>
        %add3A_409 = arith.addf %add3A_394, %unpack3A_407 : vector<16xf32>
        %add3A_410 = arith.addf %add3A_395, %unpack3A_408 : vector<16xf32>
        %add3A_411 = arith.constant 1 : i32
        %add3A_412 = vector.broadcast %add3A_411 : i32 to vector<16xi32>
        %add3A_413 = arith.addi %and3A_401, %add3A_412 : vector<16xi32>
        %and3A_414 = arith.constant 63 : i32
        %and3A_415 = vector.broadcast %and3A_414 : i32 to vector<16xi32>
        %and3A_416 = arith.andi %add3A_413, %and3A_415 : vector<16xi32>
        %gather3A_417 = tpu.vector_load_idx %arg9[%add3A_105, %and3A_416] : memref<128x64xi32, #tpu.memory_space<vmem>>[vector<16xi32>, vector<16xi32>], vector<16xi32>,
        %gather3A_418 = tpu.vector_load_idx %arg10[%add3A_105, %and3A_416] : memref<128x64xi32, #tpu.memory_space<vmem>>[vector<16xi32>, vector<16xi32>], vector<16xi32>,
        %bitcast3A_419 = vector.bitcast %gather3A_417 : vector<16xi32> to vector<32xbf16>
        %bitcast3A_420 = vector.bitcast %gather3A_418 : vector<16xi32> to vector<32xbf16>
        %mul3A_421 = arith.mulf %bitcast3A_419, %bitcast3A_420 : vector<32xbf16>
        %unpack3A_422 = tpu.unpack_subelements %mul3A_421, 0 {pack_format = #tpu.pack_format<interleaved>} : vector<32xbf16> -> vector<16xf32>
        %unpack3A_423 = tpu.unpack_subelements %mul3A_421, 1 {pack_format = #tpu.pack_format<interleaved>} : vector<32xbf16> -> vector<16xf32>
        %add3A_424 = arith.addf %add3A_409, %unpack3A_422 : vector<16xf32>
        %add3A_425 = arith.addf %add3A_410, %unpack3A_423 : vector<16xf32>
        %add3A_426 = arith.constant 1 : i32
        %add3A_427 = vector.broadcast %add3A_426 : i32 to vector<16xi32>
        %add3A_428 = arith.addi %and3A_416, %add3A_427 : vector<16xi32>
        %and3A_429 = arith.constant 63 : i32
        %and3A_430 = vector.broadcast %and3A_429 : i32 to vector<16xi32>
        %and3A_431 = arith.andi %add3A_428, %and3A_430 : vector<16xi32>
        %gather3A_432 = tpu.vector_load_idx %arg9[%add3A_105, %and3A_431] : memref<128x64xi32, #tpu.memory_space<vmem>>[vector<16xi32>, vector<16xi32>], vector<16xi32>,
        %gather3A_433 = tpu.vector_load_idx %arg10[%add3A_105, %and3A_431] : memref<128x64xi32, #tpu.memory_space<vmem>>[vector<16xi32>, vector<16xi32>], vector<16xi32>,
        %bitcast3A_434 = vector.bitcast %gather3A_432 : vector<16xi32> to vector<32xbf16>
        %bitcast3A_435 = vector.bitcast %gather3A_433 : vector<16xi32> to vector<32xbf16>
        %mul3A_436 = arith.mulf %bitcast3A_434, %bitcast3A_435 : vector<32xbf16>
        %unpack3A_437 = tpu.unpack_subelements %mul3A_436, 0 {pack_format = #tpu.pack_format<interleaved>} : vector<32xbf16> -> vector<16xf32>
        %unpack3A_438 = tpu.unpack_subelements %mul3A_436, 1 {pack_format = #tpu.pack_format<interleaved>} : vector<32xbf16> -> vector<16xf32>
        %add3A_439 = arith.addf %add3A_424, %unpack3A_437 : vector<16xf32>
        %add3A_440 = arith.addf %add3A_425, %unpack3A_438 : vector<16xf32>
        %add3A_441 = arith.constant 1 : i32
        %add3A_442 = vector.broadcast %add3A_441 : i32 to vector<16xi32>
        %add3A_443 = arith.addi %and3A_431, %add3A_442 : vector<16xi32>
        %and3A_444 = arith.constant 63 : i32
        %and3A_445 = vector.broadcast %and3A_444 : i32 to vector<16xi32>
        %and3A_446 = arith.andi %add3A_443, %and3A_445 : vector<16xi32>
        %gather3A_447 = tpu.vector_load_idx %arg9[%add3A_105, %and3A_446] : memref<128x64xi32, #tpu.memory_space<vmem>>[vector<16xi32>, vector<16xi32>], vector<16xi32>,
        %gather3A_448 = tpu.vector_load_idx %arg10[%add3A_105, %and3A_446] : memref<128x64xi32, #tpu.memory_space<vmem>>[vector<16xi32>, vector<16xi32>], vector<16xi32>,
        %bitcast3A_449 = vector.bitcast %gather3A_447 : vector<16xi32> to vector<32xbf16>
        %bitcast3A_450 = vector.bitcast %gather3A_448 : vector<16xi32> to vector<32xbf16>
        %mul3A_451 = arith.mulf %bitcast3A_449, %bitcast3A_450 : vector<32xbf16>
        %unpack3A_452 = tpu.unpack_subelements %mul3A_451, 0 {pack_format = #tpu.pack_format<interleaved>} : vector<32xbf16> -> vector<16xf32>
        %unpack3A_453 = tpu.unpack_subelements %mul3A_451, 1 {pack_format = #tpu.pack_format<interleaved>} : vector<32xbf16> -> vector<16xf32>
        %add3A_454 = arith.addf %add3A_439, %unpack3A_452 : vector<16xf32>
        %add3A_455 = arith.addf %add3A_440, %unpack3A_453 : vector<16xf32>
        %add3A_456 = arith.constant 1 : i32
        %add3A_457 = vector.broadcast %add3A_456 : i32 to vector<16xi32>
        %add3A_458 = arith.addi %and3A_446, %add3A_457 : vector<16xi32>
        %and3A_459 = arith.constant 63 : i32
        %and3A_460 = vector.broadcast %and3A_459 : i32 to vector<16xi32>
        %and3A_461 = arith.andi %add3A_458, %and3A_460 : vector<16xi32>
        %gather3A_462 = tpu.vector_load_idx %arg9[%add3A_105, %and3A_461] : memref<128x64xi32, #tpu.memory_space<vmem>>[vector<16xi32>, vector<16xi32>], vector<16xi32>,
        %gather3A_463 = tpu.vector_load_idx %arg10[%add3A_105, %and3A_461] : memref<128x64xi32, #tpu.memory_space<vmem>>[vector<16xi32>, vector<16xi32>], vector<16xi32>,
        %bitcast3A_464 = vector.bitcast %gather3A_462 : vector<16xi32> to vector<32xbf16>
        %bitcast3A_465 = vector.bitcast %gather3A_463 : vector<16xi32> to vector<32xbf16>
        %mul3A_466 = arith.mulf %bitcast3A_464, %bitcast3A_465 : vector<32xbf16>
        %unpack3A_467 = tpu.unpack_subelements %mul3A_466, 0 {pack_format = #tpu.pack_format<interleaved>} : vector<32xbf16> -> vector<16xf32>
        %unpack3A_468 = tpu.unpack_subelements %mul3A_466, 1 {pack_format = #tpu.pack_format<interleaved>} : vector<32xbf16> -> vector<16xf32>
        %add3A_469 = arith.addf %add3A_454, %unpack3A_467 : vector<16xf32>
        %add3A_470 = arith.addf %add3A_455, %unpack3A_468 : vector<16xf32>
        %add3A_471 = arith.constant 1 : i32
        %add3A_472 = vector.broadcast %add3A_471 : i32 to vector<16xi32>
        %add3A_473 = arith.addi %and3A_461, %add3A_472 : vector<16xi32>
        %and3A_474 = arith.constant 63 : i32
        %and3A_475 = vector.broadcast %and3A_474 : i32 to vector<16xi32>
        %and3A_476 = arith.andi %add3A_473, %and3A_475 : vector<16xi32>
        scf.yield %add3A_469, %add3A_470, %and3A_476 : vector<16xf32>, vector<16xf32>, vector<16xi32>
      }
      %scan3A_113 = arith.constant 8 : i32
      %add3A_114 = arith.addf %scan3A_112#0, %scan3A_112#1 : vector<16xf32>
      %add3A_115 = arith.constant 32 : i32
      %add3A_116 = arith.addi %mul3A_70, %add3A_115 : i32
      %swap3A_117 = arith.index_cast %add3A_116 : i32 to index
      %swap3A_118 = tpu.vector_load %arg8[%swap3A_117] {strides = array<i32>} : memref<10000xf32, #tpu.memory_space<vmem>>, vector<16xf32>,
      tpu.vector_store %arg8[%swap3A_117], %add3A_114 {strides = array<i32>} : memref<10000xf32, #tpu.memory_space<vmem>>, vector<16xf32>,
      %add3A_119 = arith.constant 48 : i32
      %add3A_120 = vector.broadcast %add3A_119 : i32 to vector<16xi32>
      %add3A_121 = arith.addi %iota3A, %add3A_120 : vector<16xi32>
      %broadcast_in_dim3A_122 = arith.constant 0.000000e+00 : f32
      %broadcast_in_dim3A_123 = vector.broadcast %broadcast_in_dim3A_122 : f32 to vector<16xf32>
      %scan3A_124 = arith.constant 0 : i32
      %scan3A_125 = arith.constant 8 : i32
      %scan3A_126 = arith.addi %scan3A_124, %scan3A_125 : i32
      %scan3A_127 = arith.constant 1 : i32
      %scan3A_128:3 = scf.for %scan3A_357 = %scan3A_124 to %scan3A_126 step %scan3A_127 iter_args(%scan3A_358 = %broadcast_in_dim3A_123, %scan3A_359 = %broadcast_in_dim3A_123, %scan3A_360 = %iota3A) -> (vector<16xf32>, vector<16xf32>, vector<16xi32>)  : i32 {
        %gather3A = tpu.vector_load_idx %arg9[%add3A_121, %scan3A_360] : memref<128x64xi32, #tpu.memory_space<vmem>>[vector<16xi32>, vector<16xi32>], vector<16xi32>,
        %gather3A_361 = tpu.vector_load_idx %arg10[%add3A_121, %scan3A_360] : memref<128x64xi32, #tpu.memory_space<vmem>>[vector<16xi32>, vector<16xi32>], vector<16xi32>,
        %bitcast3A = vector.bitcast %gather3A : vector<16xi32> to vector<32xbf16>
        %bitcast3A_362 = vector.bitcast %gather3A_361 : vector<16xi32> to vector<32xbf16>
        %mul3A_363 = arith.mulf %bitcast3A, %bitcast3A_362 : vector<32xbf16>
        %unpack3A = tpu.unpack_subelements %mul3A_363, 0 {pack_format = #tpu.pack_format<interleaved>} : vector<32xbf16> -> vector<16xf32>
        %unpack3A_364 = tpu.unpack_subelements %mul3A_363, 1 {pack_format = #tpu.pack_format<interleaved>} : vector<32xbf16> -> vector<16xf32>
        %add3A_365 = arith.addf %scan3A_358, %unpack3A : vector<16xf32>
        %add3A_366 = arith.addf %scan3A_359, %unpack3A_364 : vector<16xf32>
        %add3A_367 = arith.constant 1 : i32
        %add3A_368 = vector.broadcast %add3A_367 : i32 to vector<16xi32>
        %add3A_369 = arith.addi %scan3A_360, %add3A_368 : vector<16xi32>
        %and3A = arith.constant 63 : i32
        %and3A_370 = vector.broadcast %and3A : i32 to vector<16xi32>
        %and3A_371 = arith.andi %add3A_369, %and3A_370 : vector<16xi32>
        %gather3A_372 = tpu.vector_load_idx %arg9[%add3A_121, %and3A_371] : memref<128x64xi32, #tpu.memory_space<vmem>>[vector<16xi32>, vector<16xi32>], vector<16xi32>,
        %gather3A_373 = tpu.vector_load_idx %arg10[%add3A_121, %and3A_371] : memref<128x64xi32, #tpu.memory_space<vmem>>[vector<16xi32>, vector<16xi32>], vector<16xi32>,
        %bitcast3A_374 = vector.bitcast %gather3A_372 : vector<16xi32> to vector<32xbf16>
        %bitcast3A_375 = vector.bitcast %gather3A_373 : vector<16xi32> to vector<32xbf16>
        %mul3A_376 = arith.mulf %bitcast3A_374, %bitcast3A_375 : vector<32xbf16>
        %unpack3A_377 = tpu.unpack_subelements %mul3A_376, 0 {pack_format = #tpu.pack_format<interleaved>} : vector<32xbf16> -> vector<16xf32>
        %unpack3A_378 = tpu.unpack_subelements %mul3A_376, 1 {pack_format = #tpu.pack_format<interleaved>} : vector<32xbf16> -> vector<16xf32>
        %add3A_379 = arith.addf %add3A_365, %unpack3A_377 : vector<16xf32>
        %add3A_380 = arith.addf %add3A_366, %unpack3A_378 : vector<16xf32>
        %add3A_381 = arith.constant 1 : i32
        %add3A_382 = vector.broadcast %add3A_381 : i32 to vector<16xi32>
        %add3A_383 = arith.addi %and3A_371, %add3A_382 : vector<16xi32>
        %and3A_384 = arith.constant 63 : i32
        %and3A_385 = vector.broadcast %and3A_384 : i32 to vector<16xi32>
        %and3A_386 = arith.andi %add3A_383, %and3A_385 : vector<16xi32>
        %gather3A_387 = tpu.vector_load_idx %arg9[%add3A_121, %and3A_386] : memref<128x64xi32, #tpu.memory_space<vmem>>[vector<16xi32>, vector<16xi32>], vector<16xi32>,
        %gather3A_388 = tpu.vector_load_idx %arg10[%add3A_121, %and3A_386] : memref<128x64xi32, #tpu.memory_space<vmem>>[vector<16xi32>, vector<16xi32>], vector<16xi32>,
        %bitcast3A_389 = vector.bitcast %gather3A_387 : vector<16xi32> to vector<32xbf16>
        %bitcast3A_390 = vector.bitcast %gather3A_388 : vector<16xi32> to vector<32xbf16>
        %mul3A_391 = arith.mulf %bitcast3A_389, %bitcast3A_390 : vector<32xbf16>
        %unpack3A_392 = tpu.unpack_subelements %mul3A_391, 0 {pack_format = #tpu.pack_format<interleaved>} : vector<32xbf16> -> vector<16xf32>
        %unpack3A_393 = tpu.unpack_subelements %mul3A_391, 1 {pack_format = #tpu.pack_format<interleaved>} : vector<32xbf16> -> vector<16xf32>
        %add3A_394 = arith.addf %add3A_379, %unpack3A_392 : vector<16xf32>
        %add3A_395 = arith.addf %add3A_380, %unpack3A_393 : vector<16xf32>
        %add3A_396 = arith.constant 1 : i32
        %add3A_397 = vector.broadcast %add3A_396 : i32 to vector<16xi32>
        %add3A_398 = arith.addi %and3A_386, %add3A_397 : vector<16xi32>
        %and3A_399 = arith.constant 63 : i32
        %and3A_400 = vector.broadcast %and3A_399 : i32 to vector<16xi32>
        %and3A_401 = arith.andi %add3A_398, %and3A_400 : vector<16xi32>
        %gather3A_402 = tpu.vector_load_idx %arg9[%add3A_121, %and3A_401] : memref<128x64xi32, #tpu.memory_space<vmem>>[vector<16xi32>, vector<16xi32>], vector<16xi32>,
        %gather3A_403 = tpu.vector_load_idx %arg10[%add3A_121, %and3A_401] : memref<128x64xi32, #tpu.memory_space<vmem>>[vector<16xi32>, vector<16xi32>], vector<16xi32>,
        %bitcast3A_404 = vector.bitcast %gather3A_402 : vector<16xi32> to vector<32xbf16>
        %bitcast3A_405 = vector.bitcast %gather3A_403 : vector<16xi32> to vector<32xbf16>
        %mul3A_406 = arith.mulf %bitcast3A_404, %bitcast3A_405 : vector<32xbf16>
        %unpack3A_407 = tpu.unpack_subelements %mul3A_406, 0 {pack_format = #tpu.pack_format<interleaved>} : vector<32xbf16> -> vector<16xf32>
        %unpack3A_408 = tpu.unpack_subelements %mul3A_406, 1 {pack_format = #tpu.pack_format<interleaved>} : vector<32xbf16> -> vector<16xf32>
        %add3A_409 = arith.addf %add3A_394, %unpack3A_407 : vector<16xf32>
        %add3A_410 = arith.addf %add3A_395, %unpack3A_408 : vector<16xf32>
        %add3A_411 = arith.constant 1 : i32
        %add3A_412 = vector.broadcast %add3A_411 : i32 to vector<16xi32>
        %add3A_413 = arith.addi %and3A_401, %add3A_412 : vector<16xi32>
        %and3A_414 = arith.constant 63 : i32
        %and3A_415 = vector.broadcast %and3A_414 : i32 to vector<16xi32>
        %and3A_416 = arith.andi %add3A_413, %and3A_415 : vector<16xi32>
        %gather3A_417 = tpu.vector_load_idx %arg9[%add3A_121, %and3A_416] : memref<128x64xi32, #tpu.memory_space<vmem>>[vector<16xi32>, vector<16xi32>], vector<16xi32>,
        %gather3A_418 = tpu.vector_load_idx %arg10[%add3A_121, %and3A_416] : memref<128x64xi32, #tpu.memory_space<vmem>>[vector<16xi32>, vector<16xi32>], vector<16xi32>,
        %bitcast3A_419 = vector.bitcast %gather3A_417 : vector<16xi32> to vector<32xbf16>
        %bitcast3A_420 = vector.bitcast %gather3A_418 : vector<16xi32> to vector<32xbf16>
        %mul3A_421 = arith.mulf %bitcast3A_419, %bitcast3A_420 : vector<32xbf16>
        %unpack3A_422 = tpu.unpack_subelements %mul3A_421, 0 {pack_format = #tpu.pack_format<interleaved>} : vector<32xbf16> -> vector<16xf32>
        %unpack3A_423 = tpu.unpack_subelements %mul3A_421, 1 {pack_format = #tpu.pack_format<interleaved>} : vector<32xbf16> -> vector<16xf32>
        %add3A_424 = arith.addf %add3A_409, %unpack3A_422 : vector<16xf32>
        %add3A_425 = arith.addf %add3A_410, %unpack3A_423 : vector<16xf32>
        %add3A_426 = arith.constant 1 : i32
        %add3A_427 = vector.broadcast %add3A_426 : i32 to vector<16xi32>
        %add3A_428 = arith.addi %and3A_416, %add3A_427 : vector<16xi32>
        %and3A_429 = arith.constant 63 : i32
        %and3A_430 = vector.broadcast %and3A_429 : i32 to vector<16xi32>
        %and3A_431 = arith.andi %add3A_428, %and3A_430 : vector<16xi32>
        %gather3A_432 = tpu.vector_load_idx %arg9[%add3A_121, %and3A_431] : memref<128x64xi32, #tpu.memory_space<vmem>>[vector<16xi32>, vector<16xi32>], vector<16xi32>,
        %gather3A_433 = tpu.vector_load_idx %arg10[%add3A_121, %and3A_431] : memref<128x64xi32, #tpu.memory_space<vmem>>[vector<16xi32>, vector<16xi32>], vector<16xi32>,
        %bitcast3A_434 = vector.bitcast %gather3A_432 : vector<16xi32> to vector<32xbf16>
        %bitcast3A_435 = vector.bitcast %gather3A_433 : vector<16xi32> to vector<32xbf16>
        %mul3A_436 = arith.mulf %bitcast3A_434, %bitcast3A_435 : vector<32xbf16>
        %unpack3A_437 = tpu.unpack_subelements %mul3A_436, 0 {pack_format = #tpu.pack_format<interleaved>} : vector<32xbf16> -> vector<16xf32>
        %unpack3A_438 = tpu.unpack_subelements %mul3A_436, 1 {pack_format = #tpu.pack_format<interleaved>} : vector<32xbf16> -> vector<16xf32>
        %add3A_439 = arith.addf %add3A_424, %unpack3A_437 : vector<16xf32>
        %add3A_440 = arith.addf %add3A_425, %unpack3A_438 : vector<16xf32>
        %add3A_441 = arith.constant 1 : i32
        %add3A_442 = vector.broadcast %add3A_441 : i32 to vector<16xi32>
        %add3A_443 = arith.addi %and3A_431, %add3A_442 : vector<16xi32>
        %and3A_444 = arith.constant 63 : i32
        %and3A_445 = vector.broadcast %and3A_444 : i32 to vector<16xi32>
        %and3A_446 = arith.andi %add3A_443, %and3A_445 : vector<16xi32>
        %gather3A_447 = tpu.vector_load_idx %arg9[%add3A_121, %and3A_446] : memref<128x64xi32, #tpu.memory_space<vmem>>[vector<16xi32>, vector<16xi32>], vector<16xi32>,
        %gather3A_448 = tpu.vector_load_idx %arg10[%add3A_121, %and3A_446] : memref<128x64xi32, #tpu.memory_space<vmem>>[vector<16xi32>, vector<16xi32>], vector<16xi32>,
        %bitcast3A_449 = vector.bitcast %gather3A_447 : vector<16xi32> to vector<32xbf16>
        %bitcast3A_450 = vector.bitcast %gather3A_448 : vector<16xi32> to vector<32xbf16>
        %mul3A_451 = arith.mulf %bitcast3A_449, %bitcast3A_450 : vector<32xbf16>
        %unpack3A_452 = tpu.unpack_subelements %mul3A_451, 0 {pack_format = #tpu.pack_format<interleaved>} : vector<32xbf16> -> vector<16xf32>
        %unpack3A_453 = tpu.unpack_subelements %mul3A_451, 1 {pack_format = #tpu.pack_format<interleaved>} : vector<32xbf16> -> vector<16xf32>
        %add3A_454 = arith.addf %add3A_439, %unpack3A_452 : vector<16xf32>
        %add3A_455 = arith.addf %add3A_440, %unpack3A_453 : vector<16xf32>
        %add3A_456 = arith.constant 1 : i32
        %add3A_457 = vector.broadcast %add3A_456 : i32 to vector<16xi32>
        %add3A_458 = arith.addi %and3A_446, %add3A_457 : vector<16xi32>
        %and3A_459 = arith.constant 63 : i32
        %and3A_460 = vector.broadcast %and3A_459 : i32 to vector<16xi32>
        %and3A_461 = arith.andi %add3A_458, %and3A_460 : vector<16xi32>
        %gather3A_462 = tpu.vector_load_idx %arg9[%add3A_121, %and3A_461] : memref<128x64xi32, #tpu.memory_space<vmem>>[vector<16xi32>, vector<16xi32>], vector<16xi32>,
        %gather3A_463 = tpu.vector_load_idx %arg10[%add3A_121, %and3A_461] : memref<128x64xi32, #tpu.memory_space<vmem>>[vector<16xi32>, vector<16xi32>], vector<16xi32>,
        %bitcast3A_464 = vector.bitcast %gather3A_462 : vector<16xi32> to vector<32xbf16>
        %bitcast3A_465 = vector.bitcast %gather3A_463 : vector<16xi32> to vector<32xbf16>
        %mul3A_466 = arith.mulf %bitcast3A_464, %bitcast3A_465 : vector<32xbf16>
        %unpack3A_467 = tpu.unpack_subelements %mul3A_466, 0 {pack_format = #tpu.pack_format<interleaved>} : vector<32xbf16> -> vector<16xf32>
        %unpack3A_468 = tpu.unpack_subelements %mul3A_466, 1 {pack_format = #tpu.pack_format<interleaved>} : vector<32xbf16> -> vector<16xf32>
        %add3A_469 = arith.addf %add3A_454, %unpack3A_467 : vector<16xf32>
        %add3A_470 = arith.addf %add3A_455, %unpack3A_468 : vector<16xf32>
        %add3A_471 = arith.constant 1 : i32
        %add3A_472 = vector.broadcast %add3A_471 : i32 to vector<16xi32>
        %add3A_473 = arith.addi %and3A_461, %add3A_472 : vector<16xi32>
        %and3A_474 = arith.constant 63 : i32
        %and3A_475 = vector.broadcast %and3A_474 : i32 to vector<16xi32>
        %and3A_476 = arith.andi %add3A_473, %and3A_475 : vector<16xi32>
        scf.yield %add3A_469, %add3A_470, %and3A_476 : vector<16xf32>, vector<16xf32>, vector<16xi32>
      }
      %scan3A_129 = arith.constant 8 : i32
      %add3A_130 = arith.addf %scan3A_128#0, %scan3A_128#1 : vector<16xf32>
      %add3A_131 = arith.constant 48 : i32
      %add3A_132 = arith.addi %mul3A_70, %add3A_131 : i32
      %swap3A_133 = arith.index_cast %add3A_132 : i32 to index
      %swap3A_134 = tpu.vector_load %arg8[%swap3A_133] {strides = array<i32>} : memref<10000xf32, #tpu.memory_space<vmem>>, vector<16xf32>,
      tpu.vector_store %arg8[%swap3A_133], %add3A_130 {strides = array<i32>} : memref<10000xf32, #tpu.memory_space<vmem>>, vector<16xf32>,
      %add3A_135 = arith.constant 64 : i32
      %add3A_136 = vector.broadcast %add3A_135 : i32 to vector<16xi32>
      %add3A_137 = arith.addi %iota3A, %add3A_136 : vector<16xi32>
      %broadcast_in_dim3A_138 = arith.constant 0.000000e+00 : f32
      %broadcast_in_dim3A_139 = vector.broadcast %broadcast_in_dim3A_138 : f32 to vector<16xf32>
      %scan3A_140 = arith.constant 0 : i32
      %scan3A_141 = arith.constant 8 : i32
      %scan3A_142 = arith.addi %scan3A_140, %scan3A_141 : i32
      %scan3A_143 = arith.constant 1 : i32
      %scan3A_144:3 = scf.for %scan3A_357 = %scan3A_140 to %scan3A_142 step %scan3A_143 iter_args(%scan3A_358 = %broadcast_in_dim3A_139, %scan3A_359 = %broadcast_in_dim3A_139, %scan3A_360 = %iota3A) -> (vector<16xf32>, vector<16xf32>, vector<16xi32>)  : i32 {
        %gather3A = tpu.vector_load_idx %arg9[%add3A_137, %scan3A_360] : memref<128x64xi32, #tpu.memory_space<vmem>>[vector<16xi32>, vector<16xi32>], vector<16xi32>,
        %gather3A_361 = tpu.vector_load_idx %arg10[%add3A_137, %scan3A_360] : memref<128x64xi32, #tpu.memory_space<vmem>>[vector<16xi32>, vector<16xi32>], vector<16xi32>,
        %bitcast3A = vector.bitcast %gather3A : vector<16xi32> to vector<32xbf16>
        %bitcast3A_362 = vector.bitcast %gather3A_361 : vector<16xi32> to vector<32xbf16>
        %mul3A_363 = arith.mulf %bitcast3A, %bitcast3A_362 : vector<32xbf16>
        %unpack3A = tpu.unpack_subelements %mul3A_363, 0 {pack_format = #tpu.pack_format<interleaved>} : vector<32xbf16> -> vector<16xf32>
        %unpack3A_364 = tpu.unpack_subelements %mul3A_363, 1 {pack_format = #tpu.pack_format<interleaved>} : vector<32xbf16> -> vector<16xf32>
        %add3A_365 = arith.addf %scan3A_358, %unpack3A : vector<16xf32>
        %add3A_366 = arith.addf %scan3A_359, %unpack3A_364 : vector<16xf32>
        %add3A_367 = arith.constant 1 : i32
        %add3A_368 = vector.broadcast %add3A_367 : i32 to vector<16xi32>
        %add3A_369 = arith.addi %scan3A_360, %add3A_368 : vector<16xi32>
        %and3A = arith.constant 63 : i32
        %and3A_370 = vector.broadcast %and3A : i32 to vector<16xi32>
        %and3A_371 = arith.andi %add3A_369, %and3A_370 : vector<16xi32>
        %gather3A_372 = tpu.vector_load_idx %arg9[%add3A_137, %and3A_371] : memref<128x64xi32, #tpu.memory_space<vmem>>[vector<16xi32>, vector<16xi32>], vector<16xi32>,
        %gather3A_373 = tpu.vector_load_idx %arg10[%add3A_137, %and3A_371] : memref<128x64xi32, #tpu.memory_space<vmem>>[vector<16xi32>, vector<16xi32>], vector<16xi32>,
        %bitcast3A_374 = vector.bitcast %gather3A_372 : vector<16xi32> to vector<32xbf16>
        %bitcast3A_375 = vector.bitcast %gather3A_373 : vector<16xi32> to vector<32xbf16>
        %mul3A_376 = arith.mulf %bitcast3A_374, %bitcast3A_375 : vector<32xbf16>
        %unpack3A_377 = tpu.unpack_subelements %mul3A_376, 0 {pack_format = #tpu.pack_format<interleaved>} : vector<32xbf16> -> vector<16xf32>
        %unpack3A_378 = tpu.unpack_subelements %mul3A_376, 1 {pack_format = #tpu.pack_format<interleaved>} : vector<32xbf16> -> vector<16xf32>
        %add3A_379 = arith.addf %add3A_365, %unpack3A_377 : vector<16xf32>
        %add3A_380 = arith.addf %add3A_366, %unpack3A_378 : vector<16xf32>
        %add3A_381 = arith.constant 1 : i32
        %add3A_382 = vector.broadcast %add3A_381 : i32 to vector<16xi32>
        %add3A_383 = arith.addi %and3A_371, %add3A_382 : vector<16xi32>
        %and3A_384 = arith.constant 63 : i32
        %and3A_385 = vector.broadcast %and3A_384 : i32 to vector<16xi32>
        %and3A_386 = arith.andi %add3A_383, %and3A_385 : vector<16xi32>
        %gather3A_387 = tpu.vector_load_idx %arg9[%add3A_137, %and3A_386] : memref<128x64xi32, #tpu.memory_space<vmem>>[vector<16xi32>, vector<16xi32>], vector<16xi32>,
        %gather3A_388 = tpu.vector_load_idx %arg10[%add3A_137, %and3A_386] : memref<128x64xi32, #tpu.memory_space<vmem>>[vector<16xi32>, vector<16xi32>], vector<16xi32>,
        %bitcast3A_389 = vector.bitcast %gather3A_387 : vector<16xi32> to vector<32xbf16>
        %bitcast3A_390 = vector.bitcast %gather3A_388 : vector<16xi32> to vector<32xbf16>
        %mul3A_391 = arith.mulf %bitcast3A_389, %bitcast3A_390 : vector<32xbf16>
        %unpack3A_392 = tpu.unpack_subelements %mul3A_391, 0 {pack_format = #tpu.pack_format<interleaved>} : vector<32xbf16> -> vector<16xf32>
        %unpack3A_393 = tpu.unpack_subelements %mul3A_391, 1 {pack_format = #tpu.pack_format<interleaved>} : vector<32xbf16> -> vector<16xf32>
        %add3A_394 = arith.addf %add3A_379, %unpack3A_392 : vector<16xf32>
        %add3A_395 = arith.addf %add3A_380, %unpack3A_393 : vector<16xf32>
        %add3A_396 = arith.constant 1 : i32
        %add3A_397 = vector.broadcast %add3A_396 : i32 to vector<16xi32>
        %add3A_398 = arith.addi %and3A_386, %add3A_397 : vector<16xi32>
        %and3A_399 = arith.constant 63 : i32
        %and3A_400 = vector.broadcast %and3A_399 : i32 to vector<16xi32>
        %and3A_401 = arith.andi %add3A_398, %and3A_400 : vector<16xi32>
        %gather3A_402 = tpu.vector_load_idx %arg9[%add3A_137, %and3A_401] : memref<128x64xi32, #tpu.memory_space<vmem>>[vector<16xi32>, vector<16xi32>], vector<16xi32>,
        %gather3A_403 = tpu.vector_load_idx %arg10[%add3A_137, %and3A_401] : memref<128x64xi32, #tpu.memory_space<vmem>>[vector<16xi32>, vector<16xi32>], vector<16xi32>,
        %bitcast3A_404 = vector.bitcast %gather3A_402 : vector<16xi32> to vector<32xbf16>
        %bitcast3A_405 = vector.bitcast %gather3A_403 : vector<16xi32> to vector<32xbf16>
        %mul3A_406 = arith.mulf %bitcast3A_404, %bitcast3A_405 : vector<32xbf16>
        %unpack3A_407 = tpu.unpack_subelements %mul3A_406, 0 {pack_format = #tpu.pack_format<interleaved>} : vector<32xbf16> -> vector<16xf32>
        %unpack3A_408 = tpu.unpack_subelements %mul3A_406, 1 {pack_format = #tpu.pack_format<interleaved>} : vector<32xbf16> -> vector<16xf32>
        %add3A_409 = arith.addf %add3A_394, %unpack3A_407 : vector<16xf32>
        %add3A_410 = arith.addf %add3A_395, %unpack3A_408 : vector<16xf32>
        %add3A_411 = arith.constant 1 : i32
        %add3A_412 = vector.broadcast %add3A_411 : i32 to vector<16xi32>
        %add3A_413 = arith.addi %and3A_401, %add3A_412 : vector<16xi32>
        %and3A_414 = arith.constant 63 : i32
        %and3A_415 = vector.broadcast %and3A_414 : i32 to vector<16xi32>
        %and3A_416 = arith.andi %add3A_413, %and3A_415 : vector<16xi32>
        %gather3A_417 = tpu.vector_load_idx %arg9[%add3A_137, %and3A_416] : memref<128x64xi32, #tpu.memory_space<vmem>>[vector<16xi32>, vector<16xi32>], vector<16xi32>,
        %gather3A_418 = tpu.vector_load_idx %arg10[%add3A_137, %and3A_416] : memref<128x64xi32, #tpu.memory_space<vmem>>[vector<16xi32>, vector<16xi32>], vector<16xi32>,
        %bitcast3A_419 = vector.bitcast %gather3A_417 : vector<16xi32> to vector<32xbf16>
        %bitcast3A_420 = vector.bitcast %gather3A_418 : vector<16xi32> to vector<32xbf16>
        %mul3A_421 = arith.mulf %bitcast3A_419, %bitcast3A_420 : vector<32xbf16>
        %unpack3A_422 = tpu.unpack_subelements %mul3A_421, 0 {pack_format = #tpu.pack_format<interleaved>} : vector<32xbf16> -> vector<16xf32>
        %unpack3A_423 = tpu.unpack_subelements %mul3A_421, 1 {pack_format = #tpu.pack_format<interleaved>} : vector<32xbf16> -> vector<16xf32>
        %add3A_424 = arith.addf %add3A_409, %unpack3A_422 : vector<16xf32>
        %add3A_425 = arith.addf %add3A_410, %unpack3A_423 : vector<16xf32>
        %add3A_426 = arith.constant 1 : i32
        %add3A_427 = vector.broadcast %add3A_426 : i32 to vector<16xi32>
        %add3A_428 = arith.addi %and3A_416, %add3A_427 : vector<16xi32>
        %and3A_429 = arith.constant 63 : i32
        %and3A_430 = vector.broadcast %and3A_429 : i32 to vector<16xi32>
        %and3A_431 = arith.andi %add3A_428, %and3A_430 : vector<16xi32>
        %gather3A_432 = tpu.vector_load_idx %arg9[%add3A_137, %and3A_431] : memref<128x64xi32, #tpu.memory_space<vmem>>[vector<16xi32>, vector<16xi32>], vector<16xi32>,
        %gather3A_433 = tpu.vector_load_idx %arg10[%add3A_137, %and3A_431] : memref<128x64xi32, #tpu.memory_space<vmem>>[vector<16xi32>, vector<16xi32>], vector<16xi32>,
        %bitcast3A_434 = vector.bitcast %gather3A_432 : vector<16xi32> to vector<32xbf16>
        %bitcast3A_435 = vector.bitcast %gather3A_433 : vector<16xi32> to vector<32xbf16>
        %mul3A_436 = arith.mulf %bitcast3A_434, %bitcast3A_435 : vector<32xbf16>
        %unpack3A_437 = tpu.unpack_subelements %mul3A_436, 0 {pack_format = #tpu.pack_format<interleaved>} : vector<32xbf16> -> vector<16xf32>
        %unpack3A_438 = tpu.unpack_subelements %mul3A_436, 1 {pack_format = #tpu.pack_format<interleaved>} : vector<32xbf16> -> vector<16xf32>
        %add3A_439 = arith.addf %add3A_424, %unpack3A_437 : vector<16xf32>
        %add3A_440 = arith.addf %add3A_425, %unpack3A_438 : vector<16xf32>
        %add3A_441 = arith.constant 1 : i32
        %add3A_442 = vector.broadcast %add3A_441 : i32 to vector<16xi32>
        %add3A_443 = arith.addi %and3A_431, %add3A_442 : vector<16xi32>
        %and3A_444 = arith.constant 63 : i32
        %and3A_445 = vector.broadcast %and3A_444 : i32 to vector<16xi32>
        %and3A_446 = arith.andi %add3A_443, %and3A_445 : vector<16xi32>
        %gather3A_447 = tpu.vector_load_idx %arg9[%add3A_137, %and3A_446] : memref<128x64xi32, #tpu.memory_space<vmem>>[vector<16xi32>, vector<16xi32>], vector<16xi32>,
        %gather3A_448 = tpu.vector_load_idx %arg10[%add3A_137, %and3A_446] : memref<128x64xi32, #tpu.memory_space<vmem>>[vector<16xi32>, vector<16xi32>], vector<16xi32>,
        %bitcast3A_449 = vector.bitcast %gather3A_447 : vector<16xi32> to vector<32xbf16>
        %bitcast3A_450 = vector.bitcast %gather3A_448 : vector<16xi32> to vector<32xbf16>
        %mul3A_451 = arith.mulf %bitcast3A_449, %bitcast3A_450 : vector<32xbf16>
        %unpack3A_452 = tpu.unpack_subelements %mul3A_451, 0 {pack_format = #tpu.pack_format<interleaved>} : vector<32xbf16> -> vector<16xf32>
        %unpack3A_453 = tpu.unpack_subelements %mul3A_451, 1 {pack_format = #tpu.pack_format<interleaved>} : vector<32xbf16> -> vector<16xf32>
        %add3A_454 = arith.addf %add3A_439, %unpack3A_452 : vector<16xf32>
        %add3A_455 = arith.addf %add3A_440, %unpack3A_453 : vector<16xf32>
        %add3A_456 = arith.constant 1 : i32
        %add3A_457 = vector.broadcast %add3A_456 : i32 to vector<16xi32>
        %add3A_458 = arith.addi %and3A_446, %add3A_457 : vector<16xi32>
        %and3A_459 = arith.constant 63 : i32
        %and3A_460 = vector.broadcast %and3A_459 : i32 to vector<16xi32>
        %and3A_461 = arith.andi %add3A_458, %and3A_460 : vector<16xi32>
        %gather3A_462 = tpu.vector_load_idx %arg9[%add3A_137, %and3A_461] : memref<128x64xi32, #tpu.memory_space<vmem>>[vector<16xi32>, vector<16xi32>], vector<16xi32>,
        %gather3A_463 = tpu.vector_load_idx %arg10[%add3A_137, %and3A_461] : memref<128x64xi32, #tpu.memory_space<vmem>>[vector<16xi32>, vector<16xi32>], vector<16xi32>,
        %bitcast3A_464 = vector.bitcast %gather3A_462 : vector<16xi32> to vector<32xbf16>
        %bitcast3A_465 = vector.bitcast %gather3A_463 : vector<16xi32> to vector<32xbf16>
        %mul3A_466 = arith.mulf %bitcast3A_464, %bitcast3A_465 : vector<32xbf16>
        %unpack3A_467 = tpu.unpack_subelements %mul3A_466, 0 {pack_format = #tpu.pack_format<interleaved>} : vector<32xbf16> -> vector<16xf32>
        %unpack3A_468 = tpu.unpack_subelements %mul3A_466, 1 {pack_format = #tpu.pack_format<interleaved>} : vector<32xbf16> -> vector<16xf32>
        %add3A_469 = arith.addf %add3A_454, %unpack3A_467 : vector<16xf32>
        %add3A_470 = arith.addf %add3A_455, %unpack3A_468 : vector<16xf32>
        %add3A_471 = arith.constant 1 : i32
        %add3A_472 = vector.broadcast %add3A_471 : i32 to vector<16xi32>
        %add3A_473 = arith.addi %and3A_461, %add3A_472 : vector<16xi32>
        %and3A_474 = arith.constant 63 : i32
        %and3A_475 = vector.broadcast %and3A_474 : i32 to vector<16xi32>
        %and3A_476 = arith.andi %add3A_473, %and3A_475 : vector<16xi32>
        scf.yield %add3A_469, %add3A_470, %and3A_476 : vector<16xf32>, vector<16xf32>, vector<16xi32>
      }
      %scan3A_145 = arith.constant 8 : i32
      %add3A_146 = arith.addf %scan3A_144#0, %scan3A_144#1 : vector<16xf32>
      %add3A_147 = arith.constant 64 : i32
      %add3A_148 = arith.addi %mul3A_70, %add3A_147 : i32
      %swap3A_149 = arith.index_cast %add3A_148 : i32 to index
      %swap3A_150 = tpu.vector_load %arg8[%swap3A_149] {strides = array<i32>} : memref<10000xf32, #tpu.memory_space<vmem>>, vector<16xf32>,
      tpu.vector_store %arg8[%swap3A_149], %add3A_146 {strides = array<i32>} : memref<10000xf32, #tpu.memory_space<vmem>>, vector<16xf32>,
      %add3A_151 = arith.constant 80 : i32
      %add3A_152 = vector.broadcast %add3A_151 : i32 to vector<16xi32>
      %add3A_153 = arith.addi %iota3A, %add3A_152 : vector<16xi32>
      %broadcast_in_dim3A_154 = arith.constant 0.000000e+00 : f32
      %broadcast_in_dim3A_155 = vector.broadcast %broadcast_in_dim3A_154 : f32 to vector<16xf32>
      %scan3A_156 = arith.constant 0 : i32
      %scan3A_157 = arith.constant 8 : i32
      %scan3A_158 = arith.addi %scan3A_156, %scan3A_157 : i32
      %scan3A_159 = arith.constant 1 : i32
      %scan3A_160:3 = scf.for %scan3A_357 = %scan3A_156 to %scan3A_158 step %scan3A_159 iter_args(%scan3A_358 = %broadcast_in_dim3A_155, %scan3A_359 = %broadcast_in_dim3A_155, %scan3A_360 = %iota3A) -> (vector<16xf32>, vector<16xf32>, vector<16xi32>)  : i32 {
        %gather3A = tpu.vector_load_idx %arg9[%add3A_153, %scan3A_360] : memref<128x64xi32, #tpu.memory_space<vmem>>[vector<16xi32>, vector<16xi32>], vector<16xi32>,
        %gather3A_361 = tpu.vector_load_idx %arg10[%add3A_153, %scan3A_360] : memref<128x64xi32, #tpu.memory_space<vmem>>[vector<16xi32>, vector<16xi32>], vector<16xi32>,
        %bitcast3A = vector.bitcast %gather3A : vector<16xi32> to vector<32xbf16>
        %bitcast3A_362 = vector.bitcast %gather3A_361 : vector<16xi32> to vector<32xbf16>
        %mul3A_363 = arith.mulf %bitcast3A, %bitcast3A_362 : vector<32xbf16>
        %unpack3A = tpu.unpack_subelements %mul3A_363, 0 {pack_format = #tpu.pack_format<interleaved>} : vector<32xbf16> -> vector<16xf32>
        %unpack3A_364 = tpu.unpack_subelements %mul3A_363, 1 {pack_format = #tpu.pack_format<interleaved>} : vector<32xbf16> -> vector<16xf32>
        %add3A_365 = arith.addf %scan3A_358, %unpack3A : vector<16xf32>
        %add3A_366 = arith.addf %scan3A_359, %unpack3A_364 : vector<16xf32>
        %add3A_367 = arith.constant 1 : i32
        %add3A_368 = vector.broadcast %add3A_367 : i32 to vector<16xi32>
        %add3A_369 = arith.addi %scan3A_360, %add3A_368 : vector<16xi32>
        %and3A = arith.constant 63 : i32
        %and3A_370 = vector.broadcast %and3A : i32 to vector<16xi32>
        %and3A_371 = arith.andi %add3A_369, %and3A_370 : vector<16xi32>
        %gather3A_372 = tpu.vector_load_idx %arg9[%add3A_153, %and3A_371] : memref<128x64xi32, #tpu.memory_space<vmem>>[vector<16xi32>, vector<16xi32>], vector<16xi32>,
        %gather3A_373 = tpu.vector_load_idx %arg10[%add3A_153, %and3A_371] : memref<128x64xi32, #tpu.memory_space<vmem>>[vector<16xi32>, vector<16xi32>], vector<16xi32>,
        %bitcast3A_374 = vector.bitcast %gather3A_372 : vector<16xi32> to vector<32xbf16>
        %bitcast3A_375 = vector.bitcast %gather3A_373 : vector<16xi32> to vector<32xbf16>
        %mul3A_376 = arith.mulf %bitcast3A_374, %bitcast3A_375 : vector<32xbf16>
        %unpack3A_377 = tpu.unpack_subelements %mul3A_376, 0 {pack_format = #tpu.pack_format<interleaved>} : vector<32xbf16> -> vector<16xf32>
        %unpack3A_378 = tpu.unpack_subelements %mul3A_376, 1 {pack_format = #tpu.pack_format<interleaved>} : vector<32xbf16> -> vector<16xf32>
        %add3A_379 = arith.addf %add3A_365, %unpack3A_377 : vector<16xf32>
        %add3A_380 = arith.addf %add3A_366, %unpack3A_378 : vector<16xf32>
        %add3A_381 = arith.constant 1 : i32
        %add3A_382 = vector.broadcast %add3A_381 : i32 to vector<16xi32>
        %add3A_383 = arith.addi %and3A_371, %add3A_382 : vector<16xi32>
        %and3A_384 = arith.constant 63 : i32
        %and3A_385 = vector.broadcast %and3A_384 : i32 to vector<16xi32>
        %and3A_386 = arith.andi %add3A_383, %and3A_385 : vector<16xi32>
        %gather3A_387 = tpu.vector_load_idx %arg9[%add3A_153, %and3A_386] : memref<128x64xi32, #tpu.memory_space<vmem>>[vector<16xi32>, vector<16xi32>], vector<16xi32>,
        %gather3A_388 = tpu.vector_load_idx %arg10[%add3A_153, %and3A_386] : memref<128x64xi32, #tpu.memory_space<vmem>>[vector<16xi32>, vector<16xi32>], vector<16xi32>,
        %bitcast3A_389 = vector.bitcast %gather3A_387 : vector<16xi32> to vector<32xbf16>
        %bitcast3A_390 = vector.bitcast %gather3A_388 : vector<16xi32> to vector<32xbf16>
        %mul3A_391 = arith.mulf %bitcast3A_389, %bitcast3A_390 : vector<32xbf16>
        %unpack3A_392 = tpu.unpack_subelements %mul3A_391, 0 {pack_format = #tpu.pack_format<interleaved>} : vector<32xbf16> -> vector<16xf32>
        %unpack3A_393 = tpu.unpack_subelements %mul3A_391, 1 {pack_format = #tpu.pack_format<interleaved>} : vector<32xbf16> -> vector<16xf32>
        %add3A_394 = arith.addf %add3A_379, %unpack3A_392 : vector<16xf32>
        %add3A_395 = arith.addf %add3A_380, %unpack3A_393 : vector<16xf32>
        %add3A_396 = arith.constant 1 : i32
        %add3A_397 = vector.broadcast %add3A_396 : i32 to vector<16xi32>
        %add3A_398 = arith.addi %and3A_386, %add3A_397 : vector<16xi32>
        %and3A_399 = arith.constant 63 : i32
        %and3A_400 = vector.broadcast %and3A_399 : i32 to vector<16xi32>
        %and3A_401 = arith.andi %add3A_398, %and3A_400 : vector<16xi32>
        %gather3A_402 = tpu.vector_load_idx %arg9[%add3A_153, %and3A_401] : memref<128x64xi32, #tpu.memory_space<vmem>>[vector<16xi32>, vector<16xi32>], vector<16xi32>,
        %gather3A_403 = tpu.vector_load_idx %arg10[%add3A_153, %and3A_401] : memref<128x64xi32, #tpu.memory_space<vmem>>[vector<16xi32>, vector<16xi32>], vector<16xi32>,
        %bitcast3A_404 = vector.bitcast %gather3A_402 : vector<16xi32> to vector<32xbf16>
        %bitcast3A_405 = vector.bitcast %gather3A_403 : vector<16xi32> to vector<32xbf16>
        %mul3A_406 = arith.mulf %bitcast3A_404, %bitcast3A_405 : vector<32xbf16>
        %unpack3A_407 = tpu.unpack_subelements %mul3A_406, 0 {pack_format = #tpu.pack_format<interleaved>} : vector<32xbf16> -> vector<16xf32>
        %unpack3A_408 = tpu.unpack_subelements %mul3A_406, 1 {pack_format = #tpu.pack_format<interleaved>} : vector<32xbf16> -> vector<16xf32>
        %add3A_409 = arith.addf %add3A_394, %unpack3A_407 : vector<16xf32>
        %add3A_410 = arith.addf %add3A_395, %unpack3A_408 : vector<16xf32>
        %add3A_411 = arith.constant 1 : i32
        %add3A_412 = vector.broadcast %add3A_411 : i32 to vector<16xi32>
        %add3A_413 = arith.addi %and3A_401, %add3A_412 : vector<16xi32>
        %and3A_414 = arith.constant 63 : i32
        %and3A_415 = vector.broadcast %and3A_414 : i32 to vector<16xi32>
        %and3A_416 = arith.andi %add3A_413, %and3A_415 : vector<16xi32>
        %gather3A_417 = tpu.vector_load_idx %arg9[%add3A_153, %and3A_416] : memref<128x64xi32, #tpu.memory_space<vmem>>[vector<16xi32>, vector<16xi32>], vector<16xi32>,
        %gather3A_418 = tpu.vector_load_idx %arg10[%add3A_153, %and3A_416] : memref<128x64xi32, #tpu.memory_space<vmem>>[vector<16xi32>, vector<16xi32>], vector<16xi32>,
        %bitcast3A_419 = vector.bitcast %gather3A_417 : vector<16xi32> to vector<32xbf16>
        %bitcast3A_420 = vector.bitcast %gather3A_418 : vector<16xi32> to vector<32xbf16>
        %mul3A_421 = arith.mulf %bitcast3A_419, %bitcast3A_420 : vector<32xbf16>
        %unpack3A_422 = tpu.unpack_subelements %mul3A_421, 0 {pack_format = #tpu.pack_format<interleaved>} : vector<32xbf16> -> vector<16xf32>
        %unpack3A_423 = tpu.unpack_subelements %mul3A_421, 1 {pack_format = #tpu.pack_format<interleaved>} : vector<32xbf16> -> vector<16xf32>
        %add3A_424 = arith.addf %add3A_409, %unpack3A_422 : vector<16xf32>
        %add3A_425 = arith.addf %add3A_410, %unpack3A_423 : vector<16xf32>
        %add3A_426 = arith.constant 1 : i32
        %add3A_427 = vector.broadcast %add3A_426 : i32 to vector<16xi32>
        %add3A_428 = arith.addi %and3A_416, %add3A_427 : vector<16xi32>
        %and3A_429 = arith.constant 63 : i32
        %and3A_430 = vector.broadcast %and3A_429 : i32 to vector<16xi32>
        %and3A_431 = arith.andi %add3A_428, %and3A_430 : vector<16xi32>
        %gather3A_432 = tpu.vector_load_idx %arg9[%add3A_153, %and3A_431] : memref<128x64xi32, #tpu.memory_space<vmem>>[vector<16xi32>, vector<16xi32>], vector<16xi32>,
        %gather3A_433 = tpu.vector_load_idx %arg10[%add3A_153, %and3A_431] : memref<128x64xi32, #tpu.memory_space<vmem>>[vector<16xi32>, vector<16xi32>], vector<16xi32>,
        %bitcast3A_434 = vector.bitcast %gather3A_432 : vector<16xi32> to vector<32xbf16>
        %bitcast3A_435 = vector.bitcast %gather3A_433 : vector<16xi32> to vector<32xbf16>
        %mul3A_436 = arith.mulf %bitcast3A_434, %bitcast3A_435 : vector<32xbf16>
        %unpack3A_437 = tpu.unpack_subelements %mul3A_436, 0 {pack_format = #tpu.pack_format<interleaved>} : vector<32xbf16> -> vector<16xf32>
        %unpack3A_438 = tpu.unpack_subelements %mul3A_436, 1 {pack_format = #tpu.pack_format<interleaved>} : vector<32xbf16> -> vector<16xf32>
        %add3A_439 = arith.addf %add3A_424, %unpack3A_437 : vector<16xf32>
        %add3A_440 = arith.addf %add3A_425, %unpack3A_438 : vector<16xf32>
        %add3A_441 = arith.constant 1 : i32
        %add3A_442 = vector.broadcast %add3A_441 : i32 to vector<16xi32>
        %add3A_443 = arith.addi %and3A_431, %add3A_442 : vector<16xi32>
        %and3A_444 = arith.constant 63 : i32
        %and3A_445 = vector.broadcast %and3A_444 : i32 to vector<16xi32>
        %and3A_446 = arith.andi %add3A_443, %and3A_445 : vector<16xi32>
        %gather3A_447 = tpu.vector_load_idx %arg9[%add3A_153, %and3A_446] : memref<128x64xi32, #tpu.memory_space<vmem>>[vector<16xi32>, vector<16xi32>], vector<16xi32>,
        %gather3A_448 = tpu.vector_load_idx %arg10[%add3A_153, %and3A_446] : memref<128x64xi32, #tpu.memory_space<vmem>>[vector<16xi32>, vector<16xi32>], vector<16xi32>,
        %bitcast3A_449 = vector.bitcast %gather3A_447 : vector<16xi32> to vector<32xbf16>
        %bitcast3A_450 = vector.bitcast %gather3A_448 : vector<16xi32> to vector<32xbf16>
        %mul3A_451 = arith.mulf %bitcast3A_449, %bitcast3A_450 : vector<32xbf16>
        %unpack3A_452 = tpu.unpack_subelements %mul3A_451, 0 {pack_format = #tpu.pack_format<interleaved>} : vector<32xbf16> -> vector<16xf32>
        %unpack3A_453 = tpu.unpack_subelements %mul3A_451, 1 {pack_format = #tpu.pack_format<interleaved>} : vector<32xbf16> -> vector<16xf32>
        %add3A_454 = arith.addf %add3A_439, %unpack3A_452 : vector<16xf32>
        %add3A_455 = arith.addf %add3A_440, %unpack3A_453 : vector<16xf32>
        %add3A_456 = arith.constant 1 : i32
        %add3A_457 = vector.broadcast %add3A_456 : i32 to vector<16xi32>
        %add3A_458 = arith.addi %and3A_446, %add3A_457 : vector<16xi32>
        %and3A_459 = arith.constant 63 : i32
        %and3A_460 = vector.broadcast %and3A_459 : i32 to vector<16xi32>
        %and3A_461 = arith.andi %add3A_458, %and3A_460 : vector<16xi32>
        %gather3A_462 = tpu.vector_load_idx %arg9[%add3A_153, %and3A_461] : memref<128x64xi32, #tpu.memory_space<vmem>>[vector<16xi32>, vector<16xi32>], vector<16xi32>,
        %gather3A_463 = tpu.vector_load_idx %arg10[%add3A_153, %and3A_461] : memref<128x64xi32, #tpu.memory_space<vmem>>[vector<16xi32>, vector<16xi32>], vector<16xi32>,
        %bitcast3A_464 = vector.bitcast %gather3A_462 : vector<16xi32> to vector<32xbf16>
        %bitcast3A_465 = vector.bitcast %gather3A_463 : vector<16xi32> to vector<32xbf16>
        %mul3A_466 = arith.mulf %bitcast3A_464, %bitcast3A_465 : vector<32xbf16>
        %unpack3A_467 = tpu.unpack_subelements %mul3A_466, 0 {pack_format = #tpu.pack_format<interleaved>} : vector<32xbf16> -> vector<16xf32>
        %unpack3A_468 = tpu.unpack_subelements %mul3A_466, 1 {pack_format = #tpu.pack_format<interleaved>} : vector<32xbf16> -> vector<16xf32>
        %add3A_469 = arith.addf %add3A_454, %unpack3A_467 : vector<16xf32>
        %add3A_470 = arith.addf %add3A_455, %unpack3A_468 : vector<16xf32>
        %add3A_471 = arith.constant 1 : i32
        %add3A_472 = vector.broadcast %add3A_471 : i32 to vector<16xi32>
        %add3A_473 = arith.addi %and3A_461, %add3A_472 : vector<16xi32>
        %and3A_474 = arith.constant 63 : i32
        %and3A_475 = vector.broadcast %and3A_474 : i32 to vector<16xi32>
        %and3A_476 = arith.andi %add3A_473, %and3A_475 : vector<16xi32>
        scf.yield %add3A_469, %add3A_470, %and3A_476 : vector<16xf32>, vector<16xf32>, vector<16xi32>
      }
      %scan3A_161 = arith.constant 8 : i32
      %add3A_162 = arith.addf %scan3A_160#0, %scan3A_160#1 : vector<16xf32>
      %add3A_163 = arith.constant 80 : i32
      %add3A_164 = arith.addi %mul3A_70, %add3A_163 : i32
      %swap3A_165 = arith.index_cast %add3A_164 : i32 to index
      %swap3A_166 = tpu.vector_load %arg8[%swap3A_165] {strides = array<i32>} : memref<10000xf32, #tpu.memory_space<vmem>>, vector<16xf32>,
      tpu.vector_store %arg8[%swap3A_165], %add3A_162 {strides = array<i32>} : memref<10000xf32, #tpu.memory_space<vmem>>, vector<16xf32>,
      %add3A_167 = arith.constant 96 : i32
      %add3A_168 = vector.broadcast %add3A_167 : i32 to vector<16xi32>
      %add3A_169 = arith.addi %iota3A, %add3A_168 : vector<16xi32>
      %broadcast_in_dim3A_170 = arith.constant 0.000000e+00 : f32
      %broadcast_in_dim3A_171 = vector.broadcast %broadcast_in_dim3A_170 : f32 to vector<16xf32>
      %scan3A_172 = arith.constant 0 : i32
      %scan3A_173 = arith.constant 8 : i32
      %scan3A_174 = arith.addi %scan3A_172, %scan3A_173 : i32
      %scan3A_175 = arith.constant 1 : i32
      %scan3A_176:3 = scf.for %scan3A_357 = %scan3A_172 to %scan3A_174 step %scan3A_175 iter_args(%scan3A_358 = %broadcast_in_dim3A_171, %scan3A_359 = %broadcast_in_dim3A_171, %scan3A_360 = %iota3A) -> (vector<16xf32>, vector<16xf32>, vector<16xi32>)  : i32 {
        %gather3A = tpu.vector_load_idx %arg9[%add3A_169, %scan3A_360] : memref<128x64xi32, #tpu.memory_space<vmem>>[vector<16xi32>, vector<16xi32>], vector<16xi32>,
        %gather3A_361 = tpu.vector_load_idx %arg10[%add3A_169, %scan3A_360] : memref<128x64xi32, #tpu.memory_space<vmem>>[vector<16xi32>, vector<16xi32>], vector<16xi32>,
        %bitcast3A = vector.bitcast %gather3A : vector<16xi32> to vector<32xbf16>
        %bitcast3A_362 = vector.bitcast %gather3A_361 : vector<16xi32> to vector<32xbf16>
        %mul3A_363 = arith.mulf %bitcast3A, %bitcast3A_362 : vector<32xbf16>
        %unpack3A = tpu.unpack_subelements %mul3A_363, 0 {pack_format = #tpu.pack_format<interleaved>} : vector<32xbf16> -> vector<16xf32>
        %unpack3A_364 = tpu.unpack_subelements %mul3A_363, 1 {pack_format = #tpu.pack_format<interleaved>} : vector<32xbf16> -> vector<16xf32>
        %add3A_365 = arith.addf %scan3A_358, %unpack3A : vector<16xf32>
        %add3A_366 = arith.addf %scan3A_359, %unpack3A_364 : vector<16xf32>
        %add3A_367 = arith.constant 1 : i32
        %add3A_368 = vector.broadcast %add3A_367 : i32 to vector<16xi32>
        %add3A_369 = arith.addi %scan3A_360, %add3A_368 : vector<16xi32>
        %and3A = arith.constant 63 : i32
        %and3A_370 = vector.broadcast %and3A : i32 to vector<16xi32>
        %and3A_371 = arith.andi %add3A_369, %and3A_370 : vector<16xi32>
        %gather3A_372 = tpu.vector_load_idx %arg9[%add3A_169, %and3A_371] : memref<128x64xi32, #tpu.memory_space<vmem>>[vector<16xi32>, vector<16xi32>], vector<16xi32>,
        %gather3A_373 = tpu.vector_load_idx %arg10[%add3A_169, %and3A_371] : memref<128x64xi32, #tpu.memory_space<vmem>>[vector<16xi32>, vector<16xi32>], vector<16xi32>,
        %bitcast3A_374 = vector.bitcast %gather3A_372 : vector<16xi32> to vector<32xbf16>
        %bitcast3A_375 = vector.bitcast %gather3A_373 : vector<16xi32> to vector<32xbf16>
        %mul3A_376 = arith.mulf %bitcast3A_374, %bitcast3A_375 : vector<32xbf16>
        %unpack3A_377 = tpu.unpack_subelements %mul3A_376, 0 {pack_format = #tpu.pack_format<interleaved>} : vector<32xbf16> -> vector<16xf32>
        %unpack3A_378 = tpu.unpack_subelements %mul3A_376, 1 {pack_format = #tpu.pack_format<interleaved>} : vector<32xbf16> -> vector<16xf32>
        %add3A_379 = arith.addf %add3A_365, %unpack3A_377 : vector<16xf32>
        %add3A_380 = arith.addf %add3A_366, %unpack3A_378 : vector<16xf32>
        %add3A_381 = arith.constant 1 : i32
        %add3A_382 = vector.broadcast %add3A_381 : i32 to vector<16xi32>
        %add3A_383 = arith.addi %and3A_371, %add3A_382 : vector<16xi32>
        %and3A_384 = arith.constant 63 : i32
        %and3A_385 = vector.broadcast %and3A_384 : i32 to vector<16xi32>
        %and3A_386 = arith.andi %add3A_383, %and3A_385 : vector<16xi32>
        %gather3A_387 = tpu.vector_load_idx %arg9[%add3A_169, %and3A_386] : memref<128x64xi32, #tpu.memory_space<vmem>>[vector<16xi32>, vector<16xi32>], vector<16xi32>,
        %gather3A_388 = tpu.vector_load_idx %arg10[%add3A_169, %and3A_386] : memref<128x64xi32, #tpu.memory_space<vmem>>[vector<16xi32>, vector<16xi32>], vector<16xi32>,
        %bitcast3A_389 = vector.bitcast %gather3A_387 : vector<16xi32> to vector<32xbf16>
        %bitcast3A_390 = vector.bitcast %gather3A_388 : vector<16xi32> to vector<32xbf16>
        %mul3A_391 = arith.mulf %bitcast3A_389, %bitcast3A_390 : vector<32xbf16>
        %unpack3A_392 = tpu.unpack_subelements %mul3A_391, 0 {pack_format = #tpu.pack_format<interleaved>} : vector<32xbf16> -> vector<16xf32>
        %unpack3A_393 = tpu.unpack_subelements %mul3A_391, 1 {pack_format = #tpu.pack_format<interleaved>} : vector<32xbf16> -> vector<16xf32>
        %add3A_394 = arith.addf %add3A_379, %unpack3A_392 : vector<16xf32>
        %add3A_395 = arith.addf %add3A_380, %unpack3A_393 : vector<16xf32>
        %add3A_396 = arith.constant 1 : i32
        %add3A_397 = vector.broadcast %add3A_396 : i32 to vector<16xi32>
        %add3A_398 = arith.addi %and3A_386, %add3A_397 : vector<16xi32>
        %and3A_399 = arith.constant 63 : i32
        %and3A_400 = vector.broadcast %and3A_399 : i32 to vector<16xi32>
        %and3A_401 = arith.andi %add3A_398, %and3A_400 : vector<16xi32>
        %gather3A_402 = tpu.vector_load_idx %arg9[%add3A_169, %and3A_401] : memref<128x64xi32, #tpu.memory_space<vmem>>[vector<16xi32>, vector<16xi32>], vector<16xi32>,
        %gather3A_403 = tpu.vector_load_idx %arg10[%add3A_169, %and3A_401] : memref<128x64xi32, #tpu.memory_space<vmem>>[vector<16xi32>, vector<16xi32>], vector<16xi32>,
        %bitcast3A_404 = vector.bitcast %gather3A_402 : vector<16xi32> to vector<32xbf16>
        %bitcast3A_405 = vector.bitcast %gather3A_403 : vector<16xi32> to vector<32xbf16>
        %mul3A_406 = arith.mulf %bitcast3A_404, %bitcast3A_405 : vector<32xbf16>
        %unpack3A_407 = tpu.unpack_subelements %mul3A_406, 0 {pack_format = #tpu.pack_format<interleaved>} : vector<32xbf16> -> vector<16xf32>
        %unpack3A_408 = tpu.unpack_subelements %mul3A_406, 1 {pack_format = #tpu.pack_format<interleaved>} : vector<32xbf16> -> vector<16xf32>
        %add3A_409 = arith.addf %add3A_394, %unpack3A_407 : vector<16xf32>
        %add3A_410 = arith.addf %add3A_395, %unpack3A_408 : vector<16xf32>
        %add3A_411 = arith.constant 1 : i32
        %add3A_412 = vector.broadcast %add3A_411 : i32 to vector<16xi32>
        %add3A_413 = arith.addi %and3A_401, %add3A_412 : vector<16xi32>
        %and3A_414 = arith.constant 63 : i32
        %and3A_415 = vector.broadcast %and3A_414 : i32 to vector<16xi32>
        %and3A_416 = arith.andi %add3A_413, %and3A_415 : vector<16xi32>
        %gather3A_417 = tpu.vector_load_idx %arg9[%add3A_169, %and3A_416] : memref<128x64xi32, #tpu.memory_space<vmem>>[vector<16xi32>, vector<16xi32>], vector<16xi32>,
        %gather3A_418 = tpu.vector_load_idx %arg10[%add3A_169, %and3A_416] : memref<128x64xi32, #tpu.memory_space<vmem>>[vector<16xi32>, vector<16xi32>], vector<16xi32>,
        %bitcast3A_419 = vector.bitcast %gather3A_417 : vector<16xi32> to vector<32xbf16>
        %bitcast3A_420 = vector.bitcast %gather3A_418 : vector<16xi32> to vector<32xbf16>
        %mul3A_421 = arith.mulf %bitcast3A_419, %bitcast3A_420 : vector<32xbf16>
        %unpack3A_422 = tpu.unpack_subelements %mul3A_421, 0 {pack_format = #tpu.pack_format<interleaved>} : vector<32xbf16> -> vector<16xf32>
        %unpack3A_423 = tpu.unpack_subelements %mul3A_421, 1 {pack_format = #tpu.pack_format<interleaved>} : vector<32xbf16> -> vector<16xf32>
        %add3A_424 = arith.addf %add3A_409, %unpack3A_422 : vector<16xf32>
        %add3A_425 = arith.addf %add3A_410, %unpack3A_423 : vector<16xf32>
        %add3A_426 = arith.constant 1 : i32
        %add3A_427 = vector.broadcast %add3A_426 : i32 to vector<16xi32>
        %add3A_428 = arith.addi %and3A_416, %add3A_427 : vector<16xi32>
        %and3A_429 = arith.constant 63 : i32
        %and3A_430 = vector.broadcast %and3A_429 : i32 to vector<16xi32>
        %and3A_431 = arith.andi %add3A_428, %and3A_430 : vector<16xi32>
        %gather3A_432 = tpu.vector_load_idx %arg9[%add3A_169, %and3A_431] : memref<128x64xi32, #tpu.memory_space<vmem>>[vector<16xi32>, vector<16xi32>], vector<16xi32>,
        %gather3A_433 = tpu.vector_load_idx %arg10[%add3A_169, %and3A_431] : memref<128x64xi32, #tpu.memory_space<vmem>>[vector<16xi32>, vector<16xi32>], vector<16xi32>,
        %bitcast3A_434 = vector.bitcast %gather3A_432 : vector<16xi32> to vector<32xbf16>
        %bitcast3A_435 = vector.bitcast %gather3A_433 : vector<16xi32> to vector<32xbf16>
        %mul3A_436 = arith.mulf %bitcast3A_434, %bitcast3A_435 : vector<32xbf16>
        %unpack3A_437 = tpu.unpack_subelements %mul3A_436, 0 {pack_format = #tpu.pack_format<interleaved>} : vector<32xbf16> -> vector<16xf32>
        %unpack3A_438 = tpu.unpack_subelements %mul3A_436, 1 {pack_format = #tpu.pack_format<interleaved>} : vector<32xbf16> -> vector<16xf32>
        %add3A_439 = arith.addf %add3A_424, %unpack3A_437 : vector<16xf32>
        %add3A_440 = arith.addf %add3A_425, %unpack3A_438 : vector<16xf32>
        %add3A_441 = arith.constant 1 : i32
        %add3A_442 = vector.broadcast %add3A_441 : i32 to vector<16xi32>
        %add3A_443 = arith.addi %and3A_431, %add3A_442 : vector<16xi32>
        %and3A_444 = arith.constant 63 : i32
        %and3A_445 = vector.broadcast %and3A_444 : i32 to vector<16xi32>
        %and3A_446 = arith.andi %add3A_443, %and3A_445 : vector<16xi32>
        %gather3A_447 = tpu.vector_load_idx %arg9[%add3A_169, %and3A_446] : memref<128x64xi32, #tpu.memory_space<vmem>>[vector<16xi32>, vector<16xi32>], vector<16xi32>,
        %gather3A_448 = tpu.vector_load_idx %arg10[%add3A_169, %and3A_446] : memref<128x64xi32, #tpu.memory_space<vmem>>[vector<16xi32>, vector<16xi32>], vector<16xi32>,
        %bitcast3A_449 = vector.bitcast %gather3A_447 : vector<16xi32> to vector<32xbf16>
        %bitcast3A_450 = vector.bitcast %gather3A_448 : vector<16xi32> to vector<32xbf16>
        %mul3A_451 = arith.mulf %bitcast3A_449, %bitcast3A_450 : vector<32xbf16>
        %unpack3A_452 = tpu.unpack_subelements %mul3A_451, 0 {pack_format = #tpu.pack_format<interleaved>} : vector<32xbf16> -> vector<16xf32>
        %unpack3A_453 = tpu.unpack_subelements %mul3A_451, 1 {pack_format = #tpu.pack_format<interleaved>} : vector<32xbf16> -> vector<16xf32>
        %add3A_454 = arith.addf %add3A_439, %unpack3A_452 : vector<16xf32>
        %add3A_455 = arith.addf %add3A_440, %unpack3A_453 : vector<16xf32>
        %add3A_456 = arith.constant 1 : i32
        %add3A_457 = vector.broadcast %add3A_456 : i32 to vector<16xi32>
        %add3A_458 = arith.addi %and3A_446, %add3A_457 : vector<16xi32>
        %and3A_459 = arith.constant 63 : i32
        %and3A_460 = vector.broadcast %and3A_459 : i32 to vector<16xi32>
        %and3A_461 = arith.andi %add3A_458, %and3A_460 : vector<16xi32>
        %gather3A_462 = tpu.vector_load_idx %arg9[%add3A_169, %and3A_461] : memref<128x64xi32, #tpu.memory_space<vmem>>[vector<16xi32>, vector<16xi32>], vector<16xi32>,
        %gather3A_463 = tpu.vector_load_idx %arg10[%add3A_169, %and3A_461] : memref<128x64xi32, #tpu.memory_space<vmem>>[vector<16xi32>, vector<16xi32>], vector<16xi32>,
        %bitcast3A_464 = vector.bitcast %gather3A_462 : vector<16xi32> to vector<32xbf16>
        %bitcast3A_465 = vector.bitcast %gather3A_463 : vector<16xi32> to vector<32xbf16>
        %mul3A_466 = arith.mulf %bitcast3A_464, %bitcast3A_465 : vector<32xbf16>
        %unpack3A_467 = tpu.unpack_subelements %mul3A_466, 0 {pack_format = #tpu.pack_format<interleaved>} : vector<32xbf16> -> vector<16xf32>
        %unpack3A_468 = tpu.unpack_subelements %mul3A_466, 1 {pack_format = #tpu.pack_format<interleaved>} : vector<32xbf16> -> vector<16xf32>
        %add3A_469 = arith.addf %add3A_454, %unpack3A_467 : vector<16xf32>
        %add3A_470 = arith.addf %add3A_455, %unpack3A_468 : vector<16xf32>
        %add3A_471 = arith.constant 1 : i32
        %add3A_472 = vector.broadcast %add3A_471 : i32 to vector<16xi32>
        %add3A_473 = arith.addi %and3A_461, %add3A_472 : vector<16xi32>
        %and3A_474 = arith.constant 63 : i32
        %and3A_475 = vector.broadcast %and3A_474 : i32 to vector<16xi32>
        %and3A_476 = arith.andi %add3A_473, %and3A_475 : vector<16xi32>
        scf.yield %add3A_469, %add3A_470, %and3A_476 : vector<16xf32>, vector<16xf32>, vector<16xi32>
      }
      %scan3A_177 = arith.constant 8 : i32
      %add3A_178 = arith.addf %scan3A_176#0, %scan3A_176#1 : vector<16xf32>
      %add3A_179 = arith.constant 96 : i32
      %add3A_180 = arith.addi %mul3A_70, %add3A_179 : i32
      %swap3A_181 = arith.index_cast %add3A_180 : i32 to index
      %swap3A_182 = tpu.vector_load %arg8[%swap3A_181] {strides = array<i32>} : memref<10000xf32, #tpu.memory_space<vmem>>, vector<16xf32>,
      tpu.vector_store %arg8[%swap3A_181], %add3A_178 {strides = array<i32>} : memref<10000xf32, #tpu.memory_space<vmem>>, vector<16xf32>,
      %add3A_183 = arith.constant 112 : i32
      %add3A_184 = vector.broadcast %add3A_183 : i32 to vector<16xi32>
      %add3A_185 = arith.addi %iota3A, %add3A_184 : vector<16xi32>
      %broadcast_in_dim3A_186 = arith.constant 0.000000e+00 : f32
      %broadcast_in_dim3A_187 = vector.broadcast %broadcast_in_dim3A_186 : f32 to vector<16xf32>
      %scan3A_188 = arith.constant 0 : i32
      %scan3A_189 = arith.constant 8 : i32
      %scan3A_190 = arith.addi %scan3A_188, %scan3A_189 : i32
      %scan3A_191 = arith.constant 1 : i32
      %scan3A_192:3 = scf.for %scan3A_357 = %scan3A_188 to %scan3A_190 step %scan3A_191 iter_args(%scan3A_358 = %broadcast_in_dim3A_187, %scan3A_359 = %broadcast_in_dim3A_187, %scan3A_360 = %iota3A) -> (vector<16xf32>, vector<16xf32>, vector<16xi32>)  : i32 {
        %gather3A = tpu.vector_load_idx %arg9[%add3A_185, %scan3A_360] : memref<128x64xi32, #tpu.memory_space<vmem>>[vector<16xi32>, vector<16xi32>], vector<16xi32>,
        %gather3A_361 = tpu.vector_load_idx %arg10[%add3A_185, %scan3A_360] : memref<128x64xi32, #tpu.memory_space<vmem>>[vector<16xi32>, vector<16xi32>], vector<16xi32>,
        %bitcast3A = vector.bitcast %gather3A : vector<16xi32> to vector<32xbf16>
        %bitcast3A_362 = vector.bitcast %gather3A_361 : vector<16xi32> to vector<32xbf16>
        %mul3A_363 = arith.mulf %bitcast3A, %bitcast3A_362 : vector<32xbf16>
        %unpack3A = tpu.unpack_subelements %mul3A_363, 0 {pack_format = #tpu.pack_format<interleaved>} : vector<32xbf16> -> vector<16xf32>
        %unpack3A_364 = tpu.unpack_subelements %mul3A_363, 1 {pack_format = #tpu.pack_format<interleaved>} : vector<32xbf16> -> vector<16xf32>
        %add3A_365 = arith.addf %scan3A_358, %unpack3A : vector<16xf32>
        %add3A_366 = arith.addf %scan3A_359, %unpack3A_364 : vector<16xf32>
        %add3A_367 = arith.constant 1 : i32
        %add3A_368 = vector.broadcast %add3A_367 : i32 to vector<16xi32>
        %add3A_369 = arith.addi %scan3A_360, %add3A_368 : vector<16xi32>
        %and3A = arith.constant 63 : i32
        %and3A_370 = vector.broadcast %and3A : i32 to vector<16xi32>
        %and3A_371 = arith.andi %add3A_369, %and3A_370 : vector<16xi32>
        %gather3A_372 = tpu.vector_load_idx %arg9[%add3A_185, %and3A_371] : memref<128x64xi32, #tpu.memory_space<vmem>>[vector<16xi32>, vector<16xi32>], vector<16xi32>,
        %gather3A_373 = tpu.vector_load_idx %arg10[%add3A_185, %and3A_371] : memref<128x64xi32, #tpu.memory_space<vmem>>[vector<16xi32>, vector<16xi32>], vector<16xi32>,
        %bitcast3A_374 = vector.bitcast %gather3A_372 : vector<16xi32> to vector<32xbf16>
        %bitcast3A_375 = vector.bitcast %gather3A_373 : vector<16xi32> to vector<32xbf16>
        %mul3A_376 = arith.mulf %bitcast3A_374, %bitcast3A_375 : vector<32xbf16>
        %unpack3A_377 = tpu.unpack_subelements %mul3A_376, 0 {pack_format = #tpu.pack_format<interleaved>} : vector<32xbf16> -> vector<16xf32>
        %unpack3A_378 = tpu.unpack_subelements %mul3A_376, 1 {pack_format = #tpu.pack_format<interleaved>} : vector<32xbf16> -> vector<16xf32>
        %add3A_379 = arith.addf %add3A_365, %unpack3A_377 : vector<16xf32>
        %add3A_380 = arith.addf %add3A_366, %unpack3A_378 : vector<16xf32>
        %add3A_381 = arith.constant 1 : i32
        %add3A_382 = vector.broadcast %add3A_381 : i32 to vector<16xi32>
        %add3A_383 = arith.addi %and3A_371, %add3A_382 : vector<16xi32>
        %and3A_384 = arith.constant 63 : i32
        %and3A_385 = vector.broadcast %and3A_384 : i32 to vector<16xi32>
        %and3A_386 = arith.andi %add3A_383, %and3A_385 : vector<16xi32>
        %gather3A_387 = tpu.vector_load_idx %arg9[%add3A_185, %and3A_386] : memref<128x64xi32, #tpu.memory_space<vmem>>[vector<16xi32>, vector<16xi32>], vector<16xi32>,
        %gather3A_388 = tpu.vector_load_idx %arg10[%add3A_185, %and3A_386] : memref<128x64xi32, #tpu.memory_space<vmem>>[vector<16xi32>, vector<16xi32>], vector<16xi32>,
        %bitcast3A_389 = vector.bitcast %gather3A_387 : vector<16xi32> to vector<32xbf16>
        %bitcast3A_390 = vector.bitcast %gather3A_388 : vector<16xi32> to vector<32xbf16>
        %mul3A_391 = arith.mulf %bitcast3A_389, %bitcast3A_390 : vector<32xbf16>
        %unpack3A_392 = tpu.unpack_subelements %mul3A_391, 0 {pack_format = #tpu.pack_format<interleaved>} : vector<32xbf16> -> vector<16xf32>
        %unpack3A_393 = tpu.unpack_subelements %mul3A_391, 1 {pack_format = #tpu.pack_format<interleaved>} : vector<32xbf16> -> vector<16xf32>
        %add3A_394 = arith.addf %add3A_379, %unpack3A_392 : vector<16xf32>
        %add3A_395 = arith.addf %add3A_380, %unpack3A_393 : vector<16xf32>
        %add3A_396 = arith.constant 1 : i32
        %add3A_397 = vector.broadcast %add3A_396 : i32 to vector<16xi32>
        %add3A_398 = arith.addi %and3A_386, %add3A_397 : vector<16xi32>
        %and3A_399 = arith.constant 63 : i32
        %and3A_400 = vector.broadcast %and3A_399 : i32 to vector<16xi32>
        %and3A_401 = arith.andi %add3A_398, %and3A_400 : vector<16xi32>
        %gather3A_402 = tpu.vector_load_idx %arg9[%add3A_185, %and3A_401] : memref<128x64xi32, #tpu.memory_space<vmem>>[vector<16xi32>, vector<16xi32>], vector<16xi32>,
        %gather3A_403 = tpu.vector_load_idx %arg10[%add3A_185, %and3A_401] : memref<128x64xi32, #tpu.memory_space<vmem>>[vector<16xi32>, vector<16xi32>], vector<16xi32>,
        %bitcast3A_404 = vector.bitcast %gather3A_402 : vector<16xi32> to vector<32xbf16>
        %bitcast3A_405 = vector.bitcast %gather3A_403 : vector<16xi32> to vector<32xbf16>
        %mul3A_406 = arith.mulf %bitcast3A_404, %bitcast3A_405 : vector<32xbf16>
        %unpack3A_407 = tpu.unpack_subelements %mul3A_406, 0 {pack_format = #tpu.pack_format<interleaved>} : vector<32xbf16> -> vector<16xf32>
        %unpack3A_408 = tpu.unpack_subelements %mul3A_406, 1 {pack_format = #tpu.pack_format<interleaved>} : vector<32xbf16> -> vector<16xf32>
        %add3A_409 = arith.addf %add3A_394, %unpack3A_407 : vector<16xf32>
        %add3A_410 = arith.addf %add3A_395, %unpack3A_408 : vector<16xf32>
        %add3A_411 = arith.constant 1 : i32
        %add3A_412 = vector.broadcast %add3A_411 : i32 to vector<16xi32>
        %add3A_413 = arith.addi %and3A_401, %add3A_412 : vector<16xi32>
        %and3A_414 = arith.constant 63 : i32
        %and3A_415 = vector.broadcast %and3A_414 : i32 to vector<16xi32>
        %and3A_416 = arith.andi %add3A_413, %and3A_415 : vector<16xi32>
        %gather3A_417 = tpu.vector_load_idx %arg9[%add3A_185, %and3A_416] : memref<128x64xi32, #tpu.memory_space<vmem>>[vector<16xi32>, vector<16xi32>], vector<16xi32>,
        %gather3A_418 = tpu.vector_load_idx %arg10[%add3A_185, %and3A_416] : memref<128x64xi32, #tpu.memory_space<vmem>>[vector<16xi32>, vector<16xi32>], vector<16xi32>,
        %bitcast3A_419 = vector.bitcast %gather3A_417 : vector<16xi32> to vector<32xbf16>
        %bitcast3A_420 = vector.bitcast %gather3A_418 : vector<16xi32> to vector<32xbf16>
        %mul3A_421 = arith.mulf %bitcast3A_419, %bitcast3A_420 : vector<32xbf16>
        %unpack3A_422 = tpu.unpack_subelements %mul3A_421, 0 {pack_format = #tpu.pack_format<interleaved>} : vector<32xbf16> -> vector<16xf32>
        %unpack3A_423 = tpu.unpack_subelements %mul3A_421, 1 {pack_format = #tpu.pack_format<interleaved>} : vector<32xbf16> -> vector<16xf32>
        %add3A_424 = arith.addf %add3A_409, %unpack3A_422 : vector<16xf32>
        %add3A_425 = arith.addf %add3A_410, %unpack3A_423 : vector<16xf32>
        %add3A_426 = arith.constant 1 : i32
        %add3A_427 = vector.broadcast %add3A_426 : i32 to vector<16xi32>
        %add3A_428 = arith.addi %and3A_416, %add3A_427 : vector<16xi32>
        %and3A_429 = arith.constant 63 : i32
        %and3A_430 = vector.broadcast %and3A_429 : i32 to vector<16xi32>
        %and3A_431 = arith.andi %add3A_428, %and3A_430 : vector<16xi32>
        %gather3A_432 = tpu.vector_load_idx %arg9[%add3A_185, %and3A_431] : memref<128x64xi32, #tpu.memory_space<vmem>>[vector<16xi32>, vector<16xi32>], vector<16xi32>,
        %gather3A_433 = tpu.vector_load_idx %arg10[%add3A_185, %and3A_431] : memref<128x64xi32, #tpu.memory_space<vmem>>[vector<16xi32>, vector<16xi32>], vector<16xi32>,
        %bitcast3A_434 = vector.bitcast %gather3A_432 : vector<16xi32> to vector<32xbf16>
        %bitcast3A_435 = vector.bitcast %gather3A_433 : vector<16xi32> to vector<32xbf16>
        %mul3A_436 = arith.mulf %bitcast3A_434, %bitcast3A_435 : vector<32xbf16>
        %unpack3A_437 = tpu.unpack_subelements %mul3A_436, 0 {pack_format = #tpu.pack_format<interleaved>} : vector<32xbf16> -> vector<16xf32>
        %unpack3A_438 = tpu.unpack_subelements %mul3A_436, 1 {pack_format = #tpu.pack_format<interleaved>} : vector<32xbf16> -> vector<16xf32>
        %add3A_439 = arith.addf %add3A_424, %unpack3A_437 : vector<16xf32>
        %add3A_440 = arith.addf %add3A_425, %unpack3A_438 : vector<16xf32>
        %add3A_441 = arith.constant 1 : i32
        %add3A_442 = vector.broadcast %add3A_441 : i32 to vector<16xi32>
        %add3A_443 = arith.addi %and3A_431, %add3A_442 : vector<16xi32>
        %and3A_444 = arith.constant 63 : i32
        %and3A_445 = vector.broadcast %and3A_444 : i32 to vector<16xi32>
        %and3A_446 = arith.andi %add3A_443, %and3A_445 : vector<16xi32>
        %gather3A_447 = tpu.vector_load_idx %arg9[%add3A_185, %and3A_446] : memref<128x64xi32, #tpu.memory_space<vmem>>[vector<16xi32>, vector<16xi32>], vector<16xi32>,
        %gather3A_448 = tpu.vector_load_idx %arg10[%add3A_185, %and3A_446] : memref<128x64xi32, #tpu.memory_space<vmem>>[vector<16xi32>, vector<16xi32>], vector<16xi32>,
        %bitcast3A_449 = vector.bitcast %gather3A_447 : vector<16xi32> to vector<32xbf16>
        %bitcast3A_450 = vector.bitcast %gather3A_448 : vector<16xi32> to vector<32xbf16>
        %mul3A_451 = arith.mulf %bitcast3A_449, %bitcast3A_450 : vector<32xbf16>
        %unpack3A_452 = tpu.unpack_subelements %mul3A_451, 0 {pack_format = #tpu.pack_format<interleaved>} : vector<32xbf16> -> vector<16xf32>
        %unpack3A_453 = tpu.unpack_subelements %mul3A_451, 1 {pack_format = #tpu.pack_format<interleaved>} : vector<32xbf16> -> vector<16xf32>
        %add3A_454 = arith.addf %add3A_439, %unpack3A_452 : vector<16xf32>
        %add3A_455 = arith.addf %add3A_440, %unpack3A_453 : vector<16xf32>
        %add3A_456 = arith.constant 1 : i32
        %add3A_457 = vector.broadcast %add3A_456 : i32 to vector<16xi32>
        %add3A_458 = arith.addi %and3A_446, %add3A_457 : vector<16xi32>
        %and3A_459 = arith.constant 63 : i32
        %and3A_460 = vector.broadcast %and3A_459 : i32 to vector<16xi32>
        %and3A_461 = arith.andi %add3A_458, %and3A_460 : vector<16xi32>
        %gather3A_462 = tpu.vector_load_idx %arg9[%add3A_185, %and3A_461] : memref<128x64xi32, #tpu.memory_space<vmem>>[vector<16xi32>, vector<16xi32>], vector<16xi32>,
        %gather3A_463 = tpu.vector_load_idx %arg10[%add3A_185, %and3A_461] : memref<128x64xi32, #tpu.memory_space<vmem>>[vector<16xi32>, vector<16xi32>], vector<16xi32>,
        %bitcast3A_464 = vector.bitcast %gather3A_462 : vector<16xi32> to vector<32xbf16>
        %bitcast3A_465 = vector.bitcast %gather3A_463 : vector<16xi32> to vector<32xbf16>
        %mul3A_466 = arith.mulf %bitcast3A_464, %bitcast3A_465 : vector<32xbf16>
        %unpack3A_467 = tpu.unpack_subelements %mul3A_466, 0 {pack_format = #tpu.pack_format<interleaved>} : vector<32xbf16> -> vector<16xf32>
        %unpack3A_468 = tpu.unpack_subelements %mul3A_466, 1 {pack_format = #tpu.pack_format<interleaved>} : vector<32xbf16> -> vector<16xf32>
        %add3A_469 = arith.addf %add3A_454, %unpack3A_467 : vector<16xf32>
        %add3A_470 = arith.addf %add3A_455, %unpack3A_468 : vector<16xf32>
        %add3A_471 = arith.constant 1 : i32
        %add3A_472 = vector.broadcast %add3A_471 : i32 to vector<16xi32>
        %add3A_473 = arith.addi %and3A_461, %add3A_472 : vector<16xi32>
        %and3A_474 = arith.constant 63 : i32
        %and3A_475 = vector.broadcast %and3A_474 : i32 to vector<16xi32>
        %and3A_476 = arith.andi %add3A_473, %and3A_475 : vector<16xi32>
        scf.yield %add3A_469, %add3A_470, %and3A_476 : vector<16xf32>, vector<16xf32>, vector<16xi32>
      }
      %scan3A_193 = arith.constant 8 : i32
      %add3A_194 = arith.addf %scan3A_192#0, %scan3A_192#1 : vector<16xf32>
      %add3A_195 = arith.constant 112 : i32
      %add3A_196 = arith.addi %mul3A_70, %add3A_195 : i32
      %swap3A_197 = arith.index_cast %add3A_196 : i32 to index
      %swap3A_198 = tpu.vector_load %arg8[%swap3A_197] {strides = array<i32>} : memref<10000xf32, #tpu.memory_space<vmem>>, vector<16xf32>,
      tpu.vector_store %arg8[%swap3A_197], %add3A_194 {strides = array<i32>} : memref<10000xf32, #tpu.memory_space<vmem>>, vector<16xf32>,
      %add3A_199 = arith.constant 2 : i32
      %add3A_200 = arith.addi %mul3A_42, %add3A_199 : i32
      %mul3A_201 = arith.constant 128 : i32
      %mul3A_202 = arith.muli %add3A_200, %mul3A_201 : i32
      %min3A_203 = arith.constant 9872 : i32
      %min3A_204 = arith.minsi %mul3A_202, %min3A_203 : i32
      %dma_start3A_205 = tpu.memref_slice %arg6[%min3A_204] : memref<10000xi32, #tpu.memory_space<vmem>> -> memref<128xi32, #tpu.memory_space<vmem>>
      %dma_start3A_206 = arith.constant 0 : i32
      %dma_start3A_207 = arith.constant 0 : i32
      %dma_start3A_208 = tpu.memref_slice %arg2[%dma_start3A_206, %dma_start3A_207] : memref<10000x64xi32, #tpu.memory_space<hbm>> -> memref<10000x64xi32, #tpu.memory_space<hbm>>
      tpu.enqueue_indirect_dma source(%dma_start3A_208 : memref<10000x64xi32, #tpu.memory_space<hbm>>) target(%arg9 : memref<128x64xi32, #tpu.memory_space<vmem>>) offsets(%dma_start3A_205 : memref<128xi32, #tpu.memory_space<vmem>>) semaphore(%arg13 : memref<!tpu.dma_semaphore, #tpu.memory_space<semaphore_mem>>)
      %dma_start3A_209 = tpu.memref_slice %arg7[%min3A_204] : memref<10000xi32, #tpu.memory_space<vmem>> -> memref<128xi32, #tpu.memory_space<vmem>>
      %dma_start3A_210 = arith.constant 0 : i32
      %dma_start3A_211 = arith.constant 0 : i32
      %dma_start3A_212 = tpu.memref_slice %arg2[%dma_start3A_210, %dma_start3A_211] : memref<10000x64xi32, #tpu.memory_space<hbm>> -> memref<10000x64xi32, #tpu.memory_space<hbm>>
      tpu.enqueue_indirect_dma source(%dma_start3A_212 : memref<10000x64xi32, #tpu.memory_space<hbm>>) target(%arg10 : memref<128x64xi32, #tpu.memory_space<vmem>>) offsets(%dma_start3A_209 : memref<128xi32, #tpu.memory_space<vmem>>) semaphore(%arg13 : memref<!tpu.dma_semaphore, #tpu.memory_space<semaphore_mem>>)
      %dma_wait3A_213 = arith.constant 0 : i32
      %dma_wait3A_214 = arith.constant 0 : i32
      %dma_wait3A_215 = tpu.memref_slice %arg2[%dma_wait3A_213, %dma_wait3A_214] : memref<10000x64xi32, #tpu.memory_space<hbm>> -> memref<128x64xi32, #tpu.memory_space<hbm>>
      %dma_wait3A_216 = arith.constant 0 : i32
      %dma_wait3A_217 = arith.constant 0 : i32
      %dma_wait3A_218 = tpu.memref_slice %arg2[%dma_wait3A_216, %dma_wait3A_217] : memref<10000x64xi32, #tpu.memory_space<hbm>> -> memref<128x64xi32, #tpu.memory_space<hbm>>
      tpu.wait_dma2 semaphore(%arg14 : memref<!tpu.dma_semaphore, #tpu.memory_space<semaphore_mem>>) src(%dma_wait3A_218 : memref<128x64xi32, #tpu.memory_space<hbm>>) dst(%arg11 : memref<128x64xi32, #tpu.memory_space<vmem>>)
      %dma_wait3A_219 = arith.constant 0 : i32
      %dma_wait3A_220 = arith.constant 0 : i32
      %dma_wait3A_221 = tpu.memref_slice %arg2[%dma_wait3A_219, %dma_wait3A_220] : memref<10000x64xi32, #tpu.memory_space<hbm>> -> memref<128x64xi32, #tpu.memory_space<hbm>>
      %dma_wait3A_222 = arith.constant 0 : i32
      %dma_wait3A_223 = arith.constant 0 : i32
      %dma_wait3A_224 = tpu.memref_slice %arg2[%dma_wait3A_222, %dma_wait3A_223] : memref<10000x64xi32, #tpu.memory_space<hbm>> -> memref<128x64xi32, #tpu.memory_space<hbm>>
      tpu.wait_dma2 semaphore(%arg14 : memref<!tpu.dma_semaphore, #tpu.memory_space<semaphore_mem>>) src(%dma_wait3A_224 : memref<128x64xi32, #tpu.memory_space<hbm>>) dst(%arg12 : memref<128x64xi32, #tpu.memory_space<vmem>>)
      %add3A_225 = arith.constant 1 : i32
      %add3A_226 = arith.addi %mul3A_42, %add3A_225 : i32
      %mul3A_227 = arith.constant 128 : i32
      %mul3A_228 = arith.muli %add3A_226, %mul3A_227 : i32
      %add3A_229 = arith.constant 0 : i32
      %add3A_230 = vector.broadcast %add3A_229 : i32 to vector<16xi32>
      %add3A_231 = arith.addi %iota3A, %add3A_230 : vector<16xi32>
      %broadcast_in_dim3A_232 = arith.constant 0.000000e+00 : f32
      %broadcast_in_dim3A_233 = vector.broadcast %broadcast_in_dim3A_232 : f32 to vector<16xf32>
      %scan3A_234 = arith.constant 0 : i32
      %scan3A_235 = arith.constant 8 : i32
      %scan3A_236 = arith.addi %scan3A_234, %scan3A_235 : i32
      %scan3A_237 = arith.constant 1 : i32
      %scan3A_238:3 = scf.for %scan3A_357 = %scan3A_234 to %scan3A_236 step %scan3A_237 iter_args(%scan3A_358 = %broadcast_in_dim3A_233, %scan3A_359 = %broadcast_in_dim3A_233, %scan3A_360 = %iota3A) -> (vector<16xf32>, vector<16xf32>, vector<16xi32>)  : i32 {
        %gather3A = tpu.vector_load_idx %arg11[%add3A_231, %scan3A_360] : memref<128x64xi32, #tpu.memory_space<vmem>>[vector<16xi32>, vector<16xi32>], vector<16xi32>,
        %gather3A_361 = tpu.vector_load_idx %arg12[%add3A_231, %scan3A_360] : memref<128x64xi32, #tpu.memory_space<vmem>>[vector<16xi32>, vector<16xi32>], vector<16xi32>,
        %bitcast3A = vector.bitcast %gather3A : vector<16xi32> to vector<32xbf16>
        %bitcast3A_362 = vector.bitcast %gather3A_361 : vector<16xi32> to vector<32xbf16>
        %mul3A_363 = arith.mulf %bitcast3A, %bitcast3A_362 : vector<32xbf16>
        %unpack3A = tpu.unpack_subelements %mul3A_363, 0 {pack_format = #tpu.pack_format<interleaved>} : vector<32xbf16> -> vector<16xf32>
        %unpack3A_364 = tpu.unpack_subelements %mul3A_363, 1 {pack_format = #tpu.pack_format<interleaved>} : vector<32xbf16> -> vector<16xf32>
        %add3A_365 = arith.addf %scan3A_358, %unpack3A : vector<16xf32>
        %add3A_366 = arith.addf %scan3A_359, %unpack3A_364 : vector<16xf32>
        %add3A_367 = arith.constant 1 : i32
        %add3A_368 = vector.broadcast %add3A_367 : i32 to vector<16xi32>
        %add3A_369 = arith.addi %scan3A_360, %add3A_368 : vector<16xi32>
        %and3A = arith.constant 63 : i32
        %and3A_370 = vector.broadcast %and3A : i32 to vector<16xi32>
        %and3A_371 = arith.andi %add3A_369, %and3A_370 : vector<16xi32>
        %gather3A_372 = tpu.vector_load_idx %arg11[%add3A_231, %and3A_371] : memref<128x64xi32, #tpu.memory_space<vmem>>[vector<16xi32>, vector<16xi32>], vector<16xi32>,
        %gather3A_373 = tpu.vector_load_idx %arg12[%add3A_231, %and3A_371] : memref<128x64xi32, #tpu.memory_space<vmem>>[vector<16xi32>, vector<16xi32>], vector<16xi32>,
        %bitcast3A_374 = vector.bitcast %gather3A_372 : vector<16xi32> to vector<32xbf16>
        %bitcast3A_375 = vector.bitcast %gather3A_373 : vector<16xi32> to vector<32xbf16>
        %mul3A_376 = arith.mulf %bitcast3A_374, %bitcast3A_375 : vector<32xbf16>
        %unpack3A_377 = tpu.unpack_subelements %mul3A_376, 0 {pack_format = #tpu.pack_format<interleaved>} : vector<32xbf16> -> vector<16xf32>
        %unpack3A_378 = tpu.unpack_subelements %mul3A_376, 1 {pack_format = #tpu.pack_format<interleaved>} : vector<32xbf16> -> vector<16xf32>
        %add3A_379 = arith.addf %add3A_365, %unpack3A_377 : vector<16xf32>
        %add3A_380 = arith.addf %add3A_366, %unpack3A_378 : vector<16xf32>
        %add3A_381 = arith.constant 1 : i32
        %add3A_382 = vector.broadcast %add3A_381 : i32 to vector<16xi32>
        %add3A_383 = arith.addi %and3A_371, %add3A_382 : vector<16xi32>
        %and3A_384 = arith.constant 63 : i32
        %and3A_385 = vector.broadcast %and3A_384 : i32 to vector<16xi32>
        %and3A_386 = arith.andi %add3A_383, %and3A_385 : vector<16xi32>
        %gather3A_387 = tpu.vector_load_idx %arg11[%add3A_231, %and3A_386] : memref<128x64xi32, #tpu.memory_space<vmem>>[vector<16xi32>, vector<16xi32>], vector<16xi32>,
        %gather3A_388 = tpu.vector_load_idx %arg12[%add3A_231, %and3A_386] : memref<128x64xi32, #tpu.memory_space<vmem>>[vector<16xi32>, vector<16xi32>], vector<16xi32>,
        %bitcast3A_389 = vector.bitcast %gather3A_387 : vector<16xi32> to vector<32xbf16>
        %bitcast3A_390 = vector.bitcast %gather3A_388 : vector<16xi32> to vector<32xbf16>
        %mul3A_391 = arith.mulf %bitcast3A_389, %bitcast3A_390 : vector<32xbf16>
        %unpack3A_392 = tpu.unpack_subelements %mul3A_391, 0 {pack_format = #tpu.pack_format<interleaved>} : vector<32xbf16> -> vector<16xf32>
        %unpack3A_393 = tpu.unpack_subelements %mul3A_391, 1 {pack_format = #tpu.pack_format<interleaved>} : vector<32xbf16> -> vector<16xf32>
        %add3A_394 = arith.addf %add3A_379, %unpack3A_392 : vector<16xf32>
        %add3A_395 = arith.addf %add3A_380, %unpack3A_393 : vector<16xf32>
        %add3A_396 = arith.constant 1 : i32
        %add3A_397 = vector.broadcast %add3A_396 : i32 to vector<16xi32>
        %add3A_398 = arith.addi %and3A_386, %add3A_397 : vector<16xi32>
        %and3A_399 = arith.constant 63 : i32
        %and3A_400 = vector.broadcast %and3A_399 : i32 to vector<16xi32>
        %and3A_401 = arith.andi %add3A_398, %and3A_400 : vector<16xi32>
        %gather3A_402 = tpu.vector_load_idx %arg11[%add3A_231, %and3A_401] : memref<128x64xi32, #tpu.memory_space<vmem>>[vector<16xi32>, vector<16xi32>], vector<16xi32>,
        %gather3A_403 = tpu.vector_load_idx %arg12[%add3A_231, %and3A_401] : memref<128x64xi32, #tpu.memory_space<vmem>>[vector<16xi32>, vector<16xi32>], vector<16xi32>,
        %bitcast3A_404 = vector.bitcast %gather3A_402 : vector<16xi32> to vector<32xbf16>
        %bitcast3A_405 = vector.bitcast %gather3A_403 : vector<16xi32> to vector<32xbf16>
        %mul3A_406 = arith.mulf %bitcast3A_404, %bitcast3A_405 : vector<32xbf16>
        %unpack3A_407 = tpu.unpack_subelements %mul3A_406, 0 {pack_format = #tpu.pack_format<interleaved>} : vector<32xbf16> -> vector<16xf32>
        %unpack3A_408 = tpu.unpack_subelements %mul3A_406, 1 {pack_format = #tpu.pack_format<interleaved>} : vector<32xbf16> -> vector<16xf32>
        %add3A_409 = arith.addf %add3A_394, %unpack3A_407 : vector<16xf32>
        %add3A_410 = arith.addf %add3A_395, %unpack3A_408 : vector<16xf32>
        %add3A_411 = arith.constant 1 : i32
        %add3A_412 = vector.broadcast %add3A_411 : i32 to vector<16xi32>
        %add3A_413 = arith.addi %and3A_401, %add3A_412 : vector<16xi32>
        %and3A_414 = arith.constant 63 : i32
        %and3A_415 = vector.broadcast %and3A_414 : i32 to vector<16xi32>
        %and3A_416 = arith.andi %add3A_413, %and3A_415 : vector<16xi32>
        %gather3A_417 = tpu.vector_load_idx %arg11[%add3A_231, %and3A_416] : memref<128x64xi32, #tpu.memory_space<vmem>>[vector<16xi32>, vector<16xi32>], vector<16xi32>,
        %gather3A_418 = tpu.vector_load_idx %arg12[%add3A_231, %and3A_416] : memref<128x64xi32, #tpu.memory_space<vmem>>[vector<16xi32>, vector<16xi32>], vector<16xi32>,
        %bitcast3A_419 = vector.bitcast %gather3A_417 : vector<16xi32> to vector<32xbf16>
        %bitcast3A_420 = vector.bitcast %gather3A_418 : vector<16xi32> to vector<32xbf16>
        %mul3A_421 = arith.mulf %bitcast3A_419, %bitcast3A_420 : vector<32xbf16>
        %unpack3A_422 = tpu.unpack_subelements %mul3A_421, 0 {pack_format = #tpu.pack_format<interleaved>} : vector<32xbf16> -> vector<16xf32>
        %unpack3A_423 = tpu.unpack_subelements %mul3A_421, 1 {pack_format = #tpu.pack_format<interleaved>} : vector<32xbf16> -> vector<16xf32>
        %add3A_424 = arith.addf %add3A_409, %unpack3A_422 : vector<16xf32>
        %add3A_425 = arith.addf %add3A_410, %unpack3A_423 : vector<16xf32>
        %add3A_426 = arith.constant 1 : i32
        %add3A_427 = vector.broadcast %add3A_426 : i32 to vector<16xi32>
        %add3A_428 = arith.addi %and3A_416, %add3A_427 : vector<16xi32>
        %and3A_429 = arith.constant 63 : i32
        %and3A_430 = vector.broadcast %and3A_429 : i32 to vector<16xi32>
        %and3A_431 = arith.andi %add3A_428, %and3A_430 : vector<16xi32>
        %gather3A_432 = tpu.vector_load_idx %arg11[%add3A_231, %and3A_431] : memref<128x64xi32, #tpu.memory_space<vmem>>[vector<16xi32>, vector<16xi32>], vector<16xi32>,
        %gather3A_433 = tpu.vector_load_idx %arg12[%add3A_231, %and3A_431] : memref<128x64xi32, #tpu.memory_space<vmem>>[vector<16xi32>, vector<16xi32>], vector<16xi32>,
        %bitcast3A_434 = vector.bitcast %gather3A_432 : vector<16xi32> to vector<32xbf16>
        %bitcast3A_435 = vector.bitcast %gather3A_433 : vector<16xi32> to vector<32xbf16>
        %mul3A_436 = arith.mulf %bitcast3A_434, %bitcast3A_435 : vector<32xbf16>
        %unpack3A_437 = tpu.unpack_subelements %mul3A_436, 0 {pack_format = #tpu.pack_format<interleaved>} : vector<32xbf16> -> vector<16xf32>
        %unpack3A_438 = tpu.unpack_subelements %mul3A_436, 1 {pack_format = #tpu.pack_format<interleaved>} : vector<32xbf16> -> vector<16xf32>
        %add3A_439 = arith.addf %add3A_424, %unpack3A_437 : vector<16xf32>
        %add3A_440 = arith.addf %add3A_425, %unpack3A_438 : vector<16xf32>
        %add3A_441 = arith.constant 1 : i32
        %add3A_442 = vector.broadcast %add3A_441 : i32 to vector<16xi32>
        %add3A_443 = arith.addi %and3A_431, %add3A_442 : vector<16xi32>
        %and3A_444 = arith.constant 63 : i32
        %and3A_445 = vector.broadcast %and3A_444 : i32 to vector<16xi32>
        %and3A_446 = arith.andi %add3A_443, %and3A_445 : vector<16xi32>
        %gather3A_447 = tpu.vector_load_idx %arg11[%add3A_231, %and3A_446] : memref<128x64xi32, #tpu.memory_space<vmem>>[vector<16xi32>, vector<16xi32>], vector<16xi32>,
        %gather3A_448 = tpu.vector_load_idx %arg12[%add3A_231, %and3A_446] : memref<128x64xi32, #tpu.memory_space<vmem>>[vector<16xi32>, vector<16xi32>], vector<16xi32>,
        %bitcast3A_449 = vector.bitcast %gather3A_447 : vector<16xi32> to vector<32xbf16>
        %bitcast3A_450 = vector.bitcast %gather3A_448 : vector<16xi32> to vector<32xbf16>
        %mul3A_451 = arith.mulf %bitcast3A_449, %bitcast3A_450 : vector<32xbf16>
        %unpack3A_452 = tpu.unpack_subelements %mul3A_451, 0 {pack_format = #tpu.pack_format<interleaved>} : vector<32xbf16> -> vector<16xf32>
        %unpack3A_453 = tpu.unpack_subelements %mul3A_451, 1 {pack_format = #tpu.pack_format<interleaved>} : vector<32xbf16> -> vector<16xf32>
        %add3A_454 = arith.addf %add3A_439, %unpack3A_452 : vector<16xf32>
        %add3A_455 = arith.addf %add3A_440, %unpack3A_453 : vector<16xf32>
        %add3A_456 = arith.constant 1 : i32
        %add3A_457 = vector.broadcast %add3A_456 : i32 to vector<16xi32>
        %add3A_458 = arith.addi %and3A_446, %add3A_457 : vector<16xi32>
        %and3A_459 = arith.constant 63 : i32
        %and3A_460 = vector.broadcast %and3A_459 : i32 to vector<16xi32>
        %and3A_461 = arith.andi %add3A_458, %and3A_460 : vector<16xi32>
        %gather3A_462 = tpu.vector_load_idx %arg11[%add3A_231, %and3A_461] : memref<128x64xi32, #tpu.memory_space<vmem>>[vector<16xi32>, vector<16xi32>], vector<16xi32>,
        %gather3A_463 = tpu.vector_load_idx %arg12[%add3A_231, %and3A_461] : memref<128x64xi32, #tpu.memory_space<vmem>>[vector<16xi32>, vector<16xi32>], vector<16xi32>,
        %bitcast3A_464 = vector.bitcast %gather3A_462 : vector<16xi32> to vector<32xbf16>
        %bitcast3A_465 = vector.bitcast %gather3A_463 : vector<16xi32> to vector<32xbf16>
        %mul3A_466 = arith.mulf %bitcast3A_464, %bitcast3A_465 : vector<32xbf16>
        %unpack3A_467 = tpu.unpack_subelements %mul3A_466, 0 {pack_format = #tpu.pack_format<interleaved>} : vector<32xbf16> -> vector<16xf32>
        %unpack3A_468 = tpu.unpack_subelements %mul3A_466, 1 {pack_format = #tpu.pack_format<interleaved>} : vector<32xbf16> -> vector<16xf32>
        %add3A_469 = arith.addf %add3A_454, %unpack3A_467 : vector<16xf32>
        %add3A_470 = arith.addf %add3A_455, %unpack3A_468 : vector<16xf32>
        %add3A_471 = arith.constant 1 : i32
        %add3A_472 = vector.broadcast %add3A_471 : i32 to vector<16xi32>
        %add3A_473 = arith.addi %and3A_461, %add3A_472 : vector<16xi32>
        %and3A_474 = arith.constant 63 : i32
        %and3A_475 = vector.broadcast %and3A_474 : i32 to vector<16xi32>
        %and3A_476 = arith.andi %add3A_473, %and3A_475 : vector<16xi32>
        scf.yield %add3A_469, %add3A_470, %and3A_476 : vector<16xf32>, vector<16xf32>, vector<16xi32>
      }
      %scan3A_239 = arith.constant 8 : i32
      %add3A_240 = arith.addf %scan3A_238#0, %scan3A_238#1 : vector<16xf32>
      %add3A_241 = arith.constant 0 : i32
      %add3A_242 = arith.addi %mul3A_228, %add3A_241 : i32
      %swap3A_243 = arith.index_cast %add3A_242 : i32 to index
      %swap3A_244 = tpu.vector_load %arg8[%swap3A_243] {strides = array<i32>} : memref<10000xf32, #tpu.memory_space<vmem>>, vector<16xf32>,
      tpu.vector_store %arg8[%swap3A_243], %add3A_240 {strides = array<i32>} : memref<10000xf32, #tpu.memory_space<vmem>>, vector<16xf32>,
      %add3A_245 = arith.constant 16 : i32
      %add3A_246 = vector.broadcast %add3A_245 : i32 to vector<16xi32>
      %add3A_247 = arith.addi %iota3A, %add3A_246 : vector<16xi32>
      %broadcast_in_dim3A_248 = arith.constant 0.000000e+00 : f32
      %broadcast_in_dim3A_249 = vector.broadcast %broadcast_in_dim3A_248 : f32 to vector<16xf32>
      %scan3A_250 = arith.constant 0 : i32
      %scan3A_251 = arith.constant 8 : i32
      %scan3A_252 = arith.addi %scan3A_250, %scan3A_251 : i32
      %scan3A_253 = arith.constant 1 : i32
      %scan3A_254:3 = scf.for %scan3A_357 = %scan3A_250 to %scan3A_252 step %scan3A_253 iter_args(%scan3A_358 = %broadcast_in_dim3A_249, %scan3A_359 = %broadcast_in_dim3A_249, %scan3A_360 = %iota3A) -> (vector<16xf32>, vector<16xf32>, vector<16xi32>)  : i32 {
        %gather3A = tpu.vector_load_idx %arg11[%add3A_247, %scan3A_360] : memref<128x64xi32, #tpu.memory_space<vmem>>[vector<16xi32>, vector<16xi32>], vector<16xi32>,
        %gather3A_361 = tpu.vector_load_idx %arg12[%add3A_247, %scan3A_360] : memref<128x64xi32, #tpu.memory_space<vmem>>[vector<16xi32>, vector<16xi32>], vector<16xi32>,
        %bitcast3A = vector.bitcast %gather3A : vector<16xi32> to vector<32xbf16>
        %bitcast3A_362 = vector.bitcast %gather3A_361 : vector<16xi32> to vector<32xbf16>
        %mul3A_363 = arith.mulf %bitcast3A, %bitcast3A_362 : vector<32xbf16>
        %unpack3A = tpu.unpack_subelements %mul3A_363, 0 {pack_format = #tpu.pack_format<interleaved>} : vector<32xbf16> -> vector<16xf32>
        %unpack3A_364 = tpu.unpack_subelements %mul3A_363, 1 {pack_format = #tpu.pack_format<interleaved>} : vector<32xbf16> -> vector<16xf32>
        %add3A_365 = arith.addf %scan3A_358, %unpack3A : vector<16xf32>
        %add3A_366 = arith.addf %scan3A_359, %unpack3A_364 : vector<16xf32>
        %add3A_367 = arith.constant 1 : i32
        %add3A_368 = vector.broadcast %add3A_367 : i32 to vector<16xi32>
        %add3A_369 = arith.addi %scan3A_360, %add3A_368 : vector<16xi32>
        %and3A = arith.constant 63 : i32
        %and3A_370 = vector.broadcast %and3A : i32 to vector<16xi32>
        %and3A_371 = arith.andi %add3A_369, %and3A_370 : vector<16xi32>
        %gather3A_372 = tpu.vector_load_idx %arg11[%add3A_247, %and3A_371] : memref<128x64xi32, #tpu.memory_space<vmem>>[vector<16xi32>, vector<16xi32>], vector<16xi32>,
        %gather3A_373 = tpu.vector_load_idx %arg12[%add3A_247, %and3A_371] : memref<128x64xi32, #tpu.memory_space<vmem>>[vector<16xi32>, vector<16xi32>], vector<16xi32>,
        %bitcast3A_374 = vector.bitcast %gather3A_372 : vector<16xi32> to vector<32xbf16>
        %bitcast3A_375 = vector.bitcast %gather3A_373 : vector<16xi32> to vector<32xbf16>
        %mul3A_376 = arith.mulf %bitcast3A_374, %bitcast3A_375 : vector<32xbf16>
        %unpack3A_377 = tpu.unpack_subelements %mul3A_376, 0 {pack_format = #tpu.pack_format<interleaved>} : vector<32xbf16> -> vector<16xf32>
        %unpack3A_378 = tpu.unpack_subelements %mul3A_376, 1 {pack_format = #tpu.pack_format<interleaved>} : vector<32xbf16> -> vector<16xf32>
        %add3A_379 = arith.addf %add3A_365, %unpack3A_377 : vector<16xf32>
        %add3A_380 = arith.addf %add3A_366, %unpack3A_378 : vector<16xf32>
        %add3A_381 = arith.constant 1 : i32
        %add3A_382 = vector.broadcast %add3A_381 : i32 to vector<16xi32>
        %add3A_383 = arith.addi %and3A_371, %add3A_382 : vector<16xi32>
        %and3A_384 = arith.constant 63 : i32
        %and3A_385 = vector.broadcast %and3A_384 : i32 to vector<16xi32>
        %and3A_386 = arith.andi %add3A_383, %and3A_385 : vector<16xi32>
        %gather3A_387 = tpu.vector_load_idx %arg11[%add3A_247, %and3A_386] : memref<128x64xi32, #tpu.memory_space<vmem>>[vector<16xi32>, vector<16xi32>], vector<16xi32>,
        %gather3A_388 = tpu.vector_load_idx %arg12[%add3A_247, %and3A_386] : memref<128x64xi32, #tpu.memory_space<vmem>>[vector<16xi32>, vector<16xi32>], vector<16xi32>,
        %bitcast3A_389 = vector.bitcast %gather3A_387 : vector<16xi32> to vector<32xbf16>
        %bitcast3A_390 = vector.bitcast %gather3A_388 : vector<16xi32> to vector<32xbf16>
        %mul3A_391 = arith.mulf %bitcast3A_389, %bitcast3A_390 : vector<32xbf16>
        %unpack3A_392 = tpu.unpack_subelements %mul3A_391, 0 {pack_format = #tpu.pack_format<interleaved>} : vector<32xbf16> -> vector<16xf32>
        %unpack3A_393 = tpu.unpack_subelements %mul3A_391, 1 {pack_format = #tpu.pack_format<interleaved>} : vector<32xbf16> -> vector<16xf32>
        %add3A_394 = arith.addf %add3A_379, %unpack3A_392 : vector<16xf32>
        %add3A_395 = arith.addf %add3A_380, %unpack3A_393 : vector<16xf32>
        %add3A_396 = arith.constant 1 : i32
        %add3A_397 = vector.broadcast %add3A_396 : i32 to vector<16xi32>
        %add3A_398 = arith.addi %and3A_386, %add3A_397 : vector<16xi32>
        %and3A_399 = arith.constant 63 : i32
        %and3A_400 = vector.broadcast %and3A_399 : i32 to vector<16xi32>
        %and3A_401 = arith.andi %add3A_398, %and3A_400 : vector<16xi32>
        %gather3A_402 = tpu.vector_load_idx %arg11[%add3A_247, %and3A_401] : memref<128x64xi32, #tpu.memory_space<vmem>>[vector<16xi32>, vector<16xi32>], vector<16xi32>,
        %gather3A_403 = tpu.vector_load_idx %arg12[%add3A_247, %and3A_401] : memref<128x64xi32, #tpu.memory_space<vmem>>[vector<16xi32>, vector<16xi32>], vector<16xi32>,
        %bitcast3A_404 = vector.bitcast %gather3A_402 : vector<16xi32> to vector<32xbf16>
        %bitcast3A_405 = vector.bitcast %gather3A_403 : vector<16xi32> to vector<32xbf16>
        %mul3A_406 = arith.mulf %bitcast3A_404, %bitcast3A_405 : vector<32xbf16>
        %unpack3A_407 = tpu.unpack_subelements %mul3A_406, 0 {pack_format = #tpu.pack_format<interleaved>} : vector<32xbf16> -> vector<16xf32>
        %unpack3A_408 = tpu.unpack_subelements %mul3A_406, 1 {pack_format = #tpu.pack_format<interleaved>} : vector<32xbf16> -> vector<16xf32>
        %add3A_409 = arith.addf %add3A_394, %unpack3A_407 : vector<16xf32>
        %add3A_410 = arith.addf %add3A_395, %unpack3A_408 : vector<16xf32>
        %add3A_411 = arith.constant 1 : i32
        %add3A_412 = vector.broadcast %add3A_411 : i32 to vector<16xi32>
        %add3A_413 = arith.addi %and3A_401, %add3A_412 : vector<16xi32>
        %and3A_414 = arith.constant 63 : i32
        %and3A_415 = vector.broadcast %and3A_414 : i32 to vector<16xi32>
        %and3A_416 = arith.andi %add3A_413, %and3A_415 : vector<16xi32>
        %gather3A_417 = tpu.vector_load_idx %arg11[%add3A_247, %and3A_416] : memref<128x64xi32, #tpu.memory_space<vmem>>[vector<16xi32>, vector<16xi32>], vector<16xi32>,
        %gather3A_418 = tpu.vector_load_idx %arg12[%add3A_247, %and3A_416] : memref<128x64xi32, #tpu.memory_space<vmem>>[vector<16xi32>, vector<16xi32>], vector<16xi32>,
        %bitcast3A_419 = vector.bitcast %gather3A_417 : vector<16xi32> to vector<32xbf16>
        %bitcast3A_420 = vector.bitcast %gather3A_418 : vector<16xi32> to vector<32xbf16>
        %mul3A_421 = arith.mulf %bitcast3A_419, %bitcast3A_420 : vector<32xbf16>
        %unpack3A_422 = tpu.unpack_subelements %mul3A_421, 0 {pack_format = #tpu.pack_format<interleaved>} : vector<32xbf16> -> vector<16xf32>
        %unpack3A_423 = tpu.unpack_subelements %mul3A_421, 1 {pack_format = #tpu.pack_format<interleaved>} : vector<32xbf16> -> vector<16xf32>
        %add3A_424 = arith.addf %add3A_409, %unpack3A_422 : vector<16xf32>
        %add3A_425 = arith.addf %add3A_410, %unpack3A_423 : vector<16xf32>
        %add3A_426 = arith.constant 1 : i32
        %add3A_427 = vector.broadcast %add3A_426 : i32 to vector<16xi32>
        %add3A_428 = arith.addi %and3A_416, %add3A_427 : vector<16xi32>
        %and3A_429 = arith.constant 63 : i32
        %and3A_430 = vector.broadcast %and3A_429 : i32 to vector<16xi32>
        %and3A_431 = arith.andi %add3A_428, %and3A_430 : vector<16xi32>
        %gather3A_432 = tpu.vector_load_idx %arg11[%add3A_247, %and3A_431] : memref<128x64xi32, #tpu.memory_space<vmem>>[vector<16xi32>, vector<16xi32>], vector<16xi32>,
        %gather3A_433 = tpu.vector_load_idx %arg12[%add3A_247, %and3A_431] : memref<128x64xi32, #tpu.memory_space<vmem>>[vector<16xi32>, vector<16xi32>], vector<16xi32>,
        %bitcast3A_434 = vector.bitcast %gather3A_432 : vector<16xi32> to vector<32xbf16>
        %bitcast3A_435 = vector.bitcast %gather3A_433 : vector<16xi32> to vector<32xbf16>
        %mul3A_436 = arith.mulf %bitcast3A_434, %bitcast3A_435 : vector<32xbf16>
        %unpack3A_437 = tpu.unpack_subelements %mul3A_436, 0 {pack_format = #tpu.pack_format<interleaved>} : vector<32xbf16> -> vector<16xf32>
        %unpack3A_438 = tpu.unpack_subelements %mul3A_436, 1 {pack_format = #tpu.pack_format<interleaved>} : vector<32xbf16> -> vector<16xf32>
        %add3A_439 = arith.addf %add3A_424, %unpack3A_437 : vector<16xf32>
        %add3A_440 = arith.addf %add3A_425, %unpack3A_438 : vector<16xf32>
        %add3A_441 = arith.constant 1 : i32
        %add3A_442 = vector.broadcast %add3A_441 : i32 to vector<16xi32>
        %add3A_443 = arith.addi %and3A_431, %add3A_442 : vector<16xi32>
        %and3A_444 = arith.constant 63 : i32
        %and3A_445 = vector.broadcast %and3A_444 : i32 to vector<16xi32>
        %and3A_446 = arith.andi %add3A_443, %and3A_445 : vector<16xi32>
        %gather3A_447 = tpu.vector_load_idx %arg11[%add3A_247, %and3A_446] : memref<128x64xi32, #tpu.memory_space<vmem>>[vector<16xi32>, vector<16xi32>], vector<16xi32>,
        %gather3A_448 = tpu.vector_load_idx %arg12[%add3A_247, %and3A_446] : memref<128x64xi32, #tpu.memory_space<vmem>>[vector<16xi32>, vector<16xi32>], vector<16xi32>,
        %bitcast3A_449 = vector.bitcast %gather3A_447 : vector<16xi32> to vector<32xbf16>
        %bitcast3A_450 = vector.bitcast %gather3A_448 : vector<16xi32> to vector<32xbf16>
        %mul3A_451 = arith.mulf %bitcast3A_449, %bitcast3A_450 : vector<32xbf16>
        %unpack3A_452 = tpu.unpack_subelements %mul3A_451, 0 {pack_format = #tpu.pack_format<interleaved>} : vector<32xbf16> -> vector<16xf32>
        %unpack3A_453 = tpu.unpack_subelements %mul3A_451, 1 {pack_format = #tpu.pack_format<interleaved>} : vector<32xbf16> -> vector<16xf32>
        %add3A_454 = arith.addf %add3A_439, %unpack3A_452 : vector<16xf32>
        %add3A_455 = arith.addf %add3A_440, %unpack3A_453 : vector<16xf32>
        %add3A_456 = arith.constant 1 : i32
        %add3A_457 = vector.broadcast %add3A_456 : i32 to vector<16xi32>
        %add3A_458 = arith.addi %and3A_446, %add3A_457 : vector<16xi32>
        %and3A_459 = arith.constant 63 : i32
        %and3A_460 = vector.broadcast %and3A_459 : i32 to vector<16xi32>
        %and3A_461 = arith.andi %add3A_458, %and3A_460 : vector<16xi32>
        %gather3A_462 = tpu.vector_load_idx %arg11[%add3A_247, %and3A_461] : memref<128x64xi32, #tpu.memory_space<vmem>>[vector<16xi32>, vector<16xi32>], vector<16xi32>,
        %gather3A_463 = tpu.vector_load_idx %arg12[%add3A_247, %and3A_461] : memref<128x64xi32, #tpu.memory_space<vmem>>[vector<16xi32>, vector<16xi32>], vector<16xi32>,
        %bitcast3A_464 = vector.bitcast %gather3A_462 : vector<16xi32> to vector<32xbf16>
        %bitcast3A_465 = vector.bitcast %gather3A_463 : vector<16xi32> to vector<32xbf16>
        %mul3A_466 = arith.mulf %bitcast3A_464, %bitcast3A_465 : vector<32xbf16>
        %unpack3A_467 = tpu.unpack_subelements %mul3A_466, 0 {pack_format = #tpu.pack_format<interleaved>} : vector<32xbf16> -> vector<16xf32>
        %unpack3A_468 = tpu.unpack_subelements %mul3A_466, 1 {pack_format = #tpu.pack_format<interleaved>} : vector<32xbf16> -> vector<16xf32>
        %add3A_469 = arith.addf %add3A_454, %unpack3A_467 : vector<16xf32>
        %add3A_470 = arith.addf %add3A_455, %unpack3A_468 : vector<16xf32>
        %add3A_471 = arith.constant 1 : i32
        %add3A_472 = vector.broadcast %add3A_471 : i32 to vector<16xi32>
        %add3A_473 = arith.addi %and3A_461, %add3A_472 : vector<16xi32>
        %and3A_474 = arith.constant 63 : i32
        %and3A_475 = vector.broadcast %and3A_474 : i32 to vector<16xi32>
        %and3A_476 = arith.andi %add3A_473, %and3A_475 : vector<16xi32>
        scf.yield %add3A_469, %add3A_470, %and3A_476 : vector<16xf32>, vector<16xf32>, vector<16xi32>
      }
      %scan3A_255 = arith.constant 8 : i32
      %add3A_256 = arith.addf %scan3A_254#0, %scan3A_254#1 : vector<16xf32>
      %add3A_257 = arith.constant 16 : i32
      %add3A_258 = arith.addi %mul3A_228, %add3A_257 : i32
      %swap3A_259 = arith.index_cast %add3A_258 : i32 to index
      %swap3A_260 = tpu.vector_load %arg8[%swap3A_259] {strides = array<i32>} : memref<10000xf32, #tpu.memory_space<vmem>>, vector<16xf32>,
      tpu.vector_store %arg8[%swap3A_259], %add3A_256 {strides = array<i32>} : memref<10000xf32, #tpu.memory_space<vmem>>, vector<16xf32>,
      %add3A_261 = arith.constant 32 : i32
      %add3A_262 = vector.broadcast %add3A_261 : i32 to vector<16xi32>
      %add3A_263 = arith.addi %iota3A, %add3A_262 : vector<16xi32>
      %broadcast_in_dim3A_264 = arith.constant 0.000000e+00 : f32
      %broadcast_in_dim3A_265 = vector.broadcast %broadcast_in_dim3A_264 : f32 to vector<16xf32>
      %scan3A_266 = arith.constant 0 : i32
      %scan3A_267 = arith.constant 8 : i32
      %scan3A_268 = arith.addi %scan3A_266, %scan3A_267 : i32
      %scan3A_269 = arith.constant 1 : i32
      %scan3A_270:3 = scf.for %scan3A_357 = %scan3A_266 to %scan3A_268 step %scan3A_269 iter_args(%scan3A_358 = %broadcast_in_dim3A_265, %scan3A_359 = %broadcast_in_dim3A_265, %scan3A_360 = %iota3A) -> (vector<16xf32>, vector<16xf32>, vector<16xi32>)  : i32 {
        %gather3A = tpu.vector_load_idx %arg11[%add3A_263, %scan3A_360] : memref<128x64xi32, #tpu.memory_space<vmem>>[vector<16xi32>, vector<16xi32>], vector<16xi32>,
        %gather3A_361 = tpu.vector_load_idx %arg12[%add3A_263, %scan3A_360] : memref<128x64xi32, #tpu.memory_space<vmem>>[vector<16xi32>, vector<16xi32>], vector<16xi32>,
        %bitcast3A = vector.bitcast %gather3A : vector<16xi32> to vector<32xbf16>
        %bitcast3A_362 = vector.bitcast %gather3A_361 : vector<16xi32> to vector<32xbf16>
        %mul3A_363 = arith.mulf %bitcast3A, %bitcast3A_362 : vector<32xbf16>
        %unpack3A = tpu.unpack_subelements %mul3A_363, 0 {pack_format = #tpu.pack_format<interleaved>} : vector<32xbf16> -> vector<16xf32>
        %unpack3A_364 = tpu.unpack_subelements %mul3A_363, 1 {pack_format = #tpu.pack_format<interleaved>} : vector<32xbf16> -> vector<16xf32>
        %add3A_365 = arith.addf %scan3A_358, %unpack3A : vector<16xf32>
        %add3A_366 = arith.addf %scan3A_359, %unpack3A_364 : vector<16xf32>
        %add3A_367 = arith.constant 1 : i32
        %add3A_368 = vector.broadcast %add3A_367 : i32 to vector<16xi32>
        %add3A_369 = arith.addi %scan3A_360, %add3A_368 : vector<16xi32>
        %and3A = arith.constant 63 : i32
        %and3A_370 = vector.broadcast %and3A : i32 to vector<16xi32>
        %and3A_371 = arith.andi %add3A_369, %and3A_370 : vector<16xi32>
        %gather3A_372 = tpu.vector_load_idx %arg11[%add3A_263, %and3A_371] : memref<128x64xi32, #tpu.memory_space<vmem>>[vector<16xi32>, vector<16xi32>], vector<16xi32>,
        %gather3A_373 = tpu.vector_load_idx %arg12[%add3A_263, %and3A_371] : memref<128x64xi32, #tpu.memory_space<vmem>>[vector<16xi32>, vector<16xi32>], vector<16xi32>,
        %bitcast3A_374 = vector.bitcast %gather3A_372 : vector<16xi32> to vector<32xbf16>
        %bitcast3A_375 = vector.bitcast %gather3A_373 : vector<16xi32> to vector<32xbf16>
        %mul3A_376 = arith.mulf %bitcast3A_374, %bitcast3A_375 : vector<32xbf16>
        %unpack3A_377 = tpu.unpack_subelements %mul3A_376, 0 {pack_format = #tpu.pack_format<interleaved>} : vector<32xbf16> -> vector<16xf32>
        %unpack3A_378 = tpu.unpack_subelements %mul3A_376, 1 {pack_format = #tpu.pack_format<interleaved>} : vector<32xbf16> -> vector<16xf32>
        %add3A_379 = arith.addf %add3A_365, %unpack3A_377 : vector<16xf32>
        %add3A_380 = arith.addf %add3A_366, %unpack3A_378 : vector<16xf32>
        %add3A_381 = arith.constant 1 : i32
        %add3A_382 = vector.broadcast %add3A_381 : i32 to vector<16xi32>
        %add3A_383 = arith.addi %and3A_371, %add3A_382 : vector<16xi32>
        %and3A_384 = arith.constant 63 : i32
        %and3A_385 = vector.broadcast %and3A_384 : i32 to vector<16xi32>
        %and3A_386 = arith.andi %add3A_383, %and3A_385 : vector<16xi32>
        %gather3A_387 = tpu.vector_load_idx %arg11[%add3A_263, %and3A_386] : memref<128x64xi32, #tpu.memory_space<vmem>>[vector<16xi32>, vector<16xi32>], vector<16xi32>,
        %gather3A_388 = tpu.vector_load_idx %arg12[%add3A_263, %and3A_386] : memref<128x64xi32, #tpu.memory_space<vmem>>[vector<16xi32>, vector<16xi32>], vector<16xi32>,
        %bitcast3A_389 = vector.bitcast %gather3A_387 : vector<16xi32> to vector<32xbf16>
        %bitcast3A_390 = vector.bitcast %gather3A_388 : vector<16xi32> to vector<32xbf16>
        %mul3A_391 = arith.mulf %bitcast3A_389, %bitcast3A_390 : vector<32xbf16>
        %unpack3A_392 = tpu.unpack_subelements %mul3A_391, 0 {pack_format = #tpu.pack_format<interleaved>} : vector<32xbf16> -> vector<16xf32>
        %unpack3A_393 = tpu.unpack_subelements %mul3A_391, 1 {pack_format = #tpu.pack_format<interleaved>} : vector<32xbf16> -> vector<16xf32>
        %add3A_394 = arith.addf %add3A_379, %unpack3A_392 : vector<16xf32>
        %add3A_395 = arith.addf %add3A_380, %unpack3A_393 : vector<16xf32>
        %add3A_396 = arith.constant 1 : i32
        %add3A_397 = vector.broadcast %add3A_396 : i32 to vector<16xi32>
        %add3A_398 = arith.addi %and3A_386, %add3A_397 : vector<16xi32>
        %and3A_399 = arith.constant 63 : i32
        %and3A_400 = vector.broadcast %and3A_399 : i32 to vector<16xi32>
        %and3A_401 = arith.andi %add3A_398, %and3A_400 : vector<16xi32>
        %gather3A_402 = tpu.vector_load_idx %arg11[%add3A_263, %and3A_401] : memref<128x64xi32, #tpu.memory_space<vmem>>[vector<16xi32>, vector<16xi32>], vector<16xi32>,
        %gather3A_403 = tpu.vector_load_idx %arg12[%add3A_263, %and3A_401] : memref<128x64xi32, #tpu.memory_space<vmem>>[vector<16xi32>, vector<16xi32>], vector<16xi32>,
        %bitcast3A_404 = vector.bitcast %gather3A_402 : vector<16xi32> to vector<32xbf16>
        %bitcast3A_405 = vector.bitcast %gather3A_403 : vector<16xi32> to vector<32xbf16>
        %mul3A_406 = arith.mulf %bitcast3A_404, %bitcast3A_405 : vector<32xbf16>
        %unpack3A_407 = tpu.unpack_subelements %mul3A_406, 0 {pack_format = #tpu.pack_format<interleaved>} : vector<32xbf16> -> vector<16xf32>
        %unpack3A_408 = tpu.unpack_subelements %mul3A_406, 1 {pack_format = #tpu.pack_format<interleaved>} : vector<32xbf16> -> vector<16xf32>
        %add3A_409 = arith.addf %add3A_394, %unpack3A_407 : vector<16xf32>
        %add3A_410 = arith.addf %add3A_395, %unpack3A_408 : vector<16xf32>
        %add3A_411 = arith.constant 1 : i32
        %add3A_412 = vector.broadcast %add3A_411 : i32 to vector<16xi32>
        %add3A_413 = arith.addi %and3A_401, %add3A_412 : vector<16xi32>
        %and3A_414 = arith.constant 63 : i32
        %and3A_415 = vector.broadcast %and3A_414 : i32 to vector<16xi32>
        %and3A_416 = arith.andi %add3A_413, %and3A_415 : vector<16xi32>
        %gather3A_417 = tpu.vector_load_idx %arg11[%add3A_263, %and3A_416] : memref<128x64xi32, #tpu.memory_space<vmem>>[vector<16xi32>, vector<16xi32>], vector<16xi32>,
        %gather3A_418 = tpu.vector_load_idx %arg12[%add3A_263, %and3A_416] : memref<128x64xi32, #tpu.memory_space<vmem>>[vector<16xi32>, vector<16xi32>], vector<16xi32>,
        %bitcast3A_419 = vector.bitcast %gather3A_417 : vector<16xi32> to vector<32xbf16>
        %bitcast3A_420 = vector.bitcast %gather3A_418 : vector<16xi32> to vector<32xbf16>
        %mul3A_421 = arith.mulf %bitcast3A_419, %bitcast3A_420 : vector<32xbf16>
        %unpack3A_422 = tpu.unpack_subelements %mul3A_421, 0 {pack_format = #tpu.pack_format<interleaved>} : vector<32xbf16> -> vector<16xf32>
        %unpack3A_423 = tpu.unpack_subelements %mul3A_421, 1 {pack_format = #tpu.pack_format<interleaved>} : vector<32xbf16> -> vector<16xf32>
        %add3A_424 = arith.addf %add3A_409, %unpack3A_422 : vector<16xf32>
        %add3A_425 = arith.addf %add3A_410, %unpack3A_423 : vector<16xf32>
        %add3A_426 = arith.constant 1 : i32
        %add3A_427 = vector.broadcast %add3A_426 : i32 to vector<16xi32>
        %add3A_428 = arith.addi %and3A_416, %add3A_427 : vector<16xi32>
        %and3A_429 = arith.constant 63 : i32
        %and3A_430 = vector.broadcast %and3A_429 : i32 to vector<16xi32>
        %and3A_431 = arith.andi %add3A_428, %and3A_430 : vector<16xi32>
        %gather3A_432 = tpu.vector_load_idx %arg11[%add3A_263, %and3A_431] : memref<128x64xi32, #tpu.memory_space<vmem>>[vector<16xi32>, vector<16xi32>], vector<16xi32>,
        %gather3A_433 = tpu.vector_load_idx %arg12[%add3A_263, %and3A_431] : memref<128x64xi32, #tpu.memory_space<vmem>>[vector<16xi32>, vector<16xi32>], vector<16xi32>,
        %bitcast3A_434 = vector.bitcast %gather3A_432 : vector<16xi32> to vector<32xbf16>
        %bitcast3A_435 = vector.bitcast %gather3A_433 : vector<16xi32> to vector<32xbf16>
        %mul3A_436 = arith.mulf %bitcast3A_434, %bitcast3A_435 : vector<32xbf16>
        %unpack3A_437 = tpu.unpack_subelements %mul3A_436, 0 {pack_format = #tpu.pack_format<interleaved>} : vector<32xbf16> -> vector<16xf32>
        %unpack3A_438 = tpu.unpack_subelements %mul3A_436, 1 {pack_format = #tpu.pack_format<interleaved>} : vector<32xbf16> -> vector<16xf32>
        %add3A_439 = arith.addf %add3A_424, %unpack3A_437 : vector<16xf32>
        %add3A_440 = arith.addf %add3A_425, %unpack3A_438 : vector<16xf32>
        %add3A_441 = arith.constant 1 : i32
        %add3A_442 = vector.broadcast %add3A_441 : i32 to vector<16xi32>
        %add3A_443 = arith.addi %and3A_431, %add3A_442 : vector<16xi32>
        %and3A_444 = arith.constant 63 : i32
        %and3A_445 = vector.broadcast %and3A_444 : i32 to vector<16xi32>
        %and3A_446 = arith.andi %add3A_443, %and3A_445 : vector<16xi32>
        %gather3A_447 = tpu.vector_load_idx %arg11[%add3A_263, %and3A_446] : memref<128x64xi32, #tpu.memory_space<vmem>>[vector<16xi32>, vector<16xi32>], vector<16xi32>,
        %gather3A_448 = tpu.vector_load_idx %arg12[%add3A_263, %and3A_446] : memref<128x64xi32, #tpu.memory_space<vmem>>[vector<16xi32>, vector<16xi32>], vector<16xi32>,
        %bitcast3A_449 = vector.bitcast %gather3A_447 : vector<16xi32> to vector<32xbf16>
        %bitcast3A_450 = vector.bitcast %gather3A_448 : vector<16xi32> to vector<32xbf16>
        %mul3A_451 = arith.mulf %bitcast3A_449, %bitcast3A_450 : vector<32xbf16>
        %unpack3A_452 = tpu.unpack_subelements %mul3A_451, 0 {pack_format = #tpu.pack_format<interleaved>} : vector<32xbf16> -> vector<16xf32>
        %unpack3A_453 = tpu.unpack_subelements %mul3A_451, 1 {pack_format = #tpu.pack_format<interleaved>} : vector<32xbf16> -> vector<16xf32>
        %add3A_454 = arith.addf %add3A_439, %unpack3A_452 : vector<16xf32>
        %add3A_455 = arith.addf %add3A_440, %unpack3A_453 : vector<16xf32>
        %add3A_456 = arith.constant 1 : i32
        %add3A_457 = vector.broadcast %add3A_456 : i32 to vector<16xi32>
        %add3A_458 = arith.addi %and3A_446, %add3A_457 : vector<16xi32>
        %and3A_459 = arith.constant 63 : i32
        %and3A_460 = vector.broadcast %and3A_459 : i32 to vector<16xi32>
        %and3A_461 = arith.andi %add3A_458, %and3A_460 : vector<16xi32>
        %gather3A_462 = tpu.vector_load_idx %arg11[%add3A_263, %and3A_461] : memref<128x64xi32, #tpu.memory_space<vmem>>[vector<16xi32>, vector<16xi32>], vector<16xi32>,
        %gather3A_463 = tpu.vector_load_idx %arg12[%add3A_263, %and3A_461] : memref<128x64xi32, #tpu.memory_space<vmem>>[vector<16xi32>, vector<16xi32>], vector<16xi32>,
        %bitcast3A_464 = vector.bitcast %gather3A_462 : vector<16xi32> to vector<32xbf16>
        %bitcast3A_465 = vector.bitcast %gather3A_463 : vector<16xi32> to vector<32xbf16>
        %mul3A_466 = arith.mulf %bitcast3A_464, %bitcast3A_465 : vector<32xbf16>
        %unpack3A_467 = tpu.unpack_subelements %mul3A_466, 0 {pack_format = #tpu.pack_format<interleaved>} : vector<32xbf16> -> vector<16xf32>
        %unpack3A_468 = tpu.unpack_subelements %mul3A_466, 1 {pack_format = #tpu.pack_format<interleaved>} : vector<32xbf16> -> vector<16xf32>
        %add3A_469 = arith.addf %add3A_454, %unpack3A_467 : vector<16xf32>
        %add3A_470 = arith.addf %add3A_455, %unpack3A_468 : vector<16xf32>
        %add3A_471 = arith.constant 1 : i32
        %add3A_472 = vector.broadcast %add3A_471 : i32 to vector<16xi32>
        %add3A_473 = arith.addi %and3A_461, %add3A_472 : vector<16xi32>
        %and3A_474 = arith.constant 63 : i32
        %and3A_475 = vector.broadcast %and3A_474 : i32 to vector<16xi32>
        %and3A_476 = arith.andi %add3A_473, %and3A_475 : vector<16xi32>
        scf.yield %add3A_469, %add3A_470, %and3A_476 : vector<16xf32>, vector<16xf32>, vector<16xi32>
      }
      %scan3A_271 = arith.constant 8 : i32
      %add3A_272 = arith.addf %scan3A_270#0, %scan3A_270#1 : vector<16xf32>
      %add3A_273 = arith.constant 32 : i32
      %add3A_274 = arith.addi %mul3A_228, %add3A_273 : i32
      %swap3A_275 = arith.index_cast %add3A_274 : i32 to index
      %swap3A_276 = tpu.vector_load %arg8[%swap3A_275] {strides = array<i32>} : memref<10000xf32, #tpu.memory_space<vmem>>, vector<16xf32>,
      tpu.vector_store %arg8[%swap3A_275], %add3A_272 {strides = array<i32>} : memref<10000xf32, #tpu.memory_space<vmem>>, vector<16xf32>,
      %add3A_277 = arith.constant 48 : i32
      %add3A_278 = vector.broadcast %add3A_277 : i32 to vector<16xi32>
      %add3A_279 = arith.addi %iota3A, %add3A_278 : vector<16xi32>
      %broadcast_in_dim3A_280 = arith.constant 0.000000e+00 : f32
      %broadcast_in_dim3A_281 = vector.broadcast %broadcast_in_dim3A_280 : f32 to vector<16xf32>
      %scan3A_282 = arith.constant 0 : i32
      %scan3A_283 = arith.constant 8 : i32
      %scan3A_284 = arith.addi %scan3A_282, %scan3A_283 : i32
      %scan3A_285 = arith.constant 1 : i32
      %scan3A_286:3 = scf.for %scan3A_357 = %scan3A_282 to %scan3A_284 step %scan3A_285 iter_args(%scan3A_358 = %broadcast_in_dim3A_281, %scan3A_359 = %broadcast_in_dim3A_281, %scan3A_360 = %iota3A) -> (vector<16xf32>, vector<16xf32>, vector<16xi32>)  : i32 {
        %gather3A = tpu.vector_load_idx %arg11[%add3A_279, %scan3A_360] : memref<128x64xi32, #tpu.memory_space<vmem>>[vector<16xi32>, vector<16xi32>], vector<16xi32>,
        %gather3A_361 = tpu.vector_load_idx %arg12[%add3A_279, %scan3A_360] : memref<128x64xi32, #tpu.memory_space<vmem>>[vector<16xi32>, vector<16xi32>], vector<16xi32>,
        %bitcast3A = vector.bitcast %gather3A : vector<16xi32> to vector<32xbf16>
        %bitcast3A_362 = vector.bitcast %gather3A_361 : vector<16xi32> to vector<32xbf16>
        %mul3A_363 = arith.mulf %bitcast3A, %bitcast3A_362 : vector<32xbf16>
        %unpack3A = tpu.unpack_subelements %mul3A_363, 0 {pack_format = #tpu.pack_format<interleaved>} : vector<32xbf16> -> vector<16xf32>
        %unpack3A_364 = tpu.unpack_subelements %mul3A_363, 1 {pack_format = #tpu.pack_format<interleaved>} : vector<32xbf16> -> vector<16xf32>
        %add3A_365 = arith.addf %scan3A_358, %unpack3A : vector<16xf32>
        %add3A_366 = arith.addf %scan3A_359, %unpack3A_364 : vector<16xf32>
        %add3A_367 = arith.constant 1 : i32
        %add3A_368 = vector.broadcast %add3A_367 : i32 to vector<16xi32>
        %add3A_369 = arith.addi %scan3A_360, %add3A_368 : vector<16xi32>
        %and3A = arith.constant 63 : i32
        %and3A_370 = vector.broadcast %and3A : i32 to vector<16xi32>
        %and3A_371 = arith.andi %add3A_369, %and3A_370 : vector<16xi32>
        %gather3A_372 = tpu.vector_load_idx %arg11[%add3A_279, %and3A_371] : memref<128x64xi32, #tpu.memory_space<vmem>>[vector<16xi32>, vector<16xi32>], vector<16xi32>,
        %gather3A_373 = tpu.vector_load_idx %arg12[%add3A_279, %and3A_371] : memref<128x64xi32, #tpu.memory_space<vmem>>[vector<16xi32>, vector<16xi32>], vector<16xi32>,
        %bitcast3A_374 = vector.bitcast %gather3A_372 : vector<16xi32> to vector<32xbf16>
        %bitcast3A_375 = vector.bitcast %gather3A_373 : vector<16xi32> to vector<32xbf16>
        %mul3A_376 = arith.mulf %bitcast3A_374, %bitcast3A_375 : vector<32xbf16>
        %unpack3A_377 = tpu.unpack_subelements %mul3A_376, 0 {pack_format = #tpu.pack_format<interleaved>} : vector<32xbf16> -> vector<16xf32>
        %unpack3A_378 = tpu.unpack_subelements %mul3A_376, 1 {pack_format = #tpu.pack_format<interleaved>} : vector<32xbf16> -> vector<16xf32>
        %add3A_379 = arith.addf %add3A_365, %unpack3A_377 : vector<16xf32>
        %add3A_380 = arith.addf %add3A_366, %unpack3A_378 : vector<16xf32>
        %add3A_381 = arith.constant 1 : i32
        %add3A_382 = vector.broadcast %add3A_381 : i32 to vector<16xi32>
        %add3A_383 = arith.addi %and3A_371, %add3A_382 : vector<16xi32>
        %and3A_384 = arith.constant 63 : i32
        %and3A_385 = vector.broadcast %and3A_384 : i32 to vector<16xi32>
        %and3A_386 = arith.andi %add3A_383, %and3A_385 : vector<16xi32>
        %gather3A_387 = tpu.vector_load_idx %arg11[%add3A_279, %and3A_386] : memref<128x64xi32, #tpu.memory_space<vmem>>[vector<16xi32>, vector<16xi32>], vector<16xi32>,
        %gather3A_388 = tpu.vector_load_idx %arg12[%add3A_279, %and3A_386] : memref<128x64xi32, #tpu.memory_space<vmem>>[vector<16xi32>, vector<16xi32>], vector<16xi32>,
        %bitcast3A_389 = vector.bitcast %gather3A_387 : vector<16xi32> to vector<32xbf16>
        %bitcast3A_390 = vector.bitcast %gather3A_388 : vector<16xi32> to vector<32xbf16>
        %mul3A_391 = arith.mulf %bitcast3A_389, %bitcast3A_390 : vector<32xbf16>
        %unpack3A_392 = tpu.unpack_subelements %mul3A_391, 0 {pack_format = #tpu.pack_format<interleaved>} : vector<32xbf16> -> vector<16xf32>
        %unpack3A_393 = tpu.unpack_subelements %mul3A_391, 1 {pack_format = #tpu.pack_format<interleaved>} : vector<32xbf16> -> vector<16xf32>
        %add3A_394 = arith.addf %add3A_379, %unpack3A_392 : vector<16xf32>
        %add3A_395 = arith.addf %add3A_380, %unpack3A_393 : vector<16xf32>
        %add3A_396 = arith.constant 1 : i32
        %add3A_397 = vector.broadcast %add3A_396 : i32 to vector<16xi32>
        %add3A_398 = arith.addi %and3A_386, %add3A_397 : vector<16xi32>
        %and3A_399 = arith.constant 63 : i32
        %and3A_400 = vector.broadcast %and3A_399 : i32 to vector<16xi32>
        %and3A_401 = arith.andi %add3A_398, %and3A_400 : vector<16xi32>
        %gather3A_402 = tpu.vector_load_idx %arg11[%add3A_279, %and3A_401] : memref<128x64xi32, #tpu.memory_space<vmem>>[vector<16xi32>, vector<16xi32>], vector<16xi32>,
        %gather3A_403 = tpu.vector_load_idx %arg12[%add3A_279, %and3A_401] : memref<128x64xi32, #tpu.memory_space<vmem>>[vector<16xi32>, vector<16xi32>], vector<16xi32>,
        %bitcast3A_404 = vector.bitcast %gather3A_402 : vector<16xi32> to vector<32xbf16>
        %bitcast3A_405 = vector.bitcast %gather3A_403 : vector<16xi32> to vector<32xbf16>
        %mul3A_406 = arith.mulf %bitcast3A_404, %bitcast3A_405 : vector<32xbf16>
        %unpack3A_407 = tpu.unpack_subelements %mul3A_406, 0 {pack_format = #tpu.pack_format<interleaved>} : vector<32xbf16> -> vector<16xf32>
        %unpack3A_408 = tpu.unpack_subelements %mul3A_406, 1 {pack_format = #tpu.pack_format<interleaved>} : vector<32xbf16> -> vector<16xf32>
        %add3A_409 = arith.addf %add3A_394, %unpack3A_407 : vector<16xf32>
        %add3A_410 = arith.addf %add3A_395, %unpack3A_408 : vector<16xf32>
        %add3A_411 = arith.constant 1 : i32
        %add3A_412 = vector.broadcast %add3A_411 : i32 to vector<16xi32>
        %add3A_413 = arith.addi %and3A_401, %add3A_412 : vector<16xi32>
        %and3A_414 = arith.constant 63 : i32
        %and3A_415 = vector.broadcast %and3A_414 : i32 to vector<16xi32>
        %and3A_416 = arith.andi %add3A_413, %and3A_415 : vector<16xi32>
        %gather3A_417 = tpu.vector_load_idx %arg11[%add3A_279, %and3A_416] : memref<128x64xi32, #tpu.memory_space<vmem>>[vector<16xi32>, vector<16xi32>], vector<16xi32>,
        %gather3A_418 = tpu.vector_load_idx %arg12[%add3A_279, %and3A_416] : memref<128x64xi32, #tpu.memory_space<vmem>>[vector<16xi32>, vector<16xi32>], vector<16xi32>,
        %bitcast3A_419 = vector.bitcast %gather3A_417 : vector<16xi32> to vector<32xbf16>
        %bitcast3A_420 = vector.bitcast %gather3A_418 : vector<16xi32> to vector<32xbf16>
        %mul3A_421 = arith.mulf %bitcast3A_419, %bitcast3A_420 : vector<32xbf16>
        %unpack3A_422 = tpu.unpack_subelements %mul3A_421, 0 {pack_format = #tpu.pack_format<interleaved>} : vector<32xbf16> -> vector<16xf32>
        %unpack3A_423 = tpu.unpack_subelements %mul3A_421, 1 {pack_format = #tpu.pack_format<interleaved>} : vector<32xbf16> -> vector<16xf32>
        %add3A_424 = arith.addf %add3A_409, %unpack3A_422 : vector<16xf32>
        %add3A_425 = arith.addf %add3A_410, %unpack3A_423 : vector<16xf32>
        %add3A_426 = arith.constant 1 : i32
        %add3A_427 = vector.broadcast %add3A_426 : i32 to vector<16xi32>
        %add3A_428 = arith.addi %and3A_416, %add3A_427 : vector<16xi32>
        %and3A_429 = arith.constant 63 : i32
        %and3A_430 = vector.broadcast %and3A_429 : i32 to vector<16xi32>
        %and3A_431 = arith.andi %add3A_428, %and3A_430 : vector<16xi32>
        %gather3A_432 = tpu.vector_load_idx %arg11[%add3A_279, %and3A_431] : memref<128x64xi32, #tpu.memory_space<vmem>>[vector<16xi32>, vector<16xi32>], vector<16xi32>,
        %gather3A_433 = tpu.vector_load_idx %arg12[%add3A_279, %and3A_431] : memref<128x64xi32, #tpu.memory_space<vmem>>[vector<16xi32>, vector<16xi32>], vector<16xi32>,
        %bitcast3A_434 = vector.bitcast %gather3A_432 : vector<16xi32> to vector<32xbf16>
        %bitcast3A_435 = vector.bitcast %gather3A_433 : vector<16xi32> to vector<32xbf16>
        %mul3A_436 = arith.mulf %bitcast3A_434, %bitcast3A_435 : vector<32xbf16>
        %unpack3A_437 = tpu.unpack_subelements %mul3A_436, 0 {pack_format = #tpu.pack_format<interleaved>} : vector<32xbf16> -> vector<16xf32>
        %unpack3A_438 = tpu.unpack_subelements %mul3A_436, 1 {pack_format = #tpu.pack_format<interleaved>} : vector<32xbf16> -> vector<16xf32>
        %add3A_439 = arith.addf %add3A_424, %unpack3A_437 : vector<16xf32>
        %add3A_440 = arith.addf %add3A_425, %unpack3A_438 : vector<16xf32>
        %add3A_441 = arith.constant 1 : i32
        %add3A_442 = vector.broadcast %add3A_441 : i32 to vector<16xi32>
        %add3A_443 = arith.addi %and3A_431, %add3A_442 : vector<16xi32>
        %and3A_444 = arith.constant 63 : i32
        %and3A_445 = vector.broadcast %and3A_444 : i32 to vector<16xi32>
        %and3A_446 = arith.andi %add3A_443, %and3A_445 : vector<16xi32>
        %gather3A_447 = tpu.vector_load_idx %arg11[%add3A_279, %and3A_446] : memref<128x64xi32, #tpu.memory_space<vmem>>[vector<16xi32>, vector<16xi32>], vector<16xi32>,
        %gather3A_448 = tpu.vector_load_idx %arg12[%add3A_279, %and3A_446] : memref<128x64xi32, #tpu.memory_space<vmem>>[vector<16xi32>, vector<16xi32>], vector<16xi32>,
        %bitcast3A_449 = vector.bitcast %gather3A_447 : vector<16xi32> to vector<32xbf16>
        %bitcast3A_450 = vector.bitcast %gather3A_448 : vector<16xi32> to vector<32xbf16>
        %mul3A_451 = arith.mulf %bitcast3A_449, %bitcast3A_450 : vector<32xbf16>
        %unpack3A_452 = tpu.unpack_subelements %mul3A_451, 0 {pack_format = #tpu.pack_format<interleaved>} : vector<32xbf16> -> vector<16xf32>
        %unpack3A_453 = tpu.unpack_subelements %mul3A_451, 1 {pack_format = #tpu.pack_format<interleaved>} : vector<32xbf16> -> vector<16xf32>
        %add3A_454 = arith.addf %add3A_439, %unpack3A_452 : vector<16xf32>
        %add3A_455 = arith.addf %add3A_440, %unpack3A_453 : vector<16xf32>
        %add3A_456 = arith.constant 1 : i32
        %add3A_457 = vector.broadcast %add3A_456 : i32 to vector<16xi32>
        %add3A_458 = arith.addi %and3A_446, %add3A_457 : vector<16xi32>
        %and3A_459 = arith.constant 63 : i32
        %and3A_460 = vector.broadcast %and3A_459 : i32 to vector<16xi32>
        %and3A_461 = arith.andi %add3A_458, %and3A_460 : vector<16xi32>
        %gather3A_462 = tpu.vector_load_idx %arg11[%add3A_279, %and3A_461] : memref<128x64xi32, #tpu.memory_space<vmem>>[vector<16xi32>, vector<16xi32>], vector<16xi32>,
        %gather3A_463 = tpu.vector_load_idx %arg12[%add3A_279, %and3A_461] : memref<128x64xi32, #tpu.memory_space<vmem>>[vector<16xi32>, vector<16xi32>], vector<16xi32>,
        %bitcast3A_464 = vector.bitcast %gather3A_462 : vector<16xi32> to vector<32xbf16>
        %bitcast3A_465 = vector.bitcast %gather3A_463 : vector<16xi32> to vector<32xbf16>
        %mul3A_466 = arith.mulf %bitcast3A_464, %bitcast3A_465 : vector<32xbf16>
        %unpack3A_467 = tpu.unpack_subelements %mul3A_466, 0 {pack_format = #tpu.pack_format<interleaved>} : vector<32xbf16> -> vector<16xf32>
        %unpack3A_468 = tpu.unpack_subelements %mul3A_466, 1 {pack_format = #tpu.pack_format<interleaved>} : vector<32xbf16> -> vector<16xf32>
        %add3A_469 = arith.addf %add3A_454, %unpack3A_467 : vector<16xf32>
        %add3A_470 = arith.addf %add3A_455, %unpack3A_468 : vector<16xf32>
        %add3A_471 = arith.constant 1 : i32
        %add3A_472 = vector.broadcast %add3A_471 : i32 to vector<16xi32>
        %add3A_473 = arith.addi %and3A_461, %add3A_472 : vector<16xi32>
        %and3A_474 = arith.constant 63 : i32
        %and3A_475 = vector.broadcast %and3A_474 : i32 to vector<16xi32>
        %and3A_476 = arith.andi %add3A_473, %and3A_475 : vector<16xi32>
        scf.yield %add3A_469, %add3A_470, %and3A_476 : vector<16xf32>, vector<16xf32>, vector<16xi32>
      }
      %scan3A_287 = arith.constant 8 : i32
      %add3A_288 = arith.addf %scan3A_286#0, %scan3A_286#1 : vector<16xf32>
      %add3A_289 = arith.constant 48 : i32
      %add3A_290 = arith.addi %mul3A_228, %add3A_289 : i32
      %swap3A_291 = arith.index_cast %add3A_290 : i32 to index
      %swap3A_292 = tpu.vector_load %arg8[%swap3A_291] {strides = array<i32>} : memref<10000xf32, #tpu.memory_space<vmem>>, vector<16xf32>,
      tpu.vector_store %arg8[%swap3A_291], %add3A_288 {strides = array<i32>} : memref<10000xf32, #tpu.memory_space<vmem>>, vector<16xf32>,
      %add3A_293 = arith.constant 64 : i32
      %add3A_294 = vector.broadcast %add3A_293 : i32 to vector<16xi32>
      %add3A_295 = arith.addi %iota3A, %add3A_294 : vector<16xi32>
      %broadcast_in_dim3A_296 = arith.constant 0.000000e+00 : f32
      %broadcast_in_dim3A_297 = vector.broadcast %broadcast_in_dim3A_296 : f32 to vector<16xf32>
      %scan3A_298 = arith.constant 0 : i32
      %scan3A_299 = arith.constant 8 : i32
      %scan3A_300 = arith.addi %scan3A_298, %scan3A_299 : i32
      %scan3A_301 = arith.constant 1 : i32
      %scan3A_302:3 = scf.for %scan3A_357 = %scan3A_298 to %scan3A_300 step %scan3A_301 iter_args(%scan3A_358 = %broadcast_in_dim3A_297, %scan3A_359 = %broadcast_in_dim3A_297, %scan3A_360 = %iota3A) -> (vector<16xf32>, vector<16xf32>, vector<16xi32>)  : i32 {
        %gather3A = tpu.vector_load_idx %arg11[%add3A_295, %scan3A_360] : memref<128x64xi32, #tpu.memory_space<vmem>>[vector<16xi32>, vector<16xi32>], vector<16xi32>,
        %gather3A_361 = tpu.vector_load_idx %arg12[%add3A_295, %scan3A_360] : memref<128x64xi32, #tpu.memory_space<vmem>>[vector<16xi32>, vector<16xi32>], vector<16xi32>,
        %bitcast3A = vector.bitcast %gather3A : vector<16xi32> to vector<32xbf16>
        %bitcast3A_362 = vector.bitcast %gather3A_361 : vector<16xi32> to vector<32xbf16>
        %mul3A_363 = arith.mulf %bitcast3A, %bitcast3A_362 : vector<32xbf16>
        %unpack3A = tpu.unpack_subelements %mul3A_363, 0 {pack_format = #tpu.pack_format<interleaved>} : vector<32xbf16> -> vector<16xf32>
        %unpack3A_364 = tpu.unpack_subelements %mul3A_363, 1 {pack_format = #tpu.pack_format<interleaved>} : vector<32xbf16> -> vector<16xf32>
        %add3A_365 = arith.addf %scan3A_358, %unpack3A : vector<16xf32>
        %add3A_366 = arith.addf %scan3A_359, %unpack3A_364 : vector<16xf32>
        %add3A_367 = arith.constant 1 : i32
        %add3A_368 = vector.broadcast %add3A_367 : i32 to vector<16xi32>
        %add3A_369 = arith.addi %scan3A_360, %add3A_368 : vector<16xi32>
        %and3A = arith.constant 63 : i32
        %and3A_370 = vector.broadcast %and3A : i32 to vector<16xi32>
        %and3A_371 = arith.andi %add3A_369, %and3A_370 : vector<16xi32>
        %gather3A_372 = tpu.vector_load_idx %arg11[%add3A_295, %and3A_371] : memref<128x64xi32, #tpu.memory_space<vmem>>[vector<16xi32>, vector<16xi32>], vector<16xi32>,
        %gather3A_373 = tpu.vector_load_idx %arg12[%add3A_295, %and3A_371] : memref<128x64xi32, #tpu.memory_space<vmem>>[vector<16xi32>, vector<16xi32>], vector<16xi32>,
        %bitcast3A_374 = vector.bitcast %gather3A_372 : vector<16xi32> to vector<32xbf16>
        %bitcast3A_375 = vector.bitcast %gather3A_373 : vector<16xi32> to vector<32xbf16>
        %mul3A_376 = arith.mulf %bitcast3A_374, %bitcast3A_375 : vector<32xbf16>
        %unpack3A_377 = tpu.unpack_subelements %mul3A_376, 0 {pack_format = #tpu.pack_format<interleaved>} : vector<32xbf16> -> vector<16xf32>
        %unpack3A_378 = tpu.unpack_subelements %mul3A_376, 1 {pack_format = #tpu.pack_format<interleaved>} : vector<32xbf16> -> vector<16xf32>
        %add3A_379 = arith.addf %add3A_365, %unpack3A_377 : vector<16xf32>
        %add3A_380 = arith.addf %add3A_366, %unpack3A_378 : vector<16xf32>
        %add3A_381 = arith.constant 1 : i32
        %add3A_382 = vector.broadcast %add3A_381 : i32 to vector<16xi32>
        %add3A_383 = arith.addi %and3A_371, %add3A_382 : vector<16xi32>
        %and3A_384 = arith.constant 63 : i32
        %and3A_385 = vector.broadcast %and3A_384 : i32 to vector<16xi32>
        %and3A_386 = arith.andi %add3A_383, %and3A_385 : vector<16xi32>
        %gather3A_387 = tpu.vector_load_idx %arg11[%add3A_295, %and3A_386] : memref<128x64xi32, #tpu.memory_space<vmem>>[vector<16xi32>, vector<16xi32>], vector<16xi32>,
        %gather3A_388 = tpu.vector_load_idx %arg12[%add3A_295, %and3A_386] : memref<128x64xi32, #tpu.memory_space<vmem>>[vector<16xi32>, vector<16xi32>], vector<16xi32>,
        %bitcast3A_389 = vector.bitcast %gather3A_387 : vector<16xi32> to vector<32xbf16>
        %bitcast3A_390 = vector.bitcast %gather3A_388 : vector<16xi32> to vector<32xbf16>
        %mul3A_391 = arith.mulf %bitcast3A_389, %bitcast3A_390 : vector<32xbf16>
        %unpack3A_392 = tpu.unpack_subelements %mul3A_391, 0 {pack_format = #tpu.pack_format<interleaved>} : vector<32xbf16> -> vector<16xf32>
        %unpack3A_393 = tpu.unpack_subelements %mul3A_391, 1 {pack_format = #tpu.pack_format<interleaved>} : vector<32xbf16> -> vector<16xf32>
        %add3A_394 = arith.addf %add3A_379, %unpack3A_392 : vector<16xf32>
        %add3A_395 = arith.addf %add3A_380, %unpack3A_393 : vector<16xf32>
        %add3A_396 = arith.constant 1 : i32
        %add3A_397 = vector.broadcast %add3A_396 : i32 to vector<16xi32>
        %add3A_398 = arith.addi %and3A_386, %add3A_397 : vector<16xi32>
        %and3A_399 = arith.constant 63 : i32
        %and3A_400 = vector.broadcast %and3A_399 : i32 to vector<16xi32>
        %and3A_401 = arith.andi %add3A_398, %and3A_400 : vector<16xi32>
        %gather3A_402 = tpu.vector_load_idx %arg11[%add3A_295, %and3A_401] : memref<128x64xi32, #tpu.memory_space<vmem>>[vector<16xi32>, vector<16xi32>], vector<16xi32>,
        %gather3A_403 = tpu.vector_load_idx %arg12[%add3A_295, %and3A_401] : memref<128x64xi32, #tpu.memory_space<vmem>>[vector<16xi32>, vector<16xi32>], vector<16xi32>,
        %bitcast3A_404 = vector.bitcast %gather3A_402 : vector<16xi32> to vector<32xbf16>
        %bitcast3A_405 = vector.bitcast %gather3A_403 : vector<16xi32> to vector<32xbf16>
        %mul3A_406 = arith.mulf %bitcast3A_404, %bitcast3A_405 : vector<32xbf16>
        %unpack3A_407 = tpu.unpack_subelements %mul3A_406, 0 {pack_format = #tpu.pack_format<interleaved>} : vector<32xbf16> -> vector<16xf32>
        %unpack3A_408 = tpu.unpack_subelements %mul3A_406, 1 {pack_format = #tpu.pack_format<interleaved>} : vector<32xbf16> -> vector<16xf32>
        %add3A_409 = arith.addf %add3A_394, %unpack3A_407 : vector<16xf32>
        %add3A_410 = arith.addf %add3A_395, %unpack3A_408 : vector<16xf32>
        %add3A_411 = arith.constant 1 : i32
        %add3A_412 = vector.broadcast %add3A_411 : i32 to vector<16xi32>
        %add3A_413 = arith.addi %and3A_401, %add3A_412 : vector<16xi32>
        %and3A_414 = arith.constant 63 : i32
        %and3A_415 = vector.broadcast %and3A_414 : i32 to vector<16xi32>
        %and3A_416 = arith.andi %add3A_413, %and3A_415 : vector<16xi32>
        %gather3A_417 = tpu.vector_load_idx %arg11[%add3A_295, %and3A_416] : memref<128x64xi32, #tpu.memory_space<vmem>>[vector<16xi32>, vector<16xi32>], vector<16xi32>,
        %gather3A_418 = tpu.vector_load_idx %arg12[%add3A_295, %and3A_416] : memref<128x64xi32, #tpu.memory_space<vmem>>[vector<16xi32>, vector<16xi32>], vector<16xi32>,
        %bitcast3A_419 = vector.bitcast %gather3A_417 : vector<16xi32> to vector<32xbf16>
        %bitcast3A_420 = vector.bitcast %gather3A_418 : vector<16xi32> to vector<32xbf16>
        %mul3A_421 = arith.mulf %bitcast3A_419, %bitcast3A_420 : vector<32xbf16>
        %unpack3A_422 = tpu.unpack_subelements %mul3A_421, 0 {pack_format = #tpu.pack_format<interleaved>} : vector<32xbf16> -> vector<16xf32>
        %unpack3A_423 = tpu.unpack_subelements %mul3A_421, 1 {pack_format = #tpu.pack_format<interleaved>} : vector<32xbf16> -> vector<16xf32>
        %add3A_424 = arith.addf %add3A_409, %unpack3A_422 : vector<16xf32>
        %add3A_425 = arith.addf %add3A_410, %unpack3A_423 : vector<16xf32>
        %add3A_426 = arith.constant 1 : i32
        %add3A_427 = vector.broadcast %add3A_426 : i32 to vector<16xi32>
        %add3A_428 = arith.addi %and3A_416, %add3A_427 : vector<16xi32>
        %and3A_429 = arith.constant 63 : i32
        %and3A_430 = vector.broadcast %and3A_429 : i32 to vector<16xi32>
        %and3A_431 = arith.andi %add3A_428, %and3A_430 : vector<16xi32>
        %gather3A_432 = tpu.vector_load_idx %arg11[%add3A_295, %and3A_431] : memref<128x64xi32, #tpu.memory_space<vmem>>[vector<16xi32>, vector<16xi32>], vector<16xi32>,
        %gather3A_433 = tpu.vector_load_idx %arg12[%add3A_295, %and3A_431] : memref<128x64xi32, #tpu.memory_space<vmem>>[vector<16xi32>, vector<16xi32>], vector<16xi32>,
        %bitcast3A_434 = vector.bitcast %gather3A_432 : vector<16xi32> to vector<32xbf16>
        %bitcast3A_435 = vector.bitcast %gather3A_433 : vector<16xi32> to vector<32xbf16>
        %mul3A_436 = arith.mulf %bitcast3A_434, %bitcast3A_435 : vector<32xbf16>
        %unpack3A_437 = tpu.unpack_subelements %mul3A_436, 0 {pack_format = #tpu.pack_format<interleaved>} : vector<32xbf16> -> vector<16xf32>
        %unpack3A_438 = tpu.unpack_subelements %mul3A_436, 1 {pack_format = #tpu.pack_format<interleaved>} : vector<32xbf16> -> vector<16xf32>
        %add3A_439 = arith.addf %add3A_424, %unpack3A_437 : vector<16xf32>
        %add3A_440 = arith.addf %add3A_425, %unpack3A_438 : vector<16xf32>
        %add3A_441 = arith.constant 1 : i32
        %add3A_442 = vector.broadcast %add3A_441 : i32 to vector<16xi32>
        %add3A_443 = arith.addi %and3A_431, %add3A_442 : vector<16xi32>
        %and3A_444 = arith.constant 63 : i32
        %and3A_445 = vector.broadcast %and3A_444 : i32 to vector<16xi32>
        %and3A_446 = arith.andi %add3A_443, %and3A_445 : vector<16xi32>
        %gather3A_447 = tpu.vector_load_idx %arg11[%add3A_295, %and3A_446] : memref<128x64xi32, #tpu.memory_space<vmem>>[vector<16xi32>, vector<16xi32>], vector<16xi32>,
        %gather3A_448 = tpu.vector_load_idx %arg12[%add3A_295, %and3A_446] : memref<128x64xi32, #tpu.memory_space<vmem>>[vector<16xi32>, vector<16xi32>], vector<16xi32>,
        %bitcast3A_449 = vector.bitcast %gather3A_447 : vector<16xi32> to vector<32xbf16>
        %bitcast3A_450 = vector.bitcast %gather3A_448 : vector<16xi32> to vector<32xbf16>
        %mul3A_451 = arith.mulf %bitcast3A_449, %bitcast3A_450 : vector<32xbf16>
        %unpack3A_452 = tpu.unpack_subelements %mul3A_451, 0 {pack_format = #tpu.pack_format<interleaved>} : vector<32xbf16> -> vector<16xf32>
        %unpack3A_453 = tpu.unpack_subelements %mul3A_451, 1 {pack_format = #tpu.pack_format<interleaved>} : vector<32xbf16> -> vector<16xf32>
        %add3A_454 = arith.addf %add3A_439, %unpack3A_452 : vector<16xf32>
        %add3A_455 = arith.addf %add3A_440, %unpack3A_453 : vector<16xf32>
        %add3A_456 = arith.constant 1 : i32
        %add3A_457 = vector.broadcast %add3A_456 : i32 to vector<16xi32>
        %add3A_458 = arith.addi %and3A_446, %add3A_457 : vector<16xi32>
        %and3A_459 = arith.constant 63 : i32
        %and3A_460 = vector.broadcast %and3A_459 : i32 to vector<16xi32>
        %and3A_461 = arith.andi %add3A_458, %and3A_460 : vector<16xi32>
        %gather3A_462 = tpu.vector_load_idx %arg11[%add3A_295, %and3A_461] : memref<128x64xi32, #tpu.memory_space<vmem>>[vector<16xi32>, vector<16xi32>], vector<16xi32>,
        %gather3A_463 = tpu.vector_load_idx %arg12[%add3A_295, %and3A_461] : memref<128x64xi32, #tpu.memory_space<vmem>>[vector<16xi32>, vector<16xi32>], vector<16xi32>,
        %bitcast3A_464 = vector.bitcast %gather3A_462 : vector<16xi32> to vector<32xbf16>
        %bitcast3A_465 = vector.bitcast %gather3A_463 : vector<16xi32> to vector<32xbf16>
        %mul3A_466 = arith.mulf %bitcast3A_464, %bitcast3A_465 : vector<32xbf16>
        %unpack3A_467 = tpu.unpack_subelements %mul3A_466, 0 {pack_format = #tpu.pack_format<interleaved>} : vector<32xbf16> -> vector<16xf32>
        %unpack3A_468 = tpu.unpack_subelements %mul3A_466, 1 {pack_format = #tpu.pack_format<interleaved>} : vector<32xbf16> -> vector<16xf32>
        %add3A_469 = arith.addf %add3A_454, %unpack3A_467 : vector<16xf32>
        %add3A_470 = arith.addf %add3A_455, %unpack3A_468 : vector<16xf32>
        %add3A_471 = arith.constant 1 : i32
        %add3A_472 = vector.broadcast %add3A_471 : i32 to vector<16xi32>
        %add3A_473 = arith.addi %and3A_461, %add3A_472 : vector<16xi32>
        %and3A_474 = arith.constant 63 : i32
        %and3A_475 = vector.broadcast %and3A_474 : i32 to vector<16xi32>
        %and3A_476 = arith.andi %add3A_473, %and3A_475 : vector<16xi32>
        scf.yield %add3A_469, %add3A_470, %and3A_476 : vector<16xf32>, vector<16xf32>, vector<16xi32>
      }
      %scan3A_303 = arith.constant 8 : i32
      %add3A_304 = arith.addf %scan3A_302#0, %scan3A_302#1 : vector<16xf32>
      %add3A_305 = arith.constant 64 : i32
      %add3A_306 = arith.addi %mul3A_228, %add3A_305 : i32
      %swap3A_307 = arith.index_cast %add3A_306 : i32 to index
      %swap3A_308 = tpu.vector_load %arg8[%swap3A_307] {strides = array<i32>} : memref<10000xf32, #tpu.memory_space<vmem>>, vector<16xf32>,
      tpu.vector_store %arg8[%swap3A_307], %add3A_304 {strides = array<i32>} : memref<10000xf32, #tpu.memory_space<vmem>>, vector<16xf32>,
      %add3A_309 = arith.constant 80 : i32
      %add3A_310 = vector.broadcast %add3A_309 : i32 to vector<16xi32>
      %add3A_311 = arith.addi %iota3A, %add3A_310 : vector<16xi32>
      %broadcast_in_dim3A_312 = arith.constant 0.000000e+00 : f32
      %broadcast_in_dim3A_313 = vector.broadcast %broadcast_in_dim3A_312 : f32 to vector<16xf32>
      %scan3A_314 = arith.constant 0 : i32
      %scan3A_315 = arith.constant 8 : i32
      %scan3A_316 = arith.addi %scan3A_314, %scan3A_315 : i32
      %scan3A_317 = arith.constant 1 : i32
      %scan3A_318:3 = scf.for %scan3A_357 = %scan3A_314 to %scan3A_316 step %scan3A_317 iter_args(%scan3A_358 = %broadcast_in_dim3A_313, %scan3A_359 = %broadcast_in_dim3A_313, %scan3A_360 = %iota3A) -> (vector<16xf32>, vector<16xf32>, vector<16xi32>)  : i32 {
        %gather3A = tpu.vector_load_idx %arg11[%add3A_311, %scan3A_360] : memref<128x64xi32, #tpu.memory_space<vmem>>[vector<16xi32>, vector<16xi32>], vector<16xi32>,
        %gather3A_361 = tpu.vector_load_idx %arg12[%add3A_311, %scan3A_360] : memref<128x64xi32, #tpu.memory_space<vmem>>[vector<16xi32>, vector<16xi32>], vector<16xi32>,
        %bitcast3A = vector.bitcast %gather3A : vector<16xi32> to vector<32xbf16>
        %bitcast3A_362 = vector.bitcast %gather3A_361 : vector<16xi32> to vector<32xbf16>
        %mul3A_363 = arith.mulf %bitcast3A, %bitcast3A_362 : vector<32xbf16>
        %unpack3A = tpu.unpack_subelements %mul3A_363, 0 {pack_format = #tpu.pack_format<interleaved>} : vector<32xbf16> -> vector<16xf32>
        %unpack3A_364 = tpu.unpack_subelements %mul3A_363, 1 {pack_format = #tpu.pack_format<interleaved>} : vector<32xbf16> -> vector<16xf32>
        %add3A_365 = arith.addf %scan3A_358, %unpack3A : vector<16xf32>
        %add3A_366 = arith.addf %scan3A_359, %unpack3A_364 : vector<16xf32>
        %add3A_367 = arith.constant 1 : i32
        %add3A_368 = vector.broadcast %add3A_367 : i32 to vector<16xi32>
        %add3A_369 = arith.addi %scan3A_360, %add3A_368 : vector<16xi32>
        %and3A = arith.constant 63 : i32
        %and3A_370 = vector.broadcast %and3A : i32 to vector<16xi32>
        %and3A_371 = arith.andi %add3A_369, %and3A_370 : vector<16xi32>
        %gather3A_372 = tpu.vector_load_idx %arg11[%add3A_311, %and3A_371] : memref<128x64xi32, #tpu.memory_space<vmem>>[vector<16xi32>, vector<16xi32>], vector<16xi32>,
        %gather3A_373 = tpu.vector_load_idx %arg12[%add3A_311, %and3A_371] : memref<128x64xi32, #tpu.memory_space<vmem>>[vector<16xi32>, vector<16xi32>], vector<16xi32>,
        %bitcast3A_374 = vector.bitcast %gather3A_372 : vector<16xi32> to vector<32xbf16>
        %bitcast3A_375 = vector.bitcast %gather3A_373 : vector<16xi32> to vector<32xbf16>
        %mul3A_376 = arith.mulf %bitcast3A_374, %bitcast3A_375 : vector<32xbf16>
        %unpack3A_377 = tpu.unpack_subelements %mul3A_376, 0 {pack_format = #tpu.pack_format<interleaved>} : vector<32xbf16> -> vector<16xf32>
        %unpack3A_378 = tpu.unpack_subelements %mul3A_376, 1 {pack_format = #tpu.pack_format<interleaved>} : vector<32xbf16> -> vector<16xf32>
        %add3A_379 = arith.addf %add3A_365, %unpack3A_377 : vector<16xf32>
        %add3A_380 = arith.addf %add3A_366, %unpack3A_378 : vector<16xf32>
        %add3A_381 = arith.constant 1 : i32
        %add3A_382 = vector.broadcast %add3A_381 : i32 to vector<16xi32>
        %add3A_383 = arith.addi %and3A_371, %add3A_382 : vector<16xi32>
        %and3A_384 = arith.constant 63 : i32
        %and3A_385 = vector.broadcast %and3A_384 : i32 to vector<16xi32>
        %and3A_386 = arith.andi %add3A_383, %and3A_385 : vector<16xi32>
        %gather3A_387 = tpu.vector_load_idx %arg11[%add3A_311, %and3A_386] : memref<128x64xi32, #tpu.memory_space<vmem>>[vector<16xi32>, vector<16xi32>], vector<16xi32>,
        %gather3A_388 = tpu.vector_load_idx %arg12[%add3A_311, %and3A_386] : memref<128x64xi32, #tpu.memory_space<vmem>>[vector<16xi32>, vector<16xi32>], vector<16xi32>,
        %bitcast3A_389 = vector.bitcast %gather3A_387 : vector<16xi32> to vector<32xbf16>
        %bitcast3A_390 = vector.bitcast %gather3A_388 : vector<16xi32> to vector<32xbf16>
        %mul3A_391 = arith.mulf %bitcast3A_389, %bitcast3A_390 : vector<32xbf16>
        %unpack3A_392 = tpu.unpack_subelements %mul3A_391, 0 {pack_format = #tpu.pack_format<interleaved>} : vector<32xbf16> -> vector<16xf32>
        %unpack3A_393 = tpu.unpack_subelements %mul3A_391, 1 {pack_format = #tpu.pack_format<interleaved>} : vector<32xbf16> -> vector<16xf32>
        %add3A_394 = arith.addf %add3A_379, %unpack3A_392 : vector<16xf32>
        %add3A_395 = arith.addf %add3A_380, %unpack3A_393 : vector<16xf32>
        %add3A_396 = arith.constant 1 : i32
        %add3A_397 = vector.broadcast %add3A_396 : i32 to vector<16xi32>
        %add3A_398 = arith.addi %and3A_386, %add3A_397 : vector<16xi32>
        %and3A_399 = arith.constant 63 : i32
        %and3A_400 = vector.broadcast %and3A_399 : i32 to vector<16xi32>
        %and3A_401 = arith.andi %add3A_398, %and3A_400 : vector<16xi32>
        %gather3A_402 = tpu.vector_load_idx %arg11[%add3A_311, %and3A_401] : memref<128x64xi32, #tpu.memory_space<vmem>>[vector<16xi32>, vector<16xi32>], vector<16xi32>,
        %gather3A_403 = tpu.vector_load_idx %arg12[%add3A_311, %and3A_401] : memref<128x64xi32, #tpu.memory_space<vmem>>[vector<16xi32>, vector<16xi32>], vector<16xi32>,
        %bitcast3A_404 = vector.bitcast %gather3A_402 : vector<16xi32> to vector<32xbf16>
        %bitcast3A_405 = vector.bitcast %gather3A_403 : vector<16xi32> to vector<32xbf16>
        %mul3A_406 = arith.mulf %bitcast3A_404, %bitcast3A_405 : vector<32xbf16>
        %unpack3A_407 = tpu.unpack_subelements %mul3A_406, 0 {pack_format = #tpu.pack_format<interleaved>} : vector<32xbf16> -> vector<16xf32>
        %unpack3A_408 = tpu.unpack_subelements %mul3A_406, 1 {pack_format = #tpu.pack_format<interleaved>} : vector<32xbf16> -> vector<16xf32>
        %add3A_409 = arith.addf %add3A_394, %unpack3A_407 : vector<16xf32>
        %add3A_410 = arith.addf %add3A_395, %unpack3A_408 : vector<16xf32>
        %add3A_411 = arith.constant 1 : i32
        %add3A_412 = vector.broadcast %add3A_411 : i32 to vector<16xi32>
        %add3A_413 = arith.addi %and3A_401, %add3A_412 : vector<16xi32>
        %and3A_414 = arith.constant 63 : i32
        %and3A_415 = vector.broadcast %and3A_414 : i32 to vector<16xi32>
        %and3A_416 = arith.andi %add3A_413, %and3A_415 : vector<16xi32>
        %gather3A_417 = tpu.vector_load_idx %arg11[%add3A_311, %and3A_416] : memref<128x64xi32, #tpu.memory_space<vmem>>[vector<16xi32>, vector<16xi32>], vector<16xi32>,
        %gather3A_418 = tpu.vector_load_idx %arg12[%add3A_311, %and3A_416] : memref<128x64xi32, #tpu.memory_space<vmem>>[vector<16xi32>, vector<16xi32>], vector<16xi32>,
        %bitcast3A_419 = vector.bitcast %gather3A_417 : vector<16xi32> to vector<32xbf16>
        %bitcast3A_420 = vector.bitcast %gather3A_418 : vector<16xi32> to vector<32xbf16>
        %mul3A_421 = arith.mulf %bitcast3A_419, %bitcast3A_420 : vector<32xbf16>
        %unpack3A_422 = tpu.unpack_subelements %mul3A_421, 0 {pack_format = #tpu.pack_format<interleaved>} : vector<32xbf16> -> vector<16xf32>
        %unpack3A_423 = tpu.unpack_subelements %mul3A_421, 1 {pack_format = #tpu.pack_format<interleaved>} : vector<32xbf16> -> vector<16xf32>
        %add3A_424 = arith.addf %add3A_409, %unpack3A_422 : vector<16xf32>
        %add3A_425 = arith.addf %add3A_410, %unpack3A_423 : vector<16xf32>
        %add3A_426 = arith.constant 1 : i32
        %add3A_427 = vector.broadcast %add3A_426 : i32 to vector<16xi32>
        %add3A_428 = arith.addi %and3A_416, %add3A_427 : vector<16xi32>
        %and3A_429 = arith.constant 63 : i32
        %and3A_430 = vector.broadcast %and3A_429 : i32 to vector<16xi32>
        %and3A_431 = arith.andi %add3A_428, %and3A_430 : vector<16xi32>
        %gather3A_432 = tpu.vector_load_idx %arg11[%add3A_311, %and3A_431] : memref<128x64xi32, #tpu.memory_space<vmem>>[vector<16xi32>, vector<16xi32>], vector<16xi32>,
        %gather3A_433 = tpu.vector_load_idx %arg12[%add3A_311, %and3A_431] : memref<128x64xi32, #tpu.memory_space<vmem>>[vector<16xi32>, vector<16xi32>], vector<16xi32>,
        %bitcast3A_434 = vector.bitcast %gather3A_432 : vector<16xi32> to vector<32xbf16>
        %bitcast3A_435 = vector.bitcast %gather3A_433 : vector<16xi32> to vector<32xbf16>
        %mul3A_436 = arith.mulf %bitcast3A_434, %bitcast3A_435 : vector<32xbf16>
        %unpack3A_437 = tpu.unpack_subelements %mul3A_436, 0 {pack_format = #tpu.pack_format<interleaved>} : vector<32xbf16> -> vector<16xf32>
        %unpack3A_438 = tpu.unpack_subelements %mul3A_436, 1 {pack_format = #tpu.pack_format<interleaved>} : vector<32xbf16> -> vector<16xf32>
        %add3A_439 = arith.addf %add3A_424, %unpack3A_437 : vector<16xf32>
        %add3A_440 = arith.addf %add3A_425, %unpack3A_438 : vector<16xf32>
        %add3A_441 = arith.constant 1 : i32
        %add3A_442 = vector.broadcast %add3A_441 : i32 to vector<16xi32>
        %add3A_443 = arith.addi %and3A_431, %add3A_442 : vector<16xi32>
        %and3A_444 = arith.constant 63 : i32
        %and3A_445 = vector.broadcast %and3A_444 : i32 to vector<16xi32>
        %and3A_446 = arith.andi %add3A_443, %and3A_445 : vector<16xi32>
        %gather3A_447 = tpu.vector_load_idx %arg11[%add3A_311, %and3A_446] : memref<128x64xi32, #tpu.memory_space<vmem>>[vector<16xi32>, vector<16xi32>], vector<16xi32>,
        %gather3A_448 = tpu.vector_load_idx %arg12[%add3A_311, %and3A_446] : memref<128x64xi32, #tpu.memory_space<vmem>>[vector<16xi32>, vector<16xi32>], vector<16xi32>,
        %bitcast3A_449 = vector.bitcast %gather3A_447 : vector<16xi32> to vector<32xbf16>
        %bitcast3A_450 = vector.bitcast %gather3A_448 : vector<16xi32> to vector<32xbf16>
        %mul3A_451 = arith.mulf %bitcast3A_449, %bitcast3A_450 : vector<32xbf16>
        %unpack3A_452 = tpu.unpack_subelements %mul3A_451, 0 {pack_format = #tpu.pack_format<interleaved>} : vector<32xbf16> -> vector<16xf32>
        %unpack3A_453 = tpu.unpack_subelements %mul3A_451, 1 {pack_format = #tpu.pack_format<interleaved>} : vector<32xbf16> -> vector<16xf32>
        %add3A_454 = arith.addf %add3A_439, %unpack3A_452 : vector<16xf32>
        %add3A_455 = arith.addf %add3A_440, %unpack3A_453 : vector<16xf32>
        %add3A_456 = arith.constant 1 : i32
        %add3A_457 = vector.broadcast %add3A_456 : i32 to vector<16xi32>
        %add3A_458 = arith.addi %and3A_446, %add3A_457 : vector<16xi32>
        %and3A_459 = arith.constant 63 : i32
        %and3A_460 = vector.broadcast %and3A_459 : i32 to vector<16xi32>
        %and3A_461 = arith.andi %add3A_458, %and3A_460 : vector<16xi32>
        %gather3A_462 = tpu.vector_load_idx %arg11[%add3A_311, %and3A_461] : memref<128x64xi32, #tpu.memory_space<vmem>>[vector<16xi32>, vector<16xi32>], vector<16xi32>,
        %gather3A_463 = tpu.vector_load_idx %arg12[%add3A_311, %and3A_461] : memref<128x64xi32, #tpu.memory_space<vmem>>[vector<16xi32>, vector<16xi32>], vector<16xi32>,
        %bitcast3A_464 = vector.bitcast %gather3A_462 : vector<16xi32> to vector<32xbf16>
        %bitcast3A_465 = vector.bitcast %gather3A_463 : vector<16xi32> to vector<32xbf16>
        %mul3A_466 = arith.mulf %bitcast3A_464, %bitcast3A_465 : vector<32xbf16>
        %unpack3A_467 = tpu.unpack_subelements %mul3A_466, 0 {pack_format = #tpu.pack_format<interleaved>} : vector<32xbf16> -> vector<16xf32>
        %unpack3A_468 = tpu.unpack_subelements %mul3A_466, 1 {pack_format = #tpu.pack_format<interleaved>} : vector<32xbf16> -> vector<16xf32>
        %add3A_469 = arith.addf %add3A_454, %unpack3A_467 : vector<16xf32>
        %add3A_470 = arith.addf %add3A_455, %unpack3A_468 : vector<16xf32>
        %add3A_471 = arith.constant 1 : i32
        %add3A_472 = vector.broadcast %add3A_471 : i32 to vector<16xi32>
        %add3A_473 = arith.addi %and3A_461, %add3A_472 : vector<16xi32>
        %and3A_474 = arith.constant 63 : i32
        %and3A_475 = vector.broadcast %and3A_474 : i32 to vector<16xi32>
        %and3A_476 = arith.andi %add3A_473, %and3A_475 : vector<16xi32>
        scf.yield %add3A_469, %add3A_470, %and3A_476 : vector<16xf32>, vector<16xf32>, vector<16xi32>
      }
      %scan3A_319 = arith.constant 8 : i32
      %add3A_320 = arith.addf %scan3A_318#0, %scan3A_318#1 : vector<16xf32>
      %add3A_321 = arith.constant 80 : i32
      %add3A_322 = arith.addi %mul3A_228, %add3A_321 : i32
      %swap3A_323 = arith.index_cast %add3A_322 : i32 to index
      %swap3A_324 = tpu.vector_load %arg8[%swap3A_323] {strides = array<i32>} : memref<10000xf32, #tpu.memory_space<vmem>>, vector<16xf32>,
      tpu.vector_store %arg8[%swap3A_323], %add3A_320 {strides = array<i32>} : memref<10000xf32, #tpu.memory_space<vmem>>, vector<16xf32>,
      %add3A_325 = arith.constant 96 : i32
      %add3A_326 = vector.broadcast %add3A_325 : i32 to vector<16xi32>
      %add3A_327 = arith.addi %iota3A, %add3A_326 : vector<16xi32>
      %broadcast_in_dim3A_328 = arith.constant 0.000000e+00 : f32
      %broadcast_in_dim3A_329 = vector.broadcast %broadcast_in_dim3A_328 : f32 to vector<16xf32>
      %scan3A_330 = arith.constant 0 : i32
      %scan3A_331 = arith.constant 8 : i32
      %scan3A_332 = arith.addi %scan3A_330, %scan3A_331 : i32
      %scan3A_333 = arith.constant 1 : i32
      %scan3A_334:3 = scf.for %scan3A_357 = %scan3A_330 to %scan3A_332 step %scan3A_333 iter_args(%scan3A_358 = %broadcast_in_dim3A_329, %scan3A_359 = %broadcast_in_dim3A_329, %scan3A_360 = %iota3A) -> (vector<16xf32>, vector<16xf32>, vector<16xi32>)  : i32 {
        %gather3A = tpu.vector_load_idx %arg11[%add3A_327, %scan3A_360] : memref<128x64xi32, #tpu.memory_space<vmem>>[vector<16xi32>, vector<16xi32>], vector<16xi32>,
        %gather3A_361 = tpu.vector_load_idx %arg12[%add3A_327, %scan3A_360] : memref<128x64xi32, #tpu.memory_space<vmem>>[vector<16xi32>, vector<16xi32>], vector<16xi32>,
        %bitcast3A = vector.bitcast %gather3A : vector<16xi32> to vector<32xbf16>
        %bitcast3A_362 = vector.bitcast %gather3A_361 : vector<16xi32> to vector<32xbf16>
        %mul3A_363 = arith.mulf %bitcast3A, %bitcast3A_362 : vector<32xbf16>
        %unpack3A = tpu.unpack_subelements %mul3A_363, 0 {pack_format = #tpu.pack_format<interleaved>} : vector<32xbf16> -> vector<16xf32>
        %unpack3A_364 = tpu.unpack_subelements %mul3A_363, 1 {pack_format = #tpu.pack_format<interleaved>} : vector<32xbf16> -> vector<16xf32>
        %add3A_365 = arith.addf %scan3A_358, %unpack3A : vector<16xf32>
        %add3A_366 = arith.addf %scan3A_359, %unpack3A_364 : vector<16xf32>
        %add3A_367 = arith.constant 1 : i32
        %add3A_368 = vector.broadcast %add3A_367 : i32 to vector<16xi32>
        %add3A_369 = arith.addi %scan3A_360, %add3A_368 : vector<16xi32>
        %and3A = arith.constant 63 : i32
        %and3A_370 = vector.broadcast %and3A : i32 to vector<16xi32>
        %and3A_371 = arith.andi %add3A_369, %and3A_370 : vector<16xi32>
        %gather3A_372 = tpu.vector_load_idx %arg11[%add3A_327, %and3A_371] : memref<128x64xi32, #tpu.memory_space<vmem>>[vector<16xi32>, vector<16xi32>], vector<16xi32>,
        %gather3A_373 = tpu.vector_load_idx %arg12[%add3A_327, %and3A_371] : memref<128x64xi32, #tpu.memory_space<vmem>>[vector<16xi32>, vector<16xi32>], vector<16xi32>,
        %bitcast3A_374 = vector.bitcast %gather3A_372 : vector<16xi32> to vector<32xbf16>
        %bitcast3A_375 = vector.bitcast %gather3A_373 : vector<16xi32> to vector<32xbf16>
        %mul3A_376 = arith.mulf %bitcast3A_374, %bitcast3A_375 : vector<32xbf16>
        %unpack3A_377 = tpu.unpack_subelements %mul3A_376, 0 {pack_format = #tpu.pack_format<interleaved>} : vector<32xbf16> -> vector<16xf32>
        %unpack3A_378 = tpu.unpack_subelements %mul3A_376, 1 {pack_format = #tpu.pack_format<interleaved>} : vector<32xbf16> -> vector<16xf32>
        %add3A_379 = arith.addf %add3A_365, %unpack3A_377 : vector<16xf32>
        %add3A_380 = arith.addf %add3A_366, %unpack3A_378 : vector<16xf32>
        %add3A_381 = arith.constant 1 : i32
        %add3A_382 = vector.broadcast %add3A_381 : i32 to vector<16xi32>
        %add3A_383 = arith.addi %and3A_371, %add3A_382 : vector<16xi32>
        %and3A_384 = arith.constant 63 : i32
        %and3A_385 = vector.broadcast %and3A_384 : i32 to vector<16xi32>
        %and3A_386 = arith.andi %add3A_383, %and3A_385 : vector<16xi32>
        %gather3A_387 = tpu.vector_load_idx %arg11[%add3A_327, %and3A_386] : memref<128x64xi32, #tpu.memory_space<vmem>>[vector<16xi32>, vector<16xi32>], vector<16xi32>,
        %gather3A_388 = tpu.vector_load_idx %arg12[%add3A_327, %and3A_386] : memref<128x64xi32, #tpu.memory_space<vmem>>[vector<16xi32>, vector<16xi32>], vector<16xi32>,
        %bitcast3A_389 = vector.bitcast %gather3A_387 : vector<16xi32> to vector<32xbf16>
        %bitcast3A_390 = vector.bitcast %gather3A_388 : vector<16xi32> to vector<32xbf16>
        %mul3A_391 = arith.mulf %bitcast3A_389, %bitcast3A_390 : vector<32xbf16>
        %unpack3A_392 = tpu.unpack_subelements %mul3A_391, 0 {pack_format = #tpu.pack_format<interleaved>} : vector<32xbf16> -> vector<16xf32>
        %unpack3A_393 = tpu.unpack_subelements %mul3A_391, 1 {pack_format = #tpu.pack_format<interleaved>} : vector<32xbf16> -> vector<16xf32>
        %add3A_394 = arith.addf %add3A_379, %unpack3A_392 : vector<16xf32>
        %add3A_395 = arith.addf %add3A_380, %unpack3A_393 : vector<16xf32>
        %add3A_396 = arith.constant 1 : i32
        %add3A_397 = vector.broadcast %add3A_396 : i32 to vector<16xi32>
        %add3A_398 = arith.addi %and3A_386, %add3A_397 : vector<16xi32>
        %and3A_399 = arith.constant 63 : i32
        %and3A_400 = vector.broadcast %and3A_399 : i32 to vector<16xi32>
        %and3A_401 = arith.andi %add3A_398, %and3A_400 : vector<16xi32>
        %gather3A_402 = tpu.vector_load_idx %arg11[%add3A_327, %and3A_401] : memref<128x64xi32, #tpu.memory_space<vmem>>[vector<16xi32>, vector<16xi32>], vector<16xi32>,
        %gather3A_403 = tpu.vector_load_idx %arg12[%add3A_327, %and3A_401] : memref<128x64xi32, #tpu.memory_space<vmem>>[vector<16xi32>, vector<16xi32>], vector<16xi32>,
        %bitcast3A_404 = vector.bitcast %gather3A_402 : vector<16xi32> to vector<32xbf16>
        %bitcast3A_405 = vector.bitcast %gather3A_403 : vector<16xi32> to vector<32xbf16>
        %mul3A_406 = arith.mulf %bitcast3A_404, %bitcast3A_405 : vector<32xbf16>
        %unpack3A_407 = tpu.unpack_subelements %mul3A_406, 0 {pack_format = #tpu.pack_format<interleaved>} : vector<32xbf16> -> vector<16xf32>
        %unpack3A_408 = tpu.unpack_subelements %mul3A_406, 1 {pack_format = #tpu.pack_format<interleaved>} : vector<32xbf16> -> vector<16xf32>
        %add3A_409 = arith.addf %add3A_394, %unpack3A_407 : vector<16xf32>
        %add3A_410 = arith.addf %add3A_395, %unpack3A_408 : vector<16xf32>
        %add3A_411 = arith.constant 1 : i32
        %add3A_412 = vector.broadcast %add3A_411 : i32 to vector<16xi32>
        %add3A_413 = arith.addi %and3A_401, %add3A_412 : vector<16xi32>
        %and3A_414 = arith.constant 63 : i32
        %and3A_415 = vector.broadcast %and3A_414 : i32 to vector<16xi32>
        %and3A_416 = arith.andi %add3A_413, %and3A_415 : vector<16xi32>
        %gather3A_417 = tpu.vector_load_idx %arg11[%add3A_327, %and3A_416] : memref<128x64xi32, #tpu.memory_space<vmem>>[vector<16xi32>, vector<16xi32>], vector<16xi32>,
        %gather3A_418 = tpu.vector_load_idx %arg12[%add3A_327, %and3A_416] : memref<128x64xi32, #tpu.memory_space<vmem>>[vector<16xi32>, vector<16xi32>], vector<16xi32>,
        %bitcast3A_419 = vector.bitcast %gather3A_417 : vector<16xi32> to vector<32xbf16>
        %bitcast3A_420 = vector.bitcast %gather3A_418 : vector<16xi32> to vector<32xbf16>
        %mul3A_421 = arith.mulf %bitcast3A_419, %bitcast3A_420 : vector<32xbf16>
        %unpack3A_422 = tpu.unpack_subelements %mul3A_421, 0 {pack_format = #tpu.pack_format<interleaved>} : vector<32xbf16> -> vector<16xf32>
        %unpack3A_423 = tpu.unpack_subelements %mul3A_421, 1 {pack_format = #tpu.pack_format<interleaved>} : vector<32xbf16> -> vector<16xf32>
        %add3A_424 = arith.addf %add3A_409, %unpack3A_422 : vector<16xf32>
        %add3A_425 = arith.addf %add3A_410, %unpack3A_423 : vector<16xf32>
        %add3A_426 = arith.constant 1 : i32
        %add3A_427 = vector.broadcast %add3A_426 : i32 to vector<16xi32>
        %add3A_428 = arith.addi %and3A_416, %add3A_427 : vector<16xi32>
        %and3A_429 = arith.constant 63 : i32
        %and3A_430 = vector.broadcast %and3A_429 : i32 to vector<16xi32>
        %and3A_431 = arith.andi %add3A_428, %and3A_430 : vector<16xi32>
        %gather3A_432 = tpu.vector_load_idx %arg11[%add3A_327, %and3A_431] : memref<128x64xi32, #tpu.memory_space<vmem>>[vector<16xi32>, vector<16xi32>], vector<16xi32>,
        %gather3A_433 = tpu.vector_load_idx %arg12[%add3A_327, %and3A_431] : memref<128x64xi32, #tpu.memory_space<vmem>>[vector<16xi32>, vector<16xi32>], vector<16xi32>,
        %bitcast3A_434 = vector.bitcast %gather3A_432 : vector<16xi32> to vector<32xbf16>
        %bitcast3A_435 = vector.bitcast %gather3A_433 : vector<16xi32> to vector<32xbf16>
        %mul3A_436 = arith.mulf %bitcast3A_434, %bitcast3A_435 : vector<32xbf16>
        %unpack3A_437 = tpu.unpack_subelements %mul3A_436, 0 {pack_format = #tpu.pack_format<interleaved>} : vector<32xbf16> -> vector<16xf32>
        %unpack3A_438 = tpu.unpack_subelements %mul3A_436, 1 {pack_format = #tpu.pack_format<interleaved>} : vector<32xbf16> -> vector<16xf32>
        %add3A_439 = arith.addf %add3A_424, %unpack3A_437 : vector<16xf32>
        %add3A_440 = arith.addf %add3A_425, %unpack3A_438 : vector<16xf32>
        %add3A_441 = arith.constant 1 : i32
        %add3A_442 = vector.broadcast %add3A_441 : i32 to vector<16xi32>
        %add3A_443 = arith.addi %and3A_431, %add3A_442 : vector<16xi32>
        %and3A_444 = arith.constant 63 : i32
        %and3A_445 = vector.broadcast %and3A_444 : i32 to vector<16xi32>
        %and3A_446 = arith.andi %add3A_443, %and3A_445 : vector<16xi32>
        %gather3A_447 = tpu.vector_load_idx %arg11[%add3A_327, %and3A_446] : memref<128x64xi32, #tpu.memory_space<vmem>>[vector<16xi32>, vector<16xi32>], vector<16xi32>,
        %gather3A_448 = tpu.vector_load_idx %arg12[%add3A_327, %and3A_446] : memref<128x64xi32, #tpu.memory_space<vmem>>[vector<16xi32>, vector<16xi32>], vector<16xi32>,
        %bitcast3A_449 = vector.bitcast %gather3A_447 : vector<16xi32> to vector<32xbf16>
        %bitcast3A_450 = vector.bitcast %gather3A_448 : vector<16xi32> to vector<32xbf16>
        %mul3A_451 = arith.mulf %bitcast3A_449, %bitcast3A_450 : vector<32xbf16>
        %unpack3A_452 = tpu.unpack_subelements %mul3A_451, 0 {pack_format = #tpu.pack_format<interleaved>} : vector<32xbf16> -> vector<16xf32>
        %unpack3A_453 = tpu.unpack_subelements %mul3A_451, 1 {pack_format = #tpu.pack_format<interleaved>} : vector<32xbf16> -> vector<16xf32>
        %add3A_454 = arith.addf %add3A_439, %unpack3A_452 : vector<16xf32>
        %add3A_455 = arith.addf %add3A_440, %unpack3A_453 : vector<16xf32>
        %add3A_456 = arith.constant 1 : i32
        %add3A_457 = vector.broadcast %add3A_456 : i32 to vector<16xi32>
        %add3A_458 = arith.addi %and3A_446, %add3A_457 : vector<16xi32>
        %and3A_459 = arith.constant 63 : i32
        %and3A_460 = vector.broadcast %and3A_459 : i32 to vector<16xi32>
        %and3A_461 = arith.andi %add3A_458, %and3A_460 : vector<16xi32>
        %gather3A_462 = tpu.vector_load_idx %arg11[%add3A_327, %and3A_461] : memref<128x64xi32, #tpu.memory_space<vmem>>[vector<16xi32>, vector<16xi32>], vector<16xi32>,
        %gather3A_463 = tpu.vector_load_idx %arg12[%add3A_327, %and3A_461] : memref<128x64xi32, #tpu.memory_space<vmem>>[vector<16xi32>, vector<16xi32>], vector<16xi32>,
        %bitcast3A_464 = vector.bitcast %gather3A_462 : vector<16xi32> to vector<32xbf16>
        %bitcast3A_465 = vector.bitcast %gather3A_463 : vector<16xi32> to vector<32xbf16>
        %mul3A_466 = arith.mulf %bitcast3A_464, %bitcast3A_465 : vector<32xbf16>
        %unpack3A_467 = tpu.unpack_subelements %mul3A_466, 0 {pack_format = #tpu.pack_format<interleaved>} : vector<32xbf16> -> vector<16xf32>
        %unpack3A_468 = tpu.unpack_subelements %mul3A_466, 1 {pack_format = #tpu.pack_format<interleaved>} : vector<32xbf16> -> vector<16xf32>
        %add3A_469 = arith.addf %add3A_454, %unpack3A_467 : vector<16xf32>
        %add3A_470 = arith.addf %add3A_455, %unpack3A_468 : vector<16xf32>
        %add3A_471 = arith.constant 1 : i32
        %add3A_472 = vector.broadcast %add3A_471 : i32 to vector<16xi32>
        %add3A_473 = arith.addi %and3A_461, %add3A_472 : vector<16xi32>
        %and3A_474 = arith.constant 63 : i32
        %and3A_475 = vector.broadcast %and3A_474 : i32 to vector<16xi32>
        %and3A_476 = arith.andi %add3A_473, %and3A_475 : vector<16xi32>
        scf.yield %add3A_469, %add3A_470, %and3A_476 : vector<16xf32>, vector<16xf32>, vector<16xi32>
      }
      %scan3A_335 = arith.constant 8 : i32
      %add3A_336 = arith.addf %scan3A_334#0, %scan3A_334#1 : vector<16xf32>
      %add3A_337 = arith.constant 96 : i32
      %add3A_338 = arith.addi %mul3A_228, %add3A_337 : i32
      %swap3A_339 = arith.index_cast %add3A_338 : i32 to index
      %swap3A_340 = tpu.vector_load %arg8[%swap3A_339] {strides = array<i32>} : memref<10000xf32, #tpu.memory_space<vmem>>, vector<16xf32>,
      tpu.vector_store %arg8[%swap3A_339], %add3A_336 {strides = array<i32>} : memref<10000xf32, #tpu.memory_space<vmem>>, vector<16xf32>,
      %add3A_341 = arith.constant 112 : i32
      %add3A_342 = vector.broadcast %add3A_341 : i32 to vector<16xi32>
      %add3A_343 = arith.addi %iota3A, %add3A_342 : vector<16xi32>
      %broadcast_in_dim3A_344 = arith.constant 0.000000e+00 : f32
      %broadcast_in_dim3A_345 = vector.broadcast %broadcast_in_dim3A_344 : f32 to vector<16xf32>
      %scan3A_346 = arith.constant 0 : i32
      %scan3A_347 = arith.constant 8 : i32
      %scan3A_348 = arith.addi %scan3A_346, %scan3A_347 : i32
      %scan3A_349 = arith.constant 1 : i32
      %scan3A_350:3 = scf.for %scan3A_357 = %scan3A_346 to %scan3A_348 step %scan3A_349 iter_args(%scan3A_358 = %broadcast_in_dim3A_345, %scan3A_359 = %broadcast_in_dim3A_345, %scan3A_360 = %iota3A) -> (vector<16xf32>, vector<16xf32>, vector<16xi32>)  : i32 {
        %gather3A = tpu.vector_load_idx %arg11[%add3A_343, %scan3A_360] : memref<128x64xi32, #tpu.memory_space<vmem>>[vector<16xi32>, vector<16xi32>], vector<16xi32>,
        %gather3A_361 = tpu.vector_load_idx %arg12[%add3A_343, %scan3A_360] : memref<128x64xi32, #tpu.memory_space<vmem>>[vector<16xi32>, vector<16xi32>], vector<16xi32>,
        %bitcast3A = vector.bitcast %gather3A : vector<16xi32> to vector<32xbf16>
        %bitcast3A_362 = vector.bitcast %gather3A_361 : vector<16xi32> to vector<32xbf16>
        %mul3A_363 = arith.mulf %bitcast3A, %bitcast3A_362 : vector<32xbf16>
        %unpack3A = tpu.unpack_subelements %mul3A_363, 0 {pack_format = #tpu.pack_format<interleaved>} : vector<32xbf16> -> vector<16xf32>
        %unpack3A_364 = tpu.unpack_subelements %mul3A_363, 1 {pack_format = #tpu.pack_format<interleaved>} : vector<32xbf16> -> vector<16xf32>
        %add3A_365 = arith.addf %scan3A_358, %unpack3A : vector<16xf32>
        %add3A_366 = arith.addf %scan3A_359, %unpack3A_364 : vector<16xf32>
        %add3A_367 = arith.constant 1 : i32
        %add3A_368 = vector.broadcast %add3A_367 : i32 to vector<16xi32>
        %add3A_369 = arith.addi %scan3A_360, %add3A_368 : vector<16xi32>
        %and3A = arith.constant 63 : i32
        %and3A_370 = vector.broadcast %and3A : i32 to vector<16xi32>
        %and3A_371 = arith.andi %add3A_369, %and3A_370 : vector<16xi32>
        %gather3A_372 = tpu.vector_load_idx %arg11[%add3A_343, %and3A_371] : memref<128x64xi32, #tpu.memory_space<vmem>>[vector<16xi32>, vector<16xi32>], vector<16xi32>,
        %gather3A_373 = tpu.vector_load_idx %arg12[%add3A_343, %and3A_371] : memref<128x64xi32, #tpu.memory_space<vmem>>[vector<16xi32>, vector<16xi32>], vector<16xi32>,
        %bitcast3A_374 = vector.bitcast %gather3A_372 : vector<16xi32> to vector<32xbf16>
        %bitcast3A_375 = vector.bitcast %gather3A_373 : vector<16xi32> to vector<32xbf16>
        %mul3A_376 = arith.mulf %bitcast3A_374, %bitcast3A_375 : vector<32xbf16>
        %unpack3A_377 = tpu.unpack_subelements %mul3A_376, 0 {pack_format = #tpu.pack_format<interleaved>} : vector<32xbf16> -> vector<16xf32>
        %unpack3A_378 = tpu.unpack_subelements %mul3A_376, 1 {pack_format = #tpu.pack_format<interleaved>} : vector<32xbf16> -> vector<16xf32>
        %add3A_379 = arith.addf %add3A_365, %unpack3A_377 : vector<16xf32>
        %add3A_380 = arith.addf %add3A_366, %unpack3A_378 : vector<16xf32>
        %add3A_381 = arith.constant 1 : i32
        %add3A_382 = vector.broadcast %add3A_381 : i32 to vector<16xi32>
        %add3A_383 = arith.addi %and3A_371, %add3A_382 : vector<16xi32>
        %and3A_384 = arith.constant 63 : i32
        %and3A_385 = vector.broadcast %and3A_384 : i32 to vector<16xi32>
        %and3A_386 = arith.andi %add3A_383, %and3A_385 : vector<16xi32>
        %gather3A_387 = tpu.vector_load_idx %arg11[%add3A_343, %and3A_386] : memref<128x64xi32, #tpu.memory_space<vmem>>[vector<16xi32>, vector<16xi32>], vector<16xi32>,
        %gather3A_388 = tpu.vector_load_idx %arg12[%add3A_343, %and3A_386] : memref<128x64xi32, #tpu.memory_space<vmem>>[vector<16xi32>, vector<16xi32>], vector<16xi32>,
        %bitcast3A_389 = vector.bitcast %gather3A_387 : vector<16xi32> to vector<32xbf16>
        %bitcast3A_390 = vector.bitcast %gather3A_388 : vector<16xi32> to vector<32xbf16>
        %mul3A_391 = arith.mulf %bitcast3A_389, %bitcast3A_390 : vector<32xbf16>
        %unpack3A_392 = tpu.unpack_subelements %mul3A_391, 0 {pack_format = #tpu.pack_format<interleaved>} : vector<32xbf16> -> vector<16xf32>
        %unpack3A_393 = tpu.unpack_subelements %mul3A_391, 1 {pack_format = #tpu.pack_format<interleaved>} : vector<32xbf16> -> vector<16xf32>
        %add3A_394 = arith.addf %add3A_379, %unpack3A_392 : vector<16xf32>
        %add3A_395 = arith.addf %add3A_380, %unpack3A_393 : vector<16xf32>
        %add3A_396 = arith.constant 1 : i32
        %add3A_397 = vector.broadcast %add3A_396 : i32 to vector<16xi32>
        %add3A_398 = arith.addi %and3A_386, %add3A_397 : vector<16xi32>
        %and3A_399 = arith.constant 63 : i32
        %and3A_400 = vector.broadcast %and3A_399 : i32 to vector<16xi32>
        %and3A_401 = arith.andi %add3A_398, %and3A_400 : vector<16xi32>
        %gather3A_402 = tpu.vector_load_idx %arg11[%add3A_343, %and3A_401] : memref<128x64xi32, #tpu.memory_space<vmem>>[vector<16xi32>, vector<16xi32>], vector<16xi32>,
        %gather3A_403 = tpu.vector_load_idx %arg12[%add3A_343, %and3A_401] : memref<128x64xi32, #tpu.memory_space<vmem>>[vector<16xi32>, vector<16xi32>], vector<16xi32>,
        %bitcast3A_404 = vector.bitcast %gather3A_402 : vector<16xi32> to vector<32xbf16>
        %bitcast3A_405 = vector.bitcast %gather3A_403 : vector<16xi32> to vector<32xbf16>
        %mul3A_406 = arith.mulf %bitcast3A_404, %bitcast3A_405 : vector<32xbf16>
        %unpack3A_407 = tpu.unpack_subelements %mul3A_406, 0 {pack_format = #tpu.pack_format<interleaved>} : vector<32xbf16> -> vector<16xf32>
        %unpack3A_408 = tpu.unpack_subelements %mul3A_406, 1 {pack_format = #tpu.pack_format<interleaved>} : vector<32xbf16> -> vector<16xf32>
        %add3A_409 = arith.addf %add3A_394, %unpack3A_407 : vector<16xf32>
        %add3A_410 = arith.addf %add3A_395, %unpack3A_408 : vector<16xf32>
        %add3A_411 = arith.constant 1 : i32
        %add3A_412 = vector.broadcast %add3A_411 : i32 to vector<16xi32>
        %add3A_413 = arith.addi %and3A_401, %add3A_412 : vector<16xi32>
        %and3A_414 = arith.constant 63 : i32
        %and3A_415 = vector.broadcast %and3A_414 : i32 to vector<16xi32>
        %and3A_416 = arith.andi %add3A_413, %and3A_415 : vector<16xi32>
        %gather3A_417 = tpu.vector_load_idx %arg11[%add3A_343, %and3A_416] : memref<128x64xi32, #tpu.memory_space<vmem>>[vector<16xi32>, vector<16xi32>], vector<16xi32>,
        %gather3A_418 = tpu.vector_load_idx %arg12[%add3A_343, %and3A_416] : memref<128x64xi32, #tpu.memory_space<vmem>>[vector<16xi32>, vector<16xi32>], vector<16xi32>,
        %bitcast3A_419 = vector.bitcast %gather3A_417 : vector<16xi32> to vector<32xbf16>
        %bitcast3A_420 = vector.bitcast %gather3A_418 : vector<16xi32> to vector<32xbf16>
        %mul3A_421 = arith.mulf %bitcast3A_419, %bitcast3A_420 : vector<32xbf16>
        %unpack3A_422 = tpu.unpack_subelements %mul3A_421, 0 {pack_format = #tpu.pack_format<interleaved>} : vector<32xbf16> -> vector<16xf32>
        %unpack3A_423 = tpu.unpack_subelements %mul3A_421, 1 {pack_format = #tpu.pack_format<interleaved>} : vector<32xbf16> -> vector<16xf32>
        %add3A_424 = arith.addf %add3A_409, %unpack3A_422 : vector<16xf32>
        %add3A_425 = arith.addf %add3A_410, %unpack3A_423 : vector<16xf32>
        %add3A_426 = arith.constant 1 : i32
        %add3A_427 = vector.broadcast %add3A_426 : i32 to vector<16xi32>
        %add3A_428 = arith.addi %and3A_416, %add3A_427 : vector<16xi32>
        %and3A_429 = arith.constant 63 : i32
        %and3A_430 = vector.broadcast %and3A_429 : i32 to vector<16xi32>
        %and3A_431 = arith.andi %add3A_428, %and3A_430 : vector<16xi32>
        %gather3A_432 = tpu.vector_load_idx %arg11[%add3A_343, %and3A_431] : memref<128x64xi32, #tpu.memory_space<vmem>>[vector<16xi32>, vector<16xi32>], vector<16xi32>,
        %gather3A_433 = tpu.vector_load_idx %arg12[%add3A_343, %and3A_431] : memref<128x64xi32, #tpu.memory_space<vmem>>[vector<16xi32>, vector<16xi32>], vector<16xi32>,
        %bitcast3A_434 = vector.bitcast %gather3A_432 : vector<16xi32> to vector<32xbf16>
        %bitcast3A_435 = vector.bitcast %gather3A_433 : vector<16xi32> to vector<32xbf16>
        %mul3A_436 = arith.mulf %bitcast3A_434, %bitcast3A_435 : vector<32xbf16>
        %unpack3A_437 = tpu.unpack_subelements %mul3A_436, 0 {pack_format = #tpu.pack_format<interleaved>} : vector<32xbf16> -> vector<16xf32>
        %unpack3A_438 = tpu.unpack_subelements %mul3A_436, 1 {pack_format = #tpu.pack_format<interleaved>} : vector<32xbf16> -> vector<16xf32>
        %add3A_439 = arith.addf %add3A_424, %unpack3A_437 : vector<16xf32>
        %add3A_440 = arith.addf %add3A_425, %unpack3A_438 : vector<16xf32>
        %add3A_441 = arith.constant 1 : i32
        %add3A_442 = vector.broadcast %add3A_441 : i32 to vector<16xi32>
        %add3A_443 = arith.addi %and3A_431, %add3A_442 : vector<16xi32>
        %and3A_444 = arith.constant 63 : i32
        %and3A_445 = vector.broadcast %and3A_444 : i32 to vector<16xi32>
        %and3A_446 = arith.andi %add3A_443, %and3A_445 : vector<16xi32>
        %gather3A_447 = tpu.vector_load_idx %arg11[%add3A_343, %and3A_446] : memref<128x64xi32, #tpu.memory_space<vmem>>[vector<16xi32>, vector<16xi32>], vector<16xi32>,
        %gather3A_448 = tpu.vector_load_idx %arg12[%add3A_343, %and3A_446] : memref<128x64xi32, #tpu.memory_space<vmem>>[vector<16xi32>, vector<16xi32>], vector<16xi32>,
        %bitcast3A_449 = vector.bitcast %gather3A_447 : vector<16xi32> to vector<32xbf16>
        %bitcast3A_450 = vector.bitcast %gather3A_448 : vector<16xi32> to vector<32xbf16>
        %mul3A_451 = arith.mulf %bitcast3A_449, %bitcast3A_450 : vector<32xbf16>
        %unpack3A_452 = tpu.unpack_subelements %mul3A_451, 0 {pack_format = #tpu.pack_format<interleaved>} : vector<32xbf16> -> vector<16xf32>
        %unpack3A_453 = tpu.unpack_subelements %mul3A_451, 1 {pack_format = #tpu.pack_format<interleaved>} : vector<32xbf16> -> vector<16xf32>
        %add3A_454 = arith.addf %add3A_439, %unpack3A_452 : vector<16xf32>
        %add3A_455 = arith.addf %add3A_440, %unpack3A_453 : vector<16xf32>
        %add3A_456 = arith.constant 1 : i32
        %add3A_457 = vector.broadcast %add3A_456 : i32 to vector<16xi32>
        %add3A_458 = arith.addi %and3A_446, %add3A_457 : vector<16xi32>
        %and3A_459 = arith.constant 63 : i32
        %and3A_460 = vector.broadcast %and3A_459 : i32 to vector<16xi32>
        %and3A_461 = arith.andi %add3A_458, %and3A_460 : vector<16xi32>
        %gather3A_462 = tpu.vector_load_idx %arg11[%add3A_343, %and3A_461] : memref<128x64xi32, #tpu.memory_space<vmem>>[vector<16xi32>, vector<16xi32>], vector<16xi32>,
        %gather3A_463 = tpu.vector_load_idx %arg12[%add3A_343, %and3A_461] : memref<128x64xi32, #tpu.memory_space<vmem>>[vector<16xi32>, vector<16xi32>], vector<16xi32>,
        %bitcast3A_464 = vector.bitcast %gather3A_462 : vector<16xi32> to vector<32xbf16>
        %bitcast3A_465 = vector.bitcast %gather3A_463 : vector<16xi32> to vector<32xbf16>
        %mul3A_466 = arith.mulf %bitcast3A_464, %bitcast3A_465 : vector<32xbf16>
        %unpack3A_467 = tpu.unpack_subelements %mul3A_466, 0 {pack_format = #tpu.pack_format<interleaved>} : vector<32xbf16> -> vector<16xf32>
        %unpack3A_468 = tpu.unpack_subelements %mul3A_466, 1 {pack_format = #tpu.pack_format<interleaved>} : vector<32xbf16> -> vector<16xf32>
        %add3A_469 = arith.addf %add3A_454, %unpack3A_467 : vector<16xf32>
        %add3A_470 = arith.addf %add3A_455, %unpack3A_468 : vector<16xf32>
        %add3A_471 = arith.constant 1 : i32
        %add3A_472 = vector.broadcast %add3A_471 : i32 to vector<16xi32>
        %add3A_473 = arith.addi %and3A_461, %add3A_472 : vector<16xi32>
        %and3A_474 = arith.constant 63 : i32
        %and3A_475 = vector.broadcast %and3A_474 : i32 to vector<16xi32>
        %and3A_476 = arith.andi %add3A_473, %and3A_475 : vector<16xi32>
        scf.yield %add3A_469, %add3A_470, %and3A_476 : vector<16xf32>, vector<16xf32>, vector<16xi32>
      }
      %scan3A_351 = arith.constant 8 : i32
      %add3A_352 = arith.addf %scan3A_350#0, %scan3A_350#1 : vector<16xf32>
      %add3A_353 = arith.constant 112 : i32
      %add3A_354 = arith.addi %mul3A_228, %add3A_353 : i32
      %swap3A_355 = arith.index_cast %add3A_354 : i32 to index
      %swap3A_356 = tpu.vector_load %arg8[%swap3A_355] {strides = array<i32>} : memref<10000xf32, #tpu.memory_space<vmem>>, vector<16xf32>,
      tpu.vector_store %arg8[%swap3A_355], %add3A_352 {strides = array<i32>} : memref<10000xf32, #tpu.memory_space<vmem>>, vector<16xf32>,
    }
    %scan3A_16 = arith.constant 39 : i32
    %dma_wait3A = arith.constant 0 : i32
    %dma_wait3A_17 = arith.constant 0 : i32
    %dma_wait3A_18 = tpu.memref_slice %arg2[%dma_wait3A, %dma_wait3A_17] : memref<10000x64xi32, #tpu.memory_space<hbm>> -> memref<128x64xi32, #tpu.memory_space<hbm>>
    %dma_wait3A_19 = arith.constant 0 : i32
    %dma_wait3A_20 = arith.constant 0 : i32
    %dma_wait3A_21 = tpu.memref_slice %arg2[%dma_wait3A_19, %dma_wait3A_20] : memref<10000x64xi32, #tpu.memory_space<hbm>> -> memref<128x64xi32, #tpu.memory_space<hbm>>
    tpu.wait_dma2 semaphore(%arg13 : memref<!tpu.dma_semaphore, #tpu.memory_space<semaphore_mem>>) src(%dma_wait3A_21 : memref<128x64xi32, #tpu.memory_space<hbm>>) dst(%arg9 : memref<128x64xi32, #tpu.memory_space<vmem>>)
    %dma_wait3A_22 = arith.constant 0 : i32
    %dma_wait3A_23 = arith.constant 0 : i32
    %dma_wait3A_24 = tpu.memref_slice %arg2[%dma_wait3A_22, %dma_wait3A_23] : memref<10000x64xi32, #tpu.memory_space<hbm>> -> memref<128x64xi32, #tpu.memory_space<hbm>>
    %dma_wait3A_25 = arith.constant 0 : i32
    %dma_wait3A_26 = arith.constant 0 : i32
    %dma_wait3A_27 = tpu.memref_slice %arg2[%dma_wait3A_25, %dma_wait3A_26] : memref<10000x64xi32, #tpu.memory_space<hbm>> -> memref<128x64xi32, #tpu.memory_space<hbm>>
    tpu.wait_dma2 semaphore(%arg13 : memref<!tpu.dma_semaphore, #tpu.memory_space<semaphore_mem>>) src(%dma_wait3A_27 : memref<128x64xi32, #tpu.memory_space<hbm>>) dst(%arg10 : memref<128x64xi32, #tpu.memory_space<vmem>>)
    %add3A_28 = arith.constant 112 : i32
    %add3A_29 = vector.broadcast %add3A_28 : i32 to vector<16xi32>
    %add3A_30 = arith.addi %iota3A, %add3A_29 : vector<16xi32>
    %broadcast_in_dim3A = arith.constant 0.000000e+00 : f32
    %broadcast_in_dim3A_31 = vector.broadcast %broadcast_in_dim3A : f32 to vector<16xf32>
    %scan3A_32 = arith.constant 0 : i32
    %scan3A_33 = arith.constant 8 : i32
    %scan3A_34 = arith.addi %scan3A_32, %scan3A_33 : i32
    %scan3A_35 = arith.constant 1 : i32
    %scan3A_36:3 = scf.for %scan3A_40 = %scan3A_32 to %scan3A_34 step %scan3A_35 iter_args(%scan3A_41 = %broadcast_in_dim3A_31, %scan3A_42 = %broadcast_in_dim3A_31, %scan3A_43 = %iota3A) -> (vector<16xf32>, vector<16xf32>, vector<16xi32>)  : i32 {
      %gather3A = tpu.vector_load_idx %arg9[%add3A_30, %scan3A_43] : memref<128x64xi32, #tpu.memory_space<vmem>>[vector<16xi32>, vector<16xi32>], vector<16xi32>,
      %gather3A_44 = tpu.vector_load_idx %arg10[%add3A_30, %scan3A_43] : memref<128x64xi32, #tpu.memory_space<vmem>>[vector<16xi32>, vector<16xi32>], vector<16xi32>,
      %bitcast3A = vector.bitcast %gather3A : vector<16xi32> to vector<32xbf16>
      %bitcast3A_45 = vector.bitcast %gather3A_44 : vector<16xi32> to vector<32xbf16>
      %mul3A_46 = arith.mulf %bitcast3A, %bitcast3A_45 : vector<32xbf16>
      %unpack3A = tpu.unpack_subelements %mul3A_46, 0 {pack_format = #tpu.pack_format<interleaved>} : vector<32xbf16> -> vector<16xf32>
      %unpack3A_47 = tpu.unpack_subelements %mul3A_46, 1 {pack_format = #tpu.pack_format<interleaved>} : vector<32xbf16> -> vector<16xf32>
      %add3A_48 = arith.addf %scan3A_41, %unpack3A : vector<16xf32>
      %add3A_49 = arith.addf %scan3A_42, %unpack3A_47 : vector<16xf32>
      %add3A_50 = arith.constant 1 : i32
      %add3A_51 = vector.broadcast %add3A_50 : i32 to vector<16xi32>
      %add3A_52 = arith.addi %scan3A_43, %add3A_51 : vector<16xi32>
      %and3A = arith.constant 63 : i32
      %and3A_53 = vector.broadcast %and3A : i32 to vector<16xi32>
      %and3A_54 = arith.andi %add3A_52, %and3A_53 : vector<16xi32>
      %gather3A_55 = tpu.vector_load_idx %arg9[%add3A_30, %and3A_54] : memref<128x64xi32, #tpu.memory_space<vmem>>[vector<16xi32>, vector<16xi32>], vector<16xi32>,
      %gather3A_56 = tpu.vector_load_idx %arg10[%add3A_30, %and3A_54] : memref<128x64xi32, #tpu.memory_space<vmem>>[vector<16xi32>, vector<16xi32>], vector<16xi32>,
      %bitcast3A_57 = vector.bitcast %gather3A_55 : vector<16xi32> to vector<32xbf16>
      %bitcast3A_58 = vector.bitcast %gather3A_56 : vector<16xi32> to vector<32xbf16>
      %mul3A_59 = arith.mulf %bitcast3A_57, %bitcast3A_58 : vector<32xbf16>
      %unpack3A_60 = tpu.unpack_subelements %mul3A_59, 0 {pack_format = #tpu.pack_format<interleaved>} : vector<32xbf16> -> vector<16xf32>
      %unpack3A_61 = tpu.unpack_subelements %mul3A_59, 1 {pack_format = #tpu.pack_format<interleaved>} : vector<32xbf16> -> vector<16xf32>
      %add3A_62 = arith.addf %add3A_48, %unpack3A_60 : vector<16xf32>
      %add3A_63 = arith.addf %add3A_49, %unpack3A_61 : vector<16xf32>
      %add3A_64 = arith.constant 1 : i32
      %add3A_65 = vector.broadcast %add3A_64 : i32 to vector<16xi32>
      %add3A_66 = arith.addi %and3A_54, %add3A_65 : vector<16xi32>
      %and3A_67 = arith.constant 63 : i32
      %and3A_68 = vector.broadcast %and3A_67 : i32 to vector<16xi32>
      %and3A_69 = arith.andi %add3A_66, %and3A_68 : vector<16xi32>
      %gather3A_70 = tpu.vector_load_idx %arg9[%add3A_30, %and3A_69] : memref<128x64xi32, #tpu.memory_space<vmem>>[vector<16xi32>, vector<16xi32>], vector<16xi32>,
      %gather3A_71 = tpu.vector_load_idx %arg10[%add3A_30, %and3A_69] : memref<128x64xi32, #tpu.memory_space<vmem>>[vector<16xi32>, vector<16xi32>], vector<16xi32>,
      %bitcast3A_72 = vector.bitcast %gather3A_70 : vector<16xi32> to vector<32xbf16>
      %bitcast3A_73 = vector.bitcast %gather3A_71 : vector<16xi32> to vector<32xbf16>
      %mul3A_74 = arith.mulf %bitcast3A_72, %bitcast3A_73 : vector<32xbf16>
      %unpack3A_75 = tpu.unpack_subelements %mul3A_74, 0 {pack_format = #tpu.pack_format<interleaved>} : vector<32xbf16> -> vector<16xf32>
      %unpack3A_76 = tpu.unpack_subelements %mul3A_74, 1 {pack_format = #tpu.pack_format<interleaved>} : vector<32xbf16> -> vector<16xf32>
      %add3A_77 = arith.addf %add3A_62, %unpack3A_75 : vector<16xf32>
      %add3A_78 = arith.addf %add3A_63, %unpack3A_76 : vector<16xf32>
      %add3A_79 = arith.constant 1 : i32
      %add3A_80 = vector.broadcast %add3A_79 : i32 to vector<16xi32>
      %add3A_81 = arith.addi %and3A_69, %add3A_80 : vector<16xi32>
      %and3A_82 = arith.constant 63 : i32
      %and3A_83 = vector.broadcast %and3A_82 : i32 to vector<16xi32>
      %and3A_84 = arith.andi %add3A_81, %and3A_83 : vector<16xi32>
      %gather3A_85 = tpu.vector_load_idx %arg9[%add3A_30, %and3A_84] : memref<128x64xi32, #tpu.memory_space<vmem>>[vector<16xi32>, vector<16xi32>], vector<16xi32>,
      %gather3A_86 = tpu.vector_load_idx %arg10[%add3A_30, %and3A_84] : memref<128x64xi32, #tpu.memory_space<vmem>>[vector<16xi32>, vector<16xi32>], vector<16xi32>,
      %bitcast3A_87 = vector.bitcast %gather3A_85 : vector<16xi32> to vector<32xbf16>
      %bitcast3A_88 = vector.bitcast %gather3A_86 : vector<16xi32> to vector<32xbf16>
      %mul3A_89 = arith.mulf %bitcast3A_87, %bitcast3A_88 : vector<32xbf16>
      %unpack3A_90 = tpu.unpack_subelements %mul3A_89, 0 {pack_format = #tpu.pack_format<interleaved>} : vector<32xbf16> -> vector<16xf32>
      %unpack3A_91 = tpu.unpack_subelements %mul3A_89, 1 {pack_format = #tpu.pack_format<interleaved>} : vector<32xbf16> -> vector<16xf32>
      %add3A_92 = arith.addf %add3A_77, %unpack3A_90 : vector<16xf32>
      %add3A_93 = arith.addf %add3A_78, %unpack3A_91 : vector<16xf32>
      %add3A_94 = arith.constant 1 : i32
      %add3A_95 = vector.broadcast %add3A_94 : i32 to vector<16xi32>
      %add3A_96 = arith.addi %and3A_84, %add3A_95 : vector<16xi32>
      %and3A_97 = arith.constant 63 : i32
      %and3A_98 = vector.broadcast %and3A_97 : i32 to vector<16xi32>
      %and3A_99 = arith.andi %add3A_96, %and3A_98 : vector<16xi32>
      %gather3A_100 = tpu.vector_load_idx %arg9[%add3A_30, %and3A_99] : memref<128x64xi32, #tpu.memory_space<vmem>>[vector<16xi32>, vector<16xi32>], vector<16xi32>,
      %gather3A_101 = tpu.vector_load_idx %arg10[%add3A_30, %and3A_99] : memref<128x64xi32, #tpu.memory_space<vmem>>[vector<16xi32>, vector<16xi32>], vector<16xi32>,
      %bitcast3A_102 = vector.bitcast %gather3A_100 : vector<16xi32> to vector<32xbf16>
      %bitcast3A_103 = vector.bitcast %gather3A_101 : vector<16xi32> to vector<32xbf16>
      %mul3A_104 = arith.mulf %bitcast3A_102, %bitcast3A_103 : vector<32xbf16>
      %unpack3A_105 = tpu.unpack_subelements %mul3A_104, 0 {pack_format = #tpu.pack_format<interleaved>} : vector<32xbf16> -> vector<16xf32>
      %unpack3A_106 = tpu.unpack_subelements %mul3A_104, 1 {pack_format = #tpu.pack_format<interleaved>} : vector<32xbf16> -> vector<16xf32>
      %add3A_107 = arith.addf %add3A_92, %unpack3A_105 : vector<16xf32>
      %add3A_108 = arith.addf %add3A_93, %unpack3A_106 : vector<16xf32>
      %add3A_109 = arith.constant 1 : i32
      %add3A_110 = vector.broadcast %add3A_109 : i32 to vector<16xi32>
      %add3A_111 = arith.addi %and3A_99, %add3A_110 : vector<16xi32>
      %and3A_112 = arith.constant 63 : i32
      %and3A_113 = vector.broadcast %and3A_112 : i32 to vector<16xi32>
      %and3A_114 = arith.andi %add3A_111, %and3A_113 : vector<16xi32>
      %gather3A_115 = tpu.vector_load_idx %arg9[%add3A_30, %and3A_114] : memref<128x64xi32, #tpu.memory_space<vmem>>[vector<16xi32>, vector<16xi32>], vector<16xi32>,
      %gather3A_116 = tpu.vector_load_idx %arg10[%add3A_30, %and3A_114] : memref<128x64xi32, #tpu.memory_space<vmem>>[vector<16xi32>, vector<16xi32>], vector<16xi32>,
      %bitcast3A_117 = vector.bitcast %gather3A_115 : vector<16xi32> to vector<32xbf16>
      %bitcast3A_118 = vector.bitcast %gather3A_116 : vector<16xi32> to vector<32xbf16>
      %mul3A_119 = arith.mulf %bitcast3A_117, %bitcast3A_118 : vector<32xbf16>
      %unpack3A_120 = tpu.unpack_subelements %mul3A_119, 0 {pack_format = #tpu.pack_format<interleaved>} : vector<32xbf16> -> vector<16xf32>
      %unpack3A_121 = tpu.unpack_subelements %mul3A_119, 1 {pack_format = #tpu.pack_format<interleaved>} : vector<32xbf16> -> vector<16xf32>
      %add3A_122 = arith.addf %add3A_107, %unpack3A_120 : vector<16xf32>
      %add3A_123 = arith.addf %add3A_108, %unpack3A_121 : vector<16xf32>
      %add3A_124 = arith.constant 1 : i32
      %add3A_125 = vector.broadcast %add3A_124 : i32 to vector<16xi32>
      %add3A_126 = arith.addi %and3A_114, %add3A_125 : vector<16xi32>
      %and3A_127 = arith.constant 63 : i32
      %and3A_128 = vector.broadcast %and3A_127 : i32 to vector<16xi32>
      %and3A_129 = arith.andi %add3A_126, %and3A_128 : vector<16xi32>
      %gather3A_130 = tpu.vector_load_idx %arg9[%add3A_30, %and3A_129] : memref<128x64xi32, #tpu.memory_space<vmem>>[vector<16xi32>, vector<16xi32>], vector<16xi32>,
      %gather3A_131 = tpu.vector_load_idx %arg10[%add3A_30, %and3A_129] : memref<128x64xi32, #tpu.memory_space<vmem>>[vector<16xi32>, vector<16xi32>], vector<16xi32>,
      %bitcast3A_132 = vector.bitcast %gather3A_130 : vector<16xi32> to vector<32xbf16>
      %bitcast3A_133 = vector.bitcast %gather3A_131 : vector<16xi32> to vector<32xbf16>
      %mul3A_134 = arith.mulf %bitcast3A_132, %bitcast3A_133 : vector<32xbf16>
      %unpack3A_135 = tpu.unpack_subelements %mul3A_134, 0 {pack_format = #tpu.pack_format<interleaved>} : vector<32xbf16> -> vector<16xf32>
      %unpack3A_136 = tpu.unpack_subelements %mul3A_134, 1 {pack_format = #tpu.pack_format<interleaved>} : vector<32xbf16> -> vector<16xf32>
      %add3A_137 = arith.addf %add3A_122, %unpack3A_135 : vector<16xf32>
      %add3A_138 = arith.addf %add3A_123, %unpack3A_136 : vector<16xf32>
      %add3A_139 = arith.constant 1 : i32
      %add3A_140 = vector.broadcast %add3A_139 : i32 to vector<16xi32>
      %add3A_141 = arith.addi %and3A_129, %add3A_140 : vector<16xi32>
      %and3A_142 = arith.constant 63 : i32
      %and3A_143 = vector.broadcast %and3A_142 : i32 to vector<16xi32>
      %and3A_144 = arith.andi %add3A_141, %and3A_143 : vector<16xi32>
      %gather3A_145 = tpu.vector_load_idx %arg9[%add3A_30, %and3A_144] : memref<128x64xi32, #tpu.memory_space<vmem>>[vector<16xi32>, vector<16xi32>], vector<16xi32>,
      %gather3A_146 = tpu.vector_load_idx %arg10[%add3A_30, %and3A_144] : memref<128x64xi32, #tpu.memory_space<vmem>>[vector<16xi32>, vector<16xi32>], vector<16xi32>,
      %bitcast3A_147 = vector.bitcast %gather3A_145 : vector<16xi32> to vector<32xbf16>
      %bitcast3A_148 = vector.bitcast %gather3A_146 : vector<16xi32> to vector<32xbf16>
      %mul3A_149 = arith.mulf %bitcast3A_147, %bitcast3A_148 : vector<32xbf16>
      %unpack3A_150 = tpu.unpack_subelements %mul3A_149, 0 {pack_format = #tpu.pack_format<interleaved>} : vector<32xbf16> -> vector<16xf32>
      %unpack3A_151 = tpu.unpack_subelements %mul3A_149, 1 {pack_format = #tpu.pack_format<interleaved>} : vector<32xbf16> -> vector<16xf32>
      %add3A_152 = arith.addf %add3A_137, %unpack3A_150 : vector<16xf32>
      %add3A_153 = arith.addf %add3A_138, %unpack3A_151 : vector<16xf32>
      %add3A_154 = arith.constant 1 : i32
      %add3A_155 = vector.broadcast %add3A_154 : i32 to vector<16xi32>
      %add3A_156 = arith.addi %and3A_144, %add3A_155 : vector<16xi32>
      %and3A_157 = arith.constant 63 : i32
      %and3A_158 = vector.broadcast %and3A_157 : i32 to vector<16xi32>
      %and3A_159 = arith.andi %add3A_156, %and3A_158 : vector<16xi32>
      scf.yield %add3A_152, %add3A_153, %and3A_159 : vector<16xf32>, vector<16xf32>, vector<16xi32>
    }
    %scan3A_37 = arith.constant 8 : i32
    %add3A_38 = arith.addf %scan3A_36#0, %scan3A_36#1 : vector<16xf32>
    %swap3A = arith.constant 9984 : index
    %swap3A_39 = tpu.vector_load %arg8[%swap3A] {strides = array<i32>} : memref<10000xf32, #tpu.memory_space<vmem>>, vector<16xf32>,
    tpu.vector_store %arg8[%swap3A], %add3A_38 {strides = array<i32>} : memref<10000xf32, #tpu.memory_space<vmem>>, vector<16xf32>,
    "tpu.region"() ({
      %run_scoped3A = tpu.sem_alloc : memref<!tpu.dma_semaphore, #tpu.memory_space<semaphore_mem>>
      %dma_start3A_40 = tpu.memref_slice %arg5[%mul3A_2] : memref<320000xf32, #tpu.memory_space<hbm>> -> memref<10000xf32, #tpu.memory_space<hbm>>
      %dma_start3A_41 = tpu.memref_slice %arg5[%mul3A_2] : memref<320000xf32, #tpu.memory_space<hbm>> -> memref<10000xf32, #tpu.memory_space<hbm>>
      tpu.enqueue_dma source(%arg8 : memref<10000xf32, #tpu.memory_space<vmem>>) target(%dma_start3A_41 : memref<10000xf32, #tpu.memory_space<hbm>>) target_semaphore(%run_scoped3A : memref<!tpu.dma_semaphore, #tpu.memory_space<semaphore_mem>>)
      %dma_wait3A_42 = tpu.memref_slice %arg5[%mul3A_2] : memref<320000xf32, #tpu.memory_space<hbm>> -> memref<10000xf32, #tpu.memory_space<hbm>>
      %dma_wait3A_43 = tpu.memref_slice %arg5[%mul3A_2] : memref<320000xf32, #tpu.memory_space<hbm>> -> memref<10000xf32, #tpu.memory_space<hbm>>
      tpu.wait_dma2 semaphore(%run_scoped3A : memref<!tpu.dma_semaphore, #tpu.memory_space<semaphore_mem>>) src(%arg8 : memref<10000xf32, #tpu.memory_space<vmem>>) dst(%dma_wait3A_43 : memref<10000xf32, #tpu.memory_space<hbm>>)
      tpu.yield
    }) : () -> ()
    return
  }
}

</mosaic_0001>

<sc_bundles>
// kernel: kernel.3.cloned.1.call-start
scs
__scs_entry_jumppad:
0x0: {  	(pc) =	sbr.rel $0x88, $3  }
0x1: {  	(tag) =	ssettag $0x0;
	lr =	simm.s32 $0x1  }
0x2: {  	[smem:$0x3F9E] =	sst lr;
	_ =	strace $0xD0000000  }
0x3: {  	_ = 	snop  }
0x4: {  	_ = 	snop  }
0x5: {  	_ = 	snop  }
0x6: {  	_ = 	snop  }
0x7: {  	_ = 	snop  }
__scs_overlays_trampoline_lowered:
0x8: {  	[smem:$0x3FAD] =	sst s0  }
0x9: {  	[smem:$0x3FAE] =	sst s1  }
0xa: {  	[smem:$0x3FAF] =	sst s2  }
0xb: {  	[smem:$0x3FB0] =	sst s3  }
0xc: {  	[smem:$0x3FB1] =	sst s4  }
0xd: {  	[smem:$0x3FB2] =	sst s5  }
0xe: {  	[smem:$0x3FB3] =	sst s6  }
0xf: {  	[smem:$0x3FB4] =	sst s7  }
0x10: {  	[smem:$0x3FB5] =	sst s8  }
0x11: {  	[smem:$0x3FB6] =	sst s9;
	s0 =	simm.s32 @!p0 $0x0  }
0x12: {  	s1 =	sld [smem:$0x3F9C];
	s0 =	simm.s32 @p0 $0x1  }
0x13: {  	[smem:$0x3FB7] =	sst s0;
	s0 =	simm.s32 @!p1 $0x0  }
0x14: {  	s2 =	sld [smem:$0x3F9B];
	s0 =	simm.s32 @p1 $0x1  }
0x15: {  	[smem:$0x3FB8] =	sst s0;
	s0 =	simm.s32 @!p2 $0x0  }
0x16: {  	s3 =	sld [smem:$0x3FDB];
	s0 =	simm.s32 @p2 $0x1  }
0x17: {  	s4 =	simm.s32 $0x1BF5;
	[smem:$0x3FBA] =	sst s0  }
0x18: {  	s0 =	sld [smem:$0x3F9D];
	_ =	swait.ge [sflag:s4], $0x0  }
0x19: {  	s7 =	sld [smem:$0x3F9E]  }
0x1a: {  	s8 =	sadd.s32 $0xFFFFE003, lr  }
0x1b: {  	s9 =	sadd.s32 $0xFFFFFEF7, lr;
	s5 =	simm.s32 $0xFFFFFFFF;
	p2 =	slt.u32 s8, $0xFFFFF086  }
0x1c: {  	p1 =	slt.u32 s9, $0xF7A;
	s5 =	simm.s32 @!p2 $0x0  }
0x1d: {  	s5 =	simm.s32 @p1 $0x1;
	p0 =	seq.s32 s7, s2  }
0x1e: {  	s7 =	smul.u32 @!p0 $0xF7A, s2;
	p2 =	seq.s32 @!p0 s5, $0x0  }
0x1f: {  	s9 =	smul.u32 $0xF7A, s1;
	s8 =	simm.s32 @!p0 $0x1BF5;
	p2 =	por !p2, p0  }
0x20: {  	[sflag:s8] =	ssyncset.s32 @!p0 $0xFFFFF086;
	s6 =	sadd.s32 @!p0 s3, s7;
	s7 =	simm.s32 @!p0 $0x108  }
0x21: {  	s3 =	sadd.s32 s3, s9;
	s6 =	sadd.s32 @!p0 $0x88, s6;
	s7 =	simm.s32 @p2 $0x1082  }
0x22: {  	[simem:s7], [sflag:s8] =	dma.local @!p0 [hbm:s6], $0xF7A  }
0x23: {  	s9 =	sor.u32 $0xD0000000, s2;
	s6 =	simm.s32 $0x108;
	_ =	swait.ge @!p0 [sflag:s8], $0x0  }
0x24: {  	s3 =	sadd.s32 $0x88, s3;
	s6 =	simm.s32 @!p1 $0x1082;
	[sflag:s4] =	ssyncset.s32 $0xFFFFF086  }
0x25: {  	[simem:s6], [sflag:s4] =	dma.local [hbm:s3], $0xF7A  }
0x26: {  	[smem:$0x3F9E] =	sst s1;
	(tag) =	ssettag s2;
	_ =	strace s9  }
0x27: {  	s1 =	sld [smem:$0x3FAE]  }
0x28: {  	s2 =	sld [smem:$0x3FAF]  }
0x29: {  	s4 =	sld [smem:$0x3FB1]  }
0x2a: {  	p0 =	seq.s32 s5, $0x0;
	s5 =	sld [smem:$0x3FB2]  }
0x2b: {  	s6 =	sld [smem:$0x3FB3]  }
0x2c: {  	s7 =	sld [smem:$0x3FB4]  }
0x2d: {  	s3 =	simm.s32 $0x108;
	s8 =	sld [smem:$0x3FB5]  }
0x2e: {  	s3 =	simm.s32 @!p0 $0x1082;
	s9 =	sld [smem:$0x3FB6]  }
0x2f: {  	lr =	sadd.s32 s0, s3;
	s0 =	sld [smem:$0x3FAD]  }
0x30: {  	s3 =	sld [smem:$0x3FB0]  }
0x31: {  	[smem:$0x3FB9] =	sst s10  }
0x32: {  	s10 =	sld [smem:$0x3FB7];
	_ =	sdelay $0x3  }
0x33: {  	p0 =	seq.s32 s10, $0x1;
	s10 =	sld [smem:$0x3FB9];
	_ =	sdelay $0x3  }
0x34: {  	[smem:$0x3FB9] =	sst s10  }
0x35: {  	s10 =	sld [smem:$0x3FB8];
	_ =	sdelay $0x3  }
0x36: {  	p1 =	seq.s32 s10, $0x1;
	s10 =	sld [smem:$0x3FB9];
	_ =	sdelay $0x3  }
0x37: {  	[smem:$0x3FB9] =	sst s10  }
0x38: {  	s10 =	sld [smem:$0x3FBA]  }
0x39: {  	_ = 	snop;
	(pc) =	sbr.ind lr, $3  }
0x3a: {  	_ = 	snop  }
0x3b: {  	_ = 	snop  }
0x3c: {  	p2 =	seq.s32 s10, $0x1;
	s10 =	sld [smem:$0x3FB9]  }
0x3d: {  	_ =	shalt  }
0x3e: {  	_ =	shalt  }
0x3f: {  	_ =	shalt  }
0x40: {  	_ =	shalt  }
0x41: {  	_ =	shalt  }
0x42: {  	_ =	shalt  }
0x43: {  	_ =	shalt  }
0x44: {  	_ =	shalt  }
0x45: {  	_ =	shalt  }
0x46: {  	_ =	shalt  }
0x47: {  	_ =	shalt  }
0x48: {  	_ =	shalt  }
0x49: {  	_ =	shalt  }
0x4a: {  	_ =	shalt  }
0x4b: {  	_ =	shalt  }
0x4c: {  	_ =	shalt  }
0x4d: {  	_ =	shalt  }
0x4e: {  	_ =	shalt  }
0x4f: {  	_ =	shalt  }
0x50: {  	_ =	shalt  }
0x51: {  	_ =	shalt  }
0x52: {  	_ =	shalt  }
0x53: {  	_ =	shalt  }
0x54: {  	_ =	shalt  }
0x55: {  	_ =	shalt  }
0x56: {  	_ =	shalt  }
0x57: {  	_ =	shalt  }
0x58: {  	_ =	shalt  }
0x59: {  	_ =	shalt  }
0x5a: {  	_ =	shalt  }
0x5b: {  	_ =	shalt  }
0x5c: {  	_ =	shalt  }
0x5d: {  	_ =	shalt  }
0x5e: {  	_ =	shalt  }
0x5f: {  	_ =	shalt  }
0x60: {  	_ =	shalt  }
0x61: {  	_ =	shalt  }
0x62: {  	_ =	shalt  }
0x63: {  	_ =	shalt  }
0x64: {  	_ =	shalt  }
0x65: {  	_ =	shalt  }
0x66: {  	_ =	shalt  }
0x67: {  	_ =	shalt  }
0x68: {  	_ =	shalt  }
0x69: {  	_ =	shalt  }
0x6a: {  	_ =	shalt  }
0x6b: {  	_ =	shalt  }
0x6c: {  	_ =	shalt  }
0x6d: {  	_ =	shalt  }
0x6e: {  	_ =	shalt  }
0x6f: {  	_ =	shalt  }
0x70: {  	_ =	shalt  }
0x71: {  	_ =	shalt  }
0x72: {  	_ =	shalt  }
0x73: {  	_ =	shalt  }
0x74: {  	_ =	shalt  }
0x75: {  	_ =	shalt  }
0x76: {  	_ =	shalt  }
0x77: {  	_ =	shalt  }
0x78: {  	_ =	shalt  }
0x79: {  	_ =	shalt  }
0x7a: {  	_ =	shalt  }
0x7b: {  	_ =	shalt  }
0x7c: {  	_ =	shalt  }
0x7d: {  	_ =	shalt  }
0x7e: {  	_ =	shalt  }
0x7f: {  	_ =	shalt  }
0x80: {  	_ =	shalt  }
0x81: {  	_ =	shalt  }
0x82: {  	_ =	shalt  }
0x83: {  	_ =	shalt  }
0x84: {  	_ =	shalt  }
0x85: {  	_ =	shalt  }
0x86: {  	_ =	shalt  }
0x87: {  	_ =	shalt  }
.Lfunc_end0:
.L_simem_size_0:
called_computation_lowered:
.L_overlay_start_0:
0x88: {  	s2 =	sld [smem:$0x3FD9]  }
0x89: {  	s3 =	sld [smem:$0x3FFE];
	_ =	sdelay $0x1  }
0x8a: {  	s1 =	srdreg.scid  }
0x8b: {  	s0 =	sand.u32 $0x1, s1  }
0x8c: {  	s17 =	sshll.u32 s0, $0xA;
	s2 =	sadd.s32 s3, s2  }
0x8d: {  	s2 =	sadd.s32 s2, s17  }
0x8e: {  	[smem:$0x3FC5] =	sst s2  }
0x8f: {  	_ = 	snop  }
0x90: {  	s2 =	sld [smem:$0x3FC8]  }
0x91: {  	s18 =	sld [smem:$0x3FC7]  }
0x92: {  	s4 =	sld [smem:$0x3FD0];
	(tm) =	ssettm $0x1  }
0x93: {  	s5 =	sld [smem:$0x3FFB];
	_ =	sdelay $0x3  }
0x94: {  	_ =	strace s5  }
0x95: {  	s5 =	sld [smem:$0x3FFC];
	_ =	sdelay $0x3  }
0x96: {  	_ =	strace s5  }
0x97: {  	s5 =	sld [smem:$0x3FFD];
	_ =	sdelay $0x3  }
0x98: {  	_ =	strace s5  }
0x99: {  	_ =	strace $0x8FFFFFFF  }
0x9a: {  	s19 =	sld [smem:$0x3FDB];
	_ =	sdelay $0x1  }
0x9b: {  	s6 =	simm.s32 $_scs_section_size  }
0x9c: {  	s7 =	simm.s32 $_size__tile_overlayer_lowered;
	s8 =	simm.s32 $_tile_overlayer_lowered  }
0x9d: {  	s22 =	simm.s32 $0x1BFF;
	s21 =	sshll.u32 s8, $0x1;
	s5 =	sadd.s32 s6, s19  }
0x9e: {  	s9 =	simm.s32 $0x0;
	s20 =	sshll.u32 s7, $0x1;
	s7 =	sadd.s32 s21, s5  }
0x9f: {  	[timem:s9], [sflag:s22] =	dma.local [hbm:s7], s20  }
0xa0: {  	_ =	swait.ge [sflag:s22], s20  }
0xa1: {  	s6 =	ssub.s32 $0x0, s20;
	[sflag:s22] =	ssyncset.done $0x0  }
0xa2: {  	[sflag:s22] =	ssyncadd.s32 s6;
	_ =	sdelay $0x1  }
0xa3: {  	s23 =	simm.s32 $0x1B8B  }
0xa4: {  	_ =	swait.ge [sflag:s23], $0x1  }
0xa5: {  	[sflag:s23] =	ssyncset.done $0x0  }
0xa6: {  	s25 =	simm.s32 $0x1B8E;
	s24 =	sld [smem:$0x3FFE];
	[sflag:s23] =	ssyncadd.s32 $0xFFFFFFFF  }
0xa7: {  	s26 =	simm.s32 $execute0_lowered;
	[smem:$0x3FD2] =	sst s25  }
0xa8: {  	s7 =	sshll.u32 s26, $0x1;
	_ =	strace $0x80000046;
	[dreg:$0x1] =	wrdreg $0xFFFFFFFF  }
0xa9: {  	s28 =	simm.s32 $_size_execute0_lowered;
	s5 =	sadd.s32 s5, s7;
	[dreg:$0x0] =	wrdreg $0x0  }
0xaa: {  	s7 =	sshll.u32 s28, $0x1;
	[dreg:$0x2] =	wrdreg s5  }
0xab: {  	[dreg:$0x3] =	wrdreg s7  }
0xac: {  	[dreg:$0x4] =	wrdreg $0xC0  }
0xad: {  	_ =	task [dreg:s9], $0x5FFFF  }
0xae: {  	[dreg:$0x1] =	wrdreg $0xFFFFFFFF  }
0xaf: {  	[dreg:$0x0] =	wrdreg $0x60  }
0xb0: {  	[dreg:$0x2] =	wrdreg s24  }
0xb1: {  	[dreg:$0x3] =	wrdreg s2  }
0xb2: {  	[dreg:$0x4] =	wrdreg s18  }
0xb3: {  	[dreg:$0x5] =	wrdreg s4  }
0xb4: {  	[dreg:$0x6] =	wrdreg $0x9  }
0xb5: {  	_ =	task.clear_ibuf [dreg:s9], $0x7FFFF;
	_ =	strace $0x90000046  }
0xb6: {  	s29 =	simm.s32 $0x9;
	_ =	strace $0x80000048  }
0xb7: {  	_ =	swait.ge [sflag:s29], $0x1  }
0xb8: {  	[sflag:s29] =	ssyncadd.s32 $0xFFFFFFFF  }
0xb9: {  	_ =	strace $0x90000048  }
0xba: {  	_ =	sfence  }
0xbb: {  	s30 =	sld [smem:$0x0];
	_ =	sdelay $0x2  }
0xbc: {  	s31 =	sshll.u32 s1, $0xD;
	s1 =	sshrl.u32 s1, $0x2  }
0xbd: {  	s3 =	sand.u32 $0x4000, s31;
	s1 =	sadd.s32 s1, s30  }
0xbe: {  	s0 =	sor.u32 s3, s0;
	s1 =	sshll.u32 s1, $0x11  }
0xbf: {  	s0 =	sor.u32 s1, s0  }
0xc0: {  	s0 =	sadd.s32 $0x8F2B, s0  }
0xc1: {  	[sflag:s0] =	ssyncadd.remote.s32 $0x1  }
0xc2: {  	_ =	sfence.sel $0xFFFF  }
0xc3: {  	[dreg:$0x0] =	wrdreg $0xFFFFFFFF;
	(pc) =	sbr.abs _section_cstart, $3  }
0xc4: {  	[dreg:$0x1] =	wrdreg $0xFFFFFFFF  }
0xc5: {  	_ =	task.clear_ibuf [dreg:s9], $0x2FFFF;
	_ =	strace $0x9FFFFFFF  }
0xc6: {  	(tm) =	ssettm $0x7FFFFFFF  }
0xc7: {  	_ =	shalt  }
tec
execute0_lowered:
.L_overlay_start_1:
0x0: {  	(tag) =	ssettag $0x1  }
0x1: {  	s1 =	rddreg [dreg:$0x0]  }
0x2: {  	s4 =	rddreg [dreg:$0x1]  }
0x3: {  	s5 =	rddreg [dreg:$0x2]  }
0x4: {  	s6 =	rddreg [dreg:$0x3];
	s3 =	srdreg.scid  }
0x5: {  	s2 =	stileid.u32;
	s0 =	rddreg [dreg:$0x4];
	s10 =	simm.s32 $0x80  }
0x6: {  	s11 =	simm.s32 $0x7530;
	s12 =	simm.s32 $0x9530;
	s13 =	simm.s32 $0xB530  }
0x7: {  	s14 =	simm.s32 $0xD530;
	s15 =	simm.s32 $0x1;
	s16 =	simm.s32 $0x2  }
0x8: {  	s17 =	simm.s32 $0x4E20;
	s7 =	sand.u32 $0x1, s3;
	s8 =	sshll.u32 s2, $0x1  }
0x9: {  	s3 =	simm.s32 $0x0;
	s9 =	ssub.s32 $0x2, s7;
	s7 =	sor.u32 s7, s8  }
0xa: {  	v0 =	vlaneseq.u32;
	[smem:$0x7FF] =	sst s3;
	s31 =	sshrl.u32 s9, $0x1;
	s7 =	smul.u32 $0x4E2, s7  }
0xb: {  	s18 =	simm.s32 $0x0;
	v0 =	vmul.u32 $0x40, v0;
	_ =	strace $0x80000047;
	s8 =	ssub.s32 s9, s31  }
0xc: {  	s9 =	simm.s32 $0x2710;
	s4 =	sadd.s32 s4, s7;
	s5 =	sadd.s32 s5, s7  }
0xd: {  	v1 =	vor.u32 $0x400, v0;
	v2 =	vor.u32 $0x800, v0;
	s6 =	sadd.s32 s6, s7;
	s7 =	smax.u32 s8, $0x1;
	s8 =	simm.s32 $0x3  }
.LBB2_1:
0xe: {  	[tilespmem:s3], [sflag:$0x3] =	stream.linear.gather [hbm4b:s4+s3], $0x2710, $0x38;
	[tilespmem:$0xF530] =	vst v63  }
0xf: {  	_ =	swait.ge [sflag:s8], $0x2710  }
0x10: {  	[sflag:s8] =	ssyncset.done $0x0  }
0x11: {  	[sflag:s8] =	ssyncadd.s32 $0xFFFFD8F0  }
0x12: {  	[tilespmem:s9], [sflag:$0x3] =	stream.linear.gather [hbm4b:s5+s3], $0x2710, $0x38;
	[tilespmem:$0xF530] =	vst v63  }
0x13: {  	_ =	swait.ge [sflag:s8], $0x2710  }
0x14: {  	[sflag:s8] =	ssyncset.done $0x0  }
0x15: {  	[sflag:s8] =	ssyncadd.s32 $0xFFFFD8F0  }
0x16: {  	[tilespmem:s11], [sflag:$0x1] =	stream.indirect.gather [hbm4b:s1+s10], $0x40, s3, s10, $0xb8;
	[tilespmem:$0xF530] =	vst v63  }
0x17: {  	s19 =	simm.s32 $0x0  }
0x18: {  	[tilespmem:s12], [sflag:$0x1] =	stream.indirect.gather [hbm4b:s1+s10], $0x40, s9, s10, $0xb8;
	[tilespmem:$0xF530] =	vst v63  }
.LBB2_2:
0x19: {  	s20 =	sshll.u32 s19, $0x8  }
0x1a: {  	s21 =	sor.u32 $0x80, s20  }
0x1b: {  	[tilespmem:s13], [sflag:$0x2] =	stream.indirect.gather [hbm4b:s1+s10], $0x40, s21, s10, $0xb8;
	[tilespmem:$0xF530] =	vst v63  }
0x1c: {  	s22 =	sadd.s32 $0x2790, s20  }
0x1d: {  	[tilespmem:s14], [sflag:$0x2] =	stream.indirect.gather [hbm4b:s1+s10], $0x40, s22, s10, $0xb8;
	[tilespmem:$0xF530] =	vst v63  }
0x1e: {  	v3 =	vlaneseq.u32;
	_ =	swait.ge [sflag:s15], $0x2000  }
0x1f: {  	v4 =	vor.u32 v0, v3;
	v5 =	vadd.s32 $0x1, v3;
	[sflag:s15] =	ssyncset.done $0x0  }
0x20: {  	v5 =	vand.u32 $0x3F, v5;
	[sflag:s15] =	ssyncadd.s32 $0xFFFFE000  }
0x21: {  	v6 =	vadd.s32 $0x2, v3;
	v5 =	vor.u32 v0, v5;
	_ =	swait.ge [sflag:s15], $0x2000  }
0x22: {  	v6 =	vand.u32 $0x3F, v6;
	[sflag:s15] =	ssyncset.done $0x0  }
0x23: {  	v9 =	vadd.s32 $0x4, v3;
	v6 =	vor.u32 v0, v6;
	[sflag:s15] =	ssyncadd.s32 $0xFFFFE000  }
0x24: {  	v9 =	vand.u32 $0x3F, v9;
	v7 =	vld.idx.msk [tilespmem:v4+s11+$0x0], $0xffff  }
0x25: {  	v9 =	vor.u32 v0, v9;
	v4 =	vld.idx.msk [tilespmem:v4+s12+$0x0], $0xffff  }
0x26: {  	v8 =	vadd.s32 $0x3, v3;
	v10 =	vld.idx.msk [tilespmem:v5+s11+$0x0], $0xffff  }
0x27: {  	v8 =	vand.u32 $0x3F, v8;
	v5 =	vld.idx.msk [tilespmem:v5+s12+$0x0], $0xffff  }
0x28: {  	v8 =	vor.u32 v0, v8;
	v12 =	vld.idx.msk [tilespmem:v6+s11+$0x0], $0xffff  }
0x29: {  	v11 =	vadd.s32 $0x5, v3;
	v6 =	vld.idx.msk [tilespmem:v6+s12+$0x0], $0xffff  }
0x2a: {  	v11 =	vand.u32 $0x3F, v11;
	v17 =	vld.idx.msk [tilespmem:v9+s11+$0x0], $0xffff  }
0x2b: {  	v11 =	vor.u32 v0, v11;
	v9 =	vld.idx.msk [tilespmem:v9+s12+$0x0], $0xffff  }
0x2c: {  	v14 =	vadd.s32 $0x6, v3  }
0x2d: {  	v15 =	vadd.s32 $0x7, v3;
	v3 =	vadd.s32 $0x8, v3;
	v4 =	vmul.bf16 v4, v7;
	v7 =	vld.idx.msk [tilespmem:v8+s12+$0x0], $0xffff  }
0x2e: {  	v13 =	vimm.f32 $0.0e+00;
	v14 =	vand.u32 $0x3F, v14;
	v3 =	vand.u32 $0x3F, v3;
	v8 =	vld.idx.msk [tilespmem:v8+s11+$0x0], $0xffff  }
0x2f: {  	v18 =	vor.u32 v0, v14;
	v5 =	vmul.bf16 v5, v10;
	v10 =	vand.u32 $0x3F, v15  }
0x30: {  	v6 =	vmul.bf16 v6, v12;
	v12 =	vld.idx.msk [tilespmem:v11+s11+$0x0], $0xffff;
	v17 =	vmul.bf16 v9, v17;
	v10 =	vor.u32 v0, v10  }
0x31: {  	v11 =	vld.idx.msk [tilespmem:v11+s12+$0x0], $0xffff;
	v16 =	vunpack.i.u.bf16.f32 v4;
	v4 =	vunpack.i.l.bf16.f32 v4;
	v15 =	vunpack.i.u.bf16.f32 v5  }
0x32: {  	v5 =	vunpack.i.l.bf16.f32 v5;
	v4 =	vadd.f32 v4, v13;
	v13 =	vadd.f32 v16, v13  }
0x33: {  	v14 =	vunpack.i.u.bf16.f32 v6;
	v16 =	vunpack.i.l.bf16.f32 v6;
	v6 =	vmul.bf16 v7, v8  }
0x34: {  	v4 =	vadd.f32 v5, v4;
	v5 =	vadd.f32 v15, v13;
	v8 =	vor.u32 v0, v3  }
0x35: {  	v7 =	vld.idx.msk [tilespmem:v10+s11+$0x0], $0xffff;
	v13 =	vunpack.i.u.bf16.f32 v6;
	v15 =	vunpack.i.l.bf16.f32 v6;
	v6 =	vadd.s32 $0x1, v3  }
0x36: {  	v19 =	vmul.bf16 v11, v12;
	v11 =	vadd.s32 $0x2, v3;
	v10 =	vld.idx.msk [tilespmem:v10+s12+$0x0], $0xffff;
	v6 =	vand.u32 $0x3F, v6  }
0x37: {  	v9 =	vld.idx.msk [tilespmem:v18+s11+$0x0], $0xffff;
	v12 =	vand.u32 $0x3F, v11;
	v5 =	vadd.f32 v14, v5;
	v6 =	vor.u32 v0, v6  }
0x38: {  	v11 =	vld.idx.msk [tilespmem:v18+s12+$0x0], $0xffff;
	v18 =	vadd.s32 $0x3, v3;
	v4 =	vadd.f32 v16, v4;
	v14 =	vunpack.i.l.bf16.f32 v17  }
0x39: {  	v17 =	vunpack.i.u.bf16.f32 v17;
	v13 =	vadd.f32 v13, v5;
	v5 =	vor.u32 v0, v12  }
0x3a: {  	s22 =	simm.s32 $0x6;
	v16 =	vadd.f32 v15, v4;
	v12 =	vunpack.i.u.bf16.f32 v19;
	v15 =	vunpack.i.l.bf16.f32 v19;
	v4 =	vld.idx.msk [tilespmem:v8+s11+$0x0], $0xffff  }
.LBB2_3:
0x3b: {  	p0 =	sne.s32 s22, $0x1;
	s22 =	sadd.s32 $0xFFFFFFFF, s22;
	v8 =	vld.idx.msk [tilespmem:v8+s12+$0x0], $0xffff;
	v18 =	vand.u32 $0x3F, v18;
	v19 =	vadd.s32 $0x4, v3;
	v7 =	vmul.bf16 v10, v7  }
0x3c: {  	v14 =	vadd.f32 v14, v16;
	v13 =	vadd.f32 v17, v13;
	v10 =	vld.idx.msk [tilespmem:v6+s11+$0x0], $0xffff;
	v18 =	vor.u32 v0, v18  }
0x3d: {  	v17 =	vadd.s32 $0x5, v3;
	v16 =	vand.u32 $0x3F, v19;
	v9 =	vmul.bf16 v11, v9;
	v6 =	vld.idx.msk [tilespmem:v6+s12+$0x0], $0xffff  }
0x3e: {  	v16 =	vor.u32 v0, v16;
	v14 =	vadd.f32 v15, v14;
	v12 =	vadd.f32 v12, v13;
	v11 =	vld.idx.msk [tilespmem:v5+s11+$0x0], $0xffff  }
0x3f: {  	v13 =	vand.u32 $0x3F, v17;
	v15 =	vunpack.i.u.bf16.f32 v9;
	v9 =	vunpack.i.l.bf16.f32 v9;
	v5 =	vld.idx.msk [tilespmem:v5+s12+$0x0], $0xffff  }
0x40: {  	v13 =	vor.u32 v0, v13;
	v9 =	vadd.f32 v9, v14;
	v12 =	vadd.f32 v15, v12  }
0x41: {  	v14 =	vunpack.i.u.bf16.f32 v7;
	v7 =	vunpack.i.l.bf16.f32 v7;
	v4 =	vmul.bf16 v8, v4;
	v8 =	vld.idx.msk [tilespmem:v18+s12+$0x0], $0xffff  }
0x42: {  	v17 =	vadd.s32 $0x6, v3;
	v7 =	vadd.f32 v7, v9;
	v15 =	vld.idx.msk [tilespmem:v18+s11+$0x0], $0xffff;
	v18 =	vadd.s32 $0x7, v3  }
0x43: {  	v12 =	vadd.f32 v14, v12;
	v9 =	vunpack.i.u.bf16.f32 v4;
	v4 =	vunpack.i.l.bf16.f32 v4;
	v19 =	vld.idx.msk [tilespmem:v16+s11+$0x0], $0xffff  }
0x44: {  	v6 =	vmul.bf16 v6, v10;
	v4 =	vadd.f32 v4, v7;
	v7 =	vand.u32 $0x3F, v18;
	v14 =	vld.idx.msk [tilespmem:v16+s12+$0x0], $0xffff  }
0x45: {  	v10 =	vand.u32 $0x3F, v17;
	v5 =	vmul.bf16 v5, v11;
	v16 =	vor.u32 v0, v7;
	v11 =	vld.idx.msk [tilespmem:v13+s11+$0x0], $0xffff  }
0x46: {  	v17 =	vor.u32 v0, v10;
	v7 =	vunpack.i.u.bf16.f32 v6;
	v6 =	vunpack.i.l.bf16.f32 v6;
	v13 =	vld.idx.msk [tilespmem:v13+s12+$0x0], $0xffff  }
0x47: {  	v9 =	vadd.f32 v9, v12;
	v10 =	vunpack.i.u.bf16.f32 v5;
	v5 =	vunpack.i.l.bf16.f32 v5  }
0x48: {  	v4 =	vadd.f32 v6, v4;
	v6 =	vmul.bf16 v8, v15  }
0x49: {  	v3 =	vadd.s32 $0x8, v3;
	v9 =	vadd.f32 v7, v9  }
0x4a: {  	v3 =	vand.u32 $0x3F, v3;
	v12 =	vunpack.i.u.bf16.f32 v6;
	v15 =	vunpack.i.l.bf16.f32 v6;
	v7 =	vld.idx.msk [tilespmem:v16+s11+$0x0], $0xffff  }
0x4b: {  	v8 =	vor.u32 v0, v3;
	v18 =	vadd.f32 v10, v9;
	v6 =	vadd.s32 $0x1, v3;
	v10 =	vld.idx.msk [tilespmem:v16+s12+$0x0], $0xffff  }
.Ltmp0:
0x4c: {  	v19 =	vmul.bf16 v14, v19;
	v6 =	vand.u32 $0x3F, v6;
	v20 =	vmul.bf16 v13, v11;
	v9 =	vld.idx.msk [tilespmem:v17+s11+$0x0], $0xffff;
	(pc) =	sbr.rel @p0 .LBB2_3-.Ltmp0, $4  }
0x4d: {  	v4 =	vadd.f32 v5, v4;
	v6 =	vor.u32 v0, v6;
	v13 =	vadd.s32 $0x2, v3;
	v11 =	vld.idx.msk [tilespmem:v17+s12+$0x0], $0xffff  }
0x4e: {  	v14 =	vunpack.i.l.bf16.f32 v19;
	v5 =	vand.u32 $0x3F, v13;
	v13 =	vadd.f32 v12, v18  }
0x4f: {  	v16 =	vadd.f32 v15, v4;
	v5 =	vor.u32 v0, v5;
	v12 =	vunpack.i.u.bf16.f32 v20  }
0x50: {  	v18 =	vadd.s32 $0x3, v3;
	v17 =	vunpack.i.u.bf16.f32 v19;
	v15 =	vunpack.i.l.bf16.f32 v20;
	v4 =	vld.idx.msk [tilespmem:v8+s11+$0x0], $0xffff  }
0x51: {  	_ =	sdelay $0x2  }
0x52: {  	v18 =	vand.u32 $0x3F, v18;
	v19 =	vadd.s32 $0x4, v3;
	v7 =	vmul.bf16 v10, v7  }
0x53: {  	v8 =	vld.idx.msk [tilespmem:v8+s12+$0x0], $0xffff;
	v14 =	vadd.f32 v14, v16;
	v13 =	vadd.f32 v17, v13;
	v17 =	vadd.s32 $0x5, v3  }
0x54: {  	v10 =	vor.u32 v0, v18;
	v16 =	vand.u32 $0x3F, v19;
	v9 =	vmul.bf16 v11, v9  }
0x55: {  	v11 =	vld.idx.msk [tilespmem:v6+s11+$0x0], $0xffff;
	v16 =	vor.u32 v0, v16;
	v14 =	vadd.f32 v15, v14;
	v12 =	vadd.f32 v12, v13  }
0x56: {  	v6 =	vld.idx.msk [tilespmem:v6+s12+$0x0], $0xffff;
	v13 =	vand.u32 $0x3F, v17;
	v15 =	vunpack.i.u.bf16.f32 v9;
	v9 =	vunpack.i.l.bf16.f32 v9  }
0x57: {  	v17 =	vld.idx.msk [tilespmem:v5+s11+$0x0], $0xffff;
	v13 =	vor.u32 v0, v13;
	v9 =	vadd.f32 v9, v14;
	v12 =	vadd.f32 v15, v12  }
0x58: {  	v5 =	vld.idx.msk [tilespmem:v5+s12+$0x0], $0xffff;
	v14 =	vadd.s32 $0x6, v3;
	v3 =	vadd.s32 $0x7, v3;
	v4 =	vmul.bf16 v8, v4  }
0x59: {  	v8 =	vunpack.i.u.bf16.f32 v7;
	v7 =	vunpack.i.l.bf16.f32 v7;
	v14 =	vand.u32 $0x3F, v14;
	v15 =	vld.idx.msk [tilespmem:v10+s12+$0x0], $0xffff  }
0x5a: {  	v3 =	vand.u32 $0x3F, v3;
	v10 =	vld.idx.msk [tilespmem:v10+s11+$0x0], $0xffff;
	v7 =	vadd.f32 v7, v9;
	v14 =	vor.u32 v0, v14  }
0x5b: {  	v8 =	vadd.f32 v8, v12;
	v6 =	vmul.bf16 v6, v11;
	v9 =	vunpack.i.l.bf16.f32 v4;
	v18 =	vld.idx.msk [tilespmem:v16+s11+$0x0], $0xffff  }
0x5c: {  	v3 =	vor.u32 v0, v3;
	v4 =	vunpack.i.u.bf16.f32 v4;
	v7 =	vadd.f32 v9, v7;
	v9 =	vld.idx.msk [tilespmem:v16+s12+$0x0], $0xffff  }
0x5d: {  	v5 =	vmul.bf16 v5, v17;
	v11 =	vld.idx.msk [tilespmem:v13+s11+$0x0], $0xffff;
	v12 =	vunpack.i.l.bf16.f32 v6;
	v4 =	vadd.f32 v4, v8  }
0x5e: {  	v6 =	vunpack.i.u.bf16.f32 v6;
	v8 =	vld.idx.msk [tilespmem:v13+s12+$0x0], $0xffff;
	v7 =	vadd.f32 v12, v7  }
0x5f: {  	v12 =	vunpack.i.l.bf16.f32 v5;
	v4 =	vadd.f32 v6, v4;
	v10 =	vmul.bf16 v15, v10;
	v6 =	vld.idx.msk [tilespmem:v14+s11+$0x0], $0xffff  }
0x60: {  	v5 =	vunpack.i.u.bf16.f32 v5;
	v7 =	vadd.f32 v12, v7;
	v12 =	vld.idx.msk [tilespmem:v14+s12+$0x0], $0xffff  }
0x61: {  	v14 =	vld.idx.msk [tilespmem:v3+s11+$0x0], $0xffff;
	v4 =	vadd.f32 v5, v4;
	v13 =	vunpack.i.l.bf16.f32 v10;
	v5 =	vmul.bf16 v9, v18  }
0x62: {  	v3 =	vld.idx.msk [tilespmem:v3+s12+$0x0], $0xffff;
	v9 =	vunpack.i.u.bf16.f32 v10;
	v7 =	vadd.f32 v13, v7  }
0x63: {  	v8 =	vmul.bf16 v8, v11;
	v4 =	vadd.f32 v9, v4;
	v9 =	vunpack.i.l.bf16.f32 v5  }
0x64: {  	v5 =	vunpack.i.u.bf16.f32 v5;
	v7 =	vadd.f32 v9, v7  }
0x65: {  	v9 =	vunpack.i.l.bf16.f32 v8;
	v4 =	vadd.f32 v5, v4;
	v5 =	vmul.bf16 v12, v6  }
0x66: {  	v6 =	vunpack.i.u.bf16.f32 v8;
	v7 =	vadd.f32 v9, v7  }
0x67: {  	v3 =	vmul.bf16 v3, v14;
	v4 =	vadd.f32 v6, v4;
	v6 =	vunpack.i.l.bf16.f32 v5  }
0x68: {  	v5 =	vunpack.i.u.bf16.f32 v5;
	v6 =	vadd.f32 v6, v7  }
0x69: {  	v4 =	vadd.f32 v5, v4;
	v5 =	vunpack.i.l.bf16.f32 v3  }
0x6a: {  	v3 =	vunpack.i.u.bf16.f32 v3;
	v5 =	vadd.f32 v5, v6;
	v6 =	vlaneseq.u32  }
0x6b: {  	v3 =	vadd.f32 v3, v4;
	v4 =	vor.u32 v1, v6;
	v7 =	vadd.s32 $0x1, v6  }
0x6c: {  	v7 =	vand.u32 $0x3F, v7  }
0x6d: {  	v3 =	vadd.f32 v3, v5;
	v5 =	vor.u32 v1, v7;
	v7 =	vadd.s32 $0x2, v6  }
0x6e: {  	v7 =	vand.u32 $0x3F, v7  }
0x6f: {  	v8 =	vadd.s32 $0x3, v6;
	[tilespmem:s20+$0x4E20] =	vst v3;
	v3 =	vor.u32 v1, v7  }
0x70: {  	v8 =	vand.u32 $0x3F, v8;
	v7 =	vld.idx.msk [tilespmem:v4+s11+$0x0], $0xffff  }
0x71: {  	v8 =	vor.u32 v1, v8;
	v4 =	vld.idx.msk [tilespmem:v4+s12+$0x0], $0xffff  }
0x72: {  	v9 =	vadd.s32 $0x4, v6;
	v10 =	vld.idx.msk [tilespmem:v5+s11+$0x0], $0xffff  }
0x73: {  	v9 =	vand.u32 $0x3F, v9;
	v5 =	vld.idx.msk [tilespmem:v5+s12+$0x0], $0xffff  }
0x74: {  	v11 =	vadd.s32 $0x5, v6;
	v9 =	vor.u32 v1, v9;
	v12 =	vld.idx.msk [tilespmem:v3+s11+$0x0], $0xffff  }
0x75: {  	v11 =	vand.u32 $0x3F, v11;
	v3 =	vld.idx.msk [tilespmem:v3+s12+$0x0], $0xffff  }
0x76: {  	v14 =	vadd.s32 $0x6, v6;
	v11 =	vor.u32 v1, v11;
	v4 =	vmul.bf16 v4, v7;
	v7 =	vld.idx.msk [tilespmem:v8+s12+$0x0], $0xffff  }
0x77: {  	v13 =	vimm.f32 $0.0e+00;
	v14 =	vand.u32 $0x3F, v14;
	v8 =	vld.idx.msk [tilespmem:v8+s11+$0x0], $0xffff  }
0x78: {  	v15 =	vadd.s32 $0x7, v6;
	v18 =	vor.u32 v1, v14;
	v16 =	vunpack.i.u.bf16.f32 v4  }
0x79: {  	v17 =	vld.idx.msk [tilespmem:v9+s11+$0x0], $0xffff;
	v4 =	vunpack.i.l.bf16.f32 v4;
	v5 =	vmul.bf16 v5, v10;
	v10 =	vand.u32 $0x3F, v15  }
0x7a: {  	v9 =	vld.idx.msk [tilespmem:v9+s12+$0x0], $0xffff;
	v4 =	vadd.f32 v4, v13;
	v10 =	vor.u32 v1, v10;
	v3 =	vmul.bf16 v3, v12  }
0x7b: {  	v13 =	vadd.f32 v16, v13;
	v12 =	vld.idx.msk [tilespmem:v11+s11+$0x0], $0xffff;
	v15 =	vunpack.i.u.bf16.f32 v5;
	v5 =	vunpack.i.l.bf16.f32 v5  }
0x7c: {  	v11 =	vld.idx.msk [tilespmem:v11+s12+$0x0], $0xffff;
	v14 =	vunpack.i.u.bf16.f32 v3;
	v16 =	vunpack.i.l.bf16.f32 v3;
	v3 =	vmul.bf16 v7, v8  }
0x7d: {  	v6 =	vadd.s32 $0x8, v6;
	v4 =	vadd.f32 v5, v4;
	v5 =	vadd.f32 v15, v13  }
0x7e: {  	v13 =	vunpack.i.u.bf16.f32 v3;
	v15 =	vunpack.i.l.bf16.f32 v3;
	v3 =	vand.u32 $0x3F, v6  }
0x7f: {  	v17 =	vmul.bf16 v9, v17;
	v7 =	vld.idx.msk [tilespmem:v10+s11+$0x0], $0xffff;
	v8 =	vor.u32 v1, v3;
	v6 =	vadd.s32 $0x1, v3  }
0x80: {  	v5 =	vadd.f32 v14, v5;
	v4 =	vadd.f32 v16, v4;
	v10 =	vld.idx.msk [tilespmem:v10+s12+$0x0], $0xffff;
	v6 =	vand.u32 $0x3F, v6  }
0x81: {  	v9 =	vld.idx.msk [tilespmem:v18+s11+$0x0], $0xffff;
	v19 =	vmul.bf16 v11, v12;
	v11 =	vadd.s32 $0x2, v3;
	v6 =	vor.u32 v1, v6  }
0x82: {  	v14 =	vunpack.i.l.bf16.f32 v17;
	v17 =	vunpack.i.u.bf16.f32 v17;
	v12 =	vand.u32 $0x3F, v11;
	v11 =	vld.idx.msk [tilespmem:v18+s12+$0x0], $0xffff  }
0x83: {  	v13 =	vadd.f32 v13, v5;
	v16 =	vadd.f32 v15, v4;
	v5 =	vor.u32 v1, v12  }
0x84: {  	s22 =	simm.s32 $0x6;
	v18 =	vadd.s32 $0x3, v3;
	v12 =	vunpack.i.u.bf16.f32 v19;
	v15 =	vunpack.i.l.bf16.f32 v19;
	v4 =	vld.idx.msk [tilespmem:v8+s11+$0x0], $0xffff  }
.LBB2_5:
0x85: {  	p0 =	sne.s32 s22, $0x1;
	s22 =	sadd.s32 $0xFFFFFFFF, s22;
	v8 =	vld.idx.msk [tilespmem:v8+s12+$0x0], $0xffff;
	v18 =	vand.u32 $0x3F, v18;
	v19 =	vadd.s32 $0x4, v3;
	v7 =	vmul.bf16 v10, v7  }
0x86: {  	v14 =	vadd.f32 v14, v16;
	v13 =	vadd.f32 v17, v13;
	v10 =	vld.idx.msk [tilespmem:v6+s11+$0x0], $0xffff;
	v18 =	vor.u32 v1, v18  }
0x87: {  	v17 =	vadd.s32 $0x5, v3;
	v16 =	vand.u32 $0x3F, v19;
	v9 =	vmul.bf16 v11, v9;
	v6 =	vld.idx.msk [tilespmem:v6+s12+$0x0], $0xffff  }
0x88: {  	v16 =	vor.u32 v1, v16;
	v14 =	vadd.f32 v15, v14;
	v12 =	vadd.f32 v12, v13;
	v11 =	vld.idx.msk [tilespmem:v5+s11+$0x0], $0xffff  }
0x89: {  	v13 =	vand.u32 $0x3F, v17;
	v15 =	vunpack.i.u.bf16.f32 v9;
	v9 =	vunpack.i.l.bf16.f32 v9;
	v5 =	vld.idx.msk [tilespmem:v5+s12+$0x0], $0xffff  }
0x8a: {  	v13 =	vor.u32 v1, v13;
	v9 =	vadd.f32 v9, v14;
	v12 =	vadd.f32 v15, v12  }
0x8b: {  	v14 =	vunpack.i.u.bf16.f32 v7;
	v7 =	vunpack.i.l.bf16.f32 v7;
	v4 =	vmul.bf16 v8, v4;
	v8 =	vld.idx.msk [tilespmem:v18+s12+$0x0], $0xffff  }
0x8c: {  	v17 =	vadd.s32 $0x6, v3;
	v7 =	vadd.f32 v7, v9;
	v15 =	vld.idx.msk [tilespmem:v18+s11+$0x0], $0xffff;
	v18 =	vadd.s32 $0x7, v3  }
0x8d: {  	v12 =	vadd.f32 v14, v12;
	v9 =	vunpack.i.u.bf16.f32 v4;
	v4 =	vunpack.i.l.bf16.f32 v4;
	v19 =	vld.idx.msk [tilespmem:v16+s11+$0x0], $0xffff  }
0x8e: {  	v6 =	vmul.bf16 v6, v10;
	v4 =	vadd.f32 v4, v7;
	v7 =	vand.u32 $0x3F, v18;
	v14 =	vld.idx.msk [tilespmem:v16+s12+$0x0], $0xffff  }
0x8f: {  	v10 =	vand.u32 $0x3F, v17;
	v5 =	vmul.bf16 v5, v11;
	v16 =	vor.u32 v1, v7;
	v11 =	vld.idx.msk [tilespmem:v13+s11+$0x0], $0xffff  }
0x90: {  	v17 =	vor.u32 v1, v10;
	v7 =	vunpack.i.u.bf16.f32 v6;
	v6 =	vunpack.i.l.bf16.f32 v6;
	v13 =	vld.idx.msk [tilespmem:v13+s12+$0x0], $0xffff  }
0x91: {  	v9 =	vadd.f32 v9, v12;
	v10 =	vunpack.i.u.bf16.f32 v5;
	v5 =	vunpack.i.l.bf16.f32 v5  }
0x92: {  	v4 =	vadd.f32 v6, v4;
	v6 =	vmul.bf16 v8, v15  }
0x93: {  	v3 =	vadd.s32 $0x8, v3;
	v9 =	vadd.f32 v7, v9  }
0x94: {  	v3 =	vand.u32 $0x3F, v3;
	v12 =	vunpack.i.u.bf16.f32 v6;
	v15 =	vunpack.i.l.bf16.f32 v6;
	v7 =	vld.idx.msk [tilespmem:v16+s11+$0x0], $0xffff  }
0x95: {  	v8 =	vor.u32 v1, v3;
	v18 =	vadd.f32 v10, v9;
	v6 =	vadd.s32 $0x1, v3;
	v10 =	vld.idx.msk [tilespmem:v16+s12+$0x0], $0xffff  }
.Ltmp1:
0x96: {  	v19 =	vmul.bf16 v14, v19;
	v6 =	vand.u32 $0x3F, v6;
	v20 =	vmul.bf16 v13, v11;
	v9 =	vld.idx.msk [tilespmem:v17+s11+$0x0], $0xffff;
	(pc) =	sbr.rel @p0 .LBB2_5-.Ltmp1, $4  }
0x97: {  	v4 =	vadd.f32 v5, v4;
	v6 =	vor.u32 v1, v6;
	v13 =	vadd.s32 $0x2, v3;
	v11 =	vld.idx.msk [tilespmem:v17+s12+$0x0], $0xffff  }
0x98: {  	v14 =	vunpack.i.l.bf16.f32 v19;
	v5 =	vand.u32 $0x3F, v13;
	v13 =	vadd.f32 v12, v18  }
0x99: {  	v16 =	vadd.f32 v15, v4;
	v5 =	vor.u32 v1, v5;
	v12 =	vunpack.i.u.bf16.f32 v20  }
0x9a: {  	v18 =	vadd.s32 $0x3, v3;
	v17 =	vunpack.i.u.bf16.f32 v19;
	v15 =	vunpack.i.l.bf16.f32 v20;
	v4 =	vld.idx.msk [tilespmem:v8+s11+$0x0], $0xffff  }
0x9b: {  	_ =	sdelay $0x2  }
0x9c: {  	v18 =	vand.u32 $0x3F, v18;
	v19 =	vadd.s32 $0x4, v3;
	v7 =	vmul.bf16 v10, v7  }
0x9d: {  	v8 =	vld.idx.msk [tilespmem:v8+s12+$0x0], $0xffff;
	v14 =	vadd.f32 v14, v16;
	v13 =	vadd.f32 v17, v13;
	v17 =	vadd.s32 $0x5, v3  }
0x9e: {  	v10 =	vor.u32 v1, v18;
	v16 =	vand.u32 $0x3F, v19;
	v9 =	vmul.bf16 v11, v9  }
0x9f: {  	v11 =	vld.idx.msk [tilespmem:v6+s11+$0x0], $0xffff;
	v16 =	vor.u32 v1, v16;
	v14 =	vadd.f32 v15, v14;
	v12 =	vadd.f32 v12, v13  }
0xa0: {  	v6 =	vld.idx.msk [tilespmem:v6+s12+$0x0], $0xffff;
	v13 =	vand.u32 $0x3F, v17;
	v15 =	vunpack.i.u.bf16.f32 v9;
	v9 =	vunpack.i.l.bf16.f32 v9  }
0xa1: {  	v17 =	vld.idx.msk [tilespmem:v5+s11+$0x0], $0xffff;
	v13 =	vor.u32 v1, v13;
	v9 =	vadd.f32 v9, v14;
	v12 =	vadd.f32 v15, v12  }
0xa2: {  	v5 =	vld.idx.msk [tilespmem:v5+s12+$0x0], $0xffff;
	v14 =	vadd.s32 $0x6, v3;
	v3 =	vadd.s32 $0x7, v3;
	v4 =	vmul.bf16 v8, v4  }
0xa3: {  	v8 =	vunpack.i.u.bf16.f32 v7;
	v7 =	vunpack.i.l.bf16.f32 v7;
	v14 =	vand.u32 $0x3F, v14;
	v15 =	vld.idx.msk [tilespmem:v10+s12+$0x0], $0xffff  }
0xa4: {  	v3 =	vand.u32 $0x3F, v3;
	v10 =	vld.idx.msk [tilespmem:v10+s11+$0x0], $0xffff;
	v7 =	vadd.f32 v7, v9;
	v14 =	vor.u32 v1, v14  }
0xa5: {  	v8 =	vadd.f32 v8, v12;
	v6 =	vmul.bf16 v6, v11;
	v9 =	vunpack.i.l.bf16.f32 v4;
	v18 =	vld.idx.msk [tilespmem:v16+s11+$0x0], $0xffff  }
0xa6: {  	v3 =	vor.u32 v1, v3;
	v4 =	vunpack.i.u.bf16.f32 v4;
	v7 =	vadd.f32 v9, v7;
	v9 =	vld.idx.msk [tilespmem:v16+s12+$0x0], $0xffff  }
0xa7: {  	v5 =	vmul.bf16 v5, v17;
	v11 =	vld.idx.msk [tilespmem:v13+s11+$0x0], $0xffff;
	v12 =	vunpack.i.l.bf16.f32 v6;
	v4 =	vadd.f32 v4, v8  }
0xa8: {  	v6 =	vunpack.i.u.bf16.f32 v6;
	v8 =	vld.idx.msk [tilespmem:v13+s12+$0x0], $0xffff;
	v7 =	vadd.f32 v12, v7  }
0xa9: {  	v12 =	vunpack.i.l.bf16.f32 v5;
	v4 =	vadd.f32 v6, v4;
	v10 =	vmul.bf16 v15, v10;
	v6 =	vld.idx.msk [tilespmem:v14+s11+$0x0], $0xffff  }
0xaa: {  	v5 =	vunpack.i.u.bf16.f32 v5;
	v7 =	vadd.f32 v12, v7;
	v12 =	vld.idx.msk [tilespmem:v14+s12+$0x0], $0xffff  }
0xab: {  	v14 =	vld.idx.msk [tilespmem:v3+s11+$0x0], $0xffff;
	v4 =	vadd.f32 v5, v4;
	v13 =	vunpack.i.l.bf16.f32 v10;
	v5 =	vmul.bf16 v9, v18  }
0xac: {  	v3 =	vld.idx.msk [tilespmem:v3+s12+$0x0], $0xffff;
	v9 =	vunpack.i.u.bf16.f32 v10;
	v7 =	vadd.f32 v13, v7  }
0xad: {  	v8 =	vmul.bf16 v8, v11;
	v4 =	vadd.f32 v9, v4;
	v9 =	vunpack.i.l.bf16.f32 v5  }
0xae: {  	v5 =	vunpack.i.u.bf16.f32 v5;
	v7 =	vadd.f32 v9, v7  }
0xaf: {  	v9 =	vunpack.i.l.bf16.f32 v8;
	v4 =	vadd.f32 v5, v4;
	v5 =	vmul.bf16 v12, v6  }
0xb0: {  	v6 =	vunpack.i.u.bf16.f32 v8;
	v7 =	vadd.f32 v9, v7  }
0xb1: {  	v3 =	vmul.bf16 v3, v14;
	v4 =	vadd.f32 v6, v4;
	v6 =	vunpack.i.l.bf16.f32 v5  }
0xb2: {  	v5 =	vunpack.i.u.bf16.f32 v5;
	v6 =	vadd.f32 v6, v7  }
0xb3: {  	v4 =	vadd.f32 v5, v4;
	v5 =	vunpack.i.l.bf16.f32 v3  }
0xb4: {  	v3 =	vunpack.i.u.bf16.f32 v3;
	v5 =	vadd.f32 v5, v6;
	v6 =	vlaneseq.u32  }
0xb5: {  	v3 =	vadd.f32 v3, v4;
	v4 =	vor.u32 v2, v6;
	v7 =	vadd.s32 $0x1, v6  }
0xb6: {  	v7 =	vand.u32 $0x3F, v7  }
0xb7: {  	v3 =	vadd.f32 v3, v5;
	v5 =	vor.u32 v2, v7;
	v7 =	vadd.s32 $0x2, v6  }
0xb8: {  	v7 =	vand.u32 $0x3F, v7  }
0xb9: {  	v8 =	vadd.s32 $0x3, v6;
	[tilespmem:s20+$0x4E30] =	vst v3;
	v3 =	vor.u32 v2, v7  }
0xba: {  	v8 =	vand.u32 $0x3F, v8;
	v7 =	vld.idx.msk [tilespmem:v4+s11+$0x0], $0xffff  }
0xbb: {  	v8 =	vor.u32 v2, v8;
	v4 =	vld.idx.msk [tilespmem:v4+s12+$0x0], $0xffff  }
0xbc: {  	v9 =	vadd.s32 $0x4, v6;
	v10 =	vld.idx.msk [tilespmem:v5+s11+$0x0], $0xffff  }
0xbd: {  	v9 =	vand.u32 $0x3F, v9;
	v5 =	vld.idx.msk [tilespmem:v5+s12+$0x0], $0xffff  }
0xbe: {  	v11 =	vadd.s32 $0x5, v6;
	v9 =	vor.u32 v2, v9;
	v12 =	vld.idx.msk [tilespmem:v3+s11+$0x0], $0xffff  }
0xbf: {  	v11 =	vand.u32 $0x3F, v11;
	v3 =	vld.idx.msk [tilespmem:v3+s12+$0x0], $0xffff  }
0xc0: {  	v14 =	vadd.s32 $0x6, v6;
	v11 =	vor.u32 v2, v11;
	v4 =	vmul.bf16 v4, v7;
	v7 =	vld.idx.msk [tilespmem:v8+s12+$0x0], $0xffff  }
0xc1: {  	v13 =	vimm.f32 $0.0e+00;
	v14 =	vand.u32 $0x3F, v14;
	v8 =	vld.idx.msk [tilespmem:v8+s11+$0x0], $0xffff  }
0xc2: {  	v15 =	vadd.s32 $0x7, v6;
	v18 =	vor.u32 v2, v14;
	v16 =	vunpack.i.u.bf16.f32 v4  }
0xc3: {  	v17 =	vld.idx.msk [tilespmem:v9+s11+$0x0], $0xffff;
	v4 =	vunpack.i.l.bf16.f32 v4;
	v5 =	vmul.bf16 v5, v10;
	v10 =	vand.u32 $0x3F, v15  }
0xc4: {  	v9 =	vld.idx.msk [tilespmem:v9+s12+$0x0], $0xffff;
	v4 =	vadd.f32 v4, v13;
	v10 =	vor.u32 v2, v10;
	v3 =	vmul.bf16 v3, v12  }
0xc5: {  	v13 =	vadd.f32 v16, v13;
	v12 =	vld.idx.msk [tilespmem:v11+s11+$0x0], $0xffff;
	v15 =	vunpack.i.u.bf16.f32 v5;
	v5 =	vunpack.i.l.bf16.f32 v5  }
0xc6: {  	v11 =	vld.idx.msk [tilespmem:v11+s12+$0x0], $0xffff;
	v14 =	vunpack.i.u.bf16.f32 v3;
	v16 =	vunpack.i.l.bf16.f32 v3;
	v3 =	vmul.bf16 v7, v8  }
0xc7: {  	v6 =	vadd.s32 $0x8, v6;
	v4 =	vadd.f32 v5, v4;
	v5 =	vadd.f32 v15, v13  }
0xc8: {  	v13 =	vunpack.i.u.bf16.f32 v3;
	v15 =	vunpack.i.l.bf16.f32 v3;
	v3 =	vand.u32 $0x3F, v6  }
0xc9: {  	v17 =	vmul.bf16 v9, v17;
	v7 =	vld.idx.msk [tilespmem:v10+s11+$0x0], $0xffff;
	v8 =	vor.u32 v2, v3;
	v6 =	vadd.s32 $0x1, v3  }
0xca: {  	v5 =	vadd.f32 v14, v5;
	v4 =	vadd.f32 v16, v4;
	v10 =	vld.idx.msk [tilespmem:v10+s12+$0x0], $0xffff;
	v6 =	vand.u32 $0x3F, v6  }
0xcb: {  	v9 =	vld.idx.msk [tilespmem:v18+s11+$0x0], $0xffff;
	v19 =	vmul.bf16 v11, v12;
	v11 =	vadd.s32 $0x2, v3;
	v6 =	vor.u32 v2, v6  }
0xcc: {  	v14 =	vunpack.i.l.bf16.f32 v17;
	v17 =	vunpack.i.u.bf16.f32 v17;
	v12 =	vand.u32 $0x3F, v11;
	v11 =	vld.idx.msk [tilespmem:v18+s12+$0x0], $0xffff  }
0xcd: {  	v13 =	vadd.f32 v13, v5;
	v16 =	vadd.f32 v15, v4;
	v5 =	vor.u32 v2, v12  }
0xce: {  	s22 =	simm.s32 $0x6;
	v18 =	vadd.s32 $0x3, v3;
	v12 =	vunpack.i.u.bf16.f32 v19;
	v15 =	vunpack.i.l.bf16.f32 v19;
	v4 =	vld.idx.msk [tilespmem:v8+s11+$0x0], $0xffff  }
.LBB2_7:
0xcf: {  	p0 =	sne.s32 s22, $0x1;
	s22 =	sadd.s32 $0xFFFFFFFF, s22;
	v8 =	vld.idx.msk [tilespmem:v8+s12+$0x0], $0xffff;
	v18 =	vand.u32 $0x3F, v18;
	v19 =	vadd.s32 $0x4, v3;
	v7 =	vmul.bf16 v10, v7  }
0xd0: {  	v14 =	vadd.f32 v14, v16;
	v13 =	vadd.f32 v17, v13;
	v10 =	vld.idx.msk [tilespmem:v6+s11+$0x0], $0xffff;
	v18 =	vor.u32 v2, v18  }
0xd1: {  	v17 =	vadd.s32 $0x5, v3;
	v16 =	vand.u32 $0x3F, v19;
	v9 =	vmul.bf16 v11, v9;
	v6 =	vld.idx.msk [tilespmem:v6+s12+$0x0], $0xffff  }
0xd2: {  	v16 =	vor.u32 v2, v16;
	v14 =	vadd.f32 v15, v14;
	v12 =	vadd.f32 v12, v13;
	v11 =	vld.idx.msk [tilespmem:v5+s11+$0x0], $0xffff  }
0xd3: {  	v13 =	vand.u32 $0x3F, v17;
	v15 =	vunpack.i.u.bf16.f32 v9;
	v9 =	vunpack.i.l.bf16.f32 v9;
	v5 =	vld.idx.msk [tilespmem:v5+s12+$0x0], $0xffff  }
0xd4: {  	v13 =	vor.u32 v2, v13;
	v9 =	vadd.f32 v9, v14;
	v12 =	vadd.f32 v15, v12  }
0xd5: {  	v14 =	vunpack.i.u.bf16.f32 v7;
	v7 =	vunpack.i.l.bf16.f32 v7;
	v4 =	vmul.bf16 v8, v4;
	v8 =	vld.idx.msk [tilespmem:v18+s12+$0x0], $0xffff  }
0xd6: {  	v17 =	vadd.s32 $0x6, v3;
	v7 =	vadd.f32 v7, v9;
	v15 =	vld.idx.msk [tilespmem:v18+s11+$0x0], $0xffff;
	v18 =	vadd.s32 $0x7, v3  }
0xd7: {  	v12 =	vadd.f32 v14, v12;
	v9 =	vunpack.i.u.bf16.f32 v4;
	v4 =	vunpack.i.l.bf16.f32 v4;
	v19 =	vld.idx.msk [tilespmem:v16+s11+$0x0], $0xffff  }
0xd8: {  	v6 =	vmul.bf16 v6, v10;
	v4 =	vadd.f32 v4, v7;
	v7 =	vand.u32 $0x3F, v18;
	v14 =	vld.idx.msk [tilespmem:v16+s12+$0x0], $0xffff  }
0xd9: {  	v10 =	vand.u32 $0x3F, v17;
	v5 =	vmul.bf16 v5, v11;
	v16 =	vor.u32 v2, v7;
	v11 =	vld.idx.msk [tilespmem:v13+s11+$0x0], $0xffff  }
0xda: {  	v17 =	vor.u32 v2, v10;
	v7 =	vunpack.i.u.bf16.f32 v6;
	v6 =	vunpack.i.l.bf16.f32 v6;
	v13 =	vld.idx.msk [tilespmem:v13+s12+$0x0], $0xffff  }
0xdb: {  	v9 =	vadd.f32 v9, v12;
	v10 =	vunpack.i.u.bf16.f32 v5;
	v5 =	vunpack.i.l.bf16.f32 v5  }
0xdc: {  	v4 =	vadd.f32 v6, v4;
	v6 =	vmul.bf16 v8, v15  }
0xdd: {  	v3 =	vadd.s32 $0x8, v3;
	v9 =	vadd.f32 v7, v9  }
0xde: {  	v3 =	vand.u32 $0x3F, v3;
	v12 =	vunpack.i.u.bf16.f32 v6;
	v15 =	vunpack.i.l.bf16.f32 v6;
	v7 =	vld.idx.msk [tilespmem:v16+s11+$0x0], $0xffff  }
0xdf: {  	v8 =	vor.u32 v2, v3;
	v18 =	vadd.f32 v10, v9;
	v6 =	vadd.s32 $0x1, v3;
	v10 =	vld.idx.msk [tilespmem:v16+s12+$0x0], $0xffff  }
.Ltmp2:
0xe0: {  	v19 =	vmul.bf16 v14, v19;
	v6 =	vand.u32 $0x3F, v6;
	v20 =	vmul.bf16 v13, v11;
	v9 =	vld.idx.msk [tilespmem:v17+s11+$0x0], $0xffff;
	(pc) =	sbr.rel @p0 .LBB2_7-.Ltmp2, $4  }
0xe1: {  	v4 =	vadd.f32 v5, v4;
	v6 =	vor.u32 v2, v6;
	v13 =	vadd.s32 $0x2, v3;
	v11 =	vld.idx.msk [tilespmem:v17+s12+$0x0], $0xffff  }
0xe2: {  	v14 =	vunpack.i.l.bf16.f32 v19;
	v5 =	vand.u32 $0x3F, v13;
	v13 =	vadd.f32 v12, v18  }
0xe3: {  	v16 =	vadd.f32 v15, v4;
	v5 =	vor.u32 v2, v5;
	v12 =	vunpack.i.u.bf16.f32 v20  }
0xe4: {  	v18 =	vadd.s32 $0x3, v3;
	v17 =	vunpack.i.u.bf16.f32 v19;
	v15 =	vunpack.i.l.bf16.f32 v20;
	v4 =	vld.idx.msk [tilespmem:v8+s11+$0x0], $0xffff  }
0xe5: {  	_ =	sdelay $0x2  }
0xe6: {  	v18 =	vand.u32 $0x3F, v18;
	v19 =	vadd.s32 $0x4, v3;
	v7 =	vmul.bf16 v10, v7  }
0xe7: {  	v8 =	vld.idx.msk [tilespmem:v8+s12+$0x0], $0xffff;
	v14 =	vadd.f32 v14, v16;
	v13 =	vadd.f32 v17, v13;
	v17 =	vadd.s32 $0x5, v3  }
0xe8: {  	v10 =	vor.u32 v2, v18;
	v16 =	vand.u32 $0x3F, v19;
	v9 =	vmul.bf16 v11, v9  }
0xe9: {  	v11 =	vld.idx.msk [tilespmem:v6+s11+$0x0], $0xffff;
	v16 =	vor.u32 v2, v16;
	v14 =	vadd.f32 v15, v14;
	v12 =	vadd.f32 v12, v13  }
0xea: {  	v6 =	vld.idx.msk [tilespmem:v6+s12+$0x0], $0xffff;
	v13 =	vand.u32 $0x3F, v17;
	v15 =	vunpack.i.u.bf16.f32 v9;
	v9 =	vunpack.i.l.bf16.f32 v9  }
0xeb: {  	v17 =	vld.idx.msk [tilespmem:v5+s11+$0x0], $0xffff;
	v13 =	vor.u32 v2, v13;
	v9 =	vadd.f32 v9, v14;
	v12 =	vadd.f32 v15, v12  }
0xec: {  	v5 =	vld.idx.msk [tilespmem:v5+s12+$0x0], $0xffff;
	v14 =	vadd.s32 $0x6, v3;
	v3 =	vadd.s32 $0x7, v3;
	v4 =	vmul.bf16 v8, v4  }
0xed: {  	v8 =	vunpack.i.u.bf16.f32 v7;
	v7 =	vunpack.i.l.bf16.f32 v7;
	v14 =	vand.u32 $0x3F, v14;
	v15 =	vld.idx.msk [tilespmem:v10+s12+$0x0], $0xffff  }
0xee: {  	v3 =	vand.u32 $0x3F, v3;
	v10 =	vld.idx.msk [tilespmem:v10+s11+$0x0], $0xffff;
	v7 =	vadd.f32 v7, v9;
	v14 =	vor.u32 v2, v14  }
0xef: {  	v8 =	vadd.f32 v8, v12;
	v6 =	vmul.bf16 v6, v11;
	v9 =	vunpack.i.l.bf16.f32 v4;
	v18 =	vld.idx.msk [tilespmem:v16+s11+$0x0], $0xffff  }
0xf0: {  	v3 =	vor.u32 v2, v3;
	v4 =	vunpack.i.u.bf16.f32 v4;
	v7 =	vadd.f32 v9, v7;
	v9 =	vld.idx.msk [tilespmem:v16+s12+$0x0], $0xffff  }
0xf1: {  	v5 =	vmul.bf16 v5, v17;
	v11 =	vld.idx.msk [tilespmem:v13+s11+$0x0], $0xffff;
	v12 =	vunpack.i.l.bf16.f32 v6;
	v4 =	vadd.f32 v4, v8  }
0xf2: {  	v6 =	vunpack.i.u.bf16.f32 v6;
	v8 =	vld.idx.msk [tilespmem:v13+s12+$0x0], $0xffff;
	v7 =	vadd.f32 v12, v7  }
0xf3: {  	v12 =	vunpack.i.l.bf16.f32 v5;
	v4 =	vadd.f32 v6, v4;
	v10 =	vmul.bf16 v15, v10;
	v6 =	vld.idx.msk [tilespmem:v14+s11+$0x0], $0xffff  }
0xf4: {  	v5 =	vunpack.i.u.bf16.f32 v5;
	v7 =	vadd.f32 v12, v7;
	v12 =	vld.idx.msk [tilespmem:v14+s12+$0x0], $0xffff  }
0xf5: {  	v14 =	vld.idx.msk [tilespmem:v3+s11+$0x0], $0xffff;
	v4 =	vadd.f32 v5, v4;
	v13 =	vunpack.i.l.bf16.f32 v10;
	v5 =	vmul.bf16 v9, v18  }
0xf6: {  	v3 =	vld.idx.msk [tilespmem:v3+s12+$0x0], $0xffff;
	v9 =	vunpack.i.u.bf16.f32 v10;
	v7 =	vadd.f32 v13, v7  }
0xf7: {  	v8 =	vmul.bf16 v8, v11;
	v4 =	vadd.f32 v9, v4;
	v9 =	vunpack.i.l.bf16.f32 v5  }
0xf8: {  	v5 =	vunpack.i.u.bf16.f32 v5;
	v7 =	vadd.f32 v9, v7  }
0xf9: {  	v9 =	vunpack.i.l.bf16.f32 v8;
	v4 =	vadd.f32 v5, v4;
	v5 =	vmul.bf16 v12, v6  }
0xfa: {  	v6 =	vunpack.i.u.bf16.f32 v8;
	v7 =	vadd.f32 v9, v7  }
0xfb: {  	v3 =	vmul.bf16 v3, v14;
	v4 =	vadd.f32 v6, v4;
	v6 =	vunpack.i.l.bf16.f32 v5  }
0xfc: {  	v5 =	vunpack.i.u.bf16.f32 v5;
	v6 =	vadd.f32 v6, v7  }
0xfd: {  	v5 =	vadd.f32 v5, v4;
	v4 =	vunpack.i.l.bf16.f32 v3;
	v7 =	vlaneseq.u32  }
0xfe: {  	v3 =	vunpack.i.u.bf16.f32 v3;
	v6 =	vadd.f32 v4, v6;
	v4 =	vadd.s32 $0x2, v7  }
0xff: {  	v8 =	vadd.s32 $0x3, v7;
	v9 =	vand.u32 $0x3F, v4;
	v4 =	vor.u32 $0xC00, v0  }
0x100: {  	v3 =	vadd.f32 v3, v5;
	v5 =	vand.u32 $0x3F, v8;
	v8 =	vor.u32 v4, v9  }
0x101: {  	v5 =	vor.u32 v4, v5  }
0x102: {  	v3 =	vadd.f32 v3, v6  }
0x103: {  	v10 =	vor.u32 v4, v7  }
0x104: {  	v9 =	vadd.s32 $0x1, v7;
	[tilespmem:s20+$0x4E40] =	vst v3  }
0x105: {  	v6 =	vadd.s32 $0x4, v7;
	v3 =	vand.u32 $0x3F, v9;
	v17 =	vld.idx.msk [tilespmem:v8+s11+$0x0], $0xffff  }
0x106: {  	v6 =	vand.u32 $0x3F, v6;
	v11 =	vor.u32 v4, v3;
	v12 =	vld.idx.msk [tilespmem:v5+s12+$0x0], $0xffff  }
0x107: {  	v16 =	vimm.f32 $0.0e+00;
	v14 =	vadd.s32 $0x7, v7;
	v9 =	vor.u32 v4, v6;
	v13 =	vld.idx.msk [tilespmem:v5+s11+$0x0], $0xffff  }
0x108: {  	v6 =	vadd.s32 $0x8, v7;
	v3 =	vadd.s32 $0x5, v7;
	v7 =	vadd.s32 $0x6, v7;
	v18 =	vld.idx.msk [tilespmem:v10+s12+$0x0], $0xffff  }
0x109: {  	v6 =	vand.u32 $0x3F, v6;
	v3 =	vand.u32 $0x3F, v3;
	v7 =	vand.u32 $0x3F, v7;
	v19 =	vld.idx.msk [tilespmem:v10+s11+$0x0], $0xffff  }
0x10a: {  	v24 =	vadd.s32 $0x4, v6;
	v21 =	vadd.s32 $0x2, v6;
	v15 =	vor.u32 v4, v3;
	v8 =	vld.idx.msk [tilespmem:v8+s12+$0x0], $0xffff  }
0x10b: {  	v26 =	vadd.s32 $0x5, v6;
	v3 =	vand.u32 $0x3F, v14;
	v7 =	vor.u32 v4, v7;
	v20 =	vld.idx.msk [tilespmem:v11+s12+$0x0], $0xffff  }
0x10c: {  	v14 =	vadd.s32 $0x7, v6;
	v27 =	vand.u32 $0x3F, v21;
	v26 =	vand.u32 $0x3F, v26;
	v22 =	vld.idx.msk [tilespmem:v11+s11+$0x0], $0xffff  }
0x10d: {  	v23 =	vor.u32 v4, v3;
	v3 =	vand.u32 $0x3F, v14;
	v5 =	vld.idx.msk [tilespmem:v9+s12+$0x0], $0xffff;
	v11 =	vadd.s32 $0x3, v6  }
0x10e: {  	v21 =	vld.idx.msk [tilespmem:v9+s11+$0x0], $0xffff;
	v25 =	vand.u32 $0x3F, v11;
	v10 =	vmul.bf16 v12, v13;
	v12 =	vadd.s32 $0x6, v6  }
0x10f: {  	v13 =	vadd.s32 $0x1, v6;
	v11 =	vld.idx.msk [tilespmem:v15+s12+$0x0], $0xffff;
	v32 =	vmul.bf16 v8, v17;
	v17 =	vor.u32 v4, v26  }
0x110: {  	v30 =	vand.u32 $0x3F, v12;
	v12 =	vor.u32 v4, v27;
	v27 =	vmul.bf16 v18, v19;
	v19 =	vld.idx.msk [tilespmem:v7+s12+$0x0], $0xffff  }
0x111: {  	v14 =	vand.u32 $0x3F, v13;
	v18 =	vor.u32 v4, v25;
	v28 =	vmul.bf16 v20, v22;
	v22 =	vld.idx.msk [tilespmem:v7+s11+$0x0], $0xffff  }
0x112: {  	v13 =	vld.idx.msk [tilespmem:v15+s11+$0x0], $0xffff;
	v15 =	vor.u32 v4, v6;
	v14 =	vor.u32 v4, v14;
	v7 =	vand.u32 $0x3F, v24  }
0x113: {  	v26 =	vunpack.i.l.bf16.f32 v32;
	v31 =	vunpack.i.u.bf16.f32 v27;
	v20 =	vld.idx.msk [tilespmem:v23+s12+$0x0], $0xffff;
	v9 =	vor.u32 v4, v7  }
0x114: {  	v23 =	vld.idx.msk [tilespmem:v23+s11+$0x0], $0xffff;
	v29 =	vunpack.i.l.bf16.f32 v27;
	v27 =	vunpack.i.u.bf16.f32 v32;
	v7 =	vor.u32 v4, v30  }
0x115: {  	s22 =	simm.s32 $0x6;
	v25 =	vunpack.i.u.bf16.f32 v28;
	v24 =	vunpack.i.l.bf16.f32 v28;
	v28 =	vadd.f32 v31, v16;
	v8 =	vld.idx.msk [tilespmem:v12+s11+$0x0], $0xffff  }
.LBB2_9:
0x116: {  	p0 =	sne.s32 s22, $0x1;
	s22 =	sadd.s32 $0xFFFFFFFF, s22;
	v30 =	vld.idx.msk [tilespmem:v18+s12+$0x0], $0xffff;
	v16 =	vadd.f32 v29, v16;
	v21 =	vmul.bf16 v5, v21;
	v19 =	vmul.bf16 v19, v22  }
0x117: {  	v25 =	vadd.f32 v25, v28;
	v28 =	vunpack.i.u.bf16.f32 v10;
	v13 =	vmul.bf16 v11, v13;
	v22 =	vld.idx.msk [tilespmem:v15+s12+$0x0], $0xffff  }
0x118: {  	v29 =	vor.u32 v4, v3;
	v5 =	vld.idx.msk [tilespmem:v9+s12+$0x0], $0xffff;
	v3 =	vadd.f32 v24, v16;
	v16 =	vunpack.i.l.bf16.f32 v21  }
0x119: {  	v24 =	vadd.f32 v27, v25;
	v21 =	vunpack.i.u.bf16.f32 v21;
	v20 =	vmul.bf16 v20, v23;
	v18 =	vld.idx.msk [tilespmem:v18+s11+$0x0], $0xffff  }
0x11a: {  	v23 =	vunpack.i.l.bf16.f32 v13;
	v11 =	vld.idx.msk [tilespmem:v17+s12+$0x0], $0xffff;
	v3 =	vadd.f32 v26, v3  }
0x11b: {  	v10 =	vunpack.i.l.bf16.f32 v10;
	v24 =	vadd.f32 v28, v24;
	v26 =	vunpack.i.u.bf16.f32 v13;
	v25 =	vld.idx.msk [tilespmem:v14+s12+$0x0], $0xffff  }
0x11c: {  	v6 =	vadd.s32 $0x8, v6;
	v13 =	vld.idx.msk [tilespmem:v17+s11+$0x0], $0xffff;
	v3 =	vadd.f32 v10, v3;
	v17 =	vunpack.i.l.bf16.f32 v19  }
0x11d: {  	v6 =	vand.u32 $0x3F, v6;
	v19 =	vunpack.i.u.bf16.f32 v19;
	v27 =	vld.idx.msk [tilespmem:v15+s11+$0x0], $0xffff;
	v15 =	vadd.f32 v21, v24  }
0x11e: {  	v10 =	vadd.s32 $0x7, v6;
	v24 =	vld.idx.msk [tilespmem:v14+s11+$0x0], $0xffff;
	v14 =	vadd.f32 v16, v3;
	v16 =	vunpack.i.l.bf16.f32 v20  }
0x11f: {  	v3 =	vand.u32 $0x3F, v10;
	v10 =	vmul.bf16 v30, v18;
	v28 =	vld.idx.msk [tilespmem:v12+s12+$0x0], $0xffff;
	v12 =	vadd.f32 v26, v15  }
0x120: {  	v26 =	vadd.s32 $0x4, v6;
	v15 =	vunpack.i.u.bf16.f32 v20;
	v14 =	vadd.f32 v23, v14  }
0x121: {  	v18 =	vadd.s32 $0x3, v6;
	v20 =	vadd.s32 $0x6, v6;
	v12 =	vadd.f32 v19, v12  }
0x122: {  	v18 =	vand.u32 $0x3F, v18;
	v19 =	vadd.s32 $0x1, v6;
	v14 =	vadd.f32 v17, v14  }
0x123: {  	v17 =	vand.u32 $0x3F, v19;
	v19 =	vadd.s32 $0x2, v6;
	v30 =	vadd.f32 v15, v12  }
0x124: {  	v12 =	vand.u32 $0x3F, v19;
	v15 =	vadd.s32 $0x5, v6;
	v21 =	vld.idx.msk [tilespmem:v9+s11+$0x0], $0xffff;
	v16 =	vadd.f32 v16, v14  }
0x125: {  	v32 =	vand.u32 $0x3F, v20;
	v31 =	vand.u32 $0x3F, v15;
	v19 =	vld.idx.msk [tilespmem:v7+s12+$0x0], $0xffff  }
0x126: {  	v27 =	vmul.bf16 v22, v27;
	v15 =	vor.u32 v4, v6;
	v12 =	vor.u32 v4, v12;
	v22 =	vld.idx.msk [tilespmem:v7+s11+$0x0], $0xffff  }
.Ltmp3:
0x127: {  	v18 =	vor.u32 v4, v18;
	v14 =	vor.u32 v4, v17;
	v7 =	vmul.bf16 v25, v24;
	(pc) =	sbr.rel @p0 .LBB2_9-.Ltmp3, $4  }
0x128: {  	v9 =	vand.u32 $0x3F, v26;
	v26 =	vunpack.i.u.bf16.f32 v27;
	v33 =	vmul.bf16 v28, v8;
	v20 =	vld.idx.msk [tilespmem:v29+s12+$0x0], $0xffff  }
0x129: {  	v9 =	vor.u32 v4, v9;
	v25 =	vunpack.i.u.bf16.f32 v7;
	v24 =	vunpack.i.l.bf16.f32 v7;
	v23 =	vld.idx.msk [tilespmem:v29+s11+$0x0], $0xffff  }
0x12a: {  	v17 =	vor.u32 v4, v31;
	v28 =	vadd.f32 v26, v30;
	v29 =	vunpack.i.l.bf16.f32 v27  }
0x12b: {  	v26 =	vunpack.i.l.bf16.f32 v33;
	v7 =	vor.u32 v4, v32;
	v27 =	vunpack.i.u.bf16.f32 v33;
	v8 =	vld.idx.msk [tilespmem:v12+s11+$0x0], $0xffff  }
0x12c: {  	v6 =	vadd.f32 v29, v16;
	v16 =	vadd.f32 v25, v28;
	_ =	sdelay $0x1  }
0x12d: {  	v6 =	vadd.f32 v24, v6;
	v16 =	vadd.f32 v27, v16  }
0x12e: {  	v5 =	vmul.bf16 v5, v21;
	v21 =	vunpack.i.u.bf16.f32 v10  }
0x12f: {  	v6 =	vadd.f32 v26, v6;
	v16 =	vadd.f32 v21, v16  }
0x130: {  	v11 =	vmul.bf16 v11, v13;
	v10 =	vunpack.i.l.bf16.f32 v10;
	v13 =	vunpack.i.u.bf16.f32 v5;
	v21 =	vld.idx.msk [tilespmem:v15+s12+$0x0], $0xffff  }
0x131: {  	v6 =	vadd.f32 v10, v6;
	v10 =	vld.idx.msk [tilespmem:v15+s11+$0x0], $0xffff;
	v13 =	vadd.f32 v13, v16  }
0x132: {  	v5 =	vunpack.i.l.bf16.f32 v5;
	v15 =	vmul.bf16 v19, v22;
	v16 =	vld.idx.msk [tilespmem:v14+s12+$0x0], $0xffff;
	v19 =	vunpack.i.u.bf16.f32 v11  }
0x133: {  	v14 =	vld.idx.msk [tilespmem:v14+s11+$0x0], $0xffff;
	v5 =	vadd.f32 v5, v6;
	v6 =	vadd.f32 v19, v13  }
0x134: {  	v11 =	vunpack.i.l.bf16.f32 v11;
	v13 =	vmul.bf16 v20, v23;
	v19 =	vunpack.i.u.bf16.f32 v15  }
0x135: {  	v12 =	vld.idx.msk [tilespmem:v12+s12+$0x0], $0xffff;
	v5 =	vadd.f32 v11, v5;
	v6 =	vadd.f32 v19, v6  }
0x136: {  	v15 =	vunpack.i.l.bf16.f32 v15;
	v11 =	vld.idx.msk [tilespmem:v18+s12+$0x0], $0xffff;
	v19 =	vunpack.i.u.bf16.f32 v13;
	v10 =	vmul.bf16 v21, v10  }
0x137: {  	v18 =	vld.idx.msk [tilespmem:v18+s11+$0x0], $0xffff;
	v5 =	vadd.f32 v15, v5;
	v6 =	vadd.f32 v19, v6  }
0x138: {  	v13 =	vunpack.i.l.bf16.f32 v13;
	v14 =	vmul.bf16 v16, v14;
	v15 =	vld.idx.msk [tilespmem:v9+s12+$0x0], $0xffff;
	v16 =	vunpack.i.u.bf16.f32 v10  }
0x139: {  	v3 =	vor.u32 v4, v3;
	v9 =	vld.idx.msk [tilespmem:v9+s11+$0x0], $0xffff;
	v5 =	vadd.f32 v13, v5;
	v6 =	vadd.f32 v16, v6  }
0x13a: {  	v8 =	vmul.bf16 v12, v8;
	v12 =	vunpack.i.u.bf16.f32 v14;
	v10 =	vunpack.i.l.bf16.f32 v10;
	v13 =	vld.idx.msk [tilespmem:v17+s12+$0x0], $0xffff  }
0x13b: {  	v16 =	vld.idx.msk [tilespmem:v17+s11+$0x0], $0xffff;
	v5 =	vadd.f32 v10, v5;
	v6 =	vadd.f32 v12, v6  }
0x13c: {  	v10 =	vmul.bf16 v11, v18;
	v11 =	vld.idx.msk [tilespmem:v7+s12+$0x0], $0xffff;
	v12 =	vunpack.i.l.bf16.f32 v14;
	v14 =	vunpack.i.u.bf16.f32 v8  }
0x13d: {  	v7 =	vld.idx.msk [tilespmem:v7+s11+$0x0], $0xffff;
	v5 =	vadd.f32 v12, v5;
	v6 =	vadd.f32 v14, v6  }
0x13e: {  	v8 =	vunpack.i.l.bf16.f32 v8;
	v9 =	vmul.bf16 v15, v9;
	v12 =	vld.idx.msk [tilespmem:v3+s12+$0x0], $0xffff;
	v14 =	vunpack.i.u.bf16.f32 v10  }
0x13f: {  	v3 =	vld.idx.msk [tilespmem:v3+s11+$0x0], $0xffff;
	v5 =	vadd.f32 v8, v5;
	v6 =	vadd.f32 v14, v6  }
0x140: {  	v10 =	vunpack.i.l.bf16.f32 v10;
	v8 =	vmul.bf16 v13, v16;
	v13 =	vunpack.i.u.bf16.f32 v9  }
0x141: {  	v5 =	vadd.f32 v10, v5;
	v6 =	vadd.f32 v13, v6  }
0x142: {  	v9 =	vunpack.i.l.bf16.f32 v9;
	v7 =	vmul.bf16 v11, v7;
	v10 =	vunpack.i.u.bf16.f32 v8  }
0x143: {  	v5 =	vadd.f32 v9, v5;
	v6 =	vadd.f32 v10, v6  }
0x144: {  	v8 =	vunpack.i.l.bf16.f32 v8;
	v3 =	vmul.bf16 v12, v3;
	v9 =	vunpack.i.u.bf16.f32 v7  }
0x145: {  	v7 =	vunpack.i.l.bf16.f32 v7;
	v5 =	vadd.f32 v8, v5;
	v6 =	vadd.f32 v9, v6  }
0x146: {  	v8 =	vunpack.i.l.bf16.f32 v3;
	v3 =	vunpack.i.u.bf16.f32 v3;
	v9 =	vlaneseq.u32  }
0x147: {  	v7 =	vadd.f32 v7, v5;
	v3 =	vadd.f32 v3, v6;
	v5 =	vadd.s32 $0x2, v9  }
0x148: {  	v6 =	vadd.s32 $0x3, v9;
	v10 =	vand.u32 $0x3F, v5;
	v5 =	vor.u32 $0x1000, v0  }
0x149: {  	v6 =	vand.u32 $0x3F, v6;
	v7 =	vadd.f32 v8, v7;
	v8 =	vor.u32 v5, v10  }
0x14a: {  	v6 =	vor.u32 v5, v6  }
0x14b: {  	v3 =	vadd.f32 v3, v7  }
0x14c: {  	v11 =	vor.u32 v5, v9  }
0x14d: {  	v10 =	vadd.s32 $0x1, v9;
	[tilespmem:s20+$0x4E50] =	vst v3  }
0x14e: {  	v7 =	vadd.s32 $0x4, v9;
	v3 =	vand.u32 $0x3F, v10;
	v18 =	vld.idx.msk [tilespmem:v8+s11+$0x0], $0xffff  }
0x14f: {  	v7 =	vand.u32 $0x3F, v7;
	v12 =	vor.u32 v5, v3;
	v13 =	vld.idx.msk [tilespmem:v6+s12+$0x0], $0xffff  }
0x150: {  	v17 =	vimm.f32 $0.0e+00;
	v15 =	vadd.s32 $0x7, v9;
	v10 =	vor.u32 v5, v7;
	v14 =	vld.idx.msk [tilespmem:v6+s11+$0x0], $0xffff  }
0x151: {  	v7 =	vadd.s32 $0x8, v9;
	v3 =	vadd.s32 $0x5, v9;
	v19 =	vld.idx.msk [tilespmem:v11+s12+$0x0], $0xffff;
	v9 =	vadd.s32 $0x6, v9  }
0x152: {  	v7 =	vand.u32 $0x3F, v7;
	v20 =	vld.idx.msk [tilespmem:v11+s11+$0x0], $0xffff;
	v3 =	vand.u32 $0x3F, v3;
	v9 =	vand.u32 $0x3F, v9  }
0x153: {  	v8 =	vld.idx.msk [tilespmem:v8+s12+$0x0], $0xffff;
	v25 =	vadd.s32 $0x4, v7;
	v22 =	vadd.s32 $0x2, v7;
	v16 =	vor.u32 v5, v3  }
0x154: {  	v27 =	vadd.s32 $0x5, v7;
	v3 =	vand.u32 $0x3F, v15;
	v9 =	vor.u32 v5, v9;
	v21 =	vld.idx.msk [tilespmem:v12+s12+$0x0], $0xffff  }
0x155: {  	v15 =	vadd.s32 $0x7, v7;
	v28 =	vand.u32 $0x3F, v22;
	v27 =	vand.u32 $0x3F, v27;
	v23 =	vld.idx.msk [tilespmem:v12+s11+$0x0], $0xffff  }
0x156: {  	v24 =	vor.u32 v5, v3;
	v3 =	vand.u32 $0x3F, v15;
	v6 =	vld.idx.msk [tilespmem:v10+s12+$0x0], $0xffff;
	v11 =	vmul.bf16 v13, v14  }
0x157: {  	v22 =	vld.idx.msk [tilespmem:v10+s11+$0x0], $0xffff;
	v12 =	vadd.s32 $0x3, v7;
	v13 =	vadd.s32 $0x6, v7;
	v14 =	vadd.s32 $0x1, v7  }
0x158: {  	v33 =	vmul.bf16 v8, v18;
	v18 =	vor.u32 v5, v27;
	v26 =	vand.u32 $0x3F, v12;
	v12 =	vld.idx.msk [tilespmem:v16+s12+$0x0], $0xffff  }
0x159: {  	v31 =	vand.u32 $0x3F, v13;
	v13 =	vor.u32 v5, v28;
	v28 =	vmul.bf16 v19, v20;
	v20 =	vld.idx.msk [tilespmem:v9+s12+$0x0], $0xffff  }
0x15a: {  	v15 =	vand.u32 $0x3F, v14;
	v19 =	vor.u32 v5, v26;
	v29 =	vmul.bf16 v21, v23;
	v23 =	vld.idx.msk [tilespmem:v9+s11+$0x0], $0xffff  }
0x15b: {  	v14 =	vld.idx.msk [tilespmem:v16+s11+$0x0], $0xffff;
	v16 =	vor.u32 v5, v7;
	v15 =	vor.u32 v5, v15;
	v9 =	vand.u32 $0x3F, v25  }
0x15c: {  	v8 =	vor.u32 v5, v31;
	v27 =	vunpack.i.l.bf16.f32 v33;
	v21 =	vld.idx.msk [tilespmem:v24+s12+$0x0], $0xffff;
	v10 =	vor.u32 v5, v9  }
0x15d: {  	v32 =	vunpack.i.u.bf16.f32 v28;
	v30 =	vunpack.i.l.bf16.f32 v28;
	v28 =	vunpack.i.u.bf16.f32 v33;
	v24 =	vld.idx.msk [tilespmem:v24+s11+$0x0], $0xffff  }
0x15e: {  	s22 =	simm.s32 $0x6;
	v9 =	vld.idx.msk [tilespmem:v13+s11+$0x0], $0xffff;
	v26 =	vunpack.i.u.bf16.f32 v29;
	v25 =	vunpack.i.l.bf16.f32 v29;
	v29 =	vadd.f32 v32, v17  }
.LBB2_11:
0x15f: {  	p0 =	sne.s32 s22, $0x1;
	s22 =	sadd.s32 $0xFFFFFFFF, s22;
	v31 =	vld.idx.msk [tilespmem:v19+s12+$0x0], $0xffff;
	v17 =	vadd.f32 v30, v17;
	v22 =	vmul.bf16 v6, v22;
	v20 =	vmul.bf16 v20, v23  }
0x160: {  	v26 =	vadd.f32 v26, v29;
	v29 =	vunpack.i.u.bf16.f32 v11;
	v14 =	vmul.bf16 v12, v14;
	v23 =	vld.idx.msk [tilespmem:v16+s12+$0x0], $0xffff  }
0x161: {  	v30 =	vor.u32 v5, v3;
	v6 =	vld.idx.msk [tilespmem:v10+s12+$0x0], $0xffff;
	v3 =	vadd.f32 v25, v17;
	v17 =	vunpack.i.l.bf16.f32 v22  }
0x162: {  	v25 =	vadd.f32 v28, v26;
	v22 =	vunpack.i.u.bf16.f32 v22;
	v21 =	vmul.bf16 v21, v24;
	v19 =	vld.idx.msk [tilespmem:v19+s11+$0x0], $0xffff  }
0x163: {  	v24 =	vunpack.i.l.bf16.f32 v14;
	v12 =	vld.idx.msk [tilespmem:v18+s12+$0x0], $0xffff;
	v3 =	vadd.f32 v27, v3  }
0x164: {  	v11 =	vunpack.i.l.bf16.f32 v11;
	v25 =	vadd.f32 v29, v25;
	v27 =	vunpack.i.u.bf16.f32 v14;
	v26 =	vld.idx.msk [tilespmem:v15+s12+$0x0], $0xffff  }
0x165: {  	v7 =	vadd.s32 $0x8, v7;
	v14 =	vld.idx.msk [tilespmem:v18+s11+$0x0], $0xffff;
	v3 =	vadd.f32 v11, v3;
	v18 =	vunpack.i.l.bf16.f32 v20  }
0x166: {  	v7 =	vand.u32 $0x3F, v7;
	v20 =	vunpack.i.u.bf16.f32 v20;
	v28 =	vld.idx.msk [tilespmem:v16+s11+$0x0], $0xffff;
	v16 =	vadd.f32 v22, v25  }
0x167: {  	v11 =	vadd.s32 $0x7, v7;
	v25 =	vld.idx.msk [tilespmem:v15+s11+$0x0], $0xffff;
	v15 =	vadd.f32 v17, v3;
	v17 =	vunpack.i.l.bf16.f32 v21  }
0x168: {  	v3 =	vand.u32 $0x3F, v11;
	v11 =	vmul.bf16 v31, v19;
	v29 =	vld.idx.msk [tilespmem:v13+s12+$0x0], $0xffff;
	v13 =	vadd.f32 v27, v16  }
0x169: {  	v27 =	vadd.s32 $0x4, v7;
	v16 =	vunpack.i.u.bf16.f32 v21;
	v15 =	vadd.f32 v24, v15  }
0x16a: {  	v19 =	vadd.s32 $0x3, v7;
	v21 =	vadd.s32 $0x6, v7;
	v13 =	vadd.f32 v20, v13  }
0x16b: {  	v19 =	vand.u32 $0x3F, v19;
	v20 =	vadd.s32 $0x1, v7;
	v15 =	vadd.f32 v18, v15  }
0x16c: {  	v18 =	vand.u32 $0x3F, v20;
	v20 =	vadd.s32 $0x2, v7;
	v31 =	vadd.f32 v16, v13  }
0x16d: {  	v13 =	vand.u32 $0x3F, v20;
	v16 =	vadd.s32 $0x5, v7;
	v22 =	vld.idx.msk [tilespmem:v10+s11+$0x0], $0xffff;
	v17 =	vadd.f32 v17, v15  }
0x16e: {  	v33 =	vand.u32 $0x3F, v21;
	v32 =	vand.u32 $0x3F, v16;
	v20 =	vld.idx.msk [tilespmem:v8+s12+$0x0], $0xffff  }
0x16f: {  	v28 =	vmul.bf16 v23, v28;
	v16 =	vor.u32 v5, v7;
	v13 =	vor.u32 v5, v13;
	v23 =	vld.idx.msk [tilespmem:v8+s11+$0x0], $0xffff  }
.Ltmp4:
0x170: {  	v19 =	vor.u32 v5, v19;
	v15 =	vor.u32 v5, v18;
	v8 =	vmul.bf16 v26, v25;
	(pc) =	sbr.rel @p0 .LBB2_11-.Ltmp4, $4  }
0x171: {  	v10 =	vand.u32 $0x3F, v27;
	v27 =	vunpack.i.u.bf16.f32 v28;
	v34 =	vmul.bf16 v29, v9;
	v21 =	vld.idx.msk [tilespmem:v30+s12+$0x0], $0xffff  }
0x172: {  	v10 =	vor.u32 v5, v10;
	v26 =	vunpack.i.u.bf16.f32 v8;
	v25 =	vunpack.i.l.bf16.f32 v8;
	v24 =	vld.idx.msk [tilespmem:v30+s11+$0x0], $0xffff  }
0x173: {  	v18 =	vor.u32 v5, v32;
	v29 =	vadd.f32 v27, v31;
	v30 =	vunpack.i.l.bf16.f32 v28  }
0x174: {  	v27 =	vunpack.i.l.bf16.f32 v34;
	v8 =	vor.u32 v5, v33;
	v28 =	vunpack.i.u.bf16.f32 v34;
	v9 =	vld.idx.msk [tilespmem:v13+s11+$0x0], $0xffff  }
0x175: {  	v7 =	vadd.f32 v30, v17;
	v17 =	vadd.f32 v26, v29;
	_ =	sdelay $0x1  }
0x176: {  	v7 =	vadd.f32 v25, v7;
	v17 =	vadd.f32 v28, v17  }
0x177: {  	v6 =	vmul.bf16 v6, v22;
	v22 =	vunpack.i.u.bf16.f32 v11  }
0x178: {  	v7 =	vadd.f32 v27, v7;
	v17 =	vadd.f32 v22, v17  }
0x179: {  	v12 =	vmul.bf16 v12, v14;
	v11 =	vunpack.i.l.bf16.f32 v11;
	v14 =	vunpack.i.u.bf16.f32 v6;
	v22 =	vld.idx.msk [tilespmem:v16+s12+$0x0], $0xffff  }
0x17a: {  	v7 =	vadd.f32 v11, v7;
	v11 =	vld.idx.msk [tilespmem:v16+s11+$0x0], $0xffff;
	v14 =	vadd.f32 v14, v17  }
0x17b: {  	v6 =	vunpack.i.l.bf16.f32 v6;
	v16 =	vmul.bf16 v20, v23;
	v17 =	vld.idx.msk [tilespmem:v15+s12+$0x0], $0xffff;
	v20 =	vunpack.i.u.bf16.f32 v12  }
0x17c: {  	v15 =	vld.idx.msk [tilespmem:v15+s11+$0x0], $0xffff;
	v6 =	vadd.f32 v6, v7;
	v7 =	vadd.f32 v20, v14  }
0x17d: {  	v12 =	vunpack.i.l.bf16.f32 v12;
	v14 =	vmul.bf16 v21, v24;
	v20 =	vunpack.i.u.bf16.f32 v16  }
0x17e: {  	v13 =	vld.idx.msk [tilespmem:v13+s12+$0x0], $0xffff;
	v6 =	vadd.f32 v12, v6;
	v7 =	vadd.f32 v20, v7  }
0x17f: {  	v16 =	vunpack.i.l.bf16.f32 v16;
	v12 =	vld.idx.msk [tilespmem:v19+s12+$0x0], $0xffff;
	v20 =	vunpack.i.u.bf16.f32 v14;
	v11 =	vmul.bf16 v22, v11  }
0x180: {  	v19 =	vld.idx.msk [tilespmem:v19+s11+$0x0], $0xffff;
	v6 =	vadd.f32 v16, v6;
	v7 =	vadd.f32 v20, v7  }
0x181: {  	v14 =	vunpack.i.l.bf16.f32 v14;
	v15 =	vmul.bf16 v17, v15;
	v16 =	vld.idx.msk [tilespmem:v10+s12+$0x0], $0xffff;
	v17 =	vunpack.i.u.bf16.f32 v11  }
0x182: {  	v3 =	vor.u32 v5, v3;
	v10 =	vld.idx.msk [tilespmem:v10+s11+$0x0], $0xffff;
	v6 =	vadd.f32 v14, v6;
	v7 =	vadd.f32 v17, v7  }
0x183: {  	v9 =	vmul.bf16 v13, v9;
	v13 =	vunpack.i.u.bf16.f32 v15;
	v11 =	vunpack.i.l.bf16.f32 v11;
	v14 =	vld.idx.msk [tilespmem:v18+s12+$0x0], $0xffff  }
0x184: {  	v17 =	vld.idx.msk [tilespmem:v18+s11+$0x0], $0xffff;
	v6 =	vadd.f32 v11, v6;
	v7 =	vadd.f32 v13, v7  }
0x185: {  	v11 =	vmul.bf16 v12, v19;
	v12 =	vld.idx.msk [tilespmem:v8+s12+$0x0], $0xffff;
	v13 =	vunpack.i.l.bf16.f32 v15;
	v15 =	vunpack.i.u.bf16.f32 v9  }
0x186: {  	v8 =	vld.idx.msk [tilespmem:v8+s11+$0x0], $0xffff;
	v6 =	vadd.f32 v13, v6;
	v7 =	vadd.f32 v15, v7  }
0x187: {  	v9 =	vunpack.i.l.bf16.f32 v9;
	v10 =	vmul.bf16 v16, v10;
	v13 =	vld.idx.msk [tilespmem:v3+s12+$0x0], $0xffff;
	v15 =	vunpack.i.u.bf16.f32 v11  }
0x188: {  	v3 =	vld.idx.msk [tilespmem:v3+s11+$0x0], $0xffff;
	v6 =	vadd.f32 v9, v6;
	v7 =	vadd.f32 v15, v7  }
0x189: {  	v11 =	vunpack.i.l.bf16.f32 v11;
	v9 =	vmul.bf16 v14, v17;
	v14 =	vunpack.i.u.bf16.f32 v10  }
0x18a: {  	v6 =	vadd.f32 v11, v6;
	v7 =	vadd.f32 v14, v7  }
0x18b: {  	v10 =	vunpack.i.l.bf16.f32 v10;
	v8 =	vmul.bf16 v12, v8;
	v11 =	vunpack.i.u.bf16.f32 v9  }
0x18c: {  	v6 =	vadd.f32 v10, v6;
	v7 =	vadd.f32 v11, v7  }
0x18d: {  	v9 =	vunpack.i.l.bf16.f32 v9;
	v3 =	vmul.bf16 v13, v3;
	v10 =	vunpack.i.u.bf16.f32 v8  }
0x18e: {  	v8 =	vunpack.i.l.bf16.f32 v8;
	v6 =	vadd.f32 v9, v6;
	v7 =	vadd.f32 v10, v7  }
0x18f: {  	v9 =	vunpack.i.l.bf16.f32 v3;
	v3 =	vunpack.i.u.bf16.f32 v3;
	v10 =	vlaneseq.u32  }
0x190: {  	v8 =	vadd.f32 v8, v6;
	v3 =	vadd.f32 v3, v7;
	v6 =	vadd.s32 $0x2, v10  }
0x191: {  	v7 =	vadd.s32 $0x3, v10;
	v11 =	vand.u32 $0x3F, v6;
	v6 =	vor.u32 $0x1400, v0  }
0x192: {  	v7 =	vand.u32 $0x3F, v7;
	v8 =	vadd.f32 v9, v8;
	v9 =	vor.u32 v6, v11  }
0x193: {  	v7 =	vor.u32 v6, v7  }
0x194: {  	v3 =	vadd.f32 v3, v8  }
0x195: {  	v12 =	vor.u32 v6, v10  }
0x196: {  	v11 =	vadd.s32 $0x1, v10;
	[tilespmem:s20+$0x4E60] =	vst v3  }
0x197: {  	v8 =	vadd.s32 $0x4, v10;
	v3 =	vand.u32 $0x3F, v11;
	v19 =	vld.idx.msk [tilespmem:v9+s11+$0x0], $0xffff  }
0x198: {  	v8 =	vand.u32 $0x3F, v8;
	v13 =	vor.u32 v6, v3;
	v14 =	vld.idx.msk [tilespmem:v7+s12+$0x0], $0xffff  }
0x199: {  	v18 =	vimm.f32 $0.0e+00;
	v16 =	vadd.s32 $0x7, v10;
	v11 =	vor.u32 v6, v8;
	v15 =	vld.idx.msk [tilespmem:v7+s11+$0x0], $0xffff  }
0x19a: {  	v8 =	vadd.s32 $0x8, v10;
	v3 =	vadd.s32 $0x5, v10;
	v20 =	vld.idx.msk [tilespmem:v12+s12+$0x0], $0xffff;
	v10 =	vadd.s32 $0x6, v10  }
0x19b: {  	v8 =	vand.u32 $0x3F, v8;
	v21 =	vld.idx.msk [tilespmem:v12+s11+$0x0], $0xffff;
	v3 =	vand.u32 $0x3F, v3;
	v10 =	vand.u32 $0x3F, v10  }
0x19c: {  	v9 =	vld.idx.msk [tilespmem:v9+s12+$0x0], $0xffff;
	v26 =	vadd.s32 $0x4, v8;
	v23 =	vadd.s32 $0x2, v8;
	v17 =	vor.u32 v6, v3  }
0x19d: {  	v28 =	vadd.s32 $0x5, v8;
	v3 =	vand.u32 $0x3F, v16;
	v10 =	vor.u32 v6, v10;
	v22 =	vld.idx.msk [tilespmem:v13+s12+$0x0], $0xffff  }
0x19e: {  	v16 =	vadd.s32 $0x7, v8;
	v29 =	vand.u32 $0x3F, v23;
	v28 =	vand.u32 $0x3F, v28;
	v24 =	vld.idx.msk [tilespmem:v13+s11+$0x0], $0xffff  }
0x19f: {  	v25 =	vor.u32 v6, v3;
	v3 =	vand.u32 $0x3F, v16;
	v7 =	vld.idx.msk [tilespmem:v11+s12+$0x0], $0xffff;
	v12 =	vmul.bf16 v14, v15  }
0x1a0: {  	v23 =	vld.idx.msk [tilespmem:v11+s11+$0x0], $0xffff;
	v13 =	vadd.s32 $0x3, v8;
	v14 =	vadd.s32 $0x6, v8;
	v15 =	vadd.s32 $0x1, v8  }
0x1a1: {  	v34 =	vmul.bf16 v9, v19;
	v19 =	vor.u32 v6, v28;
	v27 =	vand.u32 $0x3F, v13;
	v13 =	vld.idx.msk [tilespmem:v17+s12+$0x0], $0xffff  }
0x1a2: {  	v32 =	vand.u32 $0x3F, v14;
	v14 =	vor.u32 v6, v29;
	v29 =	vmul.bf16 v20, v21;
	v21 =	vld.idx.msk [tilespmem:v10+s12+$0x0], $0xffff  }
0x1a3: {  	v16 =	vand.u32 $0x3F, v15;
	v20 =	vor.u32 v6, v27;
	v30 =	vmul.bf16 v22, v24;
	v24 =	vld.idx.msk [tilespmem:v10+s11+$0x0], $0xffff  }
0x1a4: {  	v15 =	vld.idx.msk [tilespmem:v17+s11+$0x0], $0xffff;
	v17 =	vor.u32 v6, v8;
	v16 =	vor.u32 v6, v16;
	v10 =	vand.u32 $0x3F, v26  }
0x1a5: {  	v9 =	vor.u32 v6, v32;
	v28 =	vunpack.i.l.bf16.f32 v34;
	v22 =	vld.idx.msk [tilespmem:v25+s12+$0x0], $0xffff;
	v11 =	vor.u32 v6, v10  }
0x1a6: {  	v33 =	vunpack.i.u.bf16.f32 v29;
	v31 =	vunpack.i.l.bf16.f32 v29;
	v29 =	vunpack.i.u.bf16.f32 v34;
	v25 =	vld.idx.msk [tilespmem:v25+s11+$0x0], $0xffff  }
0x1a7: {  	s22 =	simm.s32 $0x6;
	v10 =	vld.idx.msk [tilespmem:v14+s11+$0x0], $0xffff;
	v27 =	vunpack.i.u.bf16.f32 v30;
	v26 =	vunpack.i.l.bf16.f32 v30;
	v30 =	vadd.f32 v33, v18  }
.LBB2_13:
0x1a8: {  	p0 =	sne.s32 s22, $0x1;
	s22 =	sadd.s32 $0xFFFFFFFF, s22;
	v32 =	vld.idx.msk [tilespmem:v20+s12+$0x0], $0xffff;
	v18 =	vadd.f32 v31, v18;
	v23 =	vmul.bf16 v7, v23;
	v21 =	vmul.bf16 v21, v24  }
0x1a9: {  	v27 =	vadd.f32 v27, v30;
	v30 =	vunpack.i.u.bf16.f32 v12;
	v15 =	vmul.bf16 v13, v15;
	v24 =	vld.idx.msk [tilespmem:v17+s12+$0x0], $0xffff  }
0x1aa: {  	v31 =	vor.u32 v6, v3;
	v7 =	vld.idx.msk [tilespmem:v11+s12+$0x0], $0xffff;
	v3 =	vadd.f32 v26, v18;
	v18 =	vunpack.i.l.bf16.f32 v23  }
0x1ab: {  	v26 =	vadd.f32 v29, v27;
	v23 =	vunpack.i.u.bf16.f32 v23;
	v22 =	vmul.bf16 v22, v25;
	v20 =	vld.idx.msk [tilespmem:v20+s11+$0x0], $0xffff  }
0x1ac: {  	v25 =	vunpack.i.l.bf16.f32 v15;
	v13 =	vld.idx.msk [tilespmem:v19+s12+$0x0], $0xffff;
	v3 =	vadd.f32 v28, v3  }
0x1ad: {  	v12 =	vunpack.i.l.bf16.f32 v12;
	v26 =	vadd.f32 v30, v26;
	v28 =	vunpack.i.u.bf16.f32 v15;
	v27 =	vld.idx.msk [tilespmem:v16+s12+$0x0], $0xffff  }
0x1ae: {  	v8 =	vadd.s32 $0x8, v8;
	v15 =	vld.idx.msk [tilespmem:v19+s11+$0x0], $0xffff;
	v3 =	vadd.f32 v12, v3;
	v19 =	vunpack.i.l.bf16.f32 v21  }
0x1af: {  	v8 =	vand.u32 $0x3F, v8;
	v21 =	vunpack.i.u.bf16.f32 v21;
	v29 =	vld.idx.msk [tilespmem:v17+s11+$0x0], $0xffff;
	v17 =	vadd.f32 v23, v26  }
0x1b0: {  	v12 =	vadd.s32 $0x7, v8;
	v26 =	vld.idx.msk [tilespmem:v16+s11+$0x0], $0xffff;
	v16 =	vadd.f32 v18, v3;
	v18 =	vunpack.i.l.bf16.f32 v22  }
0x1b1: {  	v3 =	vand.u32 $0x3F, v12;
	v12 =	vmul.bf16 v32, v20;
	v30 =	vld.idx.msk [tilespmem:v14+s12+$0x0], $0xffff;
	v14 =	vadd.f32 v28, v17  }
0x1b2: {  	v28 =	vadd.s32 $0x4, v8;
	v17 =	vunpack.i.u.bf16.f32 v22;
	v16 =	vadd.f32 v25, v16  }
0x1b3: {  	v20 =	vadd.s32 $0x3, v8;
	v22 =	vadd.s32 $0x6, v8;
	v14 =	vadd.f32 v21, v14  }
0x1b4: {  	v20 =	vand.u32 $0x3F, v20;
	v21 =	vadd.s32 $0x1, v8;
	v16 =	vadd.f32 v19, v16  }
0x1b5: {  	v19 =	vand.u32 $0x3F, v21;
	v21 =	vadd.s32 $0x2, v8;
	v32 =	vadd.f32 v17, v14  }
0x1b6: {  	v14 =	vand.u32 $0x3F, v21;
	v17 =	vadd.s32 $0x5, v8;
	v23 =	vld.idx.msk [tilespmem:v11+s11+$0x0], $0xffff;
	v18 =	vadd.f32 v18, v16  }
0x1b7: {  	v34 =	vand.u32 $0x3F, v22;
	v33 =	vand.u32 $0x3F, v17;
	v21 =	vld.idx.msk [tilespmem:v9+s12+$0x0], $0xffff  }
0x1b8: {  	v29 =	vmul.bf16 v24, v29;
	v17 =	vor.u32 v6, v8;
	v14 =	vor.u32 v6, v14;
	v24 =	vld.idx.msk [tilespmem:v9+s11+$0x0], $0xffff  }
.Ltmp5:
0x1b9: {  	v20 =	vor.u32 v6, v20;
	v16 =	vor.u32 v6, v19;
	v9 =	vmul.bf16 v27, v26;
	(pc) =	sbr.rel @p0 .LBB2_13-.Ltmp5, $4  }
0x1ba: {  	v11 =	vand.u32 $0x3F, v28;
	v28 =	vunpack.i.u.bf16.f32 v29;
	v35 =	vmul.bf16 v30, v10;
	v22 =	vld.idx.msk [tilespmem:v31+s12+$0x0], $0xffff  }
0x1bb: {  	v11 =	vor.u32 v6, v11;
	v27 =	vunpack.i.u.bf16.f32 v9;
	v26 =	vunpack.i.l.bf16.f32 v9;
	v25 =	vld.idx.msk [tilespmem:v31+s11+$0x0], $0xffff  }
0x1bc: {  	v19 =	vor.u32 v6, v33;
	v30 =	vadd.f32 v28, v32;
	v31 =	vunpack.i.l.bf16.f32 v29  }
0x1bd: {  	v28 =	vunpack.i.l.bf16.f32 v35;
	v9 =	vor.u32 v6, v34;
	v29 =	vunpack.i.u.bf16.f32 v35;
	v10 =	vld.idx.msk [tilespmem:v14+s11+$0x0], $0xffff  }
0x1be: {  	v8 =	vadd.f32 v31, v18;
	v18 =	vadd.f32 v27, v30;
	_ =	sdelay $0x1  }
0x1bf: {  	v8 =	vadd.f32 v26, v8;
	v18 =	vadd.f32 v29, v18  }
0x1c0: {  	v7 =	vmul.bf16 v7, v23;
	v23 =	vunpack.i.u.bf16.f32 v12  }
0x1c1: {  	v8 =	vadd.f32 v28, v8;
	v18 =	vadd.f32 v23, v18  }
0x1c2: {  	v13 =	vmul.bf16 v13, v15;
	v12 =	vunpack.i.l.bf16.f32 v12;
	v15 =	vunpack.i.u.bf16.f32 v7;
	v23 =	vld.idx.msk [tilespmem:v17+s12+$0x0], $0xffff  }
0x1c3: {  	v8 =	vadd.f32 v12, v8;
	v12 =	vld.idx.msk [tilespmem:v17+s11+$0x0], $0xffff;
	v15 =	vadd.f32 v15, v18  }
0x1c4: {  	v7 =	vunpack.i.l.bf16.f32 v7;
	v17 =	vmul.bf16 v21, v24;
	v18 =	vld.idx.msk [tilespmem:v16+s12+$0x0], $0xffff;
	v21 =	vunpack.i.u.bf16.f32 v13  }
0x1c5: {  	v16 =	vld.idx.msk [tilespmem:v16+s11+$0x0], $0xffff;
	v7 =	vadd.f32 v7, v8;
	v8 =	vadd.f32 v21, v15  }
0x1c6: {  	v13 =	vunpack.i.l.bf16.f32 v13;
	v15 =	vmul.bf16 v22, v25;
	v21 =	vunpack.i.u.bf16.f32 v17  }
0x1c7: {  	v14 =	vld.idx.msk [tilespmem:v14+s12+$0x0], $0xffff;
	v7 =	vadd.f32 v13, v7;
	v8 =	vadd.f32 v21, v8  }
0x1c8: {  	v17 =	vunpack.i.l.bf16.f32 v17;
	v13 =	vld.idx.msk [tilespmem:v20+s12+$0x0], $0xffff;
	v21 =	vunpack.i.u.bf16.f32 v15;
	v12 =	vmul.bf16 v23, v12  }
0x1c9: {  	v20 =	vld.idx.msk [tilespmem:v20+s11+$0x0], $0xffff;
	v7 =	vadd.f32 v17, v7;
	v8 =	vadd.f32 v21, v8  }
0x1ca: {  	v15 =	vunpack.i.l.bf16.f32 v15;
	v16 =	vmul.bf16 v18, v16;
	v17 =	vld.idx.msk [tilespmem:v11+s12+$0x0], $0xffff;
	v18 =	vunpack.i.u.bf16.f32 v12  }
0x1cb: {  	v3 =	vor.u32 v6, v3;
	v11 =	vld.idx.msk [tilespmem:v11+s11+$0x0], $0xffff;
	v7 =	vadd.f32 v15, v7;
	v8 =	vadd.f32 v18, v8  }
0x1cc: {  	v10 =	vmul.bf16 v14, v10;
	v14 =	vunpack.i.u.bf16.f32 v16;
	v12 =	vunpack.i.l.bf16.f32 v12;
	v15 =	vld.idx.msk [tilespmem:v19+s12+$0x0], $0xffff  }
0x1cd: {  	v18 =	vld.idx.msk [tilespmem:v19+s11+$0x0], $0xffff;
	v7 =	vadd.f32 v12, v7;
	v8 =	vadd.f32 v14, v8  }
0x1ce: {  	v12 =	vmul.bf16 v13, v20;
	v13 =	vld.idx.msk [tilespmem:v9+s12+$0x0], $0xffff;
	v14 =	vunpack.i.l.bf16.f32 v16;
	v16 =	vunpack.i.u.bf16.f32 v10  }
0x1cf: {  	v9 =	vld.idx.msk [tilespmem:v9+s11+$0x0], $0xffff;
	v7 =	vadd.f32 v14, v7;
	v8 =	vadd.f32 v16, v8  }
0x1d0: {  	v10 =	vunpack.i.l.bf16.f32 v10;
	v11 =	vmul.bf16 v17, v11;
	v14 =	vld.idx.msk [tilespmem:v3+s12+$0x0], $0xffff;
	v16 =	vunpack.i.u.bf16.f32 v12  }
0x1d1: {  	v3 =	vld.idx.msk [tilespmem:v3+s11+$0x0], $0xffff;
	v7 =	vadd.f32 v10, v7;
	v8 =	vadd.f32 v16, v8  }
0x1d2: {  	v12 =	vunpack.i.l.bf16.f32 v12;
	v10 =	vmul.bf16 v15, v18;
	v15 =	vunpack.i.u.bf16.f32 v11  }
0x1d3: {  	v7 =	vadd.f32 v12, v7;
	v8 =	vadd.f32 v15, v8  }
0x1d4: {  	v11 =	vunpack.i.l.bf16.f32 v11;
	v9 =	vmul.bf16 v13, v9;
	v12 =	vunpack.i.u.bf16.f32 v10  }
0x1d5: {  	v7 =	vadd.f32 v11, v7;
	v8 =	vadd.f32 v12, v8  }
0x1d6: {  	v10 =	vunpack.i.l.bf16.f32 v10;
	v3 =	vmul.bf16 v14, v3;
	v11 =	vunpack.i.u.bf16.f32 v9  }
0x1d7: {  	v9 =	vunpack.i.l.bf16.f32 v9;
	v7 =	vadd.f32 v10, v7;
	v8 =	vadd.f32 v11, v8  }
0x1d8: {  	v10 =	vunpack.i.l.bf16.f32 v3;
	v3 =	vunpack.i.u.bf16.f32 v3;
	v11 =	vlaneseq.u32  }
0x1d9: {  	v9 =	vadd.f32 v9, v7;
	v3 =	vadd.f32 v3, v8;
	v7 =	vadd.s32 $0x2, v11  }
0x1da: {  	v8 =	vadd.s32 $0x3, v11;
	v12 =	vand.u32 $0x3F, v7;
	v7 =	vor.u32 $0x1800, v0  }
0x1db: {  	v8 =	vand.u32 $0x3F, v8;
	v9 =	vadd.f32 v10, v9;
	v10 =	vor.u32 v7, v12  }
0x1dc: {  	v8 =	vor.u32 v7, v8  }
0x1dd: {  	v3 =	vadd.f32 v3, v9  }
0x1de: {  	v13 =	vor.u32 v7, v11  }
0x1df: {  	v12 =	vadd.s32 $0x1, v11;
	[tilespmem:s20+$0x4E70] =	vst v3  }
0x1e0: {  	v9 =	vadd.s32 $0x4, v11;
	v3 =	vand.u32 $0x3F, v12;
	v20 =	vld.idx.msk [tilespmem:v10+s11+$0x0], $0xffff  }
0x1e1: {  	v9 =	vand.u32 $0x3F, v9;
	v14 =	vor.u32 v7, v3;
	v15 =	vld.idx.msk [tilespmem:v8+s12+$0x0], $0xffff  }
0x1e2: {  	v19 =	vimm.f32 $0.0e+00;
	v17 =	vadd.s32 $0x7, v11;
	v12 =	vor.u32 v7, v9;
	v16 =	vld.idx.msk [tilespmem:v8+s11+$0x0], $0xffff  }
0x1e3: {  	v9 =	vadd.s32 $0x8, v11;
	v3 =	vadd.s32 $0x5, v11;
	v21 =	vld.idx.msk [tilespmem:v13+s12+$0x0], $0xffff;
	v11 =	vadd.s32 $0x6, v11  }
0x1e4: {  	v9 =	vand.u32 $0x3F, v9;
	v22 =	vld.idx.msk [tilespmem:v13+s11+$0x0], $0xffff;
	v3 =	vand.u32 $0x3F, v3;
	v11 =	vand.u32 $0x3F, v11  }
0x1e5: {  	v10 =	vld.idx.msk [tilespmem:v10+s12+$0x0], $0xffff;
	v27 =	vadd.s32 $0x4, v9;
	v24 =	vadd.s32 $0x2, v9;
	v18 =	vor.u32 v7, v3  }
0x1e6: {  	v29 =	vadd.s32 $0x5, v9;
	v3 =	vand.u32 $0x3F, v17;
	v11 =	vor.u32 v7, v11;
	v23 =	vld.idx.msk [tilespmem:v14+s12+$0x0], $0xffff  }
0x1e7: {  	v17 =	vadd.s32 $0x7, v9;
	v30 =	vand.u32 $0x3F, v24;
	v29 =	vand.u32 $0x3F, v29;
	v25 =	vld.idx.msk [tilespmem:v14+s11+$0x0], $0xffff  }
0x1e8: {  	v26 =	vor.u32 v7, v3;
	v3 =	vand.u32 $0x3F, v17;
	v8 =	vld.idx.msk [tilespmem:v12+s12+$0x0], $0xffff;
	v13 =	vmul.bf16 v15, v16  }
0x1e9: {  	v24 =	vld.idx.msk [tilespmem:v12+s11+$0x0], $0xffff;
	v14 =	vadd.s32 $0x3, v9;
	v15 =	vadd.s32 $0x6, v9;
	v16 =	vadd.s32 $0x1, v9  }
0x1ea: {  	v35 =	vmul.bf16 v10, v20;
	v20 =	vor.u32 v7, v29;
	v28 =	vand.u32 $0x3F, v14;
	v14 =	vld.idx.msk [tilespmem:v18+s12+$0x0], $0xffff  }
0x1eb: {  	v33 =	vand.u32 $0x3F, v15;
	v15 =	vor.u32 v7, v30;
	v30 =	vmul.bf16 v21, v22;
	v22 =	vld.idx.msk [tilespmem:v11+s12+$0x0], $0xffff  }
0x1ec: {  	v17 =	vand.u32 $0x3F, v16;
	v21 =	vor.u32 v7, v28;
	v31 =	vmul.bf16 v23, v25;
	v25 =	vld.idx.msk [tilespmem:v11+s11+$0x0], $0xffff  }
0x1ed: {  	v16 =	vld.idx.msk [tilespmem:v18+s11+$0x0], $0xffff;
	v18 =	vor.u32 v7, v9;
	v17 =	vor.u32 v7, v17;
	v11 =	vand.u32 $0x3F, v27  }
0x1ee: {  	v10 =	vor.u32 v7, v33;
	v29 =	vunpack.i.l.bf16.f32 v35;
	v23 =	vld.idx.msk [tilespmem:v26+s12+$0x0], $0xffff;
	v12 =	vor.u32 v7, v11  }
0x1ef: {  	v34 =	vunpack.i.u.bf16.f32 v30;
	v32 =	vunpack.i.l.bf16.f32 v30;
	v30 =	vunpack.i.u.bf16.f32 v35;
	v26 =	vld.idx.msk [tilespmem:v26+s11+$0x0], $0xffff  }
0x1f0: {  	s22 =	simm.s32 $0x6;
	v11 =	vld.idx.msk [tilespmem:v15+s11+$0x0], $0xffff;
	v28 =	vunpack.i.u.bf16.f32 v31;
	v27 =	vunpack.i.l.bf16.f32 v31;
	v31 =	vadd.f32 v34, v19  }
.LBB2_15:
0x1f1: {  	p0 =	sne.s32 s22, $0x1;
	s22 =	sadd.s32 $0xFFFFFFFF, s22;
	v33 =	vld.idx.msk [tilespmem:v21+s12+$0x0], $0xffff;
	v19 =	vadd.f32 v32, v19;
	v24 =	vmul.bf16 v8, v24;
	v22 =	vmul.bf16 v22, v25  }
0x1f2: {  	v28 =	vadd.f32 v28, v31;
	v31 =	vunpack.i.u.bf16.f32 v13;
	v16 =	vmul.bf16 v14, v16;
	v25 =	vld.idx.msk [tilespmem:v18+s12+$0x0], $0xffff  }
0x1f3: {  	v32 =	vor.u32 v7, v3;
	v8 =	vld.idx.msk [tilespmem:v12+s12+$0x0], $0xffff;
	v3 =	vadd.f32 v27, v19;
	v19 =	vunpack.i.l.bf16.f32 v24  }
0x1f4: {  	v27 =	vadd.f32 v30, v28;
	v24 =	vunpack.i.u.bf16.f32 v24;
	v23 =	vmul.bf16 v23, v26;
	v21 =	vld.idx.msk [tilespmem:v21+s11+$0x0], $0xffff  }
0x1f5: {  	v26 =	vunpack.i.l.bf16.f32 v16;
	v14 =	vld.idx.msk [tilespmem:v20+s12+$0x0], $0xffff;
	v3 =	vadd.f32 v29, v3  }
0x1f6: {  	v13 =	vunpack.i.l.bf16.f32 v13;
	v27 =	vadd.f32 v31, v27;
	v29 =	vunpack.i.u.bf16.f32 v16;
	v28 =	vld.idx.msk [tilespmem:v17+s12+$0x0], $0xffff  }
0x1f7: {  	v9 =	vadd.s32 $0x8, v9;
	v16 =	vld.idx.msk [tilespmem:v20+s11+$0x0], $0xffff;
	v3 =	vadd.f32 v13, v3;
	v20 =	vunpack.i.l.bf16.f32 v22  }
0x1f8: {  	v9 =	vand.u32 $0x3F, v9;
	v22 =	vunpack.i.u.bf16.f32 v22;
	v30 =	vld.idx.msk [tilespmem:v18+s11+$0x0], $0xffff;
	v18 =	vadd.f32 v24, v27  }
0x1f9: {  	v13 =	vadd.s32 $0x7, v9;
	v27 =	vld.idx.msk [tilespmem:v17+s11+$0x0], $0xffff;
	v17 =	vadd.f32 v19, v3;
	v19 =	vunpack.i.l.bf16.f32 v23  }
0x1fa: {  	v3 =	vand.u32 $0x3F, v13;
	v13 =	vmul.bf16 v33, v21;
	v31 =	vld.idx.msk [tilespmem:v15+s12+$0x0], $0xffff;
	v15 =	vadd.f32 v29, v18  }
0x1fb: {  	v29 =	vadd.s32 $0x4, v9;
	v18 =	vunpack.i.u.bf16.f32 v23;
	v17 =	vadd.f32 v26, v17  }
0x1fc: {  	v21 =	vadd.s32 $0x3, v9;
	v23 =	vadd.s32 $0x6, v9;
	v15 =	vadd.f32 v22, v15  }
0x1fd: {  	v21 =	vand.u32 $0x3F, v21;
	v22 =	vadd.s32 $0x1, v9;
	v17 =	vadd.f32 v20, v17  }
0x1fe: {  	v20 =	vand.u32 $0x3F, v22;
	v22 =	vadd.s32 $0x2, v9;
	v33 =	vadd.f32 v18, v15  }
0x1ff: {  	v15 =	vand.u32 $0x3F, v22;
	v18 =	vadd.s32 $0x5, v9;
	v24 =	vld.idx.msk [tilespmem:v12+s11+$0x0], $0xffff;
	v19 =	vadd.f32 v19, v17  }
0x200: {  	v35 =	vand.u32 $0x3F, v23;
	v34 =	vand.u32 $0x3F, v18;
	v22 =	vld.idx.msk [tilespmem:v10+s12+$0x0], $0xffff  }
0x201: {  	v30 =	vmul.bf16 v25, v30;
	v18 =	vor.u32 v7, v9;
	v15 =	vor.u32 v7, v15;
	v25 =	vld.idx.msk [tilespmem:v10+s11+$0x0], $0xffff  }
.Ltmp6:
0x202: {  	v21 =	vor.u32 v7, v21;
	v17 =	vor.u32 v7, v20;
	v10 =	vmul.bf16 v28, v27;
	(pc) =	sbr.rel @p0 .LBB2_15-.Ltmp6, $4  }
0x203: {  	v12 =	vand.u32 $0x3F, v29;
	v29 =	vunpack.i.u.bf16.f32 v30;
	v36 =	vmul.bf16 v31, v11;
	v23 =	vld.idx.msk [tilespmem:v32+s12+$0x0], $0xffff  }
0x204: {  	v12 =	vor.u32 v7, v12;
	v28 =	vunpack.i.u.bf16.f32 v10;
	v27 =	vunpack.i.l.bf16.f32 v10;
	v26 =	vld.idx.msk [tilespmem:v32+s11+$0x0], $0xffff  }
0x205: {  	v20 =	vor.u32 v7, v34;
	v31 =	vadd.f32 v29, v33;
	v32 =	vunpack.i.l.bf16.f32 v30  }
0x206: {  	v29 =	vunpack.i.l.bf16.f32 v36;
	v10 =	vor.u32 v7, v35;
	v30 =	vunpack.i.u.bf16.f32 v36;
	v11 =	vld.idx.msk [tilespmem:v15+s11+$0x0], $0xffff  }
0x207: {  	v9 =	vadd.f32 v32, v19;
	v19 =	vadd.f32 v28, v31;
	_ =	sdelay $0x1  }
0x208: {  	v9 =	vadd.f32 v27, v9;
	v19 =	vadd.f32 v30, v19  }
0x209: {  	v8 =	vmul.bf16 v8, v24;
	v24 =	vunpack.i.u.bf16.f32 v13  }
0x20a: {  	v9 =	vadd.f32 v29, v9;
	v19 =	vadd.f32 v24, v19  }
0x20b: {  	v14 =	vmul.bf16 v14, v16;
	v13 =	vunpack.i.l.bf16.f32 v13;
	v16 =	vunpack.i.u.bf16.f32 v8;
	v24 =	vld.idx.msk [tilespmem:v18+s12+$0x0], $0xffff  }
0x20c: {  	v9 =	vadd.f32 v13, v9;
	v13 =	vld.idx.msk [tilespmem:v18+s11+$0x0], $0xffff;
	v16 =	vadd.f32 v16, v19  }
0x20d: {  	v8 =	vunpack.i.l.bf16.f32 v8;
	v18 =	vmul.bf16 v22, v25;
	v19 =	vld.idx.msk [tilespmem:v17+s12+$0x0], $0xffff;
	v22 =	vunpack.i.u.bf16.f32 v14  }
0x20e: {  	v17 =	vld.idx.msk [tilespmem:v17+s11+$0x0], $0xffff;
	v8 =	vadd.f32 v8, v9;
	v9 =	vadd.f32 v22, v16  }
0x20f: {  	v14 =	vunpack.i.l.bf16.f32 v14;
	v16 =	vmul.bf16 v23, v26;
	v22 =	vunpack.i.u.bf16.f32 v18  }
0x210: {  	v15 =	vld.idx.msk [tilespmem:v15+s12+$0x0], $0xffff;
	v8 =	vadd.f32 v14, v8;
	v9 =	vadd.f32 v22, v9  }
0x211: {  	v18 =	vunpack.i.l.bf16.f32 v18;
	v14 =	vld.idx.msk [tilespmem:v21+s12+$0x0], $0xffff;
	v22 =	vunpack.i.u.bf16.f32 v16;
	v13 =	vmul.bf16 v24, v13  }
0x212: {  	v21 =	vld.idx.msk [tilespmem:v21+s11+$0x0], $0xffff;
	v8 =	vadd.f32 v18, v8;
	v9 =	vadd.f32 v22, v9  }
0x213: {  	v16 =	vunpack.i.l.bf16.f32 v16;
	v17 =	vmul.bf16 v19, v17;
	v18 =	vld.idx.msk [tilespmem:v12+s12+$0x0], $0xffff;
	v19 =	vunpack.i.u.bf16.f32 v13  }
0x214: {  	v3 =	vor.u32 v7, v3;
	v12 =	vld.idx.msk [tilespmem:v12+s11+$0x0], $0xffff;
	v8 =	vadd.f32 v16, v8;
	v9 =	vadd.f32 v19, v9  }
0x215: {  	v11 =	vmul.bf16 v15, v11;
	v15 =	vunpack.i.u.bf16.f32 v17;
	v13 =	vunpack.i.l.bf16.f32 v13;
	v16 =	vld.idx.msk [tilespmem:v20+s12+$0x0], $0xffff  }
0x216: {  	v19 =	vld.idx.msk [tilespmem:v20+s11+$0x0], $0xffff;
	v8 =	vadd.f32 v13, v8;
	v9 =	vadd.f32 v15, v9  }
0x217: {  	v13 =	vmul.bf16 v14, v21;
	v14 =	vld.idx.msk [tilespmem:v10+s12+$0x0], $0xffff;
	v15 =	vunpack.i.l.bf16.f32 v17;
	v17 =	vunpack.i.u.bf16.f32 v11  }
0x218: {  	v10 =	vld.idx.msk [tilespmem:v10+s11+$0x0], $0xffff;
	v8 =	vadd.f32 v15, v8;
	v9 =	vadd.f32 v17, v9  }
0x219: {  	v11 =	vunpack.i.l.bf16.f32 v11;
	v12 =	vmul.bf16 v18, v12;
	v15 =	vld.idx.msk [tilespmem:v3+s12+$0x0], $0xffff;
	v17 =	vunpack.i.u.bf16.f32 v13  }
0x21a: {  	v3 =	vld.idx.msk [tilespmem:v3+s11+$0x0], $0xffff;
	v8 =	vadd.f32 v11, v8;
	v9 =	vadd.f32 v17, v9  }
0x21b: {  	v13 =	vunpack.i.l.bf16.f32 v13;
	v11 =	vmul.bf16 v16, v19;
	v16 =	vunpack.i.u.bf16.f32 v12  }
0x21c: {  	v8 =	vadd.f32 v13, v8;
	v9 =	vadd.f32 v16, v9  }
0x21d: {  	v12 =	vunpack.i.l.bf16.f32 v12;
	v10 =	vmul.bf16 v14, v10;
	v13 =	vunpack.i.u.bf16.f32 v11  }
0x21e: {  	v8 =	vadd.f32 v12, v8;
	v9 =	vadd.f32 v13, v9  }
0x21f: {  	v11 =	vunpack.i.l.bf16.f32 v11;
	v3 =	vmul.bf16 v15, v3;
	v12 =	vunpack.i.u.bf16.f32 v10  }
0x220: {  	v10 =	vunpack.i.l.bf16.f32 v10;
	v8 =	vadd.f32 v11, v8;
	v9 =	vadd.f32 v12, v9  }
0x221: {  	v11 =	vunpack.i.l.bf16.f32 v3;
	v3 =	vunpack.i.u.bf16.f32 v3;
	v12 =	vlaneseq.u32  }
0x222: {  	v8 =	vadd.f32 v10, v8;
	v9 =	vadd.f32 v3, v9;
	v3 =	vadd.s32 $0x2, v12  }
0x223: {  	v10 =	vadd.s32 $0x3, v12;
	v13 =	vand.u32 $0x3F, v3;
	v3 =	vor.u32 $0x1C00, v0  }
0x224: {  	v10 =	vand.u32 $0x3F, v10;
	v8 =	vadd.f32 v11, v8;
	v11 =	vor.u32 v3, v13  }
0x225: {  	v10 =	vor.u32 v3, v10  }
0x226: {  	v8 =	vadd.f32 v9, v8  }
0x227: {  	v14 =	vor.u32 v3, v12  }
0x228: {  	v13 =	vadd.s32 $0x1, v12;
	[tilespmem:s20+$0x4E80] =	vst v8  }
0x229: {  	v9 =	vadd.s32 $0x4, v12;
	v8 =	vand.u32 $0x3F, v13;
	v21 =	vld.idx.msk [tilespmem:v11+s11+$0x0], $0xffff  }
0x22a: {  	v9 =	vand.u32 $0x3F, v9;
	v15 =	vor.u32 v3, v8;
	v16 =	vld.idx.msk [tilespmem:v10+s12+$0x0], $0xffff  }
0x22b: {  	v20 =	vimm.f32 $0.0e+00;
	v18 =	vadd.s32 $0x7, v12;
	v13 =	vor.u32 v3, v9;
	v17 =	vld.idx.msk [tilespmem:v10+s11+$0x0], $0xffff  }
0x22c: {  	v8 =	vadd.s32 $0x5, v12;
	v22 =	vld.idx.msk [tilespmem:v14+s12+$0x0], $0xffff;
	v10 =	vadd.s32 $0x8, v12;
	v12 =	vadd.s32 $0x6, v12  }
0x22d: {  	v23 =	vld.idx.msk [tilespmem:v14+s11+$0x0], $0xffff;
	v8 =	vand.u32 $0x3F, v8;
	v10 =	vand.u32 $0x3F, v10;
	v12 =	vand.u32 $0x3F, v12  }
0x22e: {  	v11 =	vld.idx.msk [tilespmem:v11+s12+$0x0], $0xffff;
	v19 =	vor.u32 v3, v8;
	v8 =	vand.u32 $0x3F, v18;
	v18 =	vadd.s32 $0x7, v10  }
0x22f: {  	v12 =	vor.u32 v3, v12;
	v28 =	vadd.s32 $0x4, v10;
	v14 =	vadd.s32 $0x3, v10;
	v24 =	vld.idx.msk [tilespmem:v15+s12+$0x0], $0xffff  }
0x230: {  	v25 =	vadd.s32 $0x2, v10;
	v30 =	vadd.s32 $0x5, v10;
	v27 =	vor.u32 v3, v8;
	v26 =	vld.idx.msk [tilespmem:v15+s11+$0x0], $0xffff  }
0x231: {  	v8 =	vand.u32 $0x3F, v18;
	v29 =	vand.u32 $0x3F, v14;
	v31 =	vand.u32 $0x3F, v25;
	v9 =	vld.idx.msk [tilespmem:v13+s12+$0x0], $0xffff  }
0x232: {  	v30 =	vand.u32 $0x3F, v30;
	v25 =	vld.idx.msk [tilespmem:v13+s11+$0x0], $0xffff;
	v15 =	vmul.bf16 v16, v17;
	v16 =	vadd.s32 $0x6, v10  }
0x233: {  	v17 =	vadd.s32 $0x1, v10;
	v36 =	vmul.bf16 v11, v21;
	v21 =	vor.u32 v3, v30;
	v14 =	vld.idx.msk [tilespmem:v19+s12+$0x0], $0xffff  }
0x234: {  	v34 =	vand.u32 $0x3F, v16;
	v16 =	vor.u32 v3, v31;
	v31 =	vmul.bf16 v22, v23;
	v23 =	vld.idx.msk [tilespmem:v12+s12+$0x0], $0xffff  }
0x235: {  	v18 =	vand.u32 $0x3F, v17;
	v22 =	vor.u32 v3, v29;
	v63 =	vmul.bf16 v24, v26;
	v26 =	vld.idx.msk [tilespmem:v12+s11+$0x0], $0xffff  }
0x236: {  	v17 =	vld.idx.msk [tilespmem:v19+s11+$0x0], $0xffff;
	v19 =	vor.u32 v3, v10;
	v18 =	vor.u32 v3, v18;
	v12 =	vand.u32 $0x3F, v28  }
0x237: {  	v11 =	vor.u32 v3, v34;
	v30 =	vunpack.i.l.bf16.f32 v36;
	v24 =	vld.idx.msk [tilespmem:v27+s12+$0x0], $0xffff;
	v13 =	vor.u32 v3, v12  }
0x238: {  	v35 =	vunpack.i.u.bf16.f32 v31;
	v33 =	vunpack.i.l.bf16.f32 v31;
	v31 =	vunpack.i.u.bf16.f32 v36;
	v27 =	vld.idx.msk [tilespmem:v27+s11+$0x0], $0xffff  }
0x239: {  	s22 =	simm.s32 $0x6;
	v32 =	vadd.f32 v35, v20;
	v12 =	vld.idx.msk [tilespmem:v16+s11+$0x0], $0xffff;
	v29 =	vunpack.i.u.bf16.f32 v63;
	v28 =	vunpack.i.l.bf16.f32 v63  }
.LBB2_17:
0x23a: {  	p0 =	sne.s32 s22, $0x1;
	s22 =	sadd.s32 $0xFFFFFFFF, s22;
	v34 =	vld.idx.msk [tilespmem:v22+s12+$0x0], $0xffff;
	v20 =	vadd.f32 v33, v20;
	v25 =	vmul.bf16 v9, v25;
	v23 =	vmul.bf16 v23, v26  }
0x23b: {  	v29 =	vadd.f32 v29, v32;
	v32 =	vunpack.i.u.bf16.f32 v15;
	v17 =	vmul.bf16 v14, v17;
	v26 =	vld.idx.msk [tilespmem:v19+s12+$0x0], $0xffff  }
0x23c: {  	v33 =	vor.u32 v3, v8;
	v9 =	vld.idx.msk [tilespmem:v13+s12+$0x0], $0xffff;
	v8 =	vadd.f32 v28, v20;
	v20 =	vunpack.i.l.bf16.f32 v25  }
0x23d: {  	v28 =	vadd.f32 v31, v29;
	v25 =	vunpack.i.u.bf16.f32 v25;
	v24 =	vmul.bf16 v24, v27;
	v22 =	vld.idx.msk [tilespmem:v22+s11+$0x0], $0xffff  }
0x23e: {  	v27 =	vunpack.i.l.bf16.f32 v17;
	v14 =	vld.idx.msk [tilespmem:v21+s12+$0x0], $0xffff;
	v8 =	vadd.f32 v30, v8  }
0x23f: {  	v15 =	vunpack.i.l.bf16.f32 v15;
	v28 =	vadd.f32 v32, v28;
	v30 =	vunpack.i.u.bf16.f32 v17;
	v29 =	vld.idx.msk [tilespmem:v18+s12+$0x0], $0xffff  }
0x240: {  	v10 =	vadd.s32 $0x8, v10;
	v17 =	vld.idx.msk [tilespmem:v21+s11+$0x0], $0xffff;
	v8 =	vadd.f32 v15, v8;
	v21 =	vunpack.i.l.bf16.f32 v23  }
0x241: {  	v10 =	vand.u32 $0x3F, v10;
	v23 =	vunpack.i.u.bf16.f32 v23;
	v31 =	vld.idx.msk [tilespmem:v19+s11+$0x0], $0xffff;
	v19 =	vadd.f32 v25, v28  }
0x242: {  	v15 =	vadd.s32 $0x7, v10;
	v28 =	vld.idx.msk [tilespmem:v18+s11+$0x0], $0xffff;
	v18 =	vadd.f32 v20, v8;
	v20 =	vunpack.i.l.bf16.f32 v24  }
0x243: {  	v8 =	vand.u32 $0x3F, v15;
	v15 =	vmul.bf16 v34, v22;
	v32 =	vld.idx.msk [tilespmem:v16+s12+$0x0], $0xffff;
	v16 =	vadd.f32 v30, v19  }
0x244: {  	v30 =	vadd.s32 $0x4, v10;
	v19 =	vunpack.i.u.bf16.f32 v24;
	v18 =	vadd.f32 v27, v18  }
0x245: {  	v22 =	vadd.s32 $0x3, v10;
	v24 =	vadd.s32 $0x6, v10;
	v16 =	vadd.f32 v23, v16  }
0x246: {  	v22 =	vand.u32 $0x3F, v22;
	v23 =	vadd.s32 $0x1, v10;
	v18 =	vadd.f32 v21, v18  }
0x247: {  	v21 =	vand.u32 $0x3F, v23;
	v23 =	vadd.s32 $0x2, v10;
	v34 =	vadd.f32 v19, v16  }
0x248: {  	v16 =	vand.u32 $0x3F, v23;
	v19 =	vadd.s32 $0x5, v10;
	v25 =	vld.idx.msk [tilespmem:v13+s11+$0x0], $0xffff;
	v20 =	vadd.f32 v20, v18  }
0x249: {  	v36 =	vand.u32 $0x3F, v24;
	v35 =	vand.u32 $0x3F, v19;
	v23 =	vld.idx.msk [tilespmem:v11+s12+$0x0], $0xffff  }
0x24a: {  	v31 =	vmul.bf16 v26, v31;
	v19 =	vor.u32 v3, v10;
	v16 =	vor.u32 v3, v16;
	v26 =	vld.idx.msk [tilespmem:v11+s11+$0x0], $0xffff  }
.Ltmp7:
0x24b: {  	v22 =	vor.u32 v3, v22;
	v18 =	vor.u32 v3, v21;
	v11 =	vmul.bf16 v29, v28;
	(pc) =	sbr.rel @p0 .LBB2_17-.Ltmp7, $4  }
0x24c: {  	v13 =	vand.u32 $0x3F, v30;
	v30 =	vunpack.i.u.bf16.f32 v31;
	v37 =	vmul.bf16 v32, v12;
	v24 =	vld.idx.msk [tilespmem:v33+s12+$0x0], $0xffff  }
0x24d: {  	v13 =	vor.u32 v3, v13;
	v29 =	vunpack.i.u.bf16.f32 v11;
	v28 =	vunpack.i.l.bf16.f32 v11;
	v27 =	vld.idx.msk [tilespmem:v33+s11+$0x0], $0xffff  }
0x24e: {  	v21 =	vor.u32 v3, v35;
	v32 =	vadd.f32 v30, v34;
	v33 =	vunpack.i.l.bf16.f32 v31  }
0x24f: {  	v30 =	vunpack.i.l.bf16.f32 v37;
	v11 =	vor.u32 v3, v36;
	v31 =	vunpack.i.u.bf16.f32 v37;
	v12 =	vld.idx.msk [tilespmem:v16+s11+$0x0], $0xffff  }
0x250: {  	v10 =	vadd.f32 v33, v20;
	_ =	sdelay $0x1  }
0x251: {  	v20 =	vadd.f32 v29, v32;
	v10 =	vadd.f32 v28, v10;
	_ =	sdelay $0x1  }
0x252: {  	v20 =	vadd.f32 v31, v20;
	v10 =	vadd.f32 v30, v10  }
0x253: {  	v9 =	vmul.bf16 v9, v25;
	v62 =	vunpack.i.u.bf16.f32 v15;
	v15 =	vunpack.i.l.bf16.f32 v15  }
0x254: {  	v20 =	vadd.f32 v62, v20;
	v10 =	vadd.f32 v15, v10  }
0x255: {  	v14 =	vmul.bf16 v14, v17;
	v17 =	vunpack.i.l.bf16.f32 v9;
	v9 =	vunpack.i.u.bf16.f32 v9;
	v15 =	vld.idx.msk [tilespmem:v19+s12+$0x0], $0xffff  }
0x256: {  	v19 =	vld.idx.msk [tilespmem:v19+s11+$0x0], $0xffff;
	v9 =	vadd.f32 v9, v20;
	v10 =	vadd.f32 v17, v10  }
0x257: {  	v20 =	vunpack.i.l.bf16.f32 v14;
	v14 =	vunpack.i.u.bf16.f32 v14;
	v17 =	vmul.bf16 v23, v26;
	v23 =	vld.idx.msk [tilespmem:v18+s12+$0x0], $0xffff  }
0x258: {  	v18 =	vld.idx.msk [tilespmem:v18+s11+$0x0], $0xffff;
	v9 =	vadd.f32 v14, v9;
	v10 =	vadd.f32 v20, v10  }
0x259: {  	v14 =	vmul.bf16 v24, v27;
	v20 =	vunpack.i.l.bf16.f32 v17;
	v17 =	vunpack.i.u.bf16.f32 v17  }
0x25a: {  	v16 =	vld.idx.msk [tilespmem:v16+s12+$0x0], $0xffff;
	v9 =	vadd.f32 v17, v9;
	v10 =	vadd.f32 v20, v10  }
0x25b: {  	v17 =	vld.idx.msk [tilespmem:v22+s12+$0x0], $0xffff;
	v15 =	vmul.bf16 v15, v19;
	v20 =	vunpack.i.l.bf16.f32 v14;
	v14 =	vunpack.i.u.bf16.f32 v14  }
0x25c: {  	v19 =	vld.idx.msk [tilespmem:v22+s11+$0x0], $0xffff;
	v9 =	vadd.f32 v14, v9;
	v10 =	vadd.f32 v20, v10  }
0x25d: {  	v14 =	vld.idx.msk [tilespmem:v13+s12+$0x0], $0xffff;
	v18 =	vmul.bf16 v23, v18;
	v20 =	vunpack.i.u.bf16.f32 v15;
	v15 =	vunpack.i.l.bf16.f32 v15  }
0x25e: {  	v8 =	vor.u32 v3, v8;
	v13 =	vld.idx.msk [tilespmem:v13+s11+$0x0], $0xffff;
	v9 =	vadd.f32 v20, v9;
	v10 =	vadd.f32 v15, v10  }
0x25f: {  	v12 =	vmul.bf16 v16, v12;
	v16 =	vunpack.i.u.bf16.f32 v18;
	v18 =	vunpack.i.l.bf16.f32 v18;
	v20 =	vld.idx.msk [tilespmem:v21+s11+$0x0], $0xffff  }
0x260: {  	v15 =	vld.idx.msk [tilespmem:v21+s12+$0x0], $0xffff;
	v9 =	vadd.f32 v16, v9;
	v10 =	vadd.f32 v18, v10  }
0x261: {  	v16 =	vmul.bf16 v17, v19;
	v17 =	vld.idx.msk [tilespmem:v11+s12+$0x0], $0xffff;
	v18 =	vunpack.i.u.bf16.f32 v12;
	v12 =	vunpack.i.l.bf16.f32 v12  }
0x262: {  	v11 =	vld.idx.msk [tilespmem:v11+s11+$0x0], $0xffff;
	v9 =	vadd.f32 v18, v9;
	v10 =	vadd.f32 v12, v10  }
0x263: {  	v13 =	vmul.bf16 v14, v13;
	v14 =	vunpack.i.u.bf16.f32 v16;
	v16 =	vunpack.i.l.bf16.f32 v16;
	v12 =	vld.idx.msk [tilespmem:v8+s12+$0x0], $0xffff  }
0x264: {  	v8 =	vld.idx.msk [tilespmem:v8+s11+$0x0], $0xffff;
	v9 =	vadd.f32 v14, v9;
	v10 =	vadd.f32 v16, v10  }
0x265: {  	v14 =	vmul.bf16 v15, v20;
	v15 =	vunpack.i.l.bf16.f32 v13;
	v13 =	vunpack.i.u.bf16.f32 v13  }
0x266: {  	v9 =	vadd.f32 v13, v9;
	v10 =	vadd.f32 v15, v10  }
0x267: {  	v11 =	vmul.bf16 v17, v11;
	v13 =	vunpack.i.l.bf16.f32 v14;
	v14 =	vunpack.i.u.bf16.f32 v14  }
0x268: {  	v9 =	vadd.f32 v14, v9;
	v10 =	vadd.f32 v13, v10  }
0x269: {  	v8 =	vmul.bf16 v12, v8;
	v12 =	vunpack.i.l.bf16.f32 v11;
	v11 =	vunpack.i.u.bf16.f32 v11  }
0x26a: {  	v9 =	vadd.f32 v11, v9;
	v10 =	vadd.f32 v12, v10  }
0x26b: {  	v11 =	vunpack.i.l.bf16.f32 v8;
	v8 =	vunpack.i.u.bf16.f32 v8  }
0x26c: {  	v8 =	vadd.f32 v8, v9;
	v9 =	vadd.f32 v11, v10;
	_ =	sdelay $0x1  }
0x26d: {  	v8 =	vadd.f32 v8, v9  }
0x26e: {  	s22 =	smin.u32 s20, $0x2590  }
0x26f: {  	s23 =	sadd.s32 $0x100, s22;
	[tilespmem:s20+$0x4E90] =	vst v8  }
0x270: {  	[tilespmem:s11], [sflag:$0x1] =	stream.indirect.gather [hbm4b:s1+s10], $0x40, s23, s10, $0xb8;
	[tilespmem:$0xF530] =	vst v63  }
0x271: {  	s22 =	sadd.s32 $0x2810, s22  }
0x272: {  	[tilespmem:s12], [sflag:$0x1] =	stream.indirect.gather [hbm4b:s1+s10], $0x40, s22, s10, $0xb8;
	[tilespmem:$0xF530] =	vst v63  }
0x273: {  	v8 =	vlaneseq.u32;
	_ =	swait.ge [sflag:s16], $0x2000  }
0x274: {  	v9 =	vor.u32 v0, v8;
	v10 =	vadd.s32 $0x1, v8;
	[sflag:s16] =	ssyncset.done $0x0  }
0x275: {  	v10 =	vand.u32 $0x3F, v10;
	[sflag:s16] =	ssyncadd.s32 $0xFFFFE000  }
0x276: {  	v11 =	vadd.s32 $0x2, v8;
	v10 =	vor.u32 v0, v10;
	_ =	swait.ge [sflag:s16], $0x2000  }
0x277: {  	v11 =	vand.u32 $0x3F, v11;
	[sflag:s16] =	ssyncset.done $0x0  }
0x278: {  	v14 =	vadd.s32 $0x4, v8;
	v11 =	vor.u32 v0, v11;
	[sflag:s16] =	ssyncadd.s32 $0xFFFFE000  }
0x279: {  	v14 =	vand.u32 $0x3F, v14;
	v12 =	vld.idx.msk [tilespmem:v9+s13+$0x0], $0xffff  }
0x27a: {  	v14 =	vor.u32 v0, v14;
	v9 =	vld.idx.msk [tilespmem:v9+s14+$0x0], $0xffff  }
0x27b: {  	v13 =	vadd.s32 $0x3, v8;
	v15 =	vld.idx.msk [tilespmem:v10+s13+$0x0], $0xffff  }
0x27c: {  	v13 =	vand.u32 $0x3F, v13;
	v10 =	vld.idx.msk [tilespmem:v10+s14+$0x0], $0xffff  }
0x27d: {  	v13 =	vor.u32 v0, v13;
	v17 =	vld.idx.msk [tilespmem:v11+s13+$0x0], $0xffff  }
0x27e: {  	v16 =	vadd.s32 $0x5, v8;
	v11 =	vld.idx.msk [tilespmem:v11+s14+$0x0], $0xffff  }
0x27f: {  	v16 =	vand.u32 $0x3F, v16;
	v22 =	vld.idx.msk [tilespmem:v14+s13+$0x0], $0xffff  }
0x280: {  	v16 =	vor.u32 v0, v16;
	v14 =	vld.idx.msk [tilespmem:v14+s14+$0x0], $0xffff  }
0x281: {  	v19 =	vadd.s32 $0x6, v8  }
0x282: {  	v20 =	vadd.s32 $0x7, v8;
	v8 =	vadd.s32 $0x8, v8;
	v9 =	vmul.bf16 v9, v12;
	v12 =	vld.idx.msk [tilespmem:v13+s14+$0x0], $0xffff  }
0x283: {  	v18 =	vimm.f32 $0.0e+00;
	v19 =	vand.u32 $0x3F, v19;
	v8 =	vand.u32 $0x3F, v8;
	v13 =	vld.idx.msk [tilespmem:v13+s13+$0x0], $0xffff  }
0x284: {  	v23 =	vor.u32 v0, v19;
	v10 =	vmul.bf16 v10, v15;
	v15 =	vand.u32 $0x3F, v20  }
0x285: {  	v11 =	vmul.bf16 v11, v17;
	v17 =	vld.idx.msk [tilespmem:v16+s13+$0x0], $0xffff;
	v22 =	vmul.bf16 v14, v22;
	v15 =	vor.u32 v0, v15  }
0x286: {  	v16 =	vld.idx.msk [tilespmem:v16+s14+$0x0], $0xffff;
	v21 =	vunpack.i.u.bf16.f32 v9;
	v9 =	vunpack.i.l.bf16.f32 v9;
	v20 =	vunpack.i.u.bf16.f32 v10  }
0x287: {  	v10 =	vunpack.i.l.bf16.f32 v10;
	v9 =	vadd.f32 v9, v18;
	v18 =	vadd.f32 v21, v18  }
0x288: {  	v19 =	vunpack.i.u.bf16.f32 v11;
	v21 =	vunpack.i.l.bf16.f32 v11;
	v11 =	vmul.bf16 v12, v13  }
0x289: {  	v9 =	vadd.f32 v10, v9;
	v10 =	vadd.f32 v20, v18;
	v13 =	vor.u32 v0, v8  }
0x28a: {  	v12 =	vld.idx.msk [tilespmem:v15+s13+$0x0], $0xffff;
	v18 =	vunpack.i.u.bf16.f32 v11;
	v20 =	vunpack.i.l.bf16.f32 v11;
	v11 =	vadd.s32 $0x1, v8  }
0x28b: {  	v63 =	vmul.bf16 v16, v17;
	v16 =	vadd.s32 $0x2, v8;
	v15 =	vld.idx.msk [tilespmem:v15+s14+$0x0], $0xffff;
	v11 =	vand.u32 $0x3F, v11  }
0x28c: {  	v14 =	vld.idx.msk [tilespmem:v23+s13+$0x0], $0xffff;
	v17 =	vand.u32 $0x3F, v16;
	v10 =	vadd.f32 v19, v10;
	v11 =	vor.u32 v0, v11  }
0x28d: {  	v16 =	vld.idx.msk [tilespmem:v23+s14+$0x0], $0xffff;
	v23 =	vadd.s32 $0x3, v8;
	v9 =	vadd.f32 v21, v9;
	v19 =	vunpack.i.l.bf16.f32 v22  }
0x28e: {  	v22 =	vunpack.i.u.bf16.f32 v22;
	v18 =	vadd.f32 v18, v10;
	v10 =	vor.u32 v0, v17  }
0x28f: {  	s22 =	simm.s32 $0x6;
	v21 =	vadd.f32 v20, v9;
	v17 =	vunpack.i.u.bf16.f32 v63;
	v20 =	vunpack.i.l.bf16.f32 v63;
	v9 =	vld.idx.msk [tilespmem:v13+s13+$0x0], $0xffff  }
.LBB2_19:
0x290: {  	p0 =	sne.s32 s22, $0x1;
	s22 =	sadd.s32 $0xFFFFFFFF, s22;
	v13 =	vld.idx.msk [tilespmem:v13+s14+$0x0], $0xffff;
	v23 =	vand.u32 $0x3F, v23;
	v24 =	vadd.s32 $0x4, v8;
	v12 =	vmul.bf16 v15, v12  }
0x291: {  	v19 =	vadd.f32 v19, v21;
	v18 =	vadd.f32 v22, v18;
	v15 =	vld.idx.msk [tilespmem:v11+s13+$0x0], $0xffff;
	v23 =	vor.u32 v0, v23  }
0x292: {  	v22 =	vadd.s32 $0x5, v8;
	v21 =	vand.u32 $0x3F, v24;
	v14 =	vmul.bf16 v16, v14;
	v11 =	vld.idx.msk [tilespmem:v11+s14+$0x0], $0xffff  }
0x293: {  	v21 =	vor.u32 v0, v21;
	v19 =	vadd.f32 v20, v19;
	v17 =	vadd.f32 v17, v18;
	v16 =	vld.idx.msk [tilespmem:v10+s13+$0x0], $0xffff  }
0x294: {  	v18 =	vand.u32 $0x3F, v22;
	v20 =	vunpack.i.u.bf16.f32 v14;
	v14 =	vunpack.i.l.bf16.f32 v14;
	v10 =	vld.idx.msk [tilespmem:v10+s14+$0x0], $0xffff  }
0x295: {  	v18 =	vor.u32 v0, v18;
	v14 =	vadd.f32 v14, v19;
	v17 =	vadd.f32 v20, v17  }
0x296: {  	v19 =	vunpack.i.u.bf16.f32 v12;
	v12 =	vunpack.i.l.bf16.f32 v12;
	v9 =	vmul.bf16 v13, v9;
	v13 =	vld.idx.msk [tilespmem:v23+s14+$0x0], $0xffff  }
0x297: {  	v22 =	vadd.s32 $0x6, v8;
	v12 =	vadd.f32 v12, v14;
	v20 =	vld.idx.msk [tilespmem:v23+s13+$0x0], $0xffff;
	v23 =	vadd.s32 $0x7, v8  }
0x298: {  	v17 =	vadd.f32 v19, v17;
	v14 =	vunpack.i.u.bf16.f32 v9;
	v9 =	vunpack.i.l.bf16.f32 v9;
	v24 =	vld.idx.msk [tilespmem:v21+s13+$0x0], $0xffff  }
0x299: {  	v11 =	vmul.bf16 v11, v15;
	v9 =	vadd.f32 v9, v12;
	v12 =	vand.u32 $0x3F, v23;
	v19 =	vld.idx.msk [tilespmem:v21+s14+$0x0], $0xffff  }
0x29a: {  	v15 =	vand.u32 $0x3F, v22;
	v10 =	vmul.bf16 v10, v16;
	v21 =	vor.u32 v0, v12;
	v16 =	vld.idx.msk [tilespmem:v18+s13+$0x0], $0xffff  }
0x29b: {  	v22 =	vor.u32 v0, v15;
	v12 =	vunpack.i.u.bf16.f32 v11;
	v11 =	vunpack.i.l.bf16.f32 v11;
	v18 =	vld.idx.msk [tilespmem:v18+s14+$0x0], $0xffff  }
0x29c: {  	v14 =	vadd.f32 v14, v17;
	v15 =	vunpack.i.u.bf16.f32 v10;
	v10 =	vunpack.i.l.bf16.f32 v10  }
0x29d: {  	v9 =	vadd.f32 v11, v9;
	v11 =	vmul.bf16 v13, v20  }
0x29e: {  	v8 =	vadd.s32 $0x8, v8;
	v14 =	vadd.f32 v12, v14  }
0x29f: {  	v8 =	vand.u32 $0x3F, v8;
	v17 =	vunpack.i.u.bf16.f32 v11;
	v20 =	vunpack.i.l.bf16.f32 v11;
	v12 =	vld.idx.msk [tilespmem:v21+s13+$0x0], $0xffff  }
0x2a0: {  	v13 =	vor.u32 v0, v8;
	v23 =	vadd.f32 v15, v14;
	v11 =	vadd.s32 $0x1, v8;
	v15 =	vld.idx.msk [tilespmem:v21+s14+$0x0], $0xffff  }
.Ltmp8:
0x2a1: {  	v24 =	vmul.bf16 v19, v24;
	v11 =	vand.u32 $0x3F, v11;
	v25 =	vmul.bf16 v18, v16;
	v14 =	vld.idx.msk [tilespmem:v22+s13+$0x0], $0xffff;
	(pc) =	sbr.rel @p0 .LBB2_19-.Ltmp8, $4  }
0x2a2: {  	v9 =	vadd.f32 v10, v9;
	v11 =	vor.u32 v0, v11;
	v18 =	vadd.s32 $0x2, v8;
	v16 =	vld.idx.msk [tilespmem:v22+s14+$0x0], $0xffff  }
0x2a3: {  	v19 =	vunpack.i.l.bf16.f32 v24;
	v10 =	vand.u32 $0x3F, v18;
	v18 =	vadd.f32 v17, v23  }
0x2a4: {  	v21 =	vadd.f32 v20, v9;
	v10 =	vor.u32 v0, v10;
	v17 =	vunpack.i.u.bf16.f32 v25  }
0x2a5: {  	v23 =	vadd.s32 $0x3, v8;
	v22 =	vunpack.i.u.bf16.f32 v24;
	v20 =	vunpack.i.l.bf16.f32 v25;
	v9 =	vld.idx.msk [tilespmem:v13+s13+$0x0], $0xffff  }
0x2a6: {  	_ =	sdelay $0x2  }
0x2a7: {  	v23 =	vand.u32 $0x3F, v23;
	v24 =	vadd.s32 $0x4, v8;
	v12 =	vmul.bf16 v15, v12  }
0x2a8: {  	v13 =	vld.idx.msk [tilespmem:v13+s14+$0x0], $0xffff;
	v19 =	vadd.f32 v19, v21;
	v18 =	vadd.f32 v22, v18;
	v22 =	vadd.s32 $0x5, v8  }
0x2a9: {  	v15 =	vor.u32 v0, v23;
	v21 =	vand.u32 $0x3F, v24;
	v14 =	vmul.bf16 v16, v14  }
0x2aa: {  	v16 =	vld.idx.msk [tilespmem:v11+s13+$0x0], $0xffff;
	v21 =	vor.u32 v0, v21;
	v19 =	vadd.f32 v20, v19;
	v17 =	vadd.f32 v17, v18  }
0x2ab: {  	v11 =	vld.idx.msk [tilespmem:v11+s14+$0x0], $0xffff;
	v18 =	vand.u32 $0x3F, v22;
	v20 =	vunpack.i.u.bf16.f32 v14;
	v14 =	vunpack.i.l.bf16.f32 v14  }
0x2ac: {  	v22 =	vld.idx.msk [tilespmem:v10+s13+$0x0], $0xffff;
	v18 =	vor.u32 v0, v18;
	v14 =	vadd.f32 v14, v19;
	v17 =	vadd.f32 v20, v17  }
0x2ad: {  	v10 =	vld.idx.msk [tilespmem:v10+s14+$0x0], $0xffff;
	v19 =	vadd.s32 $0x6, v8;
	v8 =	vadd.s32 $0x7, v8;
	v9 =	vmul.bf16 v13, v9  }
0x2ae: {  	v13 =	vunpack.i.u.bf16.f32 v12;
	v12 =	vunpack.i.l.bf16.f32 v12;
	v19 =	vand.u32 $0x3F, v19;
	v20 =	vld.idx.msk [tilespmem:v15+s14+$0x0], $0xffff  }
0x2af: {  	v8 =	vand.u32 $0x3F, v8;
	v15 =	vld.idx.msk [tilespmem:v15+s13+$0x0], $0xffff;
	v12 =	vadd.f32 v12, v14;
	v19 =	vor.u32 v0, v19  }
0x2b0: {  	v13 =	vadd.f32 v13, v17;
	v11 =	vmul.bf16 v11, v16;
	v14 =	vunpack.i.l.bf16.f32 v9;
	v23 =	vld.idx.msk [tilespmem:v21+s13+$0x0], $0xffff  }
0x2b1: {  	v8 =	vor.u32 v0, v8;
	v9 =	vunpack.i.u.bf16.f32 v9;
	v12 =	vadd.f32 v14, v12;
	v14 =	vld.idx.msk [tilespmem:v21+s14+$0x0], $0xffff  }
0x2b2: {  	v10 =	vmul.bf16 v10, v22;
	v16 =	vld.idx.msk [tilespmem:v18+s13+$0x0], $0xffff;
	v17 =	vunpack.i.l.bf16.f32 v11;
	v9 =	vadd.f32 v9, v13  }
0x2b3: {  	v11 =	vunpack.i.u.bf16.f32 v11;
	v13 =	vld.idx.msk [tilespmem:v18+s14+$0x0], $0xffff;
	v12 =	vadd.f32 v17, v12  }
0x2b4: {  	v17 =	vunpack.i.l.bf16.f32 v10;
	v9 =	vadd.f32 v11, v9;
	v15 =	vmul.bf16 v20, v15;
	v11 =	vld.idx.msk [tilespmem:v19+s13+$0x0], $0xffff  }
0x2b5: {  	v10 =	vunpack.i.u.bf16.f32 v10;
	v12 =	vadd.f32 v17, v12;
	v17 =	vld.idx.msk [tilespmem:v19+s14+$0x0], $0xffff  }
0x2b6: {  	v19 =	vld.idx.msk [tilespmem:v8+s13+$0x0], $0xffff;
	v9 =	vadd.f32 v10, v9;
	v18 =	vunpack.i.l.bf16.f32 v15;
	v10 =	vmul.bf16 v14, v23  }
0x2b7: {  	v8 =	vld.idx.msk [tilespmem:v8+s14+$0x0], $0xffff;
	v14 =	vunpack.i.u.bf16.f32 v15;
	v12 =	vadd.f32 v18, v12  }
0x2b8: {  	v13 =	vmul.bf16 v13, v16;
	v9 =	vadd.f32 v14, v9;
	v14 =	vunpack.i.l.bf16.f32 v10  }
0x2b9: {  	v10 =	vunpack.i.u.bf16.f32 v10;
	v12 =	vadd.f32 v14, v12  }
0x2ba: {  	v14 =	vunpack.i.l.bf16.f32 v13;
	v9 =	vadd.f32 v10, v9;
	v10 =	vmul.bf16 v17, v11  }
0x2bb: {  	v11 =	vunpack.i.u.bf16.f32 v13;
	v12 =	vadd.f32 v14, v12  }
0x2bc: {  	v8 =	vmul.bf16 v8, v19;
	v9 =	vadd.f32 v11, v9;
	v11 =	vunpack.i.l.bf16.f32 v10  }
0x2bd: {  	v10 =	vunpack.i.u.bf16.f32 v10;
	v11 =	vadd.f32 v11, v12  }
0x2be: {  	v9 =	vadd.f32 v10, v9;
	v10 =	vunpack.i.l.bf16.f32 v8  }
0x2bf: {  	v8 =	vunpack.i.u.bf16.f32 v8;
	v10 =	vadd.f32 v10, v11;
	v11 =	vlaneseq.u32  }
0x2c0: {  	v8 =	vadd.f32 v8, v9;
	v9 =	vor.u32 v1, v11;
	v12 =	vadd.s32 $0x1, v11  }
0x2c1: {  	v12 =	vand.u32 $0x3F, v12  }
0x2c2: {  	v8 =	vadd.f32 v8, v10;
	v10 =	vor.u32 v1, v12;
	v12 =	vadd.s32 $0x2, v11  }
0x2c3: {  	v12 =	vand.u32 $0x3F, v12  }
0x2c4: {  	v13 =	vadd.s32 $0x3, v11;
	[tilespmem:s21+$0x4E20] =	vst v8;
	v8 =	vor.u32 v1, v12  }
0x2c5: {  	v13 =	vand.u32 $0x3F, v13;
	v12 =	vld.idx.msk [tilespmem:v9+s13+$0x0], $0xffff  }
0x2c6: {  	v13 =	vor.u32 v1, v13;
	v9 =	vld.idx.msk [tilespmem:v9+s14+$0x0], $0xffff  }
0x2c7: {  	v14 =	vadd.s32 $0x4, v11;
	v15 =	vld.idx.msk [tilespmem:v10+s13+$0x0], $0xffff  }
0x2c8: {  	v14 =	vand.u32 $0x3F, v14;
	v10 =	vld.idx.msk [tilespmem:v10+s14+$0x0], $0xffff  }
0x2c9: {  	v16 =	vadd.s32 $0x5, v11;
	v14 =	vor.u32 v1, v14;
	v17 =	vld.idx.msk [tilespmem:v8+s13+$0x0], $0xffff  }
0x2ca: {  	v16 =	vand.u32 $0x3F, v16;
	v8 =	vld.idx.msk [tilespmem:v8+s14+$0x0], $0xffff  }
0x2cb: {  	v19 =	vadd.s32 $0x6, v11;
	v16 =	vor.u32 v1, v16;
	v9 =	vmul.bf16 v9, v12;
	v12 =	vld.idx.msk [tilespmem:v13+s14+$0x0], $0xffff  }
0x2cc: {  	v18 =	vimm.f32 $0.0e+00;
	v19 =	vand.u32 $0x3F, v19;
	v13 =	vld.idx.msk [tilespmem:v13+s13+$0x0], $0xffff  }
0x2cd: {  	v20 =	vadd.s32 $0x7, v11;
	v23 =	vor.u32 v1, v19;
	v21 =	vunpack.i.u.bf16.f32 v9  }
0x2ce: {  	v22 =	vld.idx.msk [tilespmem:v14+s13+$0x0], $0xffff;
	v9 =	vunpack.i.l.bf16.f32 v9;
	v10 =	vmul.bf16 v10, v15;
	v15 =	vand.u32 $0x3F, v20  }
0x2cf: {  	v14 =	vld.idx.msk [tilespmem:v14+s14+$0x0], $0xffff;
	v9 =	vadd.f32 v9, v18;
	v15 =	vor.u32 v1, v15;
	v8 =	vmul.bf16 v8, v17  }
0x2d0: {  	v18 =	vadd.f32 v21, v18;
	v17 =	vld.idx.msk [tilespmem:v16+s13+$0x0], $0xffff;
	v20 =	vunpack.i.u.bf16.f32 v10;
	v10 =	vunpack.i.l.bf16.f32 v10  }
0x2d1: {  	v16 =	vld.idx.msk [tilespmem:v16+s14+$0x0], $0xffff;
	v19 =	vunpack.i.u.bf16.f32 v8;
	v21 =	vunpack.i.l.bf16.f32 v8;
	v8 =	vmul.bf16 v12, v13  }
0x2d2: {  	v11 =	vadd.s32 $0x8, v11;
	v9 =	vadd.f32 v10, v9;
	v10 =	vadd.f32 v20, v18  }
0x2d3: {  	v18 =	vunpack.i.u.bf16.f32 v8;
	v20 =	vunpack.i.l.bf16.f32 v8;
	v8 =	vand.u32 $0x3F, v11  }
0x2d4: {  	v22 =	vmul.bf16 v14, v22;
	v12 =	vld.idx.msk [tilespmem:v15+s13+$0x0], $0xffff;
	v13 =	vor.u32 v1, v8;
	v11 =	vadd.s32 $0x1, v8  }
0x2d5: {  	v10 =	vadd.f32 v19, v10;
	v9 =	vadd.f32 v21, v9;
	v15 =	vld.idx.msk [tilespmem:v15+s14+$0x0], $0xffff;
	v11 =	vand.u32 $0x3F, v11  }
0x2d6: {  	v14 =	vld.idx.msk [tilespmem:v23+s13+$0x0], $0xffff;
	v63 =	vmul.bf16 v16, v17;
	v16 =	vadd.s32 $0x2, v8;
	v11 =	vor.u32 v1, v11  }
0x2d7: {  	v19 =	vunpack.i.l.bf16.f32 v22;
	v22 =	vunpack.i.u.bf16.f32 v22;
	v17 =	vand.u32 $0x3F, v16;
	v16 =	vld.idx.msk [tilespmem:v23+s14+$0x0], $0xffff  }
0x2d8: {  	v18 =	vadd.f32 v18, v10;
	v21 =	vadd.f32 v20, v9;
	v10 =	vor.u32 v1, v17  }
0x2d9: {  	s21 =	simm.s32 $0x6;
	v23 =	vadd.s32 $0x3, v8;
	v17 =	vunpack.i.u.bf16.f32 v63;
	v20 =	vunpack.i.l.bf16.f32 v63;
	v9 =	vld.idx.msk [tilespmem:v13+s13+$0x0], $0xffff  }
.LBB2_21:
0x2da: {  	p0 =	sne.s32 s21, $0x1;
	s21 =	sadd.s32 $0xFFFFFFFF, s21;
	v13 =	vld.idx.msk [tilespmem:v13+s14+$0x0], $0xffff;
	v23 =	vand.u32 $0x3F, v23;
	v24 =	vadd.s32 $0x4, v8;
	v12 =	vmul.bf16 v15, v12  }
0x2db: {  	v19 =	vadd.f32 v19, v21;
	v18 =	vadd.f32 v22, v18;
	v15 =	vld.idx.msk [tilespmem:v11+s13+$0x0], $0xffff;
	v23 =	vor.u32 v1, v23  }
0x2dc: {  	v22 =	vadd.s32 $0x5, v8;
	v21 =	vand.u32 $0x3F, v24;
	v14 =	vmul.bf16 v16, v14;
	v11 =	vld.idx.msk [tilespmem:v11+s14+$0x0], $0xffff  }
0x2dd: {  	v21 =	vor.u32 v1, v21;
	v19 =	vadd.f32 v20, v19;
	v17 =	vadd.f32 v17, v18;
	v16 =	vld.idx.msk [tilespmem:v10+s13+$0x0], $0xffff  }
0x2de: {  	v18 =	vand.u32 $0x3F, v22;
	v20 =	vunpack.i.u.bf16.f32 v14;
	v14 =	vunpack.i.l.bf16.f32 v14;
	v10 =	vld.idx.msk [tilespmem:v10+s14+$0x0], $0xffff  }
0x2df: {  	v18 =	vor.u32 v1, v18;
	v14 =	vadd.f32 v14, v19;
	v17 =	vadd.f32 v20, v17  }
0x2e0: {  	v19 =	vunpack.i.u.bf16.f32 v12;
	v12 =	vunpack.i.l.bf16.f32 v12;
	v9 =	vmul.bf16 v13, v9;
	v13 =	vld.idx.msk [tilespmem:v23+s14+$0x0], $0xffff  }
0x2e1: {  	v22 =	vadd.s32 $0x6, v8;
	v12 =	vadd.f32 v12, v14;
	v20 =	vld.idx.msk [tilespmem:v23+s13+$0x0], $0xffff;
	v23 =	vadd.s32 $0x7, v8  }
0x2e2: {  	v17 =	vadd.f32 v19, v17;
	v14 =	vunpack.i.u.bf16.f32 v9;
	v9 =	vunpack.i.l.bf16.f32 v9;
	v24 =	vld.idx.msk [tilespmem:v21+s13+$0x0], $0xffff  }
0x2e3: {  	v11 =	vmul.bf16 v11, v15;
	v9 =	vadd.f32 v9, v12;
	v12 =	vand.u32 $0x3F, v23;
	v19 =	vld.idx.msk [tilespmem:v21+s14+$0x0], $0xffff  }
0x2e4: {  	v15 =	vand.u32 $0x3F, v22;
	v10 =	vmul.bf16 v10, v16;
	v21 =	vor.u32 v1, v12;
	v16 =	vld.idx.msk [tilespmem:v18+s13+$0x0], $0xffff  }
0x2e5: {  	v22 =	vor.u32 v1, v15;
	v12 =	vunpack.i.u.bf16.f32 v11;
	v11 =	vunpack.i.l.bf16.f32 v11;
	v18 =	vld.idx.msk [tilespmem:v18+s14+$0x0], $0xffff  }
0x2e6: {  	v14 =	vadd.f32 v14, v17;
	v15 =	vunpack.i.u.bf16.f32 v10;
	v10 =	vunpack.i.l.bf16.f32 v10  }
0x2e7: {  	v9 =	vadd.f32 v11, v9;
	v11 =	vmul.bf16 v13, v20  }
0x2e8: {  	v8 =	vadd.s32 $0x8, v8;
	v14 =	vadd.f32 v12, v14  }
0x2e9: {  	v8 =	vand.u32 $0x3F, v8;
	v17 =	vunpack.i.u.bf16.f32 v11;
	v20 =	vunpack.i.l.bf16.f32 v11;
	v12 =	vld.idx.msk [tilespmem:v21+s13+$0x0], $0xffff  }
0x2ea: {  	v13 =	vor.u32 v1, v8;
	v23 =	vadd.f32 v15, v14;
	v11 =	vadd.s32 $0x1, v8;
	v15 =	vld.idx.msk [tilespmem:v21+s14+$0x0], $0xffff  }
.Ltmp9:
0x2eb: {  	v24 =	vmul.bf16 v19, v24;
	v11 =	vand.u32 $0x3F, v11;
	v25 =	vmul.bf16 v18, v16;
	v14 =	vld.idx.msk [tilespmem:v22+s13+$0x0], $0xffff;
	(pc) =	sbr.rel @p0 .LBB2_21-.Ltmp9, $4  }
0x2ec: {  	v9 =	vadd.f32 v10, v9;
	v11 =	vor.u32 v1, v11;
	v18 =	vadd.s32 $0x2, v8;
	v16 =	vld.idx.msk [tilespmem:v22+s14+$0x0], $0xffff  }
0x2ed: {  	v19 =	vunpack.i.l.bf16.f32 v24;
	v10 =	vand.u32 $0x3F, v18;
	v18 =	vadd.f32 v17, v23  }
0x2ee: {  	v21 =	vadd.f32 v20, v9;
	v10 =	vor.u32 v1, v10;
	v17 =	vunpack.i.u.bf16.f32 v25  }
0x2ef: {  	v23 =	vadd.s32 $0x3, v8;
	v22 =	vunpack.i.u.bf16.f32 v24;
	v20 =	vunpack.i.l.bf16.f32 v25;
	v9 =	vld.idx.msk [tilespmem:v13+s13+$0x0], $0xffff  }
0x2f0: {  	_ =	sdelay $0x2  }
0x2f1: {  	v23 =	vand.u32 $0x3F, v23;
	v24 =	vadd.s32 $0x4, v8;
	v12 =	vmul.bf16 v15, v12  }
0x2f2: {  	v13 =	vld.idx.msk [tilespmem:v13+s14+$0x0], $0xffff;
	v19 =	vadd.f32 v19, v21;
	v18 =	vadd.f32 v22, v18;
	v22 =	vadd.s32 $0x5, v8  }
0x2f3: {  	v15 =	vor.u32 v1, v23;
	v21 =	vand.u32 $0x3F, v24;
	v14 =	vmul.bf16 v16, v14  }
0x2f4: {  	v16 =	vld.idx.msk [tilespmem:v11+s13+$0x0], $0xffff;
	v21 =	vor.u32 v1, v21;
	v19 =	vadd.f32 v20, v19;
	v17 =	vadd.f32 v17, v18  }
0x2f5: {  	v11 =	vld.idx.msk [tilespmem:v11+s14+$0x0], $0xffff;
	v18 =	vand.u32 $0x3F, v22;
	v20 =	vunpack.i.u.bf16.f32 v14;
	v14 =	vunpack.i.l.bf16.f32 v14  }
0x2f6: {  	v22 =	vld.idx.msk [tilespmem:v10+s13+$0x0], $0xffff;
	v18 =	vor.u32 v1, v18;
	v14 =	vadd.f32 v14, v19;
	v17 =	vadd.f32 v20, v17  }
0x2f7: {  	v10 =	vld.idx.msk [tilespmem:v10+s14+$0x0], $0xffff;
	v19 =	vadd.s32 $0x6, v8;
	v8 =	vadd.s32 $0x7, v8;
	v9 =	vmul.bf16 v13, v9  }
0x2f8: {  	v13 =	vunpack.i.u.bf16.f32 v12;
	v12 =	vunpack.i.l.bf16.f32 v12;
	v19 =	vand.u32 $0x3F, v19;
	v20 =	vld.idx.msk [tilespmem:v15+s14+$0x0], $0xffff  }
0x2f9: {  	v8 =	vand.u32 $0x3F, v8;
	v15 =	vld.idx.msk [tilespmem:v15+s13+$0x0], $0xffff;
	v12 =	vadd.f32 v12, v14;
	v19 =	vor.u32 v1, v19  }
0x2fa: {  	v13 =	vadd.f32 v13, v17;
	v11 =	vmul.bf16 v11, v16;
	v14 =	vunpack.i.l.bf16.f32 v9;
	v23 =	vld.idx.msk [tilespmem:v21+s13+$0x0], $0xffff  }
0x2fb: {  	v8 =	vor.u32 v1, v8;
	v9 =	vunpack.i.u.bf16.f32 v9;
	v12 =	vadd.f32 v14, v12;
	v14 =	vld.idx.msk [tilespmem:v21+s14+$0x0], $0xffff  }
0x2fc: {  	v10 =	vmul.bf16 v10, v22;
	v16 =	vld.idx.msk [tilespmem:v18+s13+$0x0], $0xffff;
	v17 =	vunpack.i.l.bf16.f32 v11;
	v9 =	vadd.f32 v9, v13  }
0x2fd: {  	v11 =	vunpack.i.u.bf16.f32 v11;
	v13 =	vld.idx.msk [tilespmem:v18+s14+$0x0], $0xffff;
	v12 =	vadd.f32 v17, v12  }
0x2fe: {  	v17 =	vunpack.i.l.bf16.f32 v10;
	v9 =	vadd.f32 v11, v9;
	v15 =	vmul.bf16 v20, v15;
	v11 =	vld.idx.msk [tilespmem:v19+s13+$0x0], $0xffff  }
0x2ff: {  	v10 =	vunpack.i.u.bf16.f32 v10;
	v12 =	vadd.f32 v17, v12;
	v17 =	vld.idx.msk [tilespmem:v19+s14+$0x0], $0xffff  }
0x300: {  	v19 =	vld.idx.msk [tilespmem:v8+s13+$0x0], $0xffff;
	v9 =	vadd.f32 v10, v9;
	v18 =	vunpack.i.l.bf16.f32 v15;
	v10 =	vmul.bf16 v14, v23  }
0x301: {  	v8 =	vld.idx.msk [tilespmem:v8+s14+$0x0], $0xffff;
	v14 =	vunpack.i.u.bf16.f32 v15;
	v12 =	vadd.f32 v18, v12  }
0x302: {  	v13 =	vmul.bf16 v13, v16;
	v9 =	vadd.f32 v14, v9;
	v14 =	vunpack.i.l.bf16.f32 v10  }
0x303: {  	v10 =	vunpack.i.u.bf16.f32 v10;
	v12 =	vadd.f32 v14, v12  }
0x304: {  	v14 =	vunpack.i.l.bf16.f32 v13;
	v9 =	vadd.f32 v10, v9;
	v10 =	vmul.bf16 v17, v11  }
0x305: {  	v11 =	vunpack.i.u.bf16.f32 v13;
	v12 =	vadd.f32 v14, v12  }
0x306: {  	v8 =	vmul.bf16 v8, v19;
	v9 =	vadd.f32 v11, v9;
	v11 =	vunpack.i.l.bf16.f32 v10  }
0x307: {  	v10 =	vunpack.i.u.bf16.f32 v10;
	v11 =	vadd.f32 v11, v12  }
0x308: {  	v9 =	vadd.f32 v10, v9;
	v10 =	vunpack.i.l.bf16.f32 v8  }
0x309: {  	v8 =	vunpack.i.u.bf16.f32 v8;
	v10 =	vadd.f32 v10, v11;
	v11 =	vlaneseq.u32  }
0x30a: {  	v8 =	vadd.f32 v8, v9;
	v9 =	vor.u32 v2, v11;
	v12 =	vadd.s32 $0x1, v11  }
0x30b: {  	v12 =	vand.u32 $0x3F, v12  }
0x30c: {  	v8 =	vadd.f32 v8, v10;
	v10 =	vor.u32 v2, v12;
	v12 =	vadd.s32 $0x2, v11  }
0x30d: {  	v12 =	vand.u32 $0x3F, v12  }
0x30e: {  	v13 =	vadd.s32 $0x3, v11;
	[tilespmem:s20+$0x4EB0] =	vst v8;
	v8 =	vor.u32 v2, v12  }
0x30f: {  	v13 =	vand.u32 $0x3F, v13;
	v12 =	vld.idx.msk [tilespmem:v9+s13+$0x0], $0xffff  }
0x310: {  	v13 =	vor.u32 v2, v13;
	v9 =	vld.idx.msk [tilespmem:v9+s14+$0x0], $0xffff  }
0x311: {  	v14 =	vadd.s32 $0x4, v11;
	v15 =	vld.idx.msk [tilespmem:v10+s13+$0x0], $0xffff  }
0x312: {  	v14 =	vand.u32 $0x3F, v14;
	v10 =	vld.idx.msk [tilespmem:v10+s14+$0x0], $0xffff  }
0x313: {  	v16 =	vadd.s32 $0x5, v11;
	v14 =	vor.u32 v2, v14;
	v17 =	vld.idx.msk [tilespmem:v8+s13+$0x0], $0xffff  }
0x314: {  	v16 =	vand.u32 $0x3F, v16;
	v8 =	vld.idx.msk [tilespmem:v8+s14+$0x0], $0xffff  }
0x315: {  	v19 =	vadd.s32 $0x6, v11;
	v16 =	vor.u32 v2, v16;
	v9 =	vmul.bf16 v9, v12;
	v12 =	vld.idx.msk [tilespmem:v13+s14+$0x0], $0xffff  }
0x316: {  	v18 =	vimm.f32 $0.0e+00;
	v19 =	vand.u32 $0x3F, v19;
	v13 =	vld.idx.msk [tilespmem:v13+s13+$0x0], $0xffff  }
0x317: {  	v20 =	vadd.s32 $0x7, v11;
	v23 =	vor.u32 v2, v19;
	v21 =	vunpack.i.u.bf16.f32 v9  }
0x318: {  	v22 =	vld.idx.msk [tilespmem:v14+s13+$0x0], $0xffff;
	v9 =	vunpack.i.l.bf16.f32 v9;
	v10 =	vmul.bf16 v10, v15;
	v15 =	vand.u32 $0x3F, v20  }
0x319: {  	v14 =	vld.idx.msk [tilespmem:v14+s14+$0x0], $0xffff;
	v9 =	vadd.f32 v9, v18;
	v15 =	vor.u32 v2, v15;
	v8 =	vmul.bf16 v8, v17  }
0x31a: {  	v18 =	vadd.f32 v21, v18;
	v17 =	vld.idx.msk [tilespmem:v16+s13+$0x0], $0xffff;
	v20 =	vunpack.i.u.bf16.f32 v10;
	v10 =	vunpack.i.l.bf16.f32 v10  }
0x31b: {  	v16 =	vld.idx.msk [tilespmem:v16+s14+$0x0], $0xffff;
	v19 =	vunpack.i.u.bf16.f32 v8;
	v21 =	vunpack.i.l.bf16.f32 v8;
	v8 =	vmul.bf16 v12, v13  }
0x31c: {  	v11 =	vadd.s32 $0x8, v11;
	v9 =	vadd.f32 v10, v9;
	v10 =	vadd.f32 v20, v18  }
0x31d: {  	v18 =	vunpack.i.u.bf16.f32 v8;
	v20 =	vunpack.i.l.bf16.f32 v8;
	v8 =	vand.u32 $0x3F, v11  }
0x31e: {  	v22 =	vmul.bf16 v14, v22;
	v12 =	vld.idx.msk [tilespmem:v15+s13+$0x0], $0xffff;
	v13 =	vor.u32 v2, v8;
	v11 =	vadd.s32 $0x1, v8  }
0x31f: {  	v10 =	vadd.f32 v19, v10;
	v9 =	vadd.f32 v21, v9;
	v15 =	vld.idx.msk [tilespmem:v15+s14+$0x0], $0xffff;
	v11 =	vand.u32 $0x3F, v11  }
0x320: {  	v14 =	vld.idx.msk [tilespmem:v23+s13+$0x0], $0xffff;
	v63 =	vmul.bf16 v16, v17;
	v16 =	vadd.s32 $0x2, v8;
	v11 =	vor.u32 v2, v11  }
0x321: {  	v19 =	vunpack.i.l.bf16.f32 v22;
	v22 =	vunpack.i.u.bf16.f32 v22;
	v17 =	vand.u32 $0x3F, v16;
	v16 =	vld.idx.msk [tilespmem:v23+s14+$0x0], $0xffff  }
0x322: {  	v18 =	vadd.f32 v18, v10;
	v21 =	vadd.f32 v20, v9;
	v10 =	vor.u32 v2, v17  }
0x323: {  	s21 =	simm.s32 $0x6;
	v23 =	vadd.s32 $0x3, v8;
	v17 =	vunpack.i.u.bf16.f32 v63;
	v20 =	vunpack.i.l.bf16.f32 v63;
	v9 =	vld.idx.msk [tilespmem:v13+s13+$0x0], $0xffff  }
.LBB2_23:
0x324: {  	p0 =	sne.s32 s21, $0x1;
	s21 =	sadd.s32 $0xFFFFFFFF, s21;
	v13 =	vld.idx.msk [tilespmem:v13+s14+$0x0], $0xffff;
	v23 =	vand.u32 $0x3F, v23;
	v24 =	vadd.s32 $0x4, v8;
	v12 =	vmul.bf16 v15, v12  }
0x325: {  	v19 =	vadd.f32 v19, v21;
	v18 =	vadd.f32 v22, v18;
	v15 =	vld.idx.msk [tilespmem:v11+s13+$0x0], $0xffff;
	v23 =	vor.u32 v2, v23  }
0x326: {  	v22 =	vadd.s32 $0x5, v8;
	v21 =	vand.u32 $0x3F, v24;
	v14 =	vmul.bf16 v16, v14;
	v11 =	vld.idx.msk [tilespmem:v11+s14+$0x0], $0xffff  }
0x327: {  	v21 =	vor.u32 v2, v21;
	v19 =	vadd.f32 v20, v19;
	v17 =	vadd.f32 v17, v18;
	v16 =	vld.idx.msk [tilespmem:v10+s13+$0x0], $0xffff  }
0x328: {  	v18 =	vand.u32 $0x3F, v22;
	v20 =	vunpack.i.u.bf16.f32 v14;
	v14 =	vunpack.i.l.bf16.f32 v14;
	v10 =	vld.idx.msk [tilespmem:v10+s14+$0x0], $0xffff  }
0x329: {  	v18 =	vor.u32 v2, v18;
	v14 =	vadd.f32 v14, v19;
	v17 =	vadd.f32 v20, v17  }
0x32a: {  	v19 =	vunpack.i.u.bf16.f32 v12;
	v12 =	vunpack.i.l.bf16.f32 v12;
	v9 =	vmul.bf16 v13, v9;
	v13 =	vld.idx.msk [tilespmem:v23+s14+$0x0], $0xffff  }
0x32b: {  	v22 =	vadd.s32 $0x6, v8;
	v12 =	vadd.f32 v12, v14;
	v20 =	vld.idx.msk [tilespmem:v23+s13+$0x0], $0xffff;
	v23 =	vadd.s32 $0x7, v8  }
0x32c: {  	v17 =	vadd.f32 v19, v17;
	v14 =	vunpack.i.u.bf16.f32 v9;
	v9 =	vunpack.i.l.bf16.f32 v9;
	v24 =	vld.idx.msk [tilespmem:v21+s13+$0x0], $0xffff  }
0x32d: {  	v11 =	vmul.bf16 v11, v15;
	v9 =	vadd.f32 v9, v12;
	v12 =	vand.u32 $0x3F, v23;
	v19 =	vld.idx.msk [tilespmem:v21+s14+$0x0], $0xffff  }
0x32e: {  	v15 =	vand.u32 $0x3F, v22;
	v10 =	vmul.bf16 v10, v16;
	v21 =	vor.u32 v2, v12;
	v16 =	vld.idx.msk [tilespmem:v18+s13+$0x0], $0xffff  }
0x32f: {  	v22 =	vor.u32 v2, v15;
	v12 =	vunpack.i.u.bf16.f32 v11;
	v11 =	vunpack.i.l.bf16.f32 v11;
	v18 =	vld.idx.msk [tilespmem:v18+s14+$0x0], $0xffff  }
0x330: {  	v14 =	vadd.f32 v14, v17;
	v15 =	vunpack.i.u.bf16.f32 v10;
	v10 =	vunpack.i.l.bf16.f32 v10  }
0x331: {  	v9 =	vadd.f32 v11, v9;
	v11 =	vmul.bf16 v13, v20  }
0x332: {  	v8 =	vadd.s32 $0x8, v8;
	v14 =	vadd.f32 v12, v14  }
0x333: {  	v8 =	vand.u32 $0x3F, v8;
	v17 =	vunpack.i.u.bf16.f32 v11;
	v20 =	vunpack.i.l.bf16.f32 v11;
	v12 =	vld.idx.msk [tilespmem:v21+s13+$0x0], $0xffff  }
0x334: {  	v13 =	vor.u32 v2, v8;
	v23 =	vadd.f32 v15, v14;
	v11 =	vadd.s32 $0x1, v8;
	v15 =	vld.idx.msk [tilespmem:v21+s14+$0x0], $0xffff  }
.Ltmp10:
0x335: {  	v24 =	vmul.bf16 v19, v24;
	v11 =	vand.u32 $0x3F, v11;
	v25 =	vmul.bf16 v18, v16;
	v14 =	vld.idx.msk [tilespmem:v22+s13+$0x0], $0xffff;
	(pc) =	sbr.rel @p0 .LBB2_23-.Ltmp10, $4  }
0x336: {  	v9 =	vadd.f32 v10, v9;
	v11 =	vor.u32 v2, v11;
	v18 =	vadd.s32 $0x2, v8;
	v16 =	vld.idx.msk [tilespmem:v22+s14+$0x0], $0xffff  }
0x337: {  	v19 =	vunpack.i.l.bf16.f32 v24;
	v10 =	vand.u32 $0x3F, v18;
	v18 =	vadd.f32 v17, v23  }
0x338: {  	v21 =	vadd.f32 v20, v9;
	v10 =	vor.u32 v2, v10;
	v17 =	vunpack.i.u.bf16.f32 v25  }
0x339: {  	v23 =	vadd.s32 $0x3, v8;
	v22 =	vunpack.i.u.bf16.f32 v24;
	v20 =	vunpack.i.l.bf16.f32 v25;
	v9 =	vld.idx.msk [tilespmem:v13+s13+$0x0], $0xffff  }
0x33a: {  	_ =	sdelay $0x2  }
0x33b: {  	v23 =	vand.u32 $0x3F, v23;
	v24 =	vadd.s32 $0x4, v8;
	v12 =	vmul.bf16 v15, v12  }
0x33c: {  	v13 =	vld.idx.msk [tilespmem:v13+s14+$0x0], $0xffff;
	v19 =	vadd.f32 v19, v21;
	v18 =	vadd.f32 v22, v18;
	v22 =	vadd.s32 $0x5, v8  }
0x33d: {  	v15 =	vor.u32 v2, v23;
	v21 =	vand.u32 $0x3F, v24;
	v14 =	vmul.bf16 v16, v14  }
0x33e: {  	v16 =	vld.idx.msk [tilespmem:v11+s13+$0x0], $0xffff;
	v21 =	vor.u32 v2, v21;
	v19 =	vadd.f32 v20, v19;
	v17 =	vadd.f32 v17, v18  }
0x33f: {  	v11 =	vld.idx.msk [tilespmem:v11+s14+$0x0], $0xffff;
	v18 =	vand.u32 $0x3F, v22;
	v20 =	vunpack.i.u.bf16.f32 v14;
	v14 =	vunpack.i.l.bf16.f32 v14  }
0x340: {  	v22 =	vld.idx.msk [tilespmem:v10+s13+$0x0], $0xffff;
	v18 =	vor.u32 v2, v18;
	v14 =	vadd.f32 v14, v19;
	v17 =	vadd.f32 v20, v17  }
0x341: {  	v10 =	vld.idx.msk [tilespmem:v10+s14+$0x0], $0xffff;
	v19 =	vadd.s32 $0x6, v8;
	v8 =	vadd.s32 $0x7, v8;
	v9 =	vmul.bf16 v13, v9  }
0x342: {  	v13 =	vunpack.i.u.bf16.f32 v12;
	v12 =	vunpack.i.l.bf16.f32 v12;
	v19 =	vand.u32 $0x3F, v19;
	v20 =	vld.idx.msk [tilespmem:v15+s14+$0x0], $0xffff  }
0x343: {  	v8 =	vand.u32 $0x3F, v8;
	v15 =	vld.idx.msk [tilespmem:v15+s13+$0x0], $0xffff;
	v12 =	vadd.f32 v12, v14;
	v19 =	vor.u32 v2, v19  }
0x344: {  	v13 =	vadd.f32 v13, v17;
	v11 =	vmul.bf16 v11, v16;
	v14 =	vunpack.i.l.bf16.f32 v9;
	v23 =	vld.idx.msk [tilespmem:v21+s13+$0x0], $0xffff  }
0x345: {  	v8 =	vor.u32 v2, v8;
	v9 =	vunpack.i.u.bf16.f32 v9;
	v12 =	vadd.f32 v14, v12;
	v14 =	vld.idx.msk [tilespmem:v21+s14+$0x0], $0xffff  }
0x346: {  	v10 =	vmul.bf16 v10, v22;
	v16 =	vld.idx.msk [tilespmem:v18+s13+$0x0], $0xffff;
	v17 =	vunpack.i.l.bf16.f32 v11;
	v9 =	vadd.f32 v9, v13  }
0x347: {  	v11 =	vunpack.i.u.bf16.f32 v11;
	v13 =	vld.idx.msk [tilespmem:v18+s14+$0x0], $0xffff;
	v12 =	vadd.f32 v17, v12  }
0x348: {  	v17 =	vunpack.i.l.bf16.f32 v10;
	v9 =	vadd.f32 v11, v9;
	v15 =	vmul.bf16 v20, v15;
	v11 =	vld.idx.msk [tilespmem:v19+s13+$0x0], $0xffff  }
0x349: {  	v10 =	vunpack.i.u.bf16.f32 v10;
	v12 =	vadd.f32 v17, v12;
	v17 =	vld.idx.msk [tilespmem:v19+s14+$0x0], $0xffff  }
0x34a: {  	v19 =	vld.idx.msk [tilespmem:v8+s13+$0x0], $0xffff;
	v9 =	vadd.f32 v10, v9;
	v18 =	vunpack.i.l.bf16.f32 v15;
	v10 =	vmul.bf16 v14, v23  }
0x34b: {  	v8 =	vld.idx.msk [tilespmem:v8+s14+$0x0], $0xffff;
	v14 =	vunpack.i.u.bf16.f32 v15;
	v12 =	vadd.f32 v18, v12  }
0x34c: {  	v13 =	vmul.bf16 v13, v16;
	v9 =	vadd.f32 v14, v9;
	v14 =	vunpack.i.l.bf16.f32 v10  }
0x34d: {  	v10 =	vunpack.i.u.bf16.f32 v10;
	v12 =	vadd.f32 v14, v12  }
0x34e: {  	v14 =	vunpack.i.l.bf16.f32 v13;
	v9 =	vadd.f32 v10, v9;
	v10 =	vmul.bf16 v17, v11  }
0x34f: {  	v11 =	vunpack.i.u.bf16.f32 v13;
	v12 =	vadd.f32 v14, v12  }
0x350: {  	v8 =	vmul.bf16 v8, v19;
	v9 =	vadd.f32 v11, v9;
	v11 =	vunpack.i.l.bf16.f32 v10  }
0x351: {  	v10 =	vunpack.i.u.bf16.f32 v10;
	v11 =	vadd.f32 v11, v12  }
0x352: {  	v9 =	vadd.f32 v10, v9;
	v10 =	vunpack.i.l.bf16.f32 v8  }
0x353: {  	v8 =	vunpack.i.u.bf16.f32 v8;
	v10 =	vadd.f32 v10, v11;
	v11 =	vlaneseq.u32  }
0x354: {  	v8 =	vadd.f32 v8, v9;
	v9 =	vor.u32 v4, v11;
	v12 =	vadd.s32 $0x1, v11  }
0x355: {  	v12 =	vand.u32 $0x3F, v12  }
0x356: {  	v8 =	vadd.f32 v8, v10;
	v10 =	vor.u32 v4, v12;
	v12 =	vadd.s32 $0x2, v11  }
0x357: {  	v12 =	vand.u32 $0x3F, v12  }
0x358: {  	v13 =	vadd.s32 $0x3, v11;
	[tilespmem:s20+$0x4EC0] =	vst v8;
	v8 =	vor.u32 v4, v12  }
0x359: {  	v13 =	vand.u32 $0x3F, v13;
	v12 =	vld.idx.msk [tilespmem:v9+s13+$0x0], $0xffff  }
0x35a: {  	v13 =	vor.u32 v4, v13;
	v9 =	vld.idx.msk [tilespmem:v9+s14+$0x0], $0xffff  }
0x35b: {  	v14 =	vadd.s32 $0x4, v11;
	v15 =	vld.idx.msk [tilespmem:v10+s13+$0x0], $0xffff  }
0x35c: {  	v14 =	vand.u32 $0x3F, v14;
	v10 =	vld.idx.msk [tilespmem:v10+s14+$0x0], $0xffff  }
0x35d: {  	v16 =	vadd.s32 $0x5, v11;
	v14 =	vor.u32 v4, v14;
	v17 =	vld.idx.msk [tilespmem:v8+s13+$0x0], $0xffff  }
0x35e: {  	v16 =	vand.u32 $0x3F, v16;
	v8 =	vld.idx.msk [tilespmem:v8+s14+$0x0], $0xffff  }
0x35f: {  	v19 =	vadd.s32 $0x6, v11;
	v16 =	vor.u32 v4, v16;
	v9 =	vmul.bf16 v9, v12;
	v12 =	vld.idx.msk [tilespmem:v13+s14+$0x0], $0xffff  }
0x360: {  	v18 =	vimm.f32 $0.0e+00;
	v19 =	vand.u32 $0x3F, v19;
	v13 =	vld.idx.msk [tilespmem:v13+s13+$0x0], $0xffff  }
0x361: {  	v20 =	vadd.s32 $0x7, v11;
	v23 =	vor.u32 v4, v19;
	v21 =	vunpack.i.u.bf16.f32 v9  }
0x362: {  	v22 =	vld.idx.msk [tilespmem:v14+s13+$0x0], $0xffff;
	v9 =	vunpack.i.l.bf16.f32 v9;
	v10 =	vmul.bf16 v10, v15;
	v15 =	vand.u32 $0x3F, v20  }
0x363: {  	v14 =	vld.idx.msk [tilespmem:v14+s14+$0x0], $0xffff;
	v9 =	vadd.f32 v9, v18;
	v15 =	vor.u32 v4, v15;
	v8 =	vmul.bf16 v8, v17  }
0x364: {  	v18 =	vadd.f32 v21, v18;
	v17 =	vld.idx.msk [tilespmem:v16+s13+$0x0], $0xffff;
	v20 =	vunpack.i.u.bf16.f32 v10;
	v10 =	vunpack.i.l.bf16.f32 v10  }
0x365: {  	v16 =	vld.idx.msk [tilespmem:v16+s14+$0x0], $0xffff;
	v19 =	vunpack.i.u.bf16.f32 v8;
	v21 =	vunpack.i.l.bf16.f32 v8;
	v8 =	vmul.bf16 v12, v13  }
0x366: {  	v11 =	vadd.s32 $0x8, v11;
	v9 =	vadd.f32 v10, v9;
	v10 =	vadd.f32 v20, v18  }
0x367: {  	v18 =	vunpack.i.u.bf16.f32 v8;
	v20 =	vunpack.i.l.bf16.f32 v8;
	v8 =	vand.u32 $0x3F, v11  }
0x368: {  	v22 =	vmul.bf16 v14, v22;
	v12 =	vld.idx.msk [tilespmem:v15+s13+$0x0], $0xffff;
	v13 =	vor.u32 v4, v8;
	v11 =	vadd.s32 $0x1, v8  }
0x369: {  	v10 =	vadd.f32 v19, v10;
	v9 =	vadd.f32 v21, v9;
	v15 =	vld.idx.msk [tilespmem:v15+s14+$0x0], $0xffff;
	v11 =	vand.u32 $0x3F, v11  }
0x36a: {  	v14 =	vld.idx.msk [tilespmem:v23+s13+$0x0], $0xffff;
	v63 =	vmul.bf16 v16, v17;
	v16 =	vadd.s32 $0x2, v8;
	v11 =	vor.u32 v4, v11  }
0x36b: {  	v19 =	vunpack.i.l.bf16.f32 v22;
	v22 =	vunpack.i.u.bf16.f32 v22;
	v17 =	vand.u32 $0x3F, v16;
	v16 =	vld.idx.msk [tilespmem:v23+s14+$0x0], $0xffff  }
0x36c: {  	v18 =	vadd.f32 v18, v10;
	v21 =	vadd.f32 v20, v9;
	v10 =	vor.u32 v4, v17  }
0x36d: {  	s21 =	simm.s32 $0x6;
	v23 =	vadd.s32 $0x3, v8;
	v17 =	vunpack.i.u.bf16.f32 v63;
	v20 =	vunpack.i.l.bf16.f32 v63;
	v9 =	vld.idx.msk [tilespmem:v13+s13+$0x0], $0xffff  }
.LBB2_25:
0x36e: {  	p0 =	sne.s32 s21, $0x1;
	s21 =	sadd.s32 $0xFFFFFFFF, s21;
	v13 =	vld.idx.msk [tilespmem:v13+s14+$0x0], $0xffff;
	v23 =	vand.u32 $0x3F, v23;
	v24 =	vadd.s32 $0x4, v8;
	v12 =	vmul.bf16 v15, v12  }
0x36f: {  	v19 =	vadd.f32 v19, v21;
	v18 =	vadd.f32 v22, v18;
	v15 =	vld.idx.msk [tilespmem:v11+s13+$0x0], $0xffff;
	v23 =	vor.u32 v4, v23  }
0x370: {  	v22 =	vadd.s32 $0x5, v8;
	v21 =	vand.u32 $0x3F, v24;
	v14 =	vmul.bf16 v16, v14;
	v11 =	vld.idx.msk [tilespmem:v11+s14+$0x0], $0xffff  }
0x371: {  	v21 =	vor.u32 v4, v21;
	v19 =	vadd.f32 v20, v19;
	v17 =	vadd.f32 v17, v18;
	v16 =	vld.idx.msk [tilespmem:v10+s13+$0x0], $0xffff  }
0x372: {  	v18 =	vand.u32 $0x3F, v22;
	v20 =	vunpack.i.u.bf16.f32 v14;
	v14 =	vunpack.i.l.bf16.f32 v14;
	v10 =	vld.idx.msk [tilespmem:v10+s14+$0x0], $0xffff  }
0x373: {  	v18 =	vor.u32 v4, v18;
	v14 =	vadd.f32 v14, v19;
	v17 =	vadd.f32 v20, v17  }
0x374: {  	v19 =	vunpack.i.u.bf16.f32 v12;
	v12 =	vunpack.i.l.bf16.f32 v12;
	v9 =	vmul.bf16 v13, v9;
	v13 =	vld.idx.msk [tilespmem:v23+s14+$0x0], $0xffff  }
0x375: {  	v22 =	vadd.s32 $0x6, v8;
	v12 =	vadd.f32 v12, v14;
	v20 =	vld.idx.msk [tilespmem:v23+s13+$0x0], $0xffff;
	v23 =	vadd.s32 $0x7, v8  }
0x376: {  	v17 =	vadd.f32 v19, v17;
	v14 =	vunpack.i.u.bf16.f32 v9;
	v9 =	vunpack.i.l.bf16.f32 v9;
	v24 =	vld.idx.msk [tilespmem:v21+s13+$0x0], $0xffff  }
0x377: {  	v11 =	vmul.bf16 v11, v15;
	v9 =	vadd.f32 v9, v12;
	v12 =	vand.u32 $0x3F, v23;
	v19 =	vld.idx.msk [tilespmem:v21+s14+$0x0], $0xffff  }
0x378: {  	v15 =	vand.u32 $0x3F, v22;
	v10 =	vmul.bf16 v10, v16;
	v21 =	vor.u32 v4, v12;
	v16 =	vld.idx.msk [tilespmem:v18+s13+$0x0], $0xffff  }
0x379: {  	v22 =	vor.u32 v4, v15;
	v12 =	vunpack.i.u.bf16.f32 v11;
	v11 =	vunpack.i.l.bf16.f32 v11;
	v18 =	vld.idx.msk [tilespmem:v18+s14+$0x0], $0xffff  }
0x37a: {  	v14 =	vadd.f32 v14, v17;
	v15 =	vunpack.i.u.bf16.f32 v10;
	v10 =	vunpack.i.l.bf16.f32 v10  }
0x37b: {  	v9 =	vadd.f32 v11, v9;
	v11 =	vmul.bf16 v13, v20  }
0x37c: {  	v8 =	vadd.s32 $0x8, v8;
	v14 =	vadd.f32 v12, v14  }
0x37d: {  	v8 =	vand.u32 $0x3F, v8;
	v17 =	vunpack.i.u.bf16.f32 v11;
	v20 =	vunpack.i.l.bf16.f32 v11;
	v12 =	vld.idx.msk [tilespmem:v21+s13+$0x0], $0xffff  }
0x37e: {  	v13 =	vor.u32 v4, v8;
	v23 =	vadd.f32 v15, v14;
	v11 =	vadd.s32 $0x1, v8;
	v15 =	vld.idx.msk [tilespmem:v21+s14+$0x0], $0xffff  }
.Ltmp11:
0x37f: {  	v24 =	vmul.bf16 v19, v24;
	v11 =	vand.u32 $0x3F, v11;
	v25 =	vmul.bf16 v18, v16;
	v14 =	vld.idx.msk [tilespmem:v22+s13+$0x0], $0xffff;
	(pc) =	sbr.rel @p0 .LBB2_25-.Ltmp11, $4  }
0x380: {  	v9 =	vadd.f32 v10, v9;
	v11 =	vor.u32 v4, v11;
	v18 =	vadd.s32 $0x2, v8;
	v16 =	vld.idx.msk [tilespmem:v22+s14+$0x0], $0xffff  }
0x381: {  	v19 =	vunpack.i.l.bf16.f32 v24;
	v10 =	vand.u32 $0x3F, v18;
	v18 =	vadd.f32 v17, v23  }
0x382: {  	v21 =	vadd.f32 v20, v9;
	v10 =	vor.u32 v4, v10;
	v17 =	vunpack.i.u.bf16.f32 v25  }
0x383: {  	v23 =	vadd.s32 $0x3, v8;
	v22 =	vunpack.i.u.bf16.f32 v24;
	v20 =	vunpack.i.l.bf16.f32 v25;
	v9 =	vld.idx.msk [tilespmem:v13+s13+$0x0], $0xffff  }
0x384: {  	_ =	sdelay $0x2  }
0x385: {  	v23 =	vand.u32 $0x3F, v23;
	v24 =	vadd.s32 $0x4, v8;
	v12 =	vmul.bf16 v15, v12  }
0x386: {  	v13 =	vld.idx.msk [tilespmem:v13+s14+$0x0], $0xffff;
	v19 =	vadd.f32 v19, v21;
	v18 =	vadd.f32 v22, v18;
	v22 =	vadd.s32 $0x5, v8  }
0x387: {  	v15 =	vor.u32 v4, v23;
	v21 =	vand.u32 $0x3F, v24;
	v14 =	vmul.bf16 v16, v14  }
0x388: {  	v16 =	vld.idx.msk [tilespmem:v11+s13+$0x0], $0xffff;
	v21 =	vor.u32 v4, v21;
	v19 =	vadd.f32 v20, v19;
	v17 =	vadd.f32 v17, v18  }
0x389: {  	v11 =	vld.idx.msk [tilespmem:v11+s14+$0x0], $0xffff;
	v18 =	vand.u32 $0x3F, v22;
	v20 =	vunpack.i.u.bf16.f32 v14;
	v14 =	vunpack.i.l.bf16.f32 v14  }
0x38a: {  	v22 =	vld.idx.msk [tilespmem:v10+s13+$0x0], $0xffff;
	v18 =	vor.u32 v4, v18;
	v14 =	vadd.f32 v14, v19;
	v17 =	vadd.f32 v20, v17  }
0x38b: {  	v10 =	vld.idx.msk [tilespmem:v10+s14+$0x0], $0xffff;
	v19 =	vadd.s32 $0x6, v8;
	v8 =	vadd.s32 $0x7, v8;
	v9 =	vmul.bf16 v13, v9  }
0x38c: {  	v13 =	vunpack.i.u.bf16.f32 v12;
	v12 =	vunpack.i.l.bf16.f32 v12;
	v19 =	vand.u32 $0x3F, v19;
	v20 =	vld.idx.msk [tilespmem:v15+s14+$0x0], $0xffff  }
0x38d: {  	v8 =	vand.u32 $0x3F, v8;
	v15 =	vld.idx.msk [tilespmem:v15+s13+$0x0], $0xffff;
	v12 =	vadd.f32 v12, v14;
	v19 =	vor.u32 v4, v19  }
0x38e: {  	v13 =	vadd.f32 v13, v17;
	v11 =	vmul.bf16 v11, v16;
	v14 =	vunpack.i.l.bf16.f32 v9;
	v23 =	vld.idx.msk [tilespmem:v21+s13+$0x0], $0xffff  }
0x38f: {  	v4 =	vor.u32 v4, v8;
	v9 =	vunpack.i.u.bf16.f32 v9;
	v12 =	vadd.f32 v14, v12;
	v14 =	vld.idx.msk [tilespmem:v21+s14+$0x0], $0xffff  }
0x390: {  	v8 =	vmul.bf16 v10, v22;
	v10 =	vld.idx.msk [tilespmem:v18+s13+$0x0], $0xffff;
	v16 =	vunpack.i.l.bf16.f32 v11;
	v9 =	vadd.f32 v9, v13  }
0x391: {  	v11 =	vunpack.i.u.bf16.f32 v11;
	v13 =	vld.idx.msk [tilespmem:v18+s14+$0x0], $0xffff;
	v12 =	vadd.f32 v16, v12  }
0x392: {  	v16 =	vunpack.i.l.bf16.f32 v8;
	v9 =	vadd.f32 v11, v9;
	v15 =	vmul.bf16 v20, v15;
	v11 =	vld.idx.msk [tilespmem:v19+s13+$0x0], $0xffff  }
0x393: {  	v8 =	vunpack.i.u.bf16.f32 v8;
	v12 =	vadd.f32 v16, v12;
	v16 =	vld.idx.msk [tilespmem:v19+s14+$0x0], $0xffff  }
0x394: {  	v18 =	vld.idx.msk [tilespmem:v4+s13+$0x0], $0xffff;
	v8 =	vadd.f32 v8, v9;
	v17 =	vunpack.i.l.bf16.f32 v15;
	v9 =	vmul.bf16 v14, v23  }
0x395: {  	v4 =	vld.idx.msk [tilespmem:v4+s14+$0x0], $0xffff;
	v14 =	vunpack.i.u.bf16.f32 v15;
	v12 =	vadd.f32 v17, v12  }
0x396: {  	v10 =	vmul.bf16 v13, v10;
	v8 =	vadd.f32 v14, v8;
	v13 =	vunpack.i.l.bf16.f32 v9  }
0x397: {  	v9 =	vunpack.i.u.bf16.f32 v9;
	v12 =	vadd.f32 v13, v12  }
0x398: {  	v13 =	vunpack.i.l.bf16.f32 v10;
	v8 =	vadd.f32 v9, v8;
	v9 =	vmul.bf16 v16, v11  }
0x399: {  	v10 =	vunpack.i.u.bf16.f32 v10;
	v11 =	vadd.f32 v13, v12  }
0x39a: {  	v4 =	vmul.bf16 v4, v18;
	v8 =	vadd.f32 v10, v8;
	v10 =	vunpack.i.l.bf16.f32 v9  }
0x39b: {  	v9 =	vunpack.i.u.bf16.f32 v9;
	v10 =	vadd.f32 v10, v11  }
0x39c: {  	v8 =	vadd.f32 v9, v8;
	v9 =	vunpack.i.l.bf16.f32 v4  }
0x39d: {  	v4 =	vunpack.i.u.bf16.f32 v4;
	v9 =	vadd.f32 v9, v10;
	v10 =	vlaneseq.u32  }
0x39e: {  	v4 =	vadd.f32 v4, v8;
	v8 =	vor.u32 v5, v10;
	v11 =	vadd.s32 $0x1, v10  }
0x39f: {  	v11 =	vand.u32 $0x3F, v11  }
0x3a0: {  	v4 =	vadd.f32 v4, v9;
	v9 =	vor.u32 v5, v11;
	v11 =	vadd.s32 $0x2, v10  }
0x3a1: {  	v11 =	vand.u32 $0x3F, v11  }
0x3a2: {  	v12 =	vadd.s32 $0x3, v10;
	[tilespmem:s20+$0x4ED0] =	vst v4;
	v4 =	vor.u32 v5, v11  }
0x3a3: {  	v12 =	vand.u32 $0x3F, v12;
	v11 =	vld.idx.msk [tilespmem:v8+s13+$0x0], $0xffff  }
0x3a4: {  	v12 =	vor.u32 v5, v12;
	v8 =	vld.idx.msk [tilespmem:v8+s14+$0x0], $0xffff  }
0x3a5: {  	v13 =	vadd.s32 $0x4, v10;
	v14 =	vld.idx.msk [tilespmem:v9+s13+$0x0], $0xffff  }
0x3a6: {  	v13 =	vand.u32 $0x3F, v13;
	v9 =	vld.idx.msk [tilespmem:v9+s14+$0x0], $0xffff  }
0x3a7: {  	v15 =	vadd.s32 $0x5, v10;
	v13 =	vor.u32 v5, v13;
	v16 =	vld.idx.msk [tilespmem:v4+s13+$0x0], $0xffff  }
0x3a8: {  	v15 =	vand.u32 $0x3F, v15;
	v4 =	vld.idx.msk [tilespmem:v4+s14+$0x0], $0xffff  }
0x3a9: {  	v18 =	vadd.s32 $0x6, v10;
	v15 =	vor.u32 v5, v15;
	v8 =	vmul.bf16 v8, v11;
	v11 =	vld.idx.msk [tilespmem:v12+s14+$0x0], $0xffff  }
0x3aa: {  	v17 =	vimm.f32 $0.0e+00;
	v18 =	vand.u32 $0x3F, v18;
	v12 =	vld.idx.msk [tilespmem:v12+s13+$0x0], $0xffff  }
0x3ab: {  	v19 =	vadd.s32 $0x7, v10;
	v22 =	vor.u32 v5, v18;
	v20 =	vunpack.i.u.bf16.f32 v8  }
0x3ac: {  	v21 =	vld.idx.msk [tilespmem:v13+s13+$0x0], $0xffff;
	v8 =	vunpack.i.l.bf16.f32 v8;
	v9 =	vmul.bf16 v9, v14;
	v14 =	vand.u32 $0x3F, v19  }
0x3ad: {  	v13 =	vld.idx.msk [tilespmem:v13+s14+$0x0], $0xffff;
	v8 =	vadd.f32 v8, v17;
	v14 =	vor.u32 v5, v14;
	v4 =	vmul.bf16 v4, v16  }
0x3ae: {  	v17 =	vadd.f32 v20, v17;
	v16 =	vld.idx.msk [tilespmem:v15+s13+$0x0], $0xffff;
	v19 =	vunpack.i.u.bf16.f32 v9;
	v9 =	vunpack.i.l.bf16.f32 v9  }
0x3af: {  	v15 =	vld.idx.msk [tilespmem:v15+s14+$0x0], $0xffff;
	v18 =	vunpack.i.u.bf16.f32 v4;
	v20 =	vunpack.i.l.bf16.f32 v4;
	v4 =	vmul.bf16 v11, v12  }
0x3b0: {  	v10 =	vadd.s32 $0x8, v10;
	v8 =	vadd.f32 v9, v8;
	v9 =	vadd.f32 v19, v17  }
0x3b1: {  	v17 =	vunpack.i.u.bf16.f32 v4;
	v19 =	vunpack.i.l.bf16.f32 v4;
	v4 =	vand.u32 $0x3F, v10  }
0x3b2: {  	v21 =	vmul.bf16 v13, v21;
	v11 =	vld.idx.msk [tilespmem:v14+s13+$0x0], $0xffff;
	v12 =	vor.u32 v5, v4;
	v10 =	vadd.s32 $0x1, v4  }
0x3b3: {  	v9 =	vadd.f32 v18, v9;
	v8 =	vadd.f32 v20, v8;
	v14 =	vld.idx.msk [tilespmem:v14+s14+$0x0], $0xffff;
	v10 =	vand.u32 $0x3F, v10  }
0x3b4: {  	v13 =	vld.idx.msk [tilespmem:v22+s13+$0x0], $0xffff;
	v23 =	vmul.bf16 v15, v16;
	v15 =	vadd.s32 $0x2, v4;
	v10 =	vor.u32 v5, v10  }
0x3b5: {  	v18 =	vunpack.i.l.bf16.f32 v21;
	v21 =	vunpack.i.u.bf16.f32 v21;
	v16 =	vand.u32 $0x3F, v15;
	v15 =	vld.idx.msk [tilespmem:v22+s14+$0x0], $0xffff  }
0x3b6: {  	v17 =	vadd.f32 v17, v9;
	v20 =	vadd.f32 v19, v8;
	v9 =	vor.u32 v5, v16  }
0x3b7: {  	s21 =	simm.s32 $0x6;
	v22 =	vadd.s32 $0x3, v4;
	v16 =	vunpack.i.u.bf16.f32 v23;
	v19 =	vunpack.i.l.bf16.f32 v23;
	v8 =	vld.idx.msk [tilespmem:v12+s13+$0x0], $0xffff  }
.LBB2_27:
0x3b8: {  	p0 =	sne.s32 s21, $0x1;
	s21 =	sadd.s32 $0xFFFFFFFF, s21;
	v12 =	vld.idx.msk [tilespmem:v12+s14+$0x0], $0xffff;
	v22 =	vand.u32 $0x3F, v22;
	v23 =	vadd.s32 $0x4, v4;
	v11 =	vmul.bf16 v14, v11  }
0x3b9: {  	v18 =	vadd.f32 v18, v20;
	v17 =	vadd.f32 v21, v17;
	v14 =	vld.idx.msk [tilespmem:v10+s13+$0x0], $0xffff;
	v22 =	vor.u32 v5, v22  }
0x3ba: {  	v21 =	vadd.s32 $0x5, v4;
	v20 =	vand.u32 $0x3F, v23;
	v13 =	vmul.bf16 v15, v13;
	v10 =	vld.idx.msk [tilespmem:v10+s14+$0x0], $0xffff  }
0x3bb: {  	v20 =	vor.u32 v5, v20;
	v18 =	vadd.f32 v19, v18;
	v16 =	vadd.f32 v16, v17;
	v15 =	vld.idx.msk [tilespmem:v9+s13+$0x0], $0xffff  }
0x3bc: {  	v17 =	vand.u32 $0x3F, v21;
	v19 =	vunpack.i.u.bf16.f32 v13;
	v13 =	vunpack.i.l.bf16.f32 v13;
	v9 =	vld.idx.msk [tilespmem:v9+s14+$0x0], $0xffff  }
0x3bd: {  	v17 =	vor.u32 v5, v17;
	v13 =	vadd.f32 v13, v18;
	v16 =	vadd.f32 v19, v16  }
0x3be: {  	v18 =	vunpack.i.u.bf16.f32 v11;
	v11 =	vunpack.i.l.bf16.f32 v11;
	v8 =	vmul.bf16 v12, v8;
	v12 =	vld.idx.msk [tilespmem:v22+s14+$0x0], $0xffff  }
0x3bf: {  	v21 =	vadd.s32 $0x6, v4;
	v11 =	vadd.f32 v11, v13;
	v19 =	vld.idx.msk [tilespmem:v22+s13+$0x0], $0xffff;
	v22 =	vadd.s32 $0x7, v4  }
0x3c0: {  	v16 =	vadd.f32 v18, v16;
	v13 =	vunpack.i.u.bf16.f32 v8;
	v8 =	vunpack.i.l.bf16.f32 v8;
	v23 =	vld.idx.msk [tilespmem:v20+s13+$0x0], $0xffff  }
0x3c1: {  	v10 =	vmul.bf16 v10, v14;
	v8 =	vadd.f32 v8, v11;
	v11 =	vand.u32 $0x3F, v22;
	v18 =	vld.idx.msk [tilespmem:v20+s14+$0x0], $0xffff  }
0x3c2: {  	v14 =	vand.u32 $0x3F, v21;
	v9 =	vmul.bf16 v9, v15;
	v20 =	vor.u32 v5, v11;
	v15 =	vld.idx.msk [tilespmem:v17+s13+$0x0], $0xffff  }
0x3c3: {  	v21 =	vor.u32 v5, v14;
	v11 =	vunpack.i.u.bf16.f32 v10;
	v10 =	vunpack.i.l.bf16.f32 v10;
	v17 =	vld.idx.msk [tilespmem:v17+s14+$0x0], $0xffff  }
0x3c4: {  	v13 =	vadd.f32 v13, v16;
	v14 =	vunpack.i.u.bf16.f32 v9;
	v9 =	vunpack.i.l.bf16.f32 v9  }
0x3c5: {  	v8 =	vadd.f32 v10, v8;
	v10 =	vmul.bf16 v12, v19  }
0x3c6: {  	v4 =	vadd.s32 $0x8, v4;
	v13 =	vadd.f32 v11, v13  }
0x3c7: {  	v4 =	vand.u32 $0x3F, v4;
	v16 =	vunpack.i.u.bf16.f32 v10;
	v19 =	vunpack.i.l.bf16.f32 v10;
	v11 =	vld.idx.msk [tilespmem:v20+s13+$0x0], $0xffff  }
0x3c8: {  	v12 =	vor.u32 v5, v4;
	v22 =	vadd.f32 v14, v13;
	v10 =	vadd.s32 $0x1, v4;
	v14 =	vld.idx.msk [tilespmem:v20+s14+$0x0], $0xffff  }
.Ltmp12:
0x3c9: {  	v23 =	vmul.bf16 v18, v23;
	v10 =	vand.u32 $0x3F, v10;
	v24 =	vmul.bf16 v17, v15;
	v13 =	vld.idx.msk [tilespmem:v21+s13+$0x0], $0xffff;
	(pc) =	sbr.rel @p0 .LBB2_27-.Ltmp12, $4  }
0x3ca: {  	v8 =	vadd.f32 v9, v8;
	v10 =	vor.u32 v5, v10;
	v17 =	vadd.s32 $0x2, v4;
	v15 =	vld.idx.msk [tilespmem:v21+s14+$0x0], $0xffff  }
0x3cb: {  	v18 =	vunpack.i.l.bf16.f32 v23;
	v9 =	vand.u32 $0x3F, v17;
	v17 =	vadd.f32 v16, v22  }
0x3cc: {  	v20 =	vadd.f32 v19, v8;
	v9 =	vor.u32 v5, v9;
	v16 =	vunpack.i.u.bf16.f32 v24  }
0x3cd: {  	v22 =	vadd.s32 $0x3, v4;
	v21 =	vunpack.i.u.bf16.f32 v23;
	v19 =	vunpack.i.l.bf16.f32 v24;
	v8 =	vld.idx.msk [tilespmem:v12+s13+$0x0], $0xffff  }
0x3ce: {  	_ =	sdelay $0x2  }
0x3cf: {  	v22 =	vand.u32 $0x3F, v22;
	v23 =	vadd.s32 $0x4, v4;
	v11 =	vmul.bf16 v14, v11  }
0x3d0: {  	v12 =	vld.idx.msk [tilespmem:v12+s14+$0x0], $0xffff;
	v18 =	vadd.f32 v18, v20;
	v17 =	vadd.f32 v21, v17;
	v21 =	vadd.s32 $0x5, v4  }
0x3d1: {  	v14 =	vor.u32 v5, v22;
	v20 =	vand.u32 $0x3F, v23;
	v13 =	vmul.bf16 v15, v13  }
0x3d2: {  	v15 =	vld.idx.msk [tilespmem:v10+s13+$0x0], $0xffff;
	v20 =	vor.u32 v5, v20;
	v18 =	vadd.f32 v19, v18;
	v16 =	vadd.f32 v16, v17  }
0x3d3: {  	v10 =	vld.idx.msk [tilespmem:v10+s14+$0x0], $0xffff;
	v17 =	vand.u32 $0x3F, v21;
	v19 =	vunpack.i.u.bf16.f32 v13;
	v13 =	vunpack.i.l.bf16.f32 v13  }
0x3d4: {  	v21 =	vld.idx.msk [tilespmem:v9+s13+$0x0], $0xffff;
	v17 =	vor.u32 v5, v17;
	v13 =	vadd.f32 v13, v18;
	v16 =	vadd.f32 v19, v16  }
0x3d5: {  	v9 =	vld.idx.msk [tilespmem:v9+s14+$0x0], $0xffff;
	v18 =	vadd.s32 $0x6, v4;
	v4 =	vadd.s32 $0x7, v4;
	v8 =	vmul.bf16 v12, v8  }
0x3d6: {  	v12 =	vunpack.i.u.bf16.f32 v11;
	v11 =	vunpack.i.l.bf16.f32 v11;
	v18 =	vand.u32 $0x3F, v18;
	v19 =	vld.idx.msk [tilespmem:v14+s14+$0x0], $0xffff  }
0x3d7: {  	v4 =	vand.u32 $0x3F, v4;
	v14 =	vld.idx.msk [tilespmem:v14+s13+$0x0], $0xffff;
	v11 =	vadd.f32 v11, v13;
	v18 =	vor.u32 v5, v18  }
0x3d8: {  	v12 =	vadd.f32 v12, v16;
	v10 =	vmul.bf16 v10, v15;
	v13 =	vunpack.i.l.bf16.f32 v8;
	v22 =	vld.idx.msk [tilespmem:v20+s13+$0x0], $0xffff  }
0x3d9: {  	v4 =	vor.u32 v5, v4;
	v8 =	vunpack.i.u.bf16.f32 v8;
	v11 =	vadd.f32 v13, v11;
	v13 =	vld.idx.msk [tilespmem:v20+s14+$0x0], $0xffff  }
0x3da: {  	v5 =	vmul.bf16 v9, v21;
	v9 =	vld.idx.msk [tilespmem:v17+s13+$0x0], $0xffff;
	v15 =	vunpack.i.l.bf16.f32 v10;
	v8 =	vadd.f32 v8, v12  }
0x3db: {  	v10 =	vunpack.i.u.bf16.f32 v10;
	v12 =	vld.idx.msk [tilespmem:v17+s14+$0x0], $0xffff;
	v11 =	vadd.f32 v15, v11  }
0x3dc: {  	v15 =	vunpack.i.l.bf16.f32 v5;
	v8 =	vadd.f32 v10, v8;
	v14 =	vmul.bf16 v19, v14;
	v10 =	vld.idx.msk [tilespmem:v18+s13+$0x0], $0xffff  }
0x3dd: {  	v5 =	vunpack.i.u.bf16.f32 v5;
	v11 =	vadd.f32 v15, v11;
	v15 =	vld.idx.msk [tilespmem:v18+s14+$0x0], $0xffff  }
0x3de: {  	v17 =	vld.idx.msk [tilespmem:v4+s13+$0x0], $0xffff;
	v5 =	vadd.f32 v5, v8;
	v16 =	vunpack.i.l.bf16.f32 v14;
	v8 =	vmul.bf16 v13, v22  }
0x3df: {  	v4 =	vld.idx.msk [tilespmem:v4+s14+$0x0], $0xffff;
	v13 =	vunpack.i.u.bf16.f32 v14;
	v11 =	vadd.f32 v16, v11  }
0x3e0: {  	v9 =	vmul.bf16 v12, v9;
	v5 =	vadd.f32 v13, v5;
	v12 =	vunpack.i.l.bf16.f32 v8  }
0x3e1: {  	v8 =	vunpack.i.u.bf16.f32 v8;
	v11 =	vadd.f32 v12, v11  }
0x3e2: {  	v12 =	vunpack.i.l.bf16.f32 v9;
	v5 =	vadd.f32 v8, v5;
	v8 =	vmul.bf16 v15, v10  }
0x3e3: {  	v9 =	vunpack.i.u.bf16.f32 v9;
	v10 =	vadd.f32 v12, v11  }
0x3e4: {  	v4 =	vmul.bf16 v4, v17;
	v5 =	vadd.f32 v9, v5;
	v9 =	vunpack.i.l.bf16.f32 v8  }
0x3e5: {  	v8 =	vunpack.i.u.bf16.f32 v8;
	v9 =	vadd.f32 v9, v10  }
0x3e6: {  	v5 =	vadd.f32 v8, v5;
	v8 =	vunpack.i.l.bf16.f32 v4  }
0x3e7: {  	v4 =	vunpack.i.u.bf16.f32 v4;
	v8 =	vadd.f32 v8, v9;
	v9 =	vlaneseq.u32  }
0x3e8: {  	v4 =	vadd.f32 v4, v5;
	v5 =	vor.u32 v6, v9;
	v10 =	vadd.s32 $0x1, v9  }
0x3e9: {  	v10 =	vand.u32 $0x3F, v10  }
0x3ea: {  	v4 =	vadd.f32 v4, v8;
	v8 =	vor.u32 v6, v10;
	v10 =	vadd.s32 $0x2, v9  }
0x3eb: {  	v10 =	vand.u32 $0x3F, v10  }
0x3ec: {  	v11 =	vadd.s32 $0x3, v9;
	[tilespmem:s20+$0x4EE0] =	vst v4;
	v4 =	vor.u32 v6, v10  }
0x3ed: {  	v11 =	vand.u32 $0x3F, v11;
	v10 =	vld.idx.msk [tilespmem:v5+s13+$0x0], $0xffff  }
0x3ee: {  	v11 =	vor.u32 v6, v11;
	v5 =	vld.idx.msk [tilespmem:v5+s14+$0x0], $0xffff  }
0x3ef: {  	v12 =	vadd.s32 $0x4, v9;
	v13 =	vld.idx.msk [tilespmem:v8+s13+$0x0], $0xffff  }
0x3f0: {  	v12 =	vand.u32 $0x3F, v12;
	v8 =	vld.idx.msk [tilespmem:v8+s14+$0x0], $0xffff  }
0x3f1: {  	v14 =	vadd.s32 $0x5, v9;
	v12 =	vor.u32 v6, v12;
	v15 =	vld.idx.msk [tilespmem:v4+s13+$0x0], $0xffff  }
0x3f2: {  	v14 =	vand.u32 $0x3F, v14;
	v4 =	vld.idx.msk [tilespmem:v4+s14+$0x0], $0xffff  }
0x3f3: {  	v17 =	vadd.s32 $0x6, v9;
	v14 =	vor.u32 v6, v14;
	v5 =	vmul.bf16 v5, v10;
	v10 =	vld.idx.msk [tilespmem:v11+s14+$0x0], $0xffff  }
0x3f4: {  	v16 =	vimm.f32 $0.0e+00;
	v17 =	vand.u32 $0x3F, v17;
	v11 =	vld.idx.msk [tilespmem:v11+s13+$0x0], $0xffff  }
0x3f5: {  	v18 =	vadd.s32 $0x7, v9;
	v21 =	vor.u32 v6, v17;
	v19 =	vunpack.i.u.bf16.f32 v5  }
0x3f6: {  	v20 =	vld.idx.msk [tilespmem:v12+s13+$0x0], $0xffff;
	v5 =	vunpack.i.l.bf16.f32 v5;
	v8 =	vmul.bf16 v8, v13;
	v13 =	vand.u32 $0x3F, v18  }
0x3f7: {  	v12 =	vld.idx.msk [tilespmem:v12+s14+$0x0], $0xffff;
	v5 =	vadd.f32 v5, v16;
	v13 =	vor.u32 v6, v13;
	v4 =	vmul.bf16 v4, v15  }
0x3f8: {  	v16 =	vadd.f32 v19, v16;
	v15 =	vld.idx.msk [tilespmem:v14+s13+$0x0], $0xffff;
	v18 =	vunpack.i.u.bf16.f32 v8;
	v8 =	vunpack.i.l.bf16.f32 v8  }
0x3f9: {  	v14 =	vld.idx.msk [tilespmem:v14+s14+$0x0], $0xffff;
	v17 =	vunpack.i.u.bf16.f32 v4;
	v19 =	vunpack.i.l.bf16.f32 v4;
	v4 =	vmul.bf16 v10, v11  }
0x3fa: {  	v9 =	vadd.s32 $0x8, v9;
	v5 =	vadd.f32 v8, v5;
	v8 =	vadd.f32 v18, v16  }
0x3fb: {  	v16 =	vunpack.i.u.bf16.f32 v4;
	v18 =	vunpack.i.l.bf16.f32 v4;
	v4 =	vand.u32 $0x3F, v9  }
0x3fc: {  	v20 =	vmul.bf16 v12, v20;
	v10 =	vld.idx.msk [tilespmem:v13+s13+$0x0], $0xffff;
	v11 =	vor.u32 v6, v4;
	v9 =	vadd.s32 $0x1, v4  }
0x3fd: {  	v8 =	vadd.f32 v17, v8;
	v5 =	vadd.f32 v19, v5;
	v13 =	vld.idx.msk [tilespmem:v13+s14+$0x0], $0xffff;
	v9 =	vand.u32 $0x3F, v9  }
0x3fe: {  	v12 =	vld.idx.msk [tilespmem:v21+s13+$0x0], $0xffff;
	v22 =	vmul.bf16 v14, v15;
	v14 =	vadd.s32 $0x2, v4;
	v9 =	vor.u32 v6, v9  }
0x3ff: {  	v17 =	vunpack.i.l.bf16.f32 v20;
	v20 =	vunpack.i.u.bf16.f32 v20;
	v15 =	vand.u32 $0x3F, v14;
	v14 =	vld.idx.msk [tilespmem:v21+s14+$0x0], $0xffff  }
0x400: {  	v16 =	vadd.f32 v16, v8;
	v19 =	vadd.f32 v18, v5;
	v8 =	vor.u32 v6, v15  }
0x401: {  	s21 =	simm.s32 $0x6;
	v21 =	vadd.s32 $0x3, v4;
	v15 =	vunpack.i.u.bf16.f32 v22;
	v18 =	vunpack.i.l.bf16.f32 v22;
	v5 =	vld.idx.msk [tilespmem:v11+s13+$0x0], $0xffff  }
.LBB2_29:
0x402: {  	p0 =	sne.s32 s21, $0x1;
	s21 =	sadd.s32 $0xFFFFFFFF, s21;
	v11 =	vld.idx.msk [tilespmem:v11+s14+$0x0], $0xffff;
	v21 =	vand.u32 $0x3F, v21;
	v22 =	vadd.s32 $0x4, v4;
	v10 =	vmul.bf16 v13, v10  }
0x403: {  	v17 =	vadd.f32 v17, v19;
	v16 =	vadd.f32 v20, v16;
	v13 =	vld.idx.msk [tilespmem:v9+s13+$0x0], $0xffff;
	v21 =	vor.u32 v6, v21  }
0x404: {  	v20 =	vadd.s32 $0x5, v4;
	v19 =	vand.u32 $0x3F, v22;
	v12 =	vmul.bf16 v14, v12;
	v9 =	vld.idx.msk [tilespmem:v9+s14+$0x0], $0xffff  }
0x405: {  	v19 =	vor.u32 v6, v19;
	v17 =	vadd.f32 v18, v17;
	v15 =	vadd.f32 v15, v16;
	v14 =	vld.idx.msk [tilespmem:v8+s13+$0x0], $0xffff  }
0x406: {  	v16 =	vand.u32 $0x3F, v20;
	v18 =	vunpack.i.u.bf16.f32 v12;
	v12 =	vunpack.i.l.bf16.f32 v12;
	v8 =	vld.idx.msk [tilespmem:v8+s14+$0x0], $0xffff  }
0x407: {  	v16 =	vor.u32 v6, v16;
	v12 =	vadd.f32 v12, v17;
	v15 =	vadd.f32 v18, v15  }
0x408: {  	v17 =	vunpack.i.u.bf16.f32 v10;
	v10 =	vunpack.i.l.bf16.f32 v10;
	v5 =	vmul.bf16 v11, v5;
	v11 =	vld.idx.msk [tilespmem:v21+s14+$0x0], $0xffff  }
0x409: {  	v20 =	vadd.s32 $0x6, v4;
	v10 =	vadd.f32 v10, v12;
	v18 =	vld.idx.msk [tilespmem:v21+s13+$0x0], $0xffff;
	v21 =	vadd.s32 $0x7, v4  }
0x40a: {  	v15 =	vadd.f32 v17, v15;
	v12 =	vunpack.i.u.bf16.f32 v5;
	v5 =	vunpack.i.l.bf16.f32 v5;
	v22 =	vld.idx.msk [tilespmem:v19+s13+$0x0], $0xffff  }
0x40b: {  	v9 =	vmul.bf16 v9, v13;
	v5 =	vadd.f32 v5, v10;
	v10 =	vand.u32 $0x3F, v21;
	v17 =	vld.idx.msk [tilespmem:v19+s14+$0x0], $0xffff  }
0x40c: {  	v13 =	vand.u32 $0x3F, v20;
	v8 =	vmul.bf16 v8, v14;
	v19 =	vor.u32 v6, v10;
	v14 =	vld.idx.msk [tilespmem:v16+s13+$0x0], $0xffff  }
0x40d: {  	v20 =	vor.u32 v6, v13;
	v10 =	vunpack.i.u.bf16.f32 v9;
	v9 =	vunpack.i.l.bf16.f32 v9;
	v16 =	vld.idx.msk [tilespmem:v16+s14+$0x0], $0xffff  }
0x40e: {  	v12 =	vadd.f32 v12, v15;
	v13 =	vunpack.i.u.bf16.f32 v8;
	v8 =	vunpack.i.l.bf16.f32 v8  }
0x40f: {  	v5 =	vadd.f32 v9, v5;
	v9 =	vmul.bf16 v11, v18  }
0x410: {  	v4 =	vadd.s32 $0x8, v4;
	v12 =	vadd.f32 v10, v12  }
0x411: {  	v4 =	vand.u32 $0x3F, v4;
	v15 =	vunpack.i.u.bf16.f32 v9;
	v18 =	vunpack.i.l.bf16.f32 v9;
	v10 =	vld.idx.msk [tilespmem:v19+s13+$0x0], $0xffff  }
0x412: {  	v11 =	vor.u32 v6, v4;
	v21 =	vadd.f32 v13, v12;
	v9 =	vadd.s32 $0x1, v4;
	v13 =	vld.idx.msk [tilespmem:v19+s14+$0x0], $0xffff  }
.Ltmp13:
0x413: {  	v22 =	vmul.bf16 v17, v22;
	v9 =	vand.u32 $0x3F, v9;
	v23 =	vmul.bf16 v16, v14;
	v12 =	vld.idx.msk [tilespmem:v20+s13+$0x0], $0xffff;
	(pc) =	sbr.rel @p0 .LBB2_29-.Ltmp13, $4  }
0x414: {  	v5 =	vadd.f32 v8, v5;
	v9 =	vor.u32 v6, v9;
	v16 =	vadd.s32 $0x2, v4;
	v14 =	vld.idx.msk [tilespmem:v20+s14+$0x0], $0xffff  }
0x415: {  	v17 =	vunpack.i.l.bf16.f32 v22;
	v8 =	vand.u32 $0x3F, v16;
	v16 =	vadd.f32 v15, v21  }
0x416: {  	v19 =	vadd.f32 v18, v5;
	v8 =	vor.u32 v6, v8;
	v15 =	vunpack.i.u.bf16.f32 v23  }
0x417: {  	v21 =	vadd.s32 $0x3, v4;
	v20 =	vunpack.i.u.bf16.f32 v22;
	v18 =	vunpack.i.l.bf16.f32 v23;
	v5 =	vld.idx.msk [tilespmem:v11+s13+$0x0], $0xffff  }
0x418: {  	_ =	sdelay $0x2  }
0x419: {  	v21 =	vand.u32 $0x3F, v21;
	v22 =	vadd.s32 $0x4, v4;
	v10 =	vmul.bf16 v13, v10  }
0x41a: {  	v11 =	vld.idx.msk [tilespmem:v11+s14+$0x0], $0xffff;
	v17 =	vadd.f32 v17, v19;
	v16 =	vadd.f32 v20, v16;
	v20 =	vadd.s32 $0x5, v4  }
0x41b: {  	v13 =	vor.u32 v6, v21;
	v19 =	vand.u32 $0x3F, v22;
	v12 =	vmul.bf16 v14, v12  }
0x41c: {  	v14 =	vld.idx.msk [tilespmem:v9+s13+$0x0], $0xffff;
	v19 =	vor.u32 v6, v19;
	v17 =	vadd.f32 v18, v17;
	v15 =	vadd.f32 v15, v16  }
0x41d: {  	v9 =	vld.idx.msk [tilespmem:v9+s14+$0x0], $0xffff;
	v16 =	vand.u32 $0x3F, v20;
	v18 =	vunpack.i.u.bf16.f32 v12;
	v12 =	vunpack.i.l.bf16.f32 v12  }
0x41e: {  	v20 =	vld.idx.msk [tilespmem:v8+s13+$0x0], $0xffff;
	v16 =	vor.u32 v6, v16;
	v12 =	vadd.f32 v12, v17;
	v15 =	vadd.f32 v18, v15  }
0x41f: {  	v8 =	vld.idx.msk [tilespmem:v8+s14+$0x0], $0xffff;
	v17 =	vadd.s32 $0x6, v4;
	v4 =	vadd.s32 $0x7, v4;
	v5 =	vmul.bf16 v11, v5  }
0x420: {  	v11 =	vunpack.i.u.bf16.f32 v10;
	v10 =	vunpack.i.l.bf16.f32 v10;
	v17 =	vand.u32 $0x3F, v17;
	v18 =	vld.idx.msk [tilespmem:v13+s14+$0x0], $0xffff  }
0x421: {  	v4 =	vand.u32 $0x3F, v4;
	v13 =	vld.idx.msk [tilespmem:v13+s13+$0x0], $0xffff;
	v10 =	vadd.f32 v10, v12;
	v17 =	vor.u32 v6, v17  }
0x422: {  	v11 =	vadd.f32 v11, v15;
	v9 =	vmul.bf16 v9, v14;
	v12 =	vunpack.i.l.bf16.f32 v5;
	v21 =	vld.idx.msk [tilespmem:v19+s13+$0x0], $0xffff  }
0x423: {  	v4 =	vor.u32 v6, v4;
	v5 =	vunpack.i.u.bf16.f32 v5;
	v10 =	vadd.f32 v12, v10;
	v12 =	vld.idx.msk [tilespmem:v19+s14+$0x0], $0xffff  }
0x424: {  	v6 =	vmul.bf16 v8, v20;
	v8 =	vld.idx.msk [tilespmem:v16+s13+$0x0], $0xffff;
	v14 =	vunpack.i.l.bf16.f32 v9;
	v5 =	vadd.f32 v5, v11  }
0x425: {  	v9 =	vunpack.i.u.bf16.f32 v9;
	v11 =	vld.idx.msk [tilespmem:v16+s14+$0x0], $0xffff;
	v10 =	vadd.f32 v14, v10  }
0x426: {  	v14 =	vunpack.i.l.bf16.f32 v6;
	v5 =	vadd.f32 v9, v5;
	v13 =	vmul.bf16 v18, v13;
	v9 =	vld.idx.msk [tilespmem:v17+s13+$0x0], $0xffff  }
0x427: {  	v6 =	vunpack.i.u.bf16.f32 v6;
	v10 =	vadd.f32 v14, v10;
	v14 =	vld.idx.msk [tilespmem:v17+s14+$0x0], $0xffff  }
0x428: {  	v16 =	vld.idx.msk [tilespmem:v4+s13+$0x0], $0xffff;
	v5 =	vadd.f32 v6, v5;
	v15 =	vunpack.i.l.bf16.f32 v13;
	v6 =	vmul.bf16 v12, v21  }
0x429: {  	v4 =	vld.idx.msk [tilespmem:v4+s14+$0x0], $0xffff;
	v12 =	vunpack.i.u.bf16.f32 v13;
	v10 =	vadd.f32 v15, v10  }
0x42a: {  	v8 =	vmul.bf16 v11, v8;
	v5 =	vadd.f32 v12, v5;
	v11 =	vunpack.i.l.bf16.f32 v6  }
0x42b: {  	v6 =	vunpack.i.u.bf16.f32 v6;
	v10 =	vadd.f32 v11, v10  }
0x42c: {  	v11 =	vunpack.i.l.bf16.f32 v8;
	v5 =	vadd.f32 v6, v5;
	v6 =	vmul.bf16 v14, v9  }
0x42d: {  	v8 =	vunpack.i.u.bf16.f32 v8;
	v9 =	vadd.f32 v11, v10  }
0x42e: {  	v4 =	vmul.bf16 v4, v16;
	v5 =	vadd.f32 v8, v5;
	v8 =	vunpack.i.l.bf16.f32 v6  }
0x42f: {  	v6 =	vunpack.i.u.bf16.f32 v6;
	v8 =	vadd.f32 v8, v9  }
0x430: {  	v5 =	vadd.f32 v6, v5;
	v6 =	vunpack.i.l.bf16.f32 v4  }
0x431: {  	v4 =	vunpack.i.u.bf16.f32 v4;
	v6 =	vadd.f32 v6, v8;
	v8 =	vlaneseq.u32  }
0x432: {  	v4 =	vadd.f32 v4, v5;
	v5 =	vor.u32 v7, v8;
	v9 =	vadd.s32 $0x1, v8  }
0x433: {  	v9 =	vand.u32 $0x3F, v9  }
0x434: {  	v4 =	vadd.f32 v4, v6;
	v6 =	vor.u32 v7, v9;
	v9 =	vadd.s32 $0x2, v8  }
0x435: {  	v9 =	vand.u32 $0x3F, v9  }
0x436: {  	v10 =	vadd.s32 $0x3, v8;
	[tilespmem:s20+$0x4EF0] =	vst v4;
	v4 =	vor.u32 v7, v9  }
0x437: {  	v10 =	vand.u32 $0x3F, v10;
	v9 =	vld.idx.msk [tilespmem:v5+s13+$0x0], $0xffff  }
0x438: {  	v10 =	vor.u32 v7, v10;
	v5 =	vld.idx.msk [tilespmem:v5+s14+$0x0], $0xffff  }
0x439: {  	v11 =	vadd.s32 $0x4, v8;
	v12 =	vld.idx.msk [tilespmem:v6+s13+$0x0], $0xffff  }
0x43a: {  	v11 =	vand.u32 $0x3F, v11;
	v6 =	vld.idx.msk [tilespmem:v6+s14+$0x0], $0xffff  }
0x43b: {  	v13 =	vadd.s32 $0x5, v8;
	v11 =	vor.u32 v7, v11;
	v14 =	vld.idx.msk [tilespmem:v4+s13+$0x0], $0xffff  }
0x43c: {  	v13 =	vand.u32 $0x3F, v13;
	v4 =	vld.idx.msk [tilespmem:v4+s14+$0x0], $0xffff  }
0x43d: {  	v16 =	vadd.s32 $0x6, v8;
	v13 =	vor.u32 v7, v13;
	v5 =	vmul.bf16 v5, v9;
	v9 =	vld.idx.msk [tilespmem:v10+s14+$0x0], $0xffff  }
0x43e: {  	v15 =	vimm.f32 $0.0e+00;
	v16 =	vand.u32 $0x3F, v16;
	v10 =	vld.idx.msk [tilespmem:v10+s13+$0x0], $0xffff  }
0x43f: {  	v17 =	vadd.s32 $0x7, v8;
	v20 =	vor.u32 v7, v16;
	v18 =	vunpack.i.u.bf16.f32 v5  }
0x440: {  	v19 =	vld.idx.msk [tilespmem:v11+s13+$0x0], $0xffff;
	v5 =	vunpack.i.l.bf16.f32 v5;
	v6 =	vmul.bf16 v6, v12;
	v12 =	vand.u32 $0x3F, v17  }
0x441: {  	v11 =	vld.idx.msk [tilespmem:v11+s14+$0x0], $0xffff;
	v5 =	vadd.f32 v5, v15;
	v12 =	vor.u32 v7, v12;
	v4 =	vmul.bf16 v4, v14  }
0x442: {  	v15 =	vadd.f32 v18, v15;
	v14 =	vld.idx.msk [tilespmem:v13+s13+$0x0], $0xffff;
	v17 =	vunpack.i.u.bf16.f32 v6;
	v6 =	vunpack.i.l.bf16.f32 v6  }
0x443: {  	v13 =	vld.idx.msk [tilespmem:v13+s14+$0x0], $0xffff;
	v16 =	vunpack.i.u.bf16.f32 v4;
	v18 =	vunpack.i.l.bf16.f32 v4;
	v4 =	vmul.bf16 v9, v10  }
0x444: {  	v8 =	vadd.s32 $0x8, v8;
	v5 =	vadd.f32 v6, v5;
	v6 =	vadd.f32 v17, v15  }
0x445: {  	v15 =	vunpack.i.u.bf16.f32 v4;
	v17 =	vunpack.i.l.bf16.f32 v4;
	v4 =	vand.u32 $0x3F, v8  }
0x446: {  	v19 =	vmul.bf16 v11, v19;
	v9 =	vld.idx.msk [tilespmem:v12+s13+$0x0], $0xffff;
	v10 =	vor.u32 v7, v4;
	v8 =	vadd.s32 $0x1, v4  }
0x447: {  	v6 =	vadd.f32 v16, v6;
	v5 =	vadd.f32 v18, v5;
	v12 =	vld.idx.msk [tilespmem:v12+s14+$0x0], $0xffff;
	v8 =	vand.u32 $0x3F, v8  }
0x448: {  	v11 =	vld.idx.msk [tilespmem:v20+s13+$0x0], $0xffff;
	v21 =	vmul.bf16 v13, v14;
	v13 =	vadd.s32 $0x2, v4;
	v8 =	vor.u32 v7, v8  }
0x449: {  	v16 =	vunpack.i.l.bf16.f32 v19;
	v19 =	vunpack.i.u.bf16.f32 v19;
	v14 =	vand.u32 $0x3F, v13;
	v13 =	vld.idx.msk [tilespmem:v20+s14+$0x0], $0xffff  }
0x44a: {  	v15 =	vadd.f32 v15, v6;
	v18 =	vadd.f32 v17, v5;
	v6 =	vor.u32 v7, v14  }
0x44b: {  	s21 =	simm.s32 $0x6;
	v20 =	vadd.s32 $0x3, v4;
	v14 =	vunpack.i.u.bf16.f32 v21;
	v17 =	vunpack.i.l.bf16.f32 v21;
	v5 =	vld.idx.msk [tilespmem:v10+s13+$0x0], $0xffff  }
.LBB2_31:
0x44c: {  	p0 =	sne.s32 s21, $0x1;
	s21 =	sadd.s32 $0xFFFFFFFF, s21;
	v10 =	vld.idx.msk [tilespmem:v10+s14+$0x0], $0xffff;
	v20 =	vand.u32 $0x3F, v20;
	v21 =	vadd.s32 $0x4, v4;
	v9 =	vmul.bf16 v12, v9  }
0x44d: {  	v16 =	vadd.f32 v16, v18;
	v15 =	vadd.f32 v19, v15;
	v12 =	vld.idx.msk [tilespmem:v8+s13+$0x0], $0xffff;
	v20 =	vor.u32 v7, v20  }
0x44e: {  	v19 =	vadd.s32 $0x5, v4;
	v18 =	vand.u32 $0x3F, v21;
	v11 =	vmul.bf16 v13, v11;
	v8 =	vld.idx.msk [tilespmem:v8+s14+$0x0], $0xffff  }
0x44f: {  	v18 =	vor.u32 v7, v18;
	v16 =	vadd.f32 v17, v16;
	v14 =	vadd.f32 v14, v15;
	v13 =	vld.idx.msk [tilespmem:v6+s13+$0x0], $0xffff  }
0x450: {  	v15 =	vand.u32 $0x3F, v19;
	v17 =	vunpack.i.u.bf16.f32 v11;
	v11 =	vunpack.i.l.bf16.f32 v11;
	v6 =	vld.idx.msk [tilespmem:v6+s14+$0x0], $0xffff  }
0x451: {  	v15 =	vor.u32 v7, v15;
	v11 =	vadd.f32 v11, v16;
	v14 =	vadd.f32 v17, v14  }
0x452: {  	v16 =	vunpack.i.u.bf16.f32 v9;
	v9 =	vunpack.i.l.bf16.f32 v9;
	v5 =	vmul.bf16 v10, v5;
	v10 =	vld.idx.msk [tilespmem:v20+s14+$0x0], $0xffff  }
0x453: {  	v19 =	vadd.s32 $0x6, v4;
	v9 =	vadd.f32 v9, v11;
	v17 =	vld.idx.msk [tilespmem:v20+s13+$0x0], $0xffff;
	v20 =	vadd.s32 $0x7, v4  }
0x454: {  	v14 =	vadd.f32 v16, v14;
	v11 =	vunpack.i.u.bf16.f32 v5;
	v5 =	vunpack.i.l.bf16.f32 v5;
	v21 =	vld.idx.msk [tilespmem:v18+s13+$0x0], $0xffff  }
0x455: {  	v8 =	vmul.bf16 v8, v12;
	v5 =	vadd.f32 v5, v9;
	v9 =	vand.u32 $0x3F, v20;
	v16 =	vld.idx.msk [tilespmem:v18+s14+$0x0], $0xffff  }
0x456: {  	v12 =	vand.u32 $0x3F, v19;
	v6 =	vmul.bf16 v6, v13;
	v18 =	vor.u32 v7, v9;
	v13 =	vld.idx.msk [tilespmem:v15+s13+$0x0], $0xffff  }
0x457: {  	v19 =	vor.u32 v7, v12;
	v9 =	vunpack.i.u.bf16.f32 v8;
	v8 =	vunpack.i.l.bf16.f32 v8;
	v15 =	vld.idx.msk [tilespmem:v15+s14+$0x0], $0xffff  }
0x458: {  	v11 =	vadd.f32 v11, v14;
	v12 =	vunpack.i.u.bf16.f32 v6;
	v6 =	vunpack.i.l.bf16.f32 v6  }
0x459: {  	v5 =	vadd.f32 v8, v5;
	v8 =	vmul.bf16 v10, v17  }
0x45a: {  	v4 =	vadd.s32 $0x8, v4;
	v11 =	vadd.f32 v9, v11  }
0x45b: {  	v4 =	vand.u32 $0x3F, v4;
	v14 =	vunpack.i.u.bf16.f32 v8;
	v17 =	vunpack.i.l.bf16.f32 v8;
	v9 =	vld.idx.msk [tilespmem:v18+s13+$0x0], $0xffff  }
0x45c: {  	v10 =	vor.u32 v7, v4;
	v20 =	vadd.f32 v12, v11;
	v8 =	vadd.s32 $0x1, v4;
	v12 =	vld.idx.msk [tilespmem:v18+s14+$0x0], $0xffff  }
.Ltmp14:
0x45d: {  	v21 =	vmul.bf16 v16, v21;
	v8 =	vand.u32 $0x3F, v8;
	v22 =	vmul.bf16 v15, v13;
	v11 =	vld.idx.msk [tilespmem:v19+s13+$0x0], $0xffff;
	(pc) =	sbr.rel @p0 .LBB2_31-.Ltmp14, $4  }
0x45e: {  	v5 =	vadd.f32 v6, v5;
	v8 =	vor.u32 v7, v8;
	v15 =	vadd.s32 $0x2, v4;
	v13 =	vld.idx.msk [tilespmem:v19+s14+$0x0], $0xffff  }
0x45f: {  	v16 =	vunpack.i.l.bf16.f32 v21;
	v6 =	vand.u32 $0x3F, v15;
	v15 =	vadd.f32 v14, v20  }
0x460: {  	v18 =	vadd.f32 v17, v5;
	v6 =	vor.u32 v7, v6;
	v14 =	vunpack.i.u.bf16.f32 v22  }
0x461: {  	v20 =	vadd.s32 $0x3, v4;
	v19 =	vunpack.i.u.bf16.f32 v21;
	v17 =	vunpack.i.l.bf16.f32 v22;
	v5 =	vld.idx.msk [tilespmem:v10+s13+$0x0], $0xffff  }
0x462: {  	_ =	sdelay $0x2  }
0x463: {  	v20 =	vand.u32 $0x3F, v20;
	v21 =	vadd.s32 $0x4, v4;
	v9 =	vmul.bf16 v12, v9  }
0x464: {  	v10 =	vld.idx.msk [tilespmem:v10+s14+$0x0], $0xffff;
	v16 =	vadd.f32 v16, v18;
	v15 =	vadd.f32 v19, v15;
	v19 =	vadd.s32 $0x5, v4  }
0x465: {  	v12 =	vor.u32 v7, v20;
	v18 =	vand.u32 $0x3F, v21;
	v11 =	vmul.bf16 v13, v11  }
0x466: {  	v13 =	vld.idx.msk [tilespmem:v8+s13+$0x0], $0xffff;
	v18 =	vor.u32 v7, v18;
	v16 =	vadd.f32 v17, v16;
	v14 =	vadd.f32 v14, v15  }
0x467: {  	v8 =	vld.idx.msk [tilespmem:v8+s14+$0x0], $0xffff;
	v15 =	vand.u32 $0x3F, v19;
	v17 =	vunpack.i.u.bf16.f32 v11;
	v11 =	vunpack.i.l.bf16.f32 v11  }
0x468: {  	v19 =	vld.idx.msk [tilespmem:v6+s13+$0x0], $0xffff;
	v15 =	vor.u32 v7, v15;
	v11 =	vadd.f32 v11, v16;
	v14 =	vadd.f32 v17, v14  }
0x469: {  	v6 =	vld.idx.msk [tilespmem:v6+s14+$0x0], $0xffff;
	v16 =	vadd.s32 $0x6, v4;
	v4 =	vadd.s32 $0x7, v4;
	v5 =	vmul.bf16 v10, v5  }
0x46a: {  	v10 =	vunpack.i.u.bf16.f32 v9;
	v9 =	vunpack.i.l.bf16.f32 v9;
	v16 =	vand.u32 $0x3F, v16;
	v17 =	vld.idx.msk [tilespmem:v12+s14+$0x0], $0xffff  }
0x46b: {  	v4 =	vand.u32 $0x3F, v4;
	v12 =	vld.idx.msk [tilespmem:v12+s13+$0x0], $0xffff;
	v9 =	vadd.f32 v9, v11;
	v16 =	vor.u32 v7, v16  }
0x46c: {  	v10 =	vadd.f32 v10, v14;
	v8 =	vmul.bf16 v8, v13;
	v11 =	vunpack.i.l.bf16.f32 v5;
	v20 =	vld.idx.msk [tilespmem:v18+s13+$0x0], $0xffff  }
0x46d: {  	v4 =	vor.u32 v7, v4;
	v5 =	vunpack.i.u.bf16.f32 v5;
	v9 =	vadd.f32 v11, v9;
	v11 =	vld.idx.msk [tilespmem:v18+s14+$0x0], $0xffff  }
0x46e: {  	v6 =	vmul.bf16 v6, v19;
	v7 =	vld.idx.msk [tilespmem:v15+s13+$0x0], $0xffff;
	v13 =	vunpack.i.l.bf16.f32 v8;
	v5 =	vadd.f32 v5, v10  }
0x46f: {  	v8 =	vunpack.i.u.bf16.f32 v8;
	v10 =	vld.idx.msk [tilespmem:v15+s14+$0x0], $0xffff;
	v9 =	vadd.f32 v13, v9  }
0x470: {  	v13 =	vunpack.i.l.bf16.f32 v6;
	v5 =	vadd.f32 v8, v5;
	v12 =	vmul.bf16 v17, v12;
	v8 =	vld.idx.msk [tilespmem:v16+s13+$0x0], $0xffff  }
0x471: {  	v6 =	vunpack.i.u.bf16.f32 v6;
	v9 =	vadd.f32 v13, v9;
	v13 =	vld.idx.msk [tilespmem:v16+s14+$0x0], $0xffff  }
0x472: {  	v15 =	vld.idx.msk [tilespmem:v4+s13+$0x0], $0xffff;
	v5 =	vadd.f32 v6, v5;
	v14 =	vunpack.i.l.bf16.f32 v12;
	v6 =	vmul.bf16 v11, v20  }
0x473: {  	v4 =	vld.idx.msk [tilespmem:v4+s14+$0x0], $0xffff;
	v11 =	vunpack.i.u.bf16.f32 v12;
	v9 =	vadd.f32 v14, v9  }
0x474: {  	v7 =	vmul.bf16 v10, v7;
	v5 =	vadd.f32 v11, v5;
	v10 =	vunpack.i.l.bf16.f32 v6  }
0x475: {  	v6 =	vunpack.i.u.bf16.f32 v6;
	v9 =	vadd.f32 v10, v9  }
0x476: {  	v10 =	vunpack.i.l.bf16.f32 v7;
	v5 =	vadd.f32 v6, v5;
	v6 =	vmul.bf16 v13, v8  }
0x477: {  	v7 =	vunpack.i.u.bf16.f32 v7;
	v8 =	vadd.f32 v10, v9  }
0x478: {  	v4 =	vmul.bf16 v4, v15;
	v5 =	vadd.f32 v7, v5;
	v7 =	vunpack.i.l.bf16.f32 v6  }
0x479: {  	v6 =	vunpack.i.u.bf16.f32 v6;
	v7 =	vadd.f32 v7, v8  }
0x47a: {  	v5 =	vadd.f32 v6, v5;
	v6 =	vunpack.i.l.bf16.f32 v4  }
0x47b: {  	v4 =	vunpack.i.u.bf16.f32 v4;
	v6 =	vadd.f32 v6, v7;
	v7 =	vlaneseq.u32  }
0x47c: {  	v4 =	vadd.f32 v4, v5;
	v5 =	vor.u32 v3, v7;
	v8 =	vadd.s32 $0x1, v7  }
0x47d: {  	v8 =	vand.u32 $0x3F, v8  }
0x47e: {  	v4 =	vadd.f32 v4, v6;
	v6 =	vor.u32 v3, v8;
	v8 =	vadd.s32 $0x2, v7  }
0x47f: {  	v8 =	vand.u32 $0x3F, v8  }
0x480: {  	v9 =	vadd.s32 $0x3, v7;
	[tilespmem:s20+$0x4F00] =	vst v4;
	v4 =	vor.u32 v3, v8  }
0x481: {  	v9 =	vand.u32 $0x3F, v9;
	v8 =	vld.idx.msk [tilespmem:v5+s13+$0x0], $0xffff  }
0x482: {  	v10 =	vadd.s32 $0x4, v7;
	v9 =	vor.u32 v3, v9;
	v5 =	vld.idx.msk [tilespmem:v5+s14+$0x0], $0xffff  }
0x483: {  	v10 =	vand.u32 $0x3F, v10;
	v11 =	vld.idx.msk [tilespmem:v6+s13+$0x0], $0xffff  }
0x484: {  	v12 =	vadd.s32 $0x5, v7;
	v10 =	vor.u32 v3, v10;
	v6 =	vld.idx.msk [tilespmem:v6+s14+$0x0], $0xffff  }
0x485: {  	v12 =	vand.u32 $0x3F, v12;
	v13 =	vld.idx.msk [tilespmem:v4+s13+$0x0], $0xffff  }
0x486: {  	v12 =	vor.u32 v3, v12;
	v4 =	vld.idx.msk [tilespmem:v4+s14+$0x0], $0xffff  }
0x487: {  	v15 =	vadd.s32 $0x6, v7;
	v5 =	vmul.bf16 v5, v8;
	v8 =	vld.idx.msk [tilespmem:v9+s14+$0x0], $0xffff  }
0x488: {  	v14 =	vimm.f32 $0.0e+00;
	v15 =	vand.u32 $0x3F, v15;
	v9 =	vld.idx.msk [tilespmem:v9+s13+$0x0], $0xffff  }
0x489: {  	v16 =	vadd.s32 $0x7, v7;
	v19 =	vor.u32 v3, v15;
	v18 =	vld.idx.msk [tilespmem:v10+s13+$0x0], $0xffff;
	v17 =	vunpack.i.u.bf16.f32 v5  }
0x48a: {  	v5 =	vunpack.i.l.bf16.f32 v5;
	v6 =	vmul.bf16 v6, v11;
	v11 =	vld.idx.msk [tilespmem:v10+s14+$0x0], $0xffff;
	v10 =	vand.u32 $0x3F, v16  }
0x48b: {  	v5 =	vadd.f32 v5, v14;
	v16 =	vor.u32 v3, v10;
	v4 =	vmul.bf16 v4, v13;
	v13 =	vld.idx.msk [tilespmem:v12+s13+$0x0], $0xffff  }
0x48c: {  	v14 =	vadd.f32 v17, v14;
	v10 =	vunpack.i.u.bf16.f32 v6;
	v6 =	vunpack.i.l.bf16.f32 v6;
	v12 =	vld.idx.msk [tilespmem:v12+s14+$0x0], $0xffff  }
0x48d: {  	v15 =	vunpack.i.u.bf16.f32 v4;
	v17 =	vunpack.i.l.bf16.f32 v4;
	v4 =	vmul.bf16 v8, v9  }
0x48e: {  	v7 =	vadd.s32 $0x8, v7;
	v5 =	vadd.f32 v6, v5;
	v6 =	vadd.f32 v10, v14  }
0x48f: {  	v14 =	vunpack.i.u.bf16.f32 v4;
	v20 =	vunpack.i.l.bf16.f32 v4;
	v4 =	vand.u32 $0x3F, v7  }
0x490: {  	v6 =	vadd.f32 v15, v6;
	v8 =	vld.idx.msk [tilespmem:v16+s13+$0x0], $0xffff;
	v10 =	vor.u32 v3, v4;
	v7 =	vadd.s32 $0x1, v4  }
0x491: {  	v18 =	vmul.bf16 v11, v18;
	v11 =	vld.idx.msk [tilespmem:v16+s14+$0x0], $0xffff;
	v63 =	vmul.bf16 v12, v13;
	v7 =	vand.u32 $0x3F, v7  }
0x492: {  	v9 =	vld.idx.msk [tilespmem:v19+s13+$0x0], $0xffff;
	v12 =	vadd.s32 $0x2, v4;
	v13 =	vadd.f32 v17, v5;
	v7 =	vor.u32 v3, v7  }
0x493: {  	v14 =	vadd.f32 v14, v6;
	v15 =	vunpack.i.l.bf16.f32 v18;
	v5 =	vand.u32 $0x3F, v12;
	v12 =	vld.idx.msk [tilespmem:v19+s14+$0x0], $0xffff  }
0x494: {  	v18 =	vunpack.i.u.bf16.f32 v18;
	v19 =	vadd.s32 $0x3, v4;
	v5 =	vor.u32 v3, v5  }
0x495: {  	s21 =	simm.s32 $0x6;
	v17 =	vadd.f32 v20, v13;
	v13 =	vunpack.i.u.bf16.f32 v63;
	v16 =	vunpack.i.l.bf16.f32 v63;
	v6 =	vld.idx.msk [tilespmem:v10+s13+$0x0], $0xffff  }
.LBB2_33:
0x496: {  	p0 =	sne.s32 s21, $0x1;
	s21 =	sadd.s32 $0xFFFFFFFF, s21;
	v10 =	vld.idx.msk [tilespmem:v10+s14+$0x0], $0xffff;
	v19 =	vand.u32 $0x3F, v19;
	v20 =	vadd.s32 $0x4, v4;
	v8 =	vmul.bf16 v11, v8  }
0x497: {  	v15 =	vadd.f32 v15, v17;
	v14 =	vadd.f32 v18, v14;
	v11 =	vld.idx.msk [tilespmem:v7+s13+$0x0], $0xffff;
	v19 =	vor.u32 v3, v19  }
0x498: {  	v18 =	vadd.s32 $0x5, v4;
	v17 =	vand.u32 $0x3F, v20;
	v9 =	vmul.bf16 v12, v9;
	v7 =	vld.idx.msk [tilespmem:v7+s14+$0x0], $0xffff  }
0x499: {  	v17 =	vor.u32 v3, v17;
	v15 =	vadd.f32 v16, v15;
	v13 =	vadd.f32 v13, v14;
	v12 =	vld.idx.msk [tilespmem:v5+s13+$0x0], $0xffff  }
0x49a: {  	v14 =	vand.u32 $0x3F, v18;
	v16 =	vunpack.i.u.bf16.f32 v9;
	v9 =	vunpack.i.l.bf16.f32 v9;
	v5 =	vld.idx.msk [tilespmem:v5+s14+$0x0], $0xffff  }
0x49b: {  	v14 =	vor.u32 v3, v14;
	v9 =	vadd.f32 v9, v15;
	v13 =	vadd.f32 v16, v13  }
0x49c: {  	v15 =	vunpack.i.u.bf16.f32 v8;
	v8 =	vunpack.i.l.bf16.f32 v8;
	v6 =	vmul.bf16 v10, v6;
	v10 =	vld.idx.msk [tilespmem:v19+s14+$0x0], $0xffff  }
0x49d: {  	v18 =	vadd.s32 $0x6, v4;
	v8 =	vadd.f32 v8, v9;
	v16 =	vld.idx.msk [tilespmem:v19+s13+$0x0], $0xffff;
	v19 =	vadd.s32 $0x7, v4  }
0x49e: {  	v13 =	vadd.f32 v15, v13;
	v9 =	vunpack.i.u.bf16.f32 v6;
	v6 =	vunpack.i.l.bf16.f32 v6;
	v20 =	vld.idx.msk [tilespmem:v17+s13+$0x0], $0xffff  }
0x49f: {  	v7 =	vmul.bf16 v7, v11;
	v6 =	vadd.f32 v6, v8;
	v8 =	vand.u32 $0x3F, v19;
	v15 =	vld.idx.msk [tilespmem:v17+s14+$0x0], $0xffff  }
0x4a0: {  	v11 =	vand.u32 $0x3F, v18;
	v5 =	vmul.bf16 v5, v12;
	v17 =	vor.u32 v3, v8;
	v12 =	vld.idx.msk [tilespmem:v14+s13+$0x0], $0xffff  }
0x4a1: {  	v18 =	vor.u32 v3, v11;
	v8 =	vunpack.i.u.bf16.f32 v7;
	v7 =	vunpack.i.l.bf16.f32 v7;
	v14 =	vld.idx.msk [tilespmem:v14+s14+$0x0], $0xffff  }
0x4a2: {  	v9 =	vadd.f32 v9, v13;
	v11 =	vunpack.i.u.bf16.f32 v5;
	v5 =	vunpack.i.l.bf16.f32 v5  }
0x4a3: {  	v6 =	vadd.f32 v7, v6;
	v7 =	vmul.bf16 v10, v16  }
0x4a4: {  	v4 =	vadd.s32 $0x8, v4;
	v9 =	vadd.f32 v8, v9  }
0x4a5: {  	v4 =	vand.u32 $0x3F, v4;
	v13 =	vunpack.i.u.bf16.f32 v7;
	v16 =	vunpack.i.l.bf16.f32 v7;
	v8 =	vld.idx.msk [tilespmem:v17+s13+$0x0], $0xffff  }
0x4a6: {  	v10 =	vor.u32 v3, v4;
	v19 =	vadd.f32 v11, v9;
	v7 =	vadd.s32 $0x1, v4;
	v11 =	vld.idx.msk [tilespmem:v17+s14+$0x0], $0xffff  }
.Ltmp15:
0x4a7: {  	v20 =	vmul.bf16 v15, v20;
	v7 =	vand.u32 $0x3F, v7;
	v21 =	vmul.bf16 v14, v12;
	v9 =	vld.idx.msk [tilespmem:v18+s13+$0x0], $0xffff;
	(pc) =	sbr.rel @p0 .LBB2_33-.Ltmp15, $4  }
0x4a8: {  	v6 =	vadd.f32 v5, v6;
	v7 =	vor.u32 v3, v7;
	v14 =	vadd.s32 $0x2, v4;
	v12 =	vld.idx.msk [tilespmem:v18+s14+$0x0], $0xffff  }
0x4a9: {  	v15 =	vunpack.i.l.bf16.f32 v20;
	v5 =	vand.u32 $0x3F, v14;
	v14 =	vadd.f32 v13, v19  }
0x4aa: {  	v17 =	vadd.f32 v16, v6;
	v5 =	vor.u32 v3, v5;
	v13 =	vunpack.i.u.bf16.f32 v21  }
0x4ab: {  	v19 =	vadd.s32 $0x3, v4;
	v18 =	vunpack.i.u.bf16.f32 v20;
	v16 =	vunpack.i.l.bf16.f32 v21;
	v6 =	vld.idx.msk [tilespmem:v10+s13+$0x0], $0xffff  }
0x4ac: {  	_ = 	snop  }
0x4ad: {  	v19 =	vand.u32 $0x3F, v19  }
0x4ae: {  	v20 =	vadd.s32 $0x4, v4;
	v8 =	vmul.bf16 v11, v8;
	v15 =	vadd.f32 v15, v17  }
0x4af: {  	v14 =	vadd.f32 v18, v14;
	v35 =	vadd.s32 $0x5, v4;
	v43 =	vadd.s32 $0x6, v4  }
0x4b0: {  	v10 =	vld.idx.msk [tilespmem:v10+s14+$0x0], $0xffff;
	v4 =	vadd.s32 $0x7, v4;
	v33 =	vor.u32 v3, v19;
	v34 =	vand.u32 $0x3F, v20  }
0x4b1: {  	v37 =	vld.idx.msk [tilespmem:v7+s13+$0x0], $0xffff;
	v9 =	vmul.bf16 v12, v9;
	v38 =	vand.u32 $0x3F, v35;
	v45 =	vand.u32 $0x3F, v43  }
0x4b2: {  	v39 =	vld.idx.msk [tilespmem:v7+s14+$0x0], $0xffff;
	v36 =	vor.u32 v3, v34;
	v15 =	vadd.f32 v16, v15;
	v13 =	vadd.f32 v13, v14  }
0x4b3: {  	v41 =	vld.idx.msk [tilespmem:v5+s13+$0x0], $0xffff;
	v4 =	vand.u32 $0x3F, v4;
	v40 =	vunpack.i.u.bf16.f32 v9;
	v9 =	vunpack.i.l.bf16.f32 v9  }
0x4b4: {  	v5 =	vld.idx.msk [tilespmem:v5+s14+$0x0], $0xffff;
	v14 =	vor.u32 v3, v38;
	v9 =	vadd.f32 v9, v15;
	v13 =	vadd.f32 v40, v13  }
0x4b5: {  	v42 =	vunpack.i.u.bf16.f32 v8;
	v8 =	vunpack.i.l.bf16.f32 v8;
	v6 =	vmul.bf16 v10, v6;
	v44 =	vld.idx.msk [tilespmem:v33+s14+$0x0], $0xffff  }
0x4b6: {  	v8 =	vadd.f32 v8, v9;
	v11 =	vld.idx.msk [tilespmem:v33+s13+$0x0], $0xffff;
	v10 =	vadd.f32 v42, v13;
	v9 =	vor.u32 v3, v45  }
0x4b7: {  	v7 =	vmul.bf16 v39, v37;
	v46 =	vunpack.i.u.bf16.f32 v6;
	v6 =	vunpack.i.l.bf16.f32 v6;
	v47 =	vld.idx.msk [tilespmem:v36+s13+$0x0], $0xffff  }
0x4b8: {  	v4 =	vor.u32 v3, v4;
	v48 =	vld.idx.msk [tilespmem:v36+s14+$0x0], $0xffff;
	v6 =	vadd.f32 v6, v8;
	v10 =	vadd.f32 v46, v10  }
0x4b9: {  	v5 =	vmul.bf16 v5, v41;
	v49 =	vld.idx.msk [tilespmem:v14+s13+$0x0], $0xffff;
	v50 =	vunpack.i.u.bf16.f32 v7;
	v7 =	vunpack.i.l.bf16.f32 v7  }
0x4ba: {  	v14 =	vld.idx.msk [tilespmem:v14+s14+$0x0], $0xffff;
	v6 =	vadd.f32 v7, v6;
	v51 =	vadd.f32 v50, v10  }
0x4bb: {  	v52 =	vunpack.i.u.bf16.f32 v5;
	v5 =	vunpack.i.l.bf16.f32 v5;
	v11 =	vmul.bf16 v44, v11;
	v53 =	vld.idx.msk [tilespmem:v9+s13+$0x0], $0xffff  }
0x4bc: {  	v54 =	vld.idx.msk [tilespmem:v9+s14+$0x0], $0xffff;
	v7 =	vadd.f32 v52, v51;
	v5 =	vadd.f32 v5, v6  }
0x4bd: {  	v57 =	vld.idx.msk [tilespmem:v4+s13+$0x0], $0xffff;
	v8 =	vmul.bf16 v48, v47;
	v55 =	vunpack.i.u.bf16.f32 v11;
	v56 =	vunpack.i.l.bf16.f32 v11  }
0x4be: {  	v4 =	vld.idx.msk [tilespmem:v4+s14+$0x0], $0xffff;
	v7 =	vadd.f32 v55, v7;
	v5 =	vadd.f32 v56, v5  }
0x4bf: {  	v58 =	vmul.bf16 v14, v49;
	v59 =	vunpack.i.l.bf16.f32 v8;
	v8 =	vunpack.i.u.bf16.f32 v8  }
0x4c0: {  	v5 =	vadd.f32 v59, v5;
	v7 =	vadd.f32 v8, v7  }
0x4c1: {  	v60 =	vunpack.i.u.bf16.f32 v58;
	v9 =	vunpack.i.l.bf16.f32 v58;
	v6 =	vmul.bf16 v54, v53  }
0x4c2: {  	v5 =	vadd.f32 v9, v5;
	v7 =	vadd.f32 v60, v7  }
0x4c3: {  	v4 =	vmul.bf16 v4, v57;
	v61 =	vunpack.i.u.bf16.f32 v6;
	v6 =	vunpack.i.l.bf16.f32 v6  }
0x4c4: {  	s19 =	sadd.s32 $0x1, s19;
	v5 =	vadd.f32 v6, v5;
	v62 =	vadd.f32 v61, v7  }
0x4c5: {  	p0 =	sne.s32 s19, $0x27;
	v63 =	vunpack.i.u.bf16.f32 v4;
	v4 =	vunpack.i.l.bf16.f32 v4  }
.Ltmp16:
0x4c6: {  	v4 =	vadd.f32 v4, v5;
	v5 =	vadd.f32 v63, v62;
	(pc) =	sbr.rel @p0 .LBB2_2-.Ltmp16, $3  }
0x4c7: {  	_ = 	snop  }
0x4c8: {  	v4 =	vadd.f32 v5, v4;
	_ =	sdelay $0x1  }
0x4c9: {  	[tilespmem:s20+$0x4F10] =	vst v4  }
0x4ca: {  	_ =	swait.ge [sflag:s15], $0x2000;
	v4 =	vlaneseq.u32  }
0x4cb: {  	[sflag:s15] =	ssyncset.done $0x0;
	v5 =	vor.u32 v3, v4;
	v6 =	vadd.s32 $0x1, v4  }
0x4cc: {  	[sflag:s15] =	ssyncadd.s32 $0xFFFFE000;
	v6 =	vand.u32 $0x3F, v6  }
0x4cd: {  	v7 =	vadd.s32 $0x2, v4;
	_ =	swait.ge [sflag:s15], $0x2000;
	v6 =	vor.u32 v3, v6  }
0x4ce: {  	v7 =	vand.u32 $0x3F, v7;
	[sflag:s15] =	ssyncset.done $0x0  }
0x4cf: {  	v9 =	vadd.s32 $0x3, v4;
	v7 =	vor.u32 v3, v7;
	[sflag:s15] =	ssyncadd.s32 $0xFFFFE000  }
0x4d0: {  	v9 =	vand.u32 $0x3F, v9;
	v8 =	vld.idx.msk [tilespmem:v5+s11+$0x0], $0xffff  }
0x4d1: {  	v10 =	vadd.s32 $0x4, v4;
	v9 =	vor.u32 v3, v9;
	v5 =	vld.idx.msk [tilespmem:v5+s12+$0x0], $0xffff  }
0x4d2: {  	v10 =	vand.u32 $0x3F, v10;
	v11 =	vld.idx.msk [tilespmem:v6+s11+$0x0], $0xffff  }
0x4d3: {  	v12 =	vadd.s32 $0x5, v4;
	v10 =	vor.u32 v3, v10;
	v6 =	vld.idx.msk [tilespmem:v6+s12+$0x0], $0xffff  }
0x4d4: {  	v12 =	vand.u32 $0x3F, v12;
	v13 =	vld.idx.msk [tilespmem:v7+s11+$0x0], $0xffff  }
0x4d5: {  	v12 =	vor.u32 v3, v12;
	v7 =	vld.idx.msk [tilespmem:v7+s12+$0x0], $0xffff  }
0x4d6: {  	v15 =	vadd.s32 $0x6, v4;
	v5 =	vmul.bf16 v5, v8;
	v8 =	vld.idx.msk [tilespmem:v9+s12+$0x0], $0xffff  }
0x4d7: {  	v14 =	vimm.f32 $0.0e+00;
	v16 =	vadd.s32 $0x7, v4;
	v15 =	vand.u32 $0x3F, v15;
	v9 =	vld.idx.msk [tilespmem:v9+s11+$0x0], $0xffff  }
0x4d8: {  	v4 =	vadd.s32 $0x8, v4;
	v19 =	vor.u32 v3, v15;
	v18 =	vld.idx.msk [tilespmem:v10+s11+$0x0], $0xffff;
	v17 =	vunpack.i.u.bf16.f32 v5  }
0x4d9: {  	v5 =	vunpack.i.l.bf16.f32 v5;
	v6 =	vmul.bf16 v6, v11;
	v11 =	vld.idx.msk [tilespmem:v10+s12+$0x0], $0xffff;
	v10 =	vand.u32 $0x3F, v16  }
0x4da: {  	v7 =	vmul.bf16 v7, v13;
	v13 =	vld.idx.msk [tilespmem:v12+s11+$0x0], $0xffff;
	v5 =	vadd.f32 v5, v14;
	v16 =	vor.u32 v3, v10  }
0x4db: {  	v12 =	vld.idx.msk [tilespmem:v12+s12+$0x0], $0xffff;
	v14 =	vadd.f32 v17, v14;
	v10 =	vunpack.i.u.bf16.f32 v6;
	v6 =	vunpack.i.l.bf16.f32 v6  }
0x4dc: {  	v15 =	vunpack.i.u.bf16.f32 v7;
	v17 =	vunpack.i.l.bf16.f32 v7;
	v7 =	vmul.bf16 v8, v9  }
0x4dd: {  	v4 =	vand.u32 $0x3F, v4;
	v5 =	vadd.f32 v6, v5;
	v6 =	vadd.f32 v10, v14  }
0x4de: {  	v10 =	vor.u32 v3, v4;
	v14 =	vunpack.i.u.bf16.f32 v7  }
0x4df: {  	v20 =	vunpack.i.l.bf16.f32 v7;
	v7 =	vadd.s32 $0x1, v4;
	v6 =	vadd.f32 v15, v6;
	v8 =	vld.idx.msk [tilespmem:v16+s11+$0x0], $0xffff  }
0x4e0: {  	v18 =	vmul.bf16 v11, v18;
	v21 =	vmul.bf16 v12, v13;
	v7 =	vand.u32 $0x3F, v7;
	v11 =	vld.idx.msk [tilespmem:v16+s12+$0x0], $0xffff  }
0x4e1: {  	v9 =	vld.idx.msk [tilespmem:v19+s11+$0x0], $0xffff;
	v12 =	vadd.s32 $0x2, v4;
	v13 =	vadd.f32 v17, v5;
	v7 =	vor.u32 v3, v7  }
0x4e2: {  	v5 =	vand.u32 $0x3F, v12;
	v12 =	vld.idx.msk [tilespmem:v19+s12+$0x0], $0xffff;
	v19 =	vadd.s32 $0x3, v4;
	v14 =	vadd.f32 v14, v6  }
0x4e3: {  	v15 =	vunpack.i.l.bf16.f32 v18;
	v5 =	vor.u32 v3, v5;
	v17 =	vadd.f32 v20, v13  }
0x4e4: {  	s19 =	simm.s32 $0x6;
	v13 =	vunpack.i.u.bf16.f32 v21;
	v18 =	vunpack.i.u.bf16.f32 v18;
	v16 =	vunpack.i.l.bf16.f32 v21;
	v6 =	vld.idx.msk [tilespmem:v10+s11+$0x0], $0xffff  }
.LBB2_36:
0x4e5: {  	p0 =	sne.s32 s19, $0x1;
	s19 =	sadd.s32 $0xFFFFFFFF, s19;
	v10 =	vld.idx.msk [tilespmem:v10+s12+$0x0], $0xffff;
	v19 =	vand.u32 $0x3F, v19;
	v20 =	vadd.s32 $0x4, v4;
	v8 =	vmul.bf16 v11, v8  }
0x4e6: {  	v15 =	vadd.f32 v15, v17;
	v14 =	vadd.f32 v18, v14;
	v11 =	vld.idx.msk [tilespmem:v7+s11+$0x0], $0xffff;
	v19 =	vor.u32 v3, v19  }
0x4e7: {  	v18 =	vadd.s32 $0x5, v4;
	v17 =	vand.u32 $0x3F, v20;
	v9 =	vmul.bf16 v12, v9;
	v7 =	vld.idx.msk [tilespmem:v7+s12+$0x0], $0xffff  }
0x4e8: {  	v17 =	vor.u32 v3, v17;
	v15 =	vadd.f32 v16, v15;
	v13 =	vadd.f32 v13, v14;
	v12 =	vld.idx.msk [tilespmem:v5+s11+$0x0], $0xffff  }
0x4e9: {  	v14 =	vand.u32 $0x3F, v18;
	v16 =	vunpack.i.u.bf16.f32 v9;
	v9 =	vunpack.i.l.bf16.f32 v9;
	v5 =	vld.idx.msk [tilespmem:v5+s12+$0x0], $0xffff  }
0x4ea: {  	v14 =	vor.u32 v3, v14;
	v9 =	vadd.f32 v9, v15;
	v13 =	vadd.f32 v16, v13  }
0x4eb: {  	v15 =	vunpack.i.u.bf16.f32 v8;
	v8 =	vunpack.i.l.bf16.f32 v8;
	v6 =	vmul.bf16 v10, v6;
	v10 =	vld.idx.msk [tilespmem:v19+s12+$0x0], $0xffff  }
0x4ec: {  	v18 =	vadd.s32 $0x6, v4;
	v8 =	vadd.f32 v8, v9;
	v16 =	vld.idx.msk [tilespmem:v19+s11+$0x0], $0xffff;
	v19 =	vadd.s32 $0x7, v4  }
0x4ed: {  	v13 =	vadd.f32 v15, v13;
	v9 =	vunpack.i.u.bf16.f32 v6;
	v6 =	vunpack.i.l.bf16.f32 v6;
	v20 =	vld.idx.msk [tilespmem:v17+s11+$0x0], $0xffff  }
0x4ee: {  	v7 =	vmul.bf16 v7, v11;
	v6 =	vadd.f32 v6, v8;
	v8 =	vand.u32 $0x3F, v19;
	v15 =	vld.idx.msk [tilespmem:v17+s12+$0x0], $0xffff  }
0x4ef: {  	v11 =	vand.u32 $0x3F, v18;
	v5 =	vmul.bf16 v5, v12;
	v17 =	vor.u32 v3, v8;
	v12 =	vld.idx.msk [tilespmem:v14+s11+$0x0], $0xffff  }
0x4f0: {  	v18 =	vor.u32 v3, v11;
	v8 =	vunpack.i.u.bf16.f32 v7;
	v7 =	vunpack.i.l.bf16.f32 v7;
	v14 =	vld.idx.msk [tilespmem:v14+s12+$0x0], $0xffff  }
0x4f1: {  	v9 =	vadd.f32 v9, v13;
	v11 =	vunpack.i.u.bf16.f32 v5;
	v5 =	vunpack.i.l.bf16.f32 v5  }
0x4f2: {  	v6 =	vadd.f32 v7, v6;
	v7 =	vmul.bf16 v10, v16  }
0x4f3: {  	v4 =	vadd.s32 $0x8, v4;
	v9 =	vadd.f32 v8, v9  }
0x4f4: {  	v4 =	vand.u32 $0x3F, v4;
	v13 =	vunpack.i.u.bf16.f32 v7;
	v16 =	vunpack.i.l.bf16.f32 v7;
	v8 =	vld.idx.msk [tilespmem:v17+s11+$0x0], $0xffff  }
0x4f5: {  	v10 =	vor.u32 v3, v4;
	v19 =	vadd.f32 v11, v9;
	v7 =	vadd.s32 $0x1, v4;
	v11 =	vld.idx.msk [tilespmem:v17+s12+$0x0], $0xffff  }
.Ltmp17:
0x4f6: {  	v20 =	vmul.bf16 v15, v20;
	v7 =	vand.u32 $0x3F, v7;
	v21 =	vmul.bf16 v14, v12;
	v9 =	vld.idx.msk [tilespmem:v18+s11+$0x0], $0xffff;
	(pc) =	sbr.rel @p0 .LBB2_36-.Ltmp17, $4  }
0x4f7: {  	v6 =	vadd.f32 v5, v6;
	v7 =	vor.u32 v3, v7;
	v14 =	vadd.s32 $0x2, v4;
	v12 =	vld.idx.msk [tilespmem:v18+s12+$0x0], $0xffff  }
0x4f8: {  	v15 =	vunpack.i.l.bf16.f32 v20;
	v5 =	vand.u32 $0x3F, v14;
	v14 =	vadd.f32 v13, v19  }
0x4f9: {  	v17 =	vadd.f32 v16, v6;
	v5 =	vor.u32 v3, v5;
	v13 =	vunpack.i.u.bf16.f32 v21  }
0x4fa: {  	v19 =	vadd.s32 $0x3, v4;
	v18 =	vunpack.i.u.bf16.f32 v20;
	v16 =	vunpack.i.l.bf16.f32 v21;
	v6 =	vld.idx.msk [tilespmem:v10+s11+$0x0], $0xffff  }
0x4fb: {  	_ = 	snop  }
0x4fc: {  	v19 =	vand.u32 $0x3F, v19  }
0x4fd: {  	v20 =	vadd.s32 $0x4, v4;
	v8 =	vmul.bf16 v11, v8;
	v15 =	vadd.f32 v15, v17  }
0x4fe: {  	v14 =	vadd.f32 v18, v14;
	v34 =	vadd.s32 $0x5, v4;
	v43 =	vadd.s32 $0x6, v4  }
0x4ff: {  	v10 =	vld.idx.msk [tilespmem:v10+s12+$0x0], $0xffff;
	v45 =	vadd.s32 $0x7, v4;
	v32 =	vor.u32 v3, v19;
	v33 =	vand.u32 $0x3F, v20  }
0x500: {  	v36 =	vld.idx.msk [tilespmem:v7+s11+$0x0], $0xffff;
	v9 =	vmul.bf16 v12, v9;
	v37 =	vand.u32 $0x3F, v34;
	v46 =	vand.u32 $0x3F, v43  }
0x501: {  	v38 =	vld.idx.msk [tilespmem:v7+s12+$0x0], $0xffff;
	v35 =	vor.u32 v3, v33;
	v15 =	vadd.f32 v16, v15;
	v13 =	vadd.f32 v13, v14  }
0x502: {  	v40 =	vld.idx.msk [tilespmem:v5+s11+$0x0], $0xffff;
	v4 =	vand.u32 $0x3F, v45;
	v39 =	vunpack.i.u.bf16.f32 v9;
	v9 =	vunpack.i.l.bf16.f32 v9  }
0x503: {  	v41 =	vld.idx.msk [tilespmem:v5+s12+$0x0], $0xffff;
	v14 =	vor.u32 v3, v37;
	v9 =	vadd.f32 v9, v15;
	v13 =	vadd.f32 v39, v13  }
0x504: {  	v42 =	vunpack.i.u.bf16.f32 v8;
	v8 =	vunpack.i.l.bf16.f32 v8;
	v6 =	vmul.bf16 v10, v6;
	v44 =	vld.idx.msk [tilespmem:v32+s12+$0x0], $0xffff  }
0x505: {  	v8 =	vadd.f32 v8, v9;
	v11 =	vld.idx.msk [tilespmem:v32+s11+$0x0], $0xffff;
	v10 =	vadd.f32 v42, v13;
	v9 =	vor.u32 v3, v46  }
0x506: {  	v7 =	vmul.bf16 v38, v36;
	v47 =	vunpack.i.u.bf16.f32 v6;
	v6 =	vunpack.i.l.bf16.f32 v6;
	v48 =	vld.idx.msk [tilespmem:v35+s11+$0x0], $0xffff  }
0x507: {  	v3 =	vor.u32 v3, v4;
	v49 =	vld.idx.msk [tilespmem:v35+s12+$0x0], $0xffff;
	v6 =	vadd.f32 v6, v8;
	v50 =	vadd.f32 v47, v10  }
0x508: {  	v5 =	vmul.bf16 v41, v40;
	v51 =	vld.idx.msk [tilespmem:v14+s11+$0x0], $0xffff;
	v52 =	vunpack.i.u.bf16.f32 v7;
	v7 =	vunpack.i.l.bf16.f32 v7  }
0x509: {  	v14 =	vld.idx.msk [tilespmem:v14+s12+$0x0], $0xffff;
	v6 =	vadd.f32 v7, v6;
	v4 =	vadd.f32 v52, v50  }
0x50a: {  	v53 =	vunpack.i.u.bf16.f32 v5;
	v5 =	vunpack.i.l.bf16.f32 v5;
	v11 =	vmul.bf16 v44, v11;
	v54 =	vld.idx.msk [tilespmem:v9+s11+$0x0], $0xffff  }
0x50b: {  	v55 =	vld.idx.msk [tilespmem:v9+s12+$0x0], $0xffff;
	v4 =	vadd.f32 v53, v4;
	v5 =	vadd.f32 v5, v6  }
0x50c: {  	v58 =	vld.idx.msk [tilespmem:v3+s11+$0x0], $0xffff;
	v8 =	vmul.bf16 v49, v48;
	v56 =	vunpack.i.u.bf16.f32 v11;
	v57 =	vunpack.i.l.bf16.f32 v11  }
0x50d: {  	v3 =	vld.idx.msk [tilespmem:v3+s12+$0x0], $0xffff;
	v4 =	vadd.f32 v56, v4;
	v5 =	vadd.f32 v57, v5  }
0x50e: {  	v59 =	vmul.bf16 v14, v51;
	v60 =	vunpack.i.l.bf16.f32 v8;
	v8 =	vunpack.i.u.bf16.f32 v8  }
0x50f: {  	v5 =	vadd.f32 v60, v5;
	v4 =	vadd.f32 v8, v4  }
0x510: {  	v61 =	vunpack.i.u.bf16.f32 v59;
	v7 =	vunpack.i.l.bf16.f32 v59;
	v6 =	vmul.bf16 v55, v54  }
0x511: {  	v5 =	vadd.f32 v7, v5;
	v4 =	vadd.f32 v61, v4  }
0x512: {  	v3 =	vmul.bf16 v3, v58;
	v62 =	vunpack.i.u.bf16.f32 v6;
	v6 =	vunpack.i.l.bf16.f32 v6  }
0x513: {  	v5 =	vadd.f32 v6, v5;
	v4 =	vadd.f32 v62, v4  }
0x514: {  	v63 =	vunpack.i.u.bf16.f32 v3;
	v3 =	vunpack.i.l.bf16.f32 v3  }
0x515: {  	v3 =	vadd.f32 v3, v5;
	v4 =	vadd.f32 v63, v4;
	_ =	sdelay $0x1  }
0x516: {  	s18 =	sadd.s32 $0x1, s18;
	v3 =	vadd.f32 v4, v3  }
0x517: {  	p0 =	sne.s32 s18, s7  }
.Ltmp18:
0x518: {  	[tilespmem:$0x7520] =	vst v3;
	(pc) =	sbr.rel @p0 .LBB2_1-.Ltmp18, $4  }
0x519: {  	[hbm4b:s6+s3] =	stream.linear.scatter [tilespmem:s17], [sflag:$0x3], $0x2710, $0x38;
	[tilespmem:$0xF530] =	vst v63  }
0x51a: {  	_ =	swait.ge [sflag:s8], $0x2710  }
0x51b: {  	[sflag:s8] =	ssyncset.done $0x0  }
0x51c: {  	[sflag:s8] =	ssyncadd.s32 $0xFFFFD8F0  }
0x51d: {  	_ =	sfence.sel $0x180000  }
0x51e: {  	[bflag:$0x0] =	sbarrier.arrive $0xFFFF  }
0x51f: {  	p0 =	sne.s32 s2, $0x0;
	_ =	strace $0x90000047  }
0x520: {  	s0 =	sadd.s32 @!p0 $0x100000, s0;
	[bflag:$0x2] =	sbarrier.arrive $0xFFFF  }
0x521: {  	[sflag:s0] =	ssyncadd.tile.s32 @!p0 $0x1;
	_ =	shalt  }
.Lfunc_end2:
_tile_overlayer_lowered:
.L_overlay_start_2:
0x522: {  	(tag) =	ssettag $0x2  }
0x523: {  	s0 =	rddreg [dreg:$0x0];
	s2 =	stileid.u32  }
0x524: {  	s1 =	rddreg [dreg:$0x1];
	p0 =	sne.s32 s2, $0x0  }
0x525: {  	s3 =	rddreg [dreg:$0x2];
	[bflag:$0x3] =	sbarrier.arrive $0xFFFF;
	s2 =	simm.s32 @!p0 $0x1C03  }
0x526: {  	[timem:s3], [sflag:s2] =	dma.local @!p0 [hbm:s0], s1  }
0x527: {  	s0 =	simm.s32 @!p0 $0x3  }
0x528: {  	_ =	swait.ge @!p0 [sflag:s0], s1  }
0x529: {  	s1 =	ssub.s32 @!p0 $0x0, s1;
	[sflag:s0] =	ssyncset.done @!p0 $0x0  }
0x52a: {  	[sflag:s0] =	ssyncadd.s32 @!p0 s1  }
0x52b: {  	[bflag:$0x3] =	sbarrier.arrive $0xFFFF  }
0x52c: {  	_ =	shalt  }

</sc_bundles>
